<compile_context>
chip_gen: v7x
topology: tpu7x:2x2x1
jax: 0.10.2.dev20260603
libtpu: 0.0.44.dev20260713+nightly
codegen_flags: <defaults>
</compile_context>

<pallas_src>
import functools

import jax
import jax.numpy as jnp
from jax import lax
from jax.experimental import pallas as pl
from jax.experimental.pallas import tpu as pltpu
from jax.experimental.pallas import tpu_sc as plsc

N_NODES = 1000000
N_PHYS = 800000
NBX = 512
NBY = 512
STRETCH = 1.4142135623730951
OUT_SCALE = 0.5

N_TILES = 32
SHARE = 25600
N_PAD = N_TILES * SHARE
CHUNK = 1280
N_CHUNKS = SHARE // CHUNK
BATCHES = CHUNK // 16
QROWS = 176
NREC = 7
MBLK = 16384


def _tc_records(x, y, nsx, nsy, pw):
    def body(x_ref, y_ref, sx_ref, sy_ref, pw_ref, o_ref):
        x = x_ref[...]
        y = y_ref[...]
        nsx = sx_ref[...]
        nsy = sy_ref[...]
        pw = pw_ref[...]
        hx = 0.5 * jnp.maximum(nsx, STRETCH)
        hy = 0.5 * jnp.maximum(nsy, STRETCH)
        xc = x + 0.5 * nsx
        yc = y + 0.5 * nsy
        x_min = xc - hx
        x_max = xc + hx
        y_min = yc - hy
        y_max = yc + hy
        bxl = jnp.maximum(x_min.astype(jnp.int32), 0)
        byl = jnp.maximum(y_min.astype(jnp.int32), 0)
        bxf = bxl.astype(jnp.float32)
        byf = byl.astype(jnp.float32)
        dens = pw / ((4.0 * hx) * hy)
        tx0 = bxf + 1.0
        tx1 = bxf + 2.0
        ty0 = byf + 1.0
        ty1 = byf + 2.0
        o_ref[0, :] = tx0 - jnp.maximum(x_min, bxf)
        o_ref[1, :] = jnp.minimum(x_max, tx1) - tx0
        o_ref[2, :] = jnp.maximum(x_max - tx1, 0.0)
        o_ref[3, :] = (ty0 - jnp.maximum(y_min, byf)) * dens
        o_ref[4, :] = (jnp.minimum(y_max, ty1) - ty0) * dens
        o_ref[5, :] = jnp.maximum(y_max - ty1, 0.0) * dens
        o_ref[6, :] = lax.bitcast_convert_type(bxl * 1024 + byl, jnp.float32)

    spec = pl.BlockSpec((MBLK,), lambda i: (i,))
    return pl.pallas_call(
        body,
        grid=(N_PAD // MBLK,),
        in_specs=[spec] * 5,
        out_specs=pl.BlockSpec((NREC, MBLK), lambda i: (0, i)),
        out_shape=jax.ShapeDtypeStruct((NREC, N_PAD), jnp.float32),
    )(x, y, nsx, nsy, pw)


def _sc_partials():
    mesh = plsc.VectorSubcoreMesh(core_axis_name="c", subcore_axis_name="s")

    @functools.partial(
        pl.kernel,
        mesh=mesh,
        compiler_params=pltpu.CompilerParams(needs_layout_passes=False),
        out_type=jax.ShapeDtypeStruct((N_TILES, NBX, NBY), jnp.float32),
        scratch_types=[
            pltpu.VMEM((QROWS, NBY), jnp.float32),
            pltpu.VMEM((NREC, CHUNK), jnp.float32),
            pltpu.VMEM((NREC, CHUNK), jnp.float32),
            pltpu.SemaphoreType.DMA,
            pltpu.SemaphoreType.DMA,
        ],
    )
    def body(rec_hbm, out_hbm, acc, buf0, buf1, sem0, sem1):
        wid = lax.axis_index("s") * 2 + lax.axis_index("c")
        base = wid * SHARE
        zeros16 = jnp.zeros((16,), jnp.float32)

        def start(c, buf, sem):
            off = base + c * CHUNK
            pltpu.async_copy(rec_hbm.at[:, pl.ds(off, CHUNK)], buf, sem)

        def wait(c, buf, sem):
            off = base + c * CHUNK
            pltpu.make_async_copy(
                rec_hbm.at[:, pl.ds(off, CHUNK)], buf, sem).wait()

        def process(buf, qlo, qrows):
            def do2(bb_i, _):
                for u in range(4):
                    s = pl.ds((bb_i * 4 + u) * 16, 16)
                    ovx = (buf[0, s], buf[1, s], buf[2, s])
                    wy = (buf[3, s], buf[4, s], buf[5, s])
                    bb = plsc.bitcast(buf[6, s], jnp.int32)
                    bxl = bb >> 10
                    byl = bb & 1023
                    iy = (byl, byl + 1, jnp.minimum(byl + 2, NBY - 1))
                    ix = (bxl, bxl + 1, jnp.minimum(bxl + 2, NBX - 1))
                    for j in range(3):
                        ixl = ix[j] - qlo
                        msk = plsc.bitcast(ixl, jnp.uint32) < jnp.uint32(qrows)
                        for k in range(3):
                            plsc.addupdate_scatter(
                                acc, [ixl, iy[k]], ovx[j] * wy[k], mask=msk)
                return 0

            lax.fori_loop(0, BATCHES // 4, do2, 0)

        for q, (qlo, qrows) in enumerate(((0, 176), (176, 176), (352, 160))):
            start(0, buf0, sem0)

            def zero_row(r, _):
                for cgrp in range(NBY // 16):
                    acc[r, pl.ds(cgrp * 16, 16)] = zeros16
                return 0

            lax.fori_loop(0, qrows, zero_row, 0)

            def ring(c2, _, qlo=qlo, qrows=qrows):
                c = c2 * 2
                wait(c, buf0, sem0)
                start(c + 1, buf1, sem1)
                process(buf0, qlo, qrows)
                wait(c + 1, buf1, sem1)

                @pl.when(c2 < N_CHUNKS // 2 - 1)
                def _():
                    start(c + 2, buf0, sem0)

                process(buf1, qlo, qrows)
                return 0

            lax.fori_loop(0, N_CHUNKS // 2, ring, 0)
            pltpu.sync_copy(acc.at[pl.ds(0, qrows)],
                            out_hbm.at[wid, pl.ds(qlo, qrows)])

    return body


def _tc_reduce(partials):
    def body(p_ref, o_ref):
        o_ref[...] = jnp.sum(p_ref[...], axis=0) * OUT_SCALE

    return pl.pallas_call(
        body,
        grid=(NBX // 8,),
        in_specs=[pl.BlockSpec((N_TILES, 8, NBY), lambda i: (0, i, 0))],
        out_specs=pl.BlockSpec((8, NBY), lambda i: (i, 0)),
        out_shape=jax.ShapeDtypeStruct((NBX, NBY), jnp.float32),
    )(partials)


@jax.jit
def kernel(pos, node_size_x, node_size_y, pin_weights):
    x = pos[:N_PHYS]
    y = pos[N_NODES:N_NODES + N_PHYS]
    nsx = node_size_x[:N_PHYS]
    nsy = node_size_y[:N_PHYS]
    pad = N_PAD - N_PHYS
    half = jnp.full((pad,), 0.5, jnp.float32)
    zero = jnp.zeros((pad,), jnp.float32)
    records = _tc_records(
        jnp.concatenate([x, half]),
        jnp.concatenate([y, half]),
        jnp.concatenate([nsx, half]),
        jnp.concatenate([nsy, half]),
        jnp.concatenate([pin_weights, zero]),
    )
    partials = _sc_partials()(records)
    return _tc_reduce(partials)

# --- scband reference (transcript-rebuilt; emitter-appended) ---
"""Pipeline reference for scband-pin-utilization-12575664242758 (READ-ONLY COPY).

The authoritative reference and input builder live on the scoring server;
editing this copy changes nothing except your own understanding.
"""

import jax, jax.numpy as jnp
import numpy as np

NUM_NODES = 1000000
NUM_FILLER = 200000
NUM_PHYSICAL = NUM_NODES - NUM_FILLER
XL, XH, YL, YH = 0.0, 512.0, 0.0, 512.0
NUM_BINS_X, NUM_BINS_Y = 512, 512
UNIT_PIN_CAPACITY = 2.0
PIN_STRETCH_RATIO = 1.4142135623730951
MAX_SPAN = 5


def setup_inputs(seed: int = 0) -> dict:
    key = jax.random.key(seed)
    k1, k2, k3, k4 = jax.random.split(key, 4)
    # positions (lower-left corners) spread over the placement region
    pos = jax.random.uniform(k1, (2 * NUM_NODES,), dtype=jnp.float32) * 510.0 + 0.5
    # node sizes comparable to bin size (bin_size = 1.0)
    node_size_x = jax.random.uniform(k2, (NUM_NODES,), dtype=jnp.float32) * 0.9 + 0.1
    node_size_y = jax.random.uniform(k3, (NUM_NODES,), dtype=jnp.float32) * 0.9 + 0.1
    # integer pin counts per physical node, stored as float (matches DREAMPlace pin_weights)
    pin_weights = jnp.floor(jax.random.uniform(k4, (NUM_PHYSICAL,), dtype=jnp.float32) * 15.0) + 1.0
    return {"pos": pos, "node_size_x": node_size_x, "node_size_y": node_size_y, "pin_weights": pin_weights}


def reference(pos, node_size_x, node_size_y, pin_weights):
    bsx = (XH - XL) / NUM_BINS_X
    bsy = (YH - YL) / NUM_BINS_Y
    x = pos[:NUM_NODES][:NUM_PHYSICAL]
    y = pos[NUM_NODES:][:NUM_PHYSICAL]
    nsx = node_size_x[:NUM_PHYSICAL]
    nsy = node_size_y[:NUM_PHYSICAL]
    # reset(): half stretched sizes, clamped from below by bin_size * pin_stretch_ratio
    half_x = 0.5 * jnp.maximum(nsx, bsx * PIN_STRETCH_RATIO)
    half_y = 0.5 * jnp.maximum(nsy, bsy * PIN_STRETCH_RATIO)
    xc = x + 0.5 * nsx
    yc = y + 0.5 * nsy
    x_min = xc - half_x
    x_max = xc + half_x
    y_min = yc - half_y
    y_max = yc + half_y
    bxl = jnp.floor((x_min - XL) / bsx).astype(jnp.int32)
    bxh = jnp.floor((x_max - XL) / bsx).astype(jnp.int32) + 1
    byl = jnp.floor((y_min - YL) / bsy).astype(jnp.int32)
    byh = jnp.floor((y_max - YL) / bsy).astype(jnp.int32) + 1
    bxl = jnp.maximum(bxl, 0)
    bxh = jnp.minimum(bxh, NUM_BINS_X)
    byl = jnp.maximum(byl, 0)
    byh = jnp.minimum(byh, NUM_BINS_Y)
    density = pin_weights / (4.0 * half_x * half_y)
    off = jnp.arange(MAX_SPAN, dtype=jnp.int32)
    ix = bxl[:, None] + off[None, :]
    iy = byl[:, None] + off[None, :]
    vx = ix < bxh[:, None]
    vy = iy < byh[:, None]
    bin_xl = XL + ix.astype(jnp.float32) * bsx
    bin_yl = YL + iy.astype(jnp.float32) * bsy
    ovx = jnp.minimum(x_max[:, None], bin_xl + bsx) - jnp.maximum(x_min[:, None], bin_xl)
    ovy = jnp.minimum(y_max[:, None], bin_yl + bsy) - jnp.maximum(y_min[:, None], bin_yl)
    ovx = jnp.where(vx, ovx, 0.0)
    ovy = jnp.where(vy, ovy, 0.0)
    contrib = ovx[:, :, None] * ovy[:, None, :] * density[:, None, None]
    ix_c = jnp.clip(ix, 0, NUM_BINS_X - 1)
    iy_c = jnp.clip(iy, 0, NUM_BINS_Y - 1)
    flat = ix_c[:, :, None] * NUM_BINS_Y + iy_c[:, None, :]
    out = jnp.zeros((NUM_BINS_X * NUM_BINS_Y,), dtype=jnp.float32)
    out = out.at[flat.reshape(-1)].add(contrib.reshape(-1))
    out = out * (1.0 / (bsx * bsy * UNIT_PIN_CAPACITY))
    return out.reshape(NUM_BINS_X, NUM_BINS_Y)

if __name__ == "__main__":
    import jax
    _d = setup_inputs()
    print(jax.jit(kernel)(*tuple(_d.values())))

</pallas_src>

<mosaic_0001>
#map = affine_map<(d0, d1) -> (0, 0)>
#map1 = affine_map<(d0, d1) -> (0, 0, 0)>
module attributes {stable_mosaic.version = 14 : i64} {
  func.func @body(%arg0: i32, %arg1: i32, %arg2: memref<7x819200xf32, #tpu.memory_space<hbm>>, %arg3: memref<32x512x512xf32, #tpu.memory_space<hbm>>, %arg4: memref<176x512xf32, #tpu.memory_space<vmem>>, %arg5: memref<7x1280xf32, #tpu.memory_space<vmem>>, %arg6: memref<7x1280xf32, #tpu.memory_space<vmem>>, %arg7: memref<!tpu.dma_semaphore, #tpu.memory_space<semaphore_mem>>, %arg8: memref<!tpu.dma_semaphore, #tpu.memory_space<semaphore_mem>>) attributes {dimension_semantics = [#tpu.dimension_semantics<core_parallel>, #tpu.dimension_semantics<subcore_parallel>], iteration_bounds = array<i64: 2, 16>, scalar_prefetch = 0 : i64, scratch_operands = 5 : i64, tpu.core_type = #tpu.core_type<sc_vector_subcore>, window_params = [{transform_indices = #map}, {transform_indices = #map1}]} {
    %mul3A = arith.constant 2 : i32
    %mul3A_0 = arith.muli %arg1, %mul3A : i32
    %add3A = arith.addi %mul3A_0, %arg0 : i32
    %mul3A_1 = arith.constant 25600 : i32
    %mul3A_2 = arith.muli %add3A, %mul3A_1 : i32
    %broadcast_in_dim3A = arith.constant 0.000000e+00 : f32
    %broadcast_in_dim3A_3 = vector.broadcast %broadcast_in_dim3A : f32 to vector<16xf32>
    %add3A_4 = arith.constant 0 : i32
    %add3A_5 = arith.addi %mul3A_2, %add3A_4 : i32
    %dma_start3A = arith.constant 0 : i32
    %dma_start3A_6 = tpu.memref_slice %arg2[%dma_start3A, %add3A_5] : memref<7x819200xf32, #tpu.memory_space<hbm>> -> memref<7x1280xf32, #tpu.memory_space<hbm>>
    %dma_start3A_7 = arith.constant 0 : i32
    %dma_start3A_8 = tpu.memref_slice %arg2[%dma_start3A_7, %add3A_5] : memref<7x819200xf32, #tpu.memory_space<hbm>> -> memref<7x1280xf32, #tpu.memory_space<hbm>>
    tpu.enqueue_dma source(%dma_start3A_8 : memref<7x1280xf32, #tpu.memory_space<hbm>>) target(%arg5 : memref<7x1280xf32, #tpu.memory_space<vmem>>) target_semaphore(%arg7 : memref<!tpu.dma_semaphore, #tpu.memory_space<semaphore_mem>>)
    %scan3A = arith.constant 0 : i32
    %scan3A_9 = arith.constant 0 : i32
    %scan3A_10 = arith.constant 176 : i32
    %scan3A_11 = arith.addi %scan3A_9, %scan3A_10 : i32
    %scan3A_12 = arith.constant 1 : i32
    %scan3A_13 = scf.for %scan3A_62 = %scan3A_9 to %scan3A_11 step %scan3A_12 iter_args(%scan3A_63 = %scan3A) -> (i32)  : i32 {
      %swap3A = arith.index_cast %scan3A_62 : i32 to index
      %swap3A_64 = arith.constant 0 : index
      %swap3A_65 = tpu.vector_load %arg4[%swap3A, %swap3A_64] {strides = array<i32>} : memref<176x512xf32, #tpu.memory_space<vmem>>, vector<16xf32>,
      tpu.vector_store %arg4[%swap3A, %swap3A_64], %broadcast_in_dim3A_3 {strides = array<i32>} : memref<176x512xf32, #tpu.memory_space<vmem>>, vector<16xf32>,
      %swap3A_66 = arith.index_cast %scan3A_62 : i32 to index
      %swap3A_67 = arith.constant 16 : index
      %swap3A_68 = tpu.vector_load %arg4[%swap3A_66, %swap3A_67] {strides = array<i32>} : memref<176x512xf32, #tpu.memory_space<vmem>>, vector<16xf32>,
      tpu.vector_store %arg4[%swap3A_66, %swap3A_67], %broadcast_in_dim3A_3 {strides = array<i32>} : memref<176x512xf32, #tpu.memory_space<vmem>>, vector<16xf32>,
      %swap3A_69 = arith.index_cast %scan3A_62 : i32 to index
      %swap3A_70 = arith.constant 32 : index
      %swap3A_71 = tpu.vector_load %arg4[%swap3A_69, %swap3A_70] {strides = array<i32>} : memref<176x512xf32, #tpu.memory_space<vmem>>, vector<16xf32>,
      tpu.vector_store %arg4[%swap3A_69, %swap3A_70], %broadcast_in_dim3A_3 {strides = array<i32>} : memref<176x512xf32, #tpu.memory_space<vmem>>, vector<16xf32>,
      %swap3A_72 = arith.index_cast %scan3A_62 : i32 to index
      %swap3A_73 = arith.constant 48 : index
      %swap3A_74 = tpu.vector_load %arg4[%swap3A_72, %swap3A_73] {strides = array<i32>} : memref<176x512xf32, #tpu.memory_space<vmem>>, vector<16xf32>,
      tpu.vector_store %arg4[%swap3A_72, %swap3A_73], %broadcast_in_dim3A_3 {strides = array<i32>} : memref<176x512xf32, #tpu.memory_space<vmem>>, vector<16xf32>,
      %swap3A_75 = arith.index_cast %scan3A_62 : i32 to index
      %swap3A_76 = arith.constant 64 : index
      %swap3A_77 = tpu.vector_load %arg4[%swap3A_75, %swap3A_76] {strides = array<i32>} : memref<176x512xf32, #tpu.memory_space<vmem>>, vector<16xf32>,
      tpu.vector_store %arg4[%swap3A_75, %swap3A_76], %broadcast_in_dim3A_3 {strides = array<i32>} : memref<176x512xf32, #tpu.memory_space<vmem>>, vector<16xf32>,
      %swap3A_78 = arith.index_cast %scan3A_62 : i32 to index
      %swap3A_79 = arith.constant 80 : index
      %swap3A_80 = tpu.vector_load %arg4[%swap3A_78, %swap3A_79] {strides = array<i32>} : memref<176x512xf32, #tpu.memory_space<vmem>>, vector<16xf32>,
      tpu.vector_store %arg4[%swap3A_78, %swap3A_79], %broadcast_in_dim3A_3 {strides = array<i32>} : memref<176x512xf32, #tpu.memory_space<vmem>>, vector<16xf32>,
      %swap3A_81 = arith.index_cast %scan3A_62 : i32 to index
      %swap3A_82 = arith.constant 96 : index
      %swap3A_83 = tpu.vector_load %arg4[%swap3A_81, %swap3A_82] {strides = array<i32>} : memref<176x512xf32, #tpu.memory_space<vmem>>, vector<16xf32>,
      tpu.vector_store %arg4[%swap3A_81, %swap3A_82], %broadcast_in_dim3A_3 {strides = array<i32>} : memref<176x512xf32, #tpu.memory_space<vmem>>, vector<16xf32>,
      %swap3A_84 = arith.index_cast %scan3A_62 : i32 to index
      %swap3A_85 = arith.constant 112 : index
      %swap3A_86 = tpu.vector_load %arg4[%swap3A_84, %swap3A_85] {strides = array<i32>} : memref<176x512xf32, #tpu.memory_space<vmem>>, vector<16xf32>,
      tpu.vector_store %arg4[%swap3A_84, %swap3A_85], %broadcast_in_dim3A_3 {strides = array<i32>} : memref<176x512xf32, #tpu.memory_space<vmem>>, vector<16xf32>,
      %swap3A_87 = arith.index_cast %scan3A_62 : i32 to index
      %swap3A_88 = arith.constant 128 : index
      %swap3A_89 = tpu.vector_load %arg4[%swap3A_87, %swap3A_88] {strides = array<i32>} : memref<176x512xf32, #tpu.memory_space<vmem>>, vector<16xf32>,
      tpu.vector_store %arg4[%swap3A_87, %swap3A_88], %broadcast_in_dim3A_3 {strides = array<i32>} : memref<176x512xf32, #tpu.memory_space<vmem>>, vector<16xf32>,
      %swap3A_90 = arith.index_cast %scan3A_62 : i32 to index
      %swap3A_91 = arith.constant 144 : index
      %swap3A_92 = tpu.vector_load %arg4[%swap3A_90, %swap3A_91] {strides = array<i32>} : memref<176x512xf32, #tpu.memory_space<vmem>>, vector<16xf32>,
      tpu.vector_store %arg4[%swap3A_90, %swap3A_91], %broadcast_in_dim3A_3 {strides = array<i32>} : memref<176x512xf32, #tpu.memory_space<vmem>>, vector<16xf32>,
      %swap3A_93 = arith.index_cast %scan3A_62 : i32 to index
      %swap3A_94 = arith.constant 160 : index
      %swap3A_95 = tpu.vector_load %arg4[%swap3A_93, %swap3A_94] {strides = array<i32>} : memref<176x512xf32, #tpu.memory_space<vmem>>, vector<16xf32>,
      tpu.vector_store %arg4[%swap3A_93, %swap3A_94], %broadcast_in_dim3A_3 {strides = array<i32>} : memref<176x512xf32, #tpu.memory_space<vmem>>, vector<16xf32>,
      %swap3A_96 = arith.index_cast %scan3A_62 : i32 to index
      %swap3A_97 = arith.constant 176 : index
      %swap3A_98 = tpu.vector_load %arg4[%swap3A_96, %swap3A_97] {strides = array<i32>} : memref<176x512xf32, #tpu.memory_space<vmem>>, vector<16xf32>,
      tpu.vector_store %arg4[%swap3A_96, %swap3A_97], %broadcast_in_dim3A_3 {strides = array<i32>} : memref<176x512xf32, #tpu.memory_space<vmem>>, vector<16xf32>,
      %swap3A_99 = arith.index_cast %scan3A_62 : i32 to index
      %swap3A_100 = arith.constant 192 : index
      %swap3A_101 = tpu.vector_load %arg4[%swap3A_99, %swap3A_100] {strides = array<i32>} : memref<176x512xf32, #tpu.memory_space<vmem>>, vector<16xf32>,
      tpu.vector_store %arg4[%swap3A_99, %swap3A_100], %broadcast_in_dim3A_3 {strides = array<i32>} : memref<176x512xf32, #tpu.memory_space<vmem>>, vector<16xf32>,
      %swap3A_102 = arith.index_cast %scan3A_62 : i32 to index
      %swap3A_103 = arith.constant 208 : index
      %swap3A_104 = tpu.vector_load %arg4[%swap3A_102, %swap3A_103] {strides = array<i32>} : memref<176x512xf32, #tpu.memory_space<vmem>>, vector<16xf32>,
      tpu.vector_store %arg4[%swap3A_102, %swap3A_103], %broadcast_in_dim3A_3 {strides = array<i32>} : memref<176x512xf32, #tpu.memory_space<vmem>>, vector<16xf32>,
      %swap3A_105 = arith.index_cast %scan3A_62 : i32 to index
      %swap3A_106 = arith.constant 224 : index
      %swap3A_107 = tpu.vector_load %arg4[%swap3A_105, %swap3A_106] {strides = array<i32>} : memref<176x512xf32, #tpu.memory_space<vmem>>, vector<16xf32>,
      tpu.vector_store %arg4[%swap3A_105, %swap3A_106], %broadcast_in_dim3A_3 {strides = array<i32>} : memref<176x512xf32, #tpu.memory_space<vmem>>, vector<16xf32>,
      %swap3A_108 = arith.index_cast %scan3A_62 : i32 to index
      %swap3A_109 = arith.constant 240 : index
      %swap3A_110 = tpu.vector_load %arg4[%swap3A_108, %swap3A_109] {strides = array<i32>} : memref<176x512xf32, #tpu.memory_space<vmem>>, vector<16xf32>,
      tpu.vector_store %arg4[%swap3A_108, %swap3A_109], %broadcast_in_dim3A_3 {strides = array<i32>} : memref<176x512xf32, #tpu.memory_space<vmem>>, vector<16xf32>,
      %swap3A_111 = arith.index_cast %scan3A_62 : i32 to index
      %swap3A_112 = arith.constant 256 : index
      %swap3A_113 = tpu.vector_load %arg4[%swap3A_111, %swap3A_112] {strides = array<i32>} : memref<176x512xf32, #tpu.memory_space<vmem>>, vector<16xf32>,
      tpu.vector_store %arg4[%swap3A_111, %swap3A_112], %broadcast_in_dim3A_3 {strides = array<i32>} : memref<176x512xf32, #tpu.memory_space<vmem>>, vector<16xf32>,
      %swap3A_114 = arith.index_cast %scan3A_62 : i32 to index
      %swap3A_115 = arith.constant 272 : index
      %swap3A_116 = tpu.vector_load %arg4[%swap3A_114, %swap3A_115] {strides = array<i32>} : memref<176x512xf32, #tpu.memory_space<vmem>>, vector<16xf32>,
      tpu.vector_store %arg4[%swap3A_114, %swap3A_115], %broadcast_in_dim3A_3 {strides = array<i32>} : memref<176x512xf32, #tpu.memory_space<vmem>>, vector<16xf32>,
      %swap3A_117 = arith.index_cast %scan3A_62 : i32 to index
      %swap3A_118 = arith.constant 288 : index
      %swap3A_119 = tpu.vector_load %arg4[%swap3A_117, %swap3A_118] {strides = array<i32>} : memref<176x512xf32, #tpu.memory_space<vmem>>, vector<16xf32>,
      tpu.vector_store %arg4[%swap3A_117, %swap3A_118], %broadcast_in_dim3A_3 {strides = array<i32>} : memref<176x512xf32, #tpu.memory_space<vmem>>, vector<16xf32>,
      %swap3A_120 = arith.index_cast %scan3A_62 : i32 to index
      %swap3A_121 = arith.constant 304 : index
      %swap3A_122 = tpu.vector_load %arg4[%swap3A_120, %swap3A_121] {strides = array<i32>} : memref<176x512xf32, #tpu.memory_space<vmem>>, vector<16xf32>,
      tpu.vector_store %arg4[%swap3A_120, %swap3A_121], %broadcast_in_dim3A_3 {strides = array<i32>} : memref<176x512xf32, #tpu.memory_space<vmem>>, vector<16xf32>,
      %swap3A_123 = arith.index_cast %scan3A_62 : i32 to index
      %swap3A_124 = arith.constant 320 : index
      %swap3A_125 = tpu.vector_load %arg4[%swap3A_123, %swap3A_124] {strides = array<i32>} : memref<176x512xf32, #tpu.memory_space<vmem>>, vector<16xf32>,
      tpu.vector_store %arg4[%swap3A_123, %swap3A_124], %broadcast_in_dim3A_3 {strides = array<i32>} : memref<176x512xf32, #tpu.memory_space<vmem>>, vector<16xf32>,
      %swap3A_126 = arith.index_cast %scan3A_62 : i32 to index
      %swap3A_127 = arith.constant 336 : index
      %swap3A_128 = tpu.vector_load %arg4[%swap3A_126, %swap3A_127] {strides = array<i32>} : memref<176x512xf32, #tpu.memory_space<vmem>>, vector<16xf32>,
      tpu.vector_store %arg4[%swap3A_126, %swap3A_127], %broadcast_in_dim3A_3 {strides = array<i32>} : memref<176x512xf32, #tpu.memory_space<vmem>>, vector<16xf32>,
      %swap3A_129 = arith.index_cast %scan3A_62 : i32 to index
      %swap3A_130 = arith.constant 352 : index
      %swap3A_131 = tpu.vector_load %arg4[%swap3A_129, %swap3A_130] {strides = array<i32>} : memref<176x512xf32, #tpu.memory_space<vmem>>, vector<16xf32>,
      tpu.vector_store %arg4[%swap3A_129, %swap3A_130], %broadcast_in_dim3A_3 {strides = array<i32>} : memref<176x512xf32, #tpu.memory_space<vmem>>, vector<16xf32>,
      %swap3A_132 = arith.index_cast %scan3A_62 : i32 to index
      %swap3A_133 = arith.constant 368 : index
      %swap3A_134 = tpu.vector_load %arg4[%swap3A_132, %swap3A_133] {strides = array<i32>} : memref<176x512xf32, #tpu.memory_space<vmem>>, vector<16xf32>,
      tpu.vector_store %arg4[%swap3A_132, %swap3A_133], %broadcast_in_dim3A_3 {strides = array<i32>} : memref<176x512xf32, #tpu.memory_space<vmem>>, vector<16xf32>,
      %swap3A_135 = arith.index_cast %scan3A_62 : i32 to index
      %swap3A_136 = arith.constant 384 : index
      %swap3A_137 = tpu.vector_load %arg4[%swap3A_135, %swap3A_136] {strides = array<i32>} : memref<176x512xf32, #tpu.memory_space<vmem>>, vector<16xf32>,
      tpu.vector_store %arg4[%swap3A_135, %swap3A_136], %broadcast_in_dim3A_3 {strides = array<i32>} : memref<176x512xf32, #tpu.memory_space<vmem>>, vector<16xf32>,
      %swap3A_138 = arith.index_cast %scan3A_62 : i32 to index
      %swap3A_139 = arith.constant 400 : index
      %swap3A_140 = tpu.vector_load %arg4[%swap3A_138, %swap3A_139] {strides = array<i32>} : memref<176x512xf32, #tpu.memory_space<vmem>>, vector<16xf32>,
      tpu.vector_store %arg4[%swap3A_138, %swap3A_139], %broadcast_in_dim3A_3 {strides = array<i32>} : memref<176x512xf32, #tpu.memory_space<vmem>>, vector<16xf32>,
      %swap3A_141 = arith.index_cast %scan3A_62 : i32 to index
      %swap3A_142 = arith.constant 416 : index
      %swap3A_143 = tpu.vector_load %arg4[%swap3A_141, %swap3A_142] {strides = array<i32>} : memref<176x512xf32, #tpu.memory_space<vmem>>, vector<16xf32>,
      tpu.vector_store %arg4[%swap3A_141, %swap3A_142], %broadcast_in_dim3A_3 {strides = array<i32>} : memref<176x512xf32, #tpu.memory_space<vmem>>, vector<16xf32>,
      %swap3A_144 = arith.index_cast %scan3A_62 : i32 to index
      %swap3A_145 = arith.constant 432 : index
      %swap3A_146 = tpu.vector_load %arg4[%swap3A_144, %swap3A_145] {strides = array<i32>} : memref<176x512xf32, #tpu.memory_space<vmem>>, vector<16xf32>,
      tpu.vector_store %arg4[%swap3A_144, %swap3A_145], %broadcast_in_dim3A_3 {strides = array<i32>} : memref<176x512xf32, #tpu.memory_space<vmem>>, vector<16xf32>,
      %swap3A_147 = arith.index_cast %scan3A_62 : i32 to index
      %swap3A_148 = arith.constant 448 : index
      %swap3A_149 = tpu.vector_load %arg4[%swap3A_147, %swap3A_148] {strides = array<i32>} : memref<176x512xf32, #tpu.memory_space<vmem>>, vector<16xf32>,
      tpu.vector_store %arg4[%swap3A_147, %swap3A_148], %broadcast_in_dim3A_3 {strides = array<i32>} : memref<176x512xf32, #tpu.memory_space<vmem>>, vector<16xf32>,
      %swap3A_150 = arith.index_cast %scan3A_62 : i32 to index
      %swap3A_151 = arith.constant 464 : index
      %swap3A_152 = tpu.vector_load %arg4[%swap3A_150, %swap3A_151] {strides = array<i32>} : memref<176x512xf32, #tpu.memory_space<vmem>>, vector<16xf32>,
      tpu.vector_store %arg4[%swap3A_150, %swap3A_151], %broadcast_in_dim3A_3 {strides = array<i32>} : memref<176x512xf32, #tpu.memory_space<vmem>>, vector<16xf32>,
      %swap3A_153 = arith.index_cast %scan3A_62 : i32 to index
      %swap3A_154 = arith.constant 480 : index
      %swap3A_155 = tpu.vector_load %arg4[%swap3A_153, %swap3A_154] {strides = array<i32>} : memref<176x512xf32, #tpu.memory_space<vmem>>, vector<16xf32>,
      tpu.vector_store %arg4[%swap3A_153, %swap3A_154], %broadcast_in_dim3A_3 {strides = array<i32>} : memref<176x512xf32, #tpu.memory_space<vmem>>, vector<16xf32>,
      %swap3A_156 = arith.index_cast %scan3A_62 : i32 to index
      %swap3A_157 = arith.constant 496 : index
      %swap3A_158 = tpu.vector_load %arg4[%swap3A_156, %swap3A_157] {strides = array<i32>} : memref<176x512xf32, #tpu.memory_space<vmem>>, vector<16xf32>,
      tpu.vector_store %arg4[%swap3A_156, %swap3A_157], %broadcast_in_dim3A_3 {strides = array<i32>} : memref<176x512xf32, #tpu.memory_space<vmem>>, vector<16xf32>,
      %scan3A_159 = arith.constant 0 : i32
      scf.yield %scan3A_159 : i32
    }
    %scan3A_14 = arith.constant 176 : i32
    %scan3A_15 = arith.constant 0 : i32
    %scan3A_16 = arith.constant 0 : i32
    %scan3A_17 = arith.constant 10 : i32
    %scan3A_18 = arith.addi %scan3A_16, %scan3A_17 : i32
    %scan3A_19 = arith.constant 1 : i32
    %scan3A_20 = scf.for %scan3A_62 = %scan3A_16 to %scan3A_18 step %scan3A_19 iter_args(%scan3A_63 = %scan3A_15) -> (i32)  : i32 {
      %mul3A_64 = arith.constant 2 : i32
      %mul3A_65 = arith.muli %scan3A_62, %mul3A_64 : i32
      %mul3A_66 = arith.constant 1280 : i32
      %mul3A_67 = arith.muli %mul3A_65, %mul3A_66 : i32
      %add3A_68 = arith.addi %mul3A_2, %mul3A_67 : i32
      %dma_wait3A = arith.constant 0 : i32
      %dma_wait3A_69 = tpu.memref_slice %arg2[%dma_wait3A, %add3A_68] : memref<7x819200xf32, #tpu.memory_space<hbm>> -> memref<7x1280xf32, #tpu.memory_space<hbm>>
      %dma_wait3A_70 = arith.constant 0 : i32
      %dma_wait3A_71 = tpu.memref_slice %arg2[%dma_wait3A_70, %add3A_68] : memref<7x819200xf32, #tpu.memory_space<hbm>> -> memref<7x1280xf32, #tpu.memory_space<hbm>>
      tpu.wait_dma2 semaphore(%arg7 : memref<!tpu.dma_semaphore, #tpu.memory_space<semaphore_mem>>) src(%dma_wait3A_71 : memref<7x1280xf32, #tpu.memory_space<hbm>>) dst(%arg5 : memref<7x1280xf32, #tpu.memory_space<vmem>>)
      %add3A_72 = arith.constant 1 : i32
      %add3A_73 = arith.addi %mul3A_65, %add3A_72 : i32
      %mul3A_74 = arith.constant 1280 : i32
      %mul3A_75 = arith.muli %add3A_73, %mul3A_74 : i32
      %add3A_76 = arith.addi %mul3A_2, %mul3A_75 : i32
      %dma_start3A_77 = arith.constant 0 : i32
      %dma_start3A_78 = tpu.memref_slice %arg2[%dma_start3A_77, %add3A_76] : memref<7x819200xf32, #tpu.memory_space<hbm>> -> memref<7x1280xf32, #tpu.memory_space<hbm>>
      %dma_start3A_79 = arith.constant 0 : i32
      %dma_start3A_80 = tpu.memref_slice %arg2[%dma_start3A_79, %add3A_76] : memref<7x819200xf32, #tpu.memory_space<hbm>> -> memref<7x1280xf32, #tpu.memory_space<hbm>>
      tpu.enqueue_dma source(%dma_start3A_80 : memref<7x1280xf32, #tpu.memory_space<hbm>>) target(%arg6 : memref<7x1280xf32, #tpu.memory_space<vmem>>) target_semaphore(%arg8 : memref<!tpu.dma_semaphore, #tpu.memory_space<semaphore_mem>>)
      %scan3A_81 = arith.constant 0 : i32
      %scan3A_82 = arith.constant 0 : i32
      %scan3A_83 = arith.constant 20 : i32
      %scan3A_84 = arith.addi %scan3A_82, %scan3A_83 : i32
      %scan3A_85 = arith.constant 1 : i32
      %scan3A_86 = scf.for %scan3A_107 = %scan3A_82 to %scan3A_84 step %scan3A_85 iter_args(%scan3A_108 = %scan3A_81) -> (i32)  : i32 {
        %mul3A_109 = arith.constant 4 : i32
        %mul3A_110 = arith.muli %scan3A_107, %mul3A_109 : i32
        %add3A_111 = arith.constant 0 : i32
        %add3A_112 = arith.addi %mul3A_110, %add3A_111 : i32
        %mul3A_113 = arith.constant 16 : i32
        %mul3A_114 = arith.muli %add3A_112, %mul3A_113 : i32
        %get3A = arith.constant 0 : i32
        %get3A_115 = arith.index_cast %get3A : i32 to index
        %get3A_116 = arith.index_cast %mul3A_114 : i32 to index
        %get3A_117 = tpu.vector_load %arg5[%get3A_115, %get3A_116] {strides = array<i32>} : memref<7x1280xf32, #tpu.memory_space<vmem>>, vector<16xf32>,
        %get3A_118 = arith.constant 1 : i32
        %get3A_119 = arith.index_cast %get3A_118 : i32 to index
        %get3A_120 = arith.index_cast %mul3A_114 : i32 to index
        %get3A_121 = tpu.vector_load %arg5[%get3A_119, %get3A_120] {strides = array<i32>} : memref<7x1280xf32, #tpu.memory_space<vmem>>, vector<16xf32>,
        %get3A_122 = arith.constant 2 : i32
        %get3A_123 = arith.index_cast %get3A_122 : i32 to index
        %get3A_124 = arith.index_cast %mul3A_114 : i32 to index
        %get3A_125 = tpu.vector_load %arg5[%get3A_123, %get3A_124] {strides = array<i32>} : memref<7x1280xf32, #tpu.memory_space<vmem>>, vector<16xf32>,
        %get3A_126 = arith.constant 3 : i32
        %get3A_127 = arith.index_cast %get3A_126 : i32 to index
        %get3A_128 = arith.index_cast %mul3A_114 : i32 to index
        %get3A_129 = tpu.vector_load %arg5[%get3A_127, %get3A_128] {strides = array<i32>} : memref<7x1280xf32, #tpu.memory_space<vmem>>, vector<16xf32>,
        %get3A_130 = arith.constant 4 : i32
        %get3A_131 = arith.index_cast %get3A_130 : i32 to index
        %get3A_132 = arith.index_cast %mul3A_114 : i32 to index
        %get3A_133 = tpu.vector_load %arg5[%get3A_131, %get3A_132] {strides = array<i32>} : memref<7x1280xf32, #tpu.memory_space<vmem>>, vector<16xf32>,
        %get3A_134 = arith.constant 5 : i32
        %get3A_135 = arith.index_cast %get3A_134 : i32 to index
        %get3A_136 = arith.index_cast %mul3A_114 : i32 to index
        %get3A_137 = tpu.vector_load %arg5[%get3A_135, %get3A_136] {strides = array<i32>} : memref<7x1280xf32, #tpu.memory_space<vmem>>, vector<16xf32>,
        %get3A_138 = arith.constant 6 : i32
        %get3A_139 = arith.index_cast %get3A_138 : i32 to index
        %get3A_140 = arith.index_cast %mul3A_114 : i32 to index
        %get3A_141 = tpu.vector_load %arg5[%get3A_139, %get3A_140] {strides = array<i32>} : memref<7x1280xf32, #tpu.memory_space<vmem>>, vector<16xf32>,
        %bitcast3A = vector.bitcast %get3A_141 : vector<16xf32> to vector<16xi32>
        %shift_right_arithmetic3A = arith.constant 10 : i32
        %shift_right_arithmetic3A_142 = vector.broadcast %shift_right_arithmetic3A : i32 to vector<16xi32>
        %shift_right_arithmetic3A_143 = arith.shrsi %bitcast3A, %shift_right_arithmetic3A_142 : vector<16xi32>
        %and3A = arith.constant 1023 : i32
        %and3A_144 = vector.broadcast %and3A : i32 to vector<16xi32>
        %and3A_145 = arith.andi %bitcast3A, %and3A_144 : vector<16xi32>
        %add3A_146 = arith.constant 1 : i32
        %add3A_147 = vector.broadcast %add3A_146 : i32 to vector<16xi32>
        %add3A_148 = arith.addi %and3A_145, %add3A_147 : vector<16xi32>
        %add3A_149 = arith.constant 2 : i32
        %add3A_150 = vector.broadcast %add3A_149 : i32 to vector<16xi32>
        %add3A_151 = arith.addi %and3A_145, %add3A_150 : vector<16xi32>
        %min3A = arith.constant 511 : i32
        %min3A_152 = vector.broadcast %min3A : i32 to vector<16xi32>
        %min3A_153 = arith.minsi %add3A_151, %min3A_152 : vector<16xi32>
        %add3A_154 = arith.constant 1 : i32
        %add3A_155 = vector.broadcast %add3A_154 : i32 to vector<16xi32>
        %add3A_156 = arith.addi %shift_right_arithmetic3A_143, %add3A_155 : vector<16xi32>
        %add3A_157 = arith.constant 2 : i32
        %add3A_158 = vector.broadcast %add3A_157 : i32 to vector<16xi32>
        %add3A_159 = arith.addi %shift_right_arithmetic3A_143, %add3A_158 : vector<16xi32>
        %min3A_160 = arith.constant 511 : i32
        %min3A_161 = vector.broadcast %min3A_160 : i32 to vector<16xi32>
        %min3A_162 = arith.minsi %add3A_159, %min3A_161 : vector<16xi32>
        %sub3A = arith.constant 0 : i32
        %sub3A_163 = vector.broadcast %sub3A : i32 to vector<16xi32>
        %sub3A_164 = arith.subi %shift_right_arithmetic3A_143, %sub3A_163 : vector<16xi32>
        %bitcast3A_165 = vector.bitcast %sub3A_164 : vector<16xi32> to vector<16xi32>
        %lt3A_166 = arith.constant 176 : i32
        %lt3A_167 = vector.broadcast %lt3A_166 : i32 to vector<16xi32>
        %lt3A_168 = arith.cmpi ult, %bitcast3A_165, %lt3A_167 : vector<16xi32>
        %mul3A_169 = arith.mulf %get3A_117, %get3A_129 : vector<16xf32>
        tpu.vector_store_idx %arg4[%sub3A_164, %and3A_145], %mul3A_169 masked %lt3A_168 {add = true} : memref<176x512xf32, #tpu.memory_space<vmem>>[vector<16xi32>, vector<16xi32>], vector<16xf32>, vector<16xi1>
        %mul3A_170 = arith.mulf %get3A_117, %get3A_133 : vector<16xf32>
        tpu.vector_store_idx %arg4[%sub3A_164, %add3A_148], %mul3A_170 masked %lt3A_168 {add = true} : memref<176x512xf32, #tpu.memory_space<vmem>>[vector<16xi32>, vector<16xi32>], vector<16xf32>, vector<16xi1>
        %mul3A_171 = arith.mulf %get3A_117, %get3A_137 : vector<16xf32>
        tpu.vector_store_idx %arg4[%sub3A_164, %min3A_153], %mul3A_171 masked %lt3A_168 {add = true} : memref<176x512xf32, #tpu.memory_space<vmem>>[vector<16xi32>, vector<16xi32>], vector<16xf32>, vector<16xi1>
        %sub3A_172 = arith.constant 0 : i32
        %sub3A_173 = vector.broadcast %sub3A_172 : i32 to vector<16xi32>
        %sub3A_174 = arith.subi %add3A_156, %sub3A_173 : vector<16xi32>
        %bitcast3A_175 = vector.bitcast %sub3A_174 : vector<16xi32> to vector<16xi32>
        %lt3A_176 = arith.constant 176 : i32
        %lt3A_177 = vector.broadcast %lt3A_176 : i32 to vector<16xi32>
        %lt3A_178 = arith.cmpi ult, %bitcast3A_175, %lt3A_177 : vector<16xi32>
        %mul3A_179 = arith.mulf %get3A_121, %get3A_129 : vector<16xf32>
        tpu.vector_store_idx %arg4[%sub3A_174, %and3A_145], %mul3A_179 masked %lt3A_178 {add = true} : memref<176x512xf32, #tpu.memory_space<vmem>>[vector<16xi32>, vector<16xi32>], vector<16xf32>, vector<16xi1>
        %mul3A_180 = arith.mulf %get3A_121, %get3A_133 : vector<16xf32>
        tpu.vector_store_idx %arg4[%sub3A_174, %add3A_148], %mul3A_180 masked %lt3A_178 {add = true} : memref<176x512xf32, #tpu.memory_space<vmem>>[vector<16xi32>, vector<16xi32>], vector<16xf32>, vector<16xi1>
        %mul3A_181 = arith.mulf %get3A_121, %get3A_137 : vector<16xf32>
        tpu.vector_store_idx %arg4[%sub3A_174, %min3A_153], %mul3A_181 masked %lt3A_178 {add = true} : memref<176x512xf32, #tpu.memory_space<vmem>>[vector<16xi32>, vector<16xi32>], vector<16xf32>, vector<16xi1>
        %sub3A_182 = arith.constant 0 : i32
        %sub3A_183 = vector.broadcast %sub3A_182 : i32 to vector<16xi32>
        %sub3A_184 = arith.subi %min3A_162, %sub3A_183 : vector<16xi32>
        %bitcast3A_185 = vector.bitcast %sub3A_184 : vector<16xi32> to vector<16xi32>
        %lt3A_186 = arith.constant 176 : i32
        %lt3A_187 = vector.broadcast %lt3A_186 : i32 to vector<16xi32>
        %lt3A_188 = arith.cmpi ult, %bitcast3A_185, %lt3A_187 : vector<16xi32>
        %mul3A_189 = arith.mulf %get3A_125, %get3A_129 : vector<16xf32>
        tpu.vector_store_idx %arg4[%sub3A_184, %and3A_145], %mul3A_189 masked %lt3A_188 {add = true} : memref<176x512xf32, #tpu.memory_space<vmem>>[vector<16xi32>, vector<16xi32>], vector<16xf32>, vector<16xi1>
        %mul3A_190 = arith.mulf %get3A_125, %get3A_133 : vector<16xf32>
        tpu.vector_store_idx %arg4[%sub3A_184, %add3A_148], %mul3A_190 masked %lt3A_188 {add = true} : memref<176x512xf32, #tpu.memory_space<vmem>>[vector<16xi32>, vector<16xi32>], vector<16xf32>, vector<16xi1>
        %mul3A_191 = arith.mulf %get3A_125, %get3A_137 : vector<16xf32>
        tpu.vector_store_idx %arg4[%sub3A_184, %min3A_153], %mul3A_191 masked %lt3A_188 {add = true} : memref<176x512xf32, #tpu.memory_space<vmem>>[vector<16xi32>, vector<16xi32>], vector<16xf32>, vector<16xi1>
        %mul3A_192 = arith.constant 4 : i32
        %mul3A_193 = arith.muli %scan3A_107, %mul3A_192 : i32
        %add3A_194 = arith.constant 1 : i32
        %add3A_195 = arith.addi %mul3A_193, %add3A_194 : i32
        %mul3A_196 = arith.constant 16 : i32
        %mul3A_197 = arith.muli %add3A_195, %mul3A_196 : i32
        %get3A_198 = arith.constant 0 : i32
        %get3A_199 = arith.index_cast %get3A_198 : i32 to index
        %get3A_200 = arith.index_cast %mul3A_197 : i32 to index
        %get3A_201 = tpu.vector_load %arg5[%get3A_199, %get3A_200] {strides = array<i32>} : memref<7x1280xf32, #tpu.memory_space<vmem>>, vector<16xf32>,
        %get3A_202 = arith.constant 1 : i32
        %get3A_203 = arith.index_cast %get3A_202 : i32 to index
        %get3A_204 = arith.index_cast %mul3A_197 : i32 to index
        %get3A_205 = tpu.vector_load %arg5[%get3A_203, %get3A_204] {strides = array<i32>} : memref<7x1280xf32, #tpu.memory_space<vmem>>, vector<16xf32>,
        %get3A_206 = arith.constant 2 : i32
        %get3A_207 = arith.index_cast %get3A_206 : i32 to index
        %get3A_208 = arith.index_cast %mul3A_197 : i32 to index
        %get3A_209 = tpu.vector_load %arg5[%get3A_207, %get3A_208] {strides = array<i32>} : memref<7x1280xf32, #tpu.memory_space<vmem>>, vector<16xf32>,
        %get3A_210 = arith.constant 3 : i32
        %get3A_211 = arith.index_cast %get3A_210 : i32 to index
        %get3A_212 = arith.index_cast %mul3A_197 : i32 to index
        %get3A_213 = tpu.vector_load %arg5[%get3A_211, %get3A_212] {strides = array<i32>} : memref<7x1280xf32, #tpu.memory_space<vmem>>, vector<16xf32>,
        %get3A_214 = arith.constant 4 : i32
        %get3A_215 = arith.index_cast %get3A_214 : i32 to index
        %get3A_216 = arith.index_cast %mul3A_197 : i32 to index
        %get3A_217 = tpu.vector_load %arg5[%get3A_215, %get3A_216] {strides = array<i32>} : memref<7x1280xf32, #tpu.memory_space<vmem>>, vector<16xf32>,
        %get3A_218 = arith.constant 5 : i32
        %get3A_219 = arith.index_cast %get3A_218 : i32 to index
        %get3A_220 = arith.index_cast %mul3A_197 : i32 to index
        %get3A_221 = tpu.vector_load %arg5[%get3A_219, %get3A_220] {strides = array<i32>} : memref<7x1280xf32, #tpu.memory_space<vmem>>, vector<16xf32>,
        %get3A_222 = arith.constant 6 : i32
        %get3A_223 = arith.index_cast %get3A_222 : i32 to index
        %get3A_224 = arith.index_cast %mul3A_197 : i32 to index
        %get3A_225 = tpu.vector_load %arg5[%get3A_223, %get3A_224] {strides = array<i32>} : memref<7x1280xf32, #tpu.memory_space<vmem>>, vector<16xf32>,
        %bitcast3A_226 = vector.bitcast %get3A_225 : vector<16xf32> to vector<16xi32>
        %shift_right_arithmetic3A_227 = arith.constant 10 : i32
        %shift_right_arithmetic3A_228 = vector.broadcast %shift_right_arithmetic3A_227 : i32 to vector<16xi32>
        %shift_right_arithmetic3A_229 = arith.shrsi %bitcast3A_226, %shift_right_arithmetic3A_228 : vector<16xi32>
        %and3A_230 = arith.constant 1023 : i32
        %and3A_231 = vector.broadcast %and3A_230 : i32 to vector<16xi32>
        %and3A_232 = arith.andi %bitcast3A_226, %and3A_231 : vector<16xi32>
        %add3A_233 = arith.constant 1 : i32
        %add3A_234 = vector.broadcast %add3A_233 : i32 to vector<16xi32>
        %add3A_235 = arith.addi %and3A_232, %add3A_234 : vector<16xi32>
        %add3A_236 = arith.constant 2 : i32
        %add3A_237 = vector.broadcast %add3A_236 : i32 to vector<16xi32>
        %add3A_238 = arith.addi %and3A_232, %add3A_237 : vector<16xi32>
        %min3A_239 = arith.constant 511 : i32
        %min3A_240 = vector.broadcast %min3A_239 : i32 to vector<16xi32>
        %min3A_241 = arith.minsi %add3A_238, %min3A_240 : vector<16xi32>
        %add3A_242 = arith.constant 1 : i32
        %add3A_243 = vector.broadcast %add3A_242 : i32 to vector<16xi32>
        %add3A_244 = arith.addi %shift_right_arithmetic3A_229, %add3A_243 : vector<16xi32>
        %add3A_245 = arith.constant 2 : i32
        %add3A_246 = vector.broadcast %add3A_245 : i32 to vector<16xi32>
        %add3A_247 = arith.addi %shift_right_arithmetic3A_229, %add3A_246 : vector<16xi32>
        %min3A_248 = arith.constant 511 : i32
        %min3A_249 = vector.broadcast %min3A_248 : i32 to vector<16xi32>
        %min3A_250 = arith.minsi %add3A_247, %min3A_249 : vector<16xi32>
        %sub3A_251 = arith.constant 0 : i32
        %sub3A_252 = vector.broadcast %sub3A_251 : i32 to vector<16xi32>
        %sub3A_253 = arith.subi %shift_right_arithmetic3A_229, %sub3A_252 : vector<16xi32>
        %bitcast3A_254 = vector.bitcast %sub3A_253 : vector<16xi32> to vector<16xi32>
        %lt3A_255 = arith.constant 176 : i32
        %lt3A_256 = vector.broadcast %lt3A_255 : i32 to vector<16xi32>
        %lt3A_257 = arith.cmpi ult, %bitcast3A_254, %lt3A_256 : vector<16xi32>
        %mul3A_258 = arith.mulf %get3A_201, %get3A_213 : vector<16xf32>
        tpu.vector_store_idx %arg4[%sub3A_253, %and3A_232], %mul3A_258 masked %lt3A_257 {add = true} : memref<176x512xf32, #tpu.memory_space<vmem>>[vector<16xi32>, vector<16xi32>], vector<16xf32>, vector<16xi1>
        %mul3A_259 = arith.mulf %get3A_201, %get3A_217 : vector<16xf32>
        tpu.vector_store_idx %arg4[%sub3A_253, %add3A_235], %mul3A_259 masked %lt3A_257 {add = true} : memref<176x512xf32, #tpu.memory_space<vmem>>[vector<16xi32>, vector<16xi32>], vector<16xf32>, vector<16xi1>
        %mul3A_260 = arith.mulf %get3A_201, %get3A_221 : vector<16xf32>
        tpu.vector_store_idx %arg4[%sub3A_253, %min3A_241], %mul3A_260 masked %lt3A_257 {add = true} : memref<176x512xf32, #tpu.memory_space<vmem>>[vector<16xi32>, vector<16xi32>], vector<16xf32>, vector<16xi1>
        %sub3A_261 = arith.constant 0 : i32
        %sub3A_262 = vector.broadcast %sub3A_261 : i32 to vector<16xi32>
        %sub3A_263 = arith.subi %add3A_244, %sub3A_262 : vector<16xi32>
        %bitcast3A_264 = vector.bitcast %sub3A_263 : vector<16xi32> to vector<16xi32>
        %lt3A_265 = arith.constant 176 : i32
        %lt3A_266 = vector.broadcast %lt3A_265 : i32 to vector<16xi32>
        %lt3A_267 = arith.cmpi ult, %bitcast3A_264, %lt3A_266 : vector<16xi32>
        %mul3A_268 = arith.mulf %get3A_205, %get3A_213 : vector<16xf32>
        tpu.vector_store_idx %arg4[%sub3A_263, %and3A_232], %mul3A_268 masked %lt3A_267 {add = true} : memref<176x512xf32, #tpu.memory_space<vmem>>[vector<16xi32>, vector<16xi32>], vector<16xf32>, vector<16xi1>
        %mul3A_269 = arith.mulf %get3A_205, %get3A_217 : vector<16xf32>
        tpu.vector_store_idx %arg4[%sub3A_263, %add3A_235], %mul3A_269 masked %lt3A_267 {add = true} : memref<176x512xf32, #tpu.memory_space<vmem>>[vector<16xi32>, vector<16xi32>], vector<16xf32>, vector<16xi1>
        %mul3A_270 = arith.mulf %get3A_205, %get3A_221 : vector<16xf32>
        tpu.vector_store_idx %arg4[%sub3A_263, %min3A_241], %mul3A_270 masked %lt3A_267 {add = true} : memref<176x512xf32, #tpu.memory_space<vmem>>[vector<16xi32>, vector<16xi32>], vector<16xf32>, vector<16xi1>
        %sub3A_271 = arith.constant 0 : i32
        %sub3A_272 = vector.broadcast %sub3A_271 : i32 to vector<16xi32>
        %sub3A_273 = arith.subi %min3A_250, %sub3A_272 : vector<16xi32>
        %bitcast3A_274 = vector.bitcast %sub3A_273 : vector<16xi32> to vector<16xi32>
        %lt3A_275 = arith.constant 176 : i32
        %lt3A_276 = vector.broadcast %lt3A_275 : i32 to vector<16xi32>
        %lt3A_277 = arith.cmpi ult, %bitcast3A_274, %lt3A_276 : vector<16xi32>
        %mul3A_278 = arith.mulf %get3A_209, %get3A_213 : vector<16xf32>
        tpu.vector_store_idx %arg4[%sub3A_273, %and3A_232], %mul3A_278 masked %lt3A_277 {add = true} : memref<176x512xf32, #tpu.memory_space<vmem>>[vector<16xi32>, vector<16xi32>], vector<16xf32>, vector<16xi1>
        %mul3A_279 = arith.mulf %get3A_209, %get3A_217 : vector<16xf32>
        tpu.vector_store_idx %arg4[%sub3A_273, %add3A_235], %mul3A_279 masked %lt3A_277 {add = true} : memref<176x512xf32, #tpu.memory_space<vmem>>[vector<16xi32>, vector<16xi32>], vector<16xf32>, vector<16xi1>
        %mul3A_280 = arith.mulf %get3A_209, %get3A_221 : vector<16xf32>
        tpu.vector_store_idx %arg4[%sub3A_273, %min3A_241], %mul3A_280 masked %lt3A_277 {add = true} : memref<176x512xf32, #tpu.memory_space<vmem>>[vector<16xi32>, vector<16xi32>], vector<16xf32>, vector<16xi1>
        %mul3A_281 = arith.constant 4 : i32
        %mul3A_282 = arith.muli %scan3A_107, %mul3A_281 : i32
        %add3A_283 = arith.constant 2 : i32
        %add3A_284 = arith.addi %mul3A_282, %add3A_283 : i32
        %mul3A_285 = arith.constant 16 : i32
        %mul3A_286 = arith.muli %add3A_284, %mul3A_285 : i32
        %get3A_287 = arith.constant 0 : i32
        %get3A_288 = arith.index_cast %get3A_287 : i32 to index
        %get3A_289 = arith.index_cast %mul3A_286 : i32 to index
        %get3A_290 = tpu.vector_load %arg5[%get3A_288, %get3A_289] {strides = array<i32>} : memref<7x1280xf32, #tpu.memory_space<vmem>>, vector<16xf32>,
        %get3A_291 = arith.constant 1 : i32
        %get3A_292 = arith.index_cast %get3A_291 : i32 to index
        %get3A_293 = arith.index_cast %mul3A_286 : i32 to index
        %get3A_294 = tpu.vector_load %arg5[%get3A_292, %get3A_293] {strides = array<i32>} : memref<7x1280xf32, #tpu.memory_space<vmem>>, vector<16xf32>,
        %get3A_295 = arith.constant 2 : i32
        %get3A_296 = arith.index_cast %get3A_295 : i32 to index
        %get3A_297 = arith.index_cast %mul3A_286 : i32 to index
        %get3A_298 = tpu.vector_load %arg5[%get3A_296, %get3A_297] {strides = array<i32>} : memref<7x1280xf32, #tpu.memory_space<vmem>>, vector<16xf32>,
        %get3A_299 = arith.constant 3 : i32
        %get3A_300 = arith.index_cast %get3A_299 : i32 to index
        %get3A_301 = arith.index_cast %mul3A_286 : i32 to index
        %get3A_302 = tpu.vector_load %arg5[%get3A_300, %get3A_301] {strides = array<i32>} : memref<7x1280xf32, #tpu.memory_space<vmem>>, vector<16xf32>,
        %get3A_303 = arith.constant 4 : i32
        %get3A_304 = arith.index_cast %get3A_303 : i32 to index
        %get3A_305 = arith.index_cast %mul3A_286 : i32 to index
        %get3A_306 = tpu.vector_load %arg5[%get3A_304, %get3A_305] {strides = array<i32>} : memref<7x1280xf32, #tpu.memory_space<vmem>>, vector<16xf32>,
        %get3A_307 = arith.constant 5 : i32
        %get3A_308 = arith.index_cast %get3A_307 : i32 to index
        %get3A_309 = arith.index_cast %mul3A_286 : i32 to index
        %get3A_310 = tpu.vector_load %arg5[%get3A_308, %get3A_309] {strides = array<i32>} : memref<7x1280xf32, #tpu.memory_space<vmem>>, vector<16xf32>,
        %get3A_311 = arith.constant 6 : i32
        %get3A_312 = arith.index_cast %get3A_311 : i32 to index
        %get3A_313 = arith.index_cast %mul3A_286 : i32 to index
        %get3A_314 = tpu.vector_load %arg5[%get3A_312, %get3A_313] {strides = array<i32>} : memref<7x1280xf32, #tpu.memory_space<vmem>>, vector<16xf32>,
        %bitcast3A_315 = vector.bitcast %get3A_314 : vector<16xf32> to vector<16xi32>
        %shift_right_arithmetic3A_316 = arith.constant 10 : i32
        %shift_right_arithmetic3A_317 = vector.broadcast %shift_right_arithmetic3A_316 : i32 to vector<16xi32>
        %shift_right_arithmetic3A_318 = arith.shrsi %bitcast3A_315, %shift_right_arithmetic3A_317 : vector<16xi32>
        %and3A_319 = arith.constant 1023 : i32
        %and3A_320 = vector.broadcast %and3A_319 : i32 to vector<16xi32>
        %and3A_321 = arith.andi %bitcast3A_315, %and3A_320 : vector<16xi32>
        %add3A_322 = arith.constant 1 : i32
        %add3A_323 = vector.broadcast %add3A_322 : i32 to vector<16xi32>
        %add3A_324 = arith.addi %and3A_321, %add3A_323 : vector<16xi32>
        %add3A_325 = arith.constant 2 : i32
        %add3A_326 = vector.broadcast %add3A_325 : i32 to vector<16xi32>
        %add3A_327 = arith.addi %and3A_321, %add3A_326 : vector<16xi32>
        %min3A_328 = arith.constant 511 : i32
        %min3A_329 = vector.broadcast %min3A_328 : i32 to vector<16xi32>
        %min3A_330 = arith.minsi %add3A_327, %min3A_329 : vector<16xi32>
        %add3A_331 = arith.constant 1 : i32
        %add3A_332 = vector.broadcast %add3A_331 : i32 to vector<16xi32>
        %add3A_333 = arith.addi %shift_right_arithmetic3A_318, %add3A_332 : vector<16xi32>
        %add3A_334 = arith.constant 2 : i32
        %add3A_335 = vector.broadcast %add3A_334 : i32 to vector<16xi32>
        %add3A_336 = arith.addi %shift_right_arithmetic3A_318, %add3A_335 : vector<16xi32>
        %min3A_337 = arith.constant 511 : i32
        %min3A_338 = vector.broadcast %min3A_337 : i32 to vector<16xi32>
        %min3A_339 = arith.minsi %add3A_336, %min3A_338 : vector<16xi32>
        %sub3A_340 = arith.constant 0 : i32
        %sub3A_341 = vector.broadcast %sub3A_340 : i32 to vector<16xi32>
        %sub3A_342 = arith.subi %shift_right_arithmetic3A_318, %sub3A_341 : vector<16xi32>
        %bitcast3A_343 = vector.bitcast %sub3A_342 : vector<16xi32> to vector<16xi32>
        %lt3A_344 = arith.constant 176 : i32
        %lt3A_345 = vector.broadcast %lt3A_344 : i32 to vector<16xi32>
        %lt3A_346 = arith.cmpi ult, %bitcast3A_343, %lt3A_345 : vector<16xi32>
        %mul3A_347 = arith.mulf %get3A_290, %get3A_302 : vector<16xf32>
        tpu.vector_store_idx %arg4[%sub3A_342, %and3A_321], %mul3A_347 masked %lt3A_346 {add = true} : memref<176x512xf32, #tpu.memory_space<vmem>>[vector<16xi32>, vector<16xi32>], vector<16xf32>, vector<16xi1>
        %mul3A_348 = arith.mulf %get3A_290, %get3A_306 : vector<16xf32>
        tpu.vector_store_idx %arg4[%sub3A_342, %add3A_324], %mul3A_348 masked %lt3A_346 {add = true} : memref<176x512xf32, #tpu.memory_space<vmem>>[vector<16xi32>, vector<16xi32>], vector<16xf32>, vector<16xi1>
        %mul3A_349 = arith.mulf %get3A_290, %get3A_310 : vector<16xf32>
        tpu.vector_store_idx %arg4[%sub3A_342, %min3A_330], %mul3A_349 masked %lt3A_346 {add = true} : memref<176x512xf32, #tpu.memory_space<vmem>>[vector<16xi32>, vector<16xi32>], vector<16xf32>, vector<16xi1>
        %sub3A_350 = arith.constant 0 : i32
        %sub3A_351 = vector.broadcast %sub3A_350 : i32 to vector<16xi32>
        %sub3A_352 = arith.subi %add3A_333, %sub3A_351 : vector<16xi32>
        %bitcast3A_353 = vector.bitcast %sub3A_352 : vector<16xi32> to vector<16xi32>
        %lt3A_354 = arith.constant 176 : i32
        %lt3A_355 = vector.broadcast %lt3A_354 : i32 to vector<16xi32>
        %lt3A_356 = arith.cmpi ult, %bitcast3A_353, %lt3A_355 : vector<16xi32>
        %mul3A_357 = arith.mulf %get3A_294, %get3A_302 : vector<16xf32>
        tpu.vector_store_idx %arg4[%sub3A_352, %and3A_321], %mul3A_357 masked %lt3A_356 {add = true} : memref<176x512xf32, #tpu.memory_space<vmem>>[vector<16xi32>, vector<16xi32>], vector<16xf32>, vector<16xi1>
        %mul3A_358 = arith.mulf %get3A_294, %get3A_306 : vector<16xf32>
        tpu.vector_store_idx %arg4[%sub3A_352, %add3A_324], %mul3A_358 masked %lt3A_356 {add = true} : memref<176x512xf32, #tpu.memory_space<vmem>>[vector<16xi32>, vector<16xi32>], vector<16xf32>, vector<16xi1>
        %mul3A_359 = arith.mulf %get3A_294, %get3A_310 : vector<16xf32>
        tpu.vector_store_idx %arg4[%sub3A_352, %min3A_330], %mul3A_359 masked %lt3A_356 {add = true} : memref<176x512xf32, #tpu.memory_space<vmem>>[vector<16xi32>, vector<16xi32>], vector<16xf32>, vector<16xi1>
        %sub3A_360 = arith.constant 0 : i32
        %sub3A_361 = vector.broadcast %sub3A_360 : i32 to vector<16xi32>
        %sub3A_362 = arith.subi %min3A_339, %sub3A_361 : vector<16xi32>
        %bitcast3A_363 = vector.bitcast %sub3A_362 : vector<16xi32> to vector<16xi32>
        %lt3A_364 = arith.constant 176 : i32
        %lt3A_365 = vector.broadcast %lt3A_364 : i32 to vector<16xi32>
        %lt3A_366 = arith.cmpi ult, %bitcast3A_363, %lt3A_365 : vector<16xi32>
        %mul3A_367 = arith.mulf %get3A_298, %get3A_302 : vector<16xf32>
        tpu.vector_store_idx %arg4[%sub3A_362, %and3A_321], %mul3A_367 masked %lt3A_366 {add = true} : memref<176x512xf32, #tpu.memory_space<vmem>>[vector<16xi32>, vector<16xi32>], vector<16xf32>, vector<16xi1>
        %mul3A_368 = arith.mulf %get3A_298, %get3A_306 : vector<16xf32>
        tpu.vector_store_idx %arg4[%sub3A_362, %add3A_324], %mul3A_368 masked %lt3A_366 {add = true} : memref<176x512xf32, #tpu.memory_space<vmem>>[vector<16xi32>, vector<16xi32>], vector<16xf32>, vector<16xi1>
        %mul3A_369 = arith.mulf %get3A_298, %get3A_310 : vector<16xf32>
        tpu.vector_store_idx %arg4[%sub3A_362, %min3A_330], %mul3A_369 masked %lt3A_366 {add = true} : memref<176x512xf32, #tpu.memory_space<vmem>>[vector<16xi32>, vector<16xi32>], vector<16xf32>, vector<16xi1>
        %mul3A_370 = arith.constant 4 : i32
        %mul3A_371 = arith.muli %scan3A_107, %mul3A_370 : i32
        %add3A_372 = arith.constant 3 : i32
        %add3A_373 = arith.addi %mul3A_371, %add3A_372 : i32
        %mul3A_374 = arith.constant 16 : i32
        %mul3A_375 = arith.muli %add3A_373, %mul3A_374 : i32
        %get3A_376 = arith.constant 0 : i32
        %get3A_377 = arith.index_cast %get3A_376 : i32 to index
        %get3A_378 = arith.index_cast %mul3A_375 : i32 to index
        %get3A_379 = tpu.vector_load %arg5[%get3A_377, %get3A_378] {strides = array<i32>} : memref<7x1280xf32, #tpu.memory_space<vmem>>, vector<16xf32>,
        %get3A_380 = arith.constant 1 : i32
        %get3A_381 = arith.index_cast %get3A_380 : i32 to index
        %get3A_382 = arith.index_cast %mul3A_375 : i32 to index
        %get3A_383 = tpu.vector_load %arg5[%get3A_381, %get3A_382] {strides = array<i32>} : memref<7x1280xf32, #tpu.memory_space<vmem>>, vector<16xf32>,
        %get3A_384 = arith.constant 2 : i32
        %get3A_385 = arith.index_cast %get3A_384 : i32 to index
        %get3A_386 = arith.index_cast %mul3A_375 : i32 to index
        %get3A_387 = tpu.vector_load %arg5[%get3A_385, %get3A_386] {strides = array<i32>} : memref<7x1280xf32, #tpu.memory_space<vmem>>, vector<16xf32>,
        %get3A_388 = arith.constant 3 : i32
        %get3A_389 = arith.index_cast %get3A_388 : i32 to index
        %get3A_390 = arith.index_cast %mul3A_375 : i32 to index
        %get3A_391 = tpu.vector_load %arg5[%get3A_389, %get3A_390] {strides = array<i32>} : memref<7x1280xf32, #tpu.memory_space<vmem>>, vector<16xf32>,
        %get3A_392 = arith.constant 4 : i32
        %get3A_393 = arith.index_cast %get3A_392 : i32 to index
        %get3A_394 = arith.index_cast %mul3A_375 : i32 to index
        %get3A_395 = tpu.vector_load %arg5[%get3A_393, %get3A_394] {strides = array<i32>} : memref<7x1280xf32, #tpu.memory_space<vmem>>, vector<16xf32>,
        %get3A_396 = arith.constant 5 : i32
        %get3A_397 = arith.index_cast %get3A_396 : i32 to index
        %get3A_398 = arith.index_cast %mul3A_375 : i32 to index
        %get3A_399 = tpu.vector_load %arg5[%get3A_397, %get3A_398] {strides = array<i32>} : memref<7x1280xf32, #tpu.memory_space<vmem>>, vector<16xf32>,
        %get3A_400 = arith.constant 6 : i32
        %get3A_401 = arith.index_cast %get3A_400 : i32 to index
        %get3A_402 = arith.index_cast %mul3A_375 : i32 to index
        %get3A_403 = tpu.vector_load %arg5[%get3A_401, %get3A_402] {strides = array<i32>} : memref<7x1280xf32, #tpu.memory_space<vmem>>, vector<16xf32>,
        %bitcast3A_404 = vector.bitcast %get3A_403 : vector<16xf32> to vector<16xi32>
        %shift_right_arithmetic3A_405 = arith.constant 10 : i32
        %shift_right_arithmetic3A_406 = vector.broadcast %shift_right_arithmetic3A_405 : i32 to vector<16xi32>
        %shift_right_arithmetic3A_407 = arith.shrsi %bitcast3A_404, %shift_right_arithmetic3A_406 : vector<16xi32>
        %and3A_408 = arith.constant 1023 : i32
        %and3A_409 = vector.broadcast %and3A_408 : i32 to vector<16xi32>
        %and3A_410 = arith.andi %bitcast3A_404, %and3A_409 : vector<16xi32>
        %add3A_411 = arith.constant 1 : i32
        %add3A_412 = vector.broadcast %add3A_411 : i32 to vector<16xi32>
        %add3A_413 = arith.addi %and3A_410, %add3A_412 : vector<16xi32>
        %add3A_414 = arith.constant 2 : i32
        %add3A_415 = vector.broadcast %add3A_414 : i32 to vector<16xi32>
        %add3A_416 = arith.addi %and3A_410, %add3A_415 : vector<16xi32>
        %min3A_417 = arith.constant 511 : i32
        %min3A_418 = vector.broadcast %min3A_417 : i32 to vector<16xi32>
        %min3A_419 = arith.minsi %add3A_416, %min3A_418 : vector<16xi32>
        %add3A_420 = arith.constant 1 : i32
        %add3A_421 = vector.broadcast %add3A_420 : i32 to vector<16xi32>
        %add3A_422 = arith.addi %shift_right_arithmetic3A_407, %add3A_421 : vector<16xi32>
        %add3A_423 = arith.constant 2 : i32
        %add3A_424 = vector.broadcast %add3A_423 : i32 to vector<16xi32>
        %add3A_425 = arith.addi %shift_right_arithmetic3A_407, %add3A_424 : vector<16xi32>
        %min3A_426 = arith.constant 511 : i32
        %min3A_427 = vector.broadcast %min3A_426 : i32 to vector<16xi32>
        %min3A_428 = arith.minsi %add3A_425, %min3A_427 : vector<16xi32>
        %sub3A_429 = arith.constant 0 : i32
        %sub3A_430 = vector.broadcast %sub3A_429 : i32 to vector<16xi32>
        %sub3A_431 = arith.subi %shift_right_arithmetic3A_407, %sub3A_430 : vector<16xi32>
        %bitcast3A_432 = vector.bitcast %sub3A_431 : vector<16xi32> to vector<16xi32>
        %lt3A_433 = arith.constant 176 : i32
        %lt3A_434 = vector.broadcast %lt3A_433 : i32 to vector<16xi32>
        %lt3A_435 = arith.cmpi ult, %bitcast3A_432, %lt3A_434 : vector<16xi32>
        %mul3A_436 = arith.mulf %get3A_379, %get3A_391 : vector<16xf32>
        tpu.vector_store_idx %arg4[%sub3A_431, %and3A_410], %mul3A_436 masked %lt3A_435 {add = true} : memref<176x512xf32, #tpu.memory_space<vmem>>[vector<16xi32>, vector<16xi32>], vector<16xf32>, vector<16xi1>
        %mul3A_437 = arith.mulf %get3A_379, %get3A_395 : vector<16xf32>
        tpu.vector_store_idx %arg4[%sub3A_431, %add3A_413], %mul3A_437 masked %lt3A_435 {add = true} : memref<176x512xf32, #tpu.memory_space<vmem>>[vector<16xi32>, vector<16xi32>], vector<16xf32>, vector<16xi1>
        %mul3A_438 = arith.mulf %get3A_379, %get3A_399 : vector<16xf32>
        tpu.vector_store_idx %arg4[%sub3A_431, %min3A_419], %mul3A_438 masked %lt3A_435 {add = true} : memref<176x512xf32, #tpu.memory_space<vmem>>[vector<16xi32>, vector<16xi32>], vector<16xf32>, vector<16xi1>
        %sub3A_439 = arith.constant 0 : i32
        %sub3A_440 = vector.broadcast %sub3A_439 : i32 to vector<16xi32>
        %sub3A_441 = arith.subi %add3A_422, %sub3A_440 : vector<16xi32>
        %bitcast3A_442 = vector.bitcast %sub3A_441 : vector<16xi32> to vector<16xi32>
        %lt3A_443 = arith.constant 176 : i32
        %lt3A_444 = vector.broadcast %lt3A_443 : i32 to vector<16xi32>
        %lt3A_445 = arith.cmpi ult, %bitcast3A_442, %lt3A_444 : vector<16xi32>
        %mul3A_446 = arith.mulf %get3A_383, %get3A_391 : vector<16xf32>
        tpu.vector_store_idx %arg4[%sub3A_441, %and3A_410], %mul3A_446 masked %lt3A_445 {add = true} : memref<176x512xf32, #tpu.memory_space<vmem>>[vector<16xi32>, vector<16xi32>], vector<16xf32>, vector<16xi1>
        %mul3A_447 = arith.mulf %get3A_383, %get3A_395 : vector<16xf32>
        tpu.vector_store_idx %arg4[%sub3A_441, %add3A_413], %mul3A_447 masked %lt3A_445 {add = true} : memref<176x512xf32, #tpu.memory_space<vmem>>[vector<16xi32>, vector<16xi32>], vector<16xf32>, vector<16xi1>
        %mul3A_448 = arith.mulf %get3A_383, %get3A_399 : vector<16xf32>
        tpu.vector_store_idx %arg4[%sub3A_441, %min3A_419], %mul3A_448 masked %lt3A_445 {add = true} : memref<176x512xf32, #tpu.memory_space<vmem>>[vector<16xi32>, vector<16xi32>], vector<16xf32>, vector<16xi1>
        %sub3A_449 = arith.constant 0 : i32
        %sub3A_450 = vector.broadcast %sub3A_449 : i32 to vector<16xi32>
        %sub3A_451 = arith.subi %min3A_428, %sub3A_450 : vector<16xi32>
        %bitcast3A_452 = vector.bitcast %sub3A_451 : vector<16xi32> to vector<16xi32>
        %lt3A_453 = arith.constant 176 : i32
        %lt3A_454 = vector.broadcast %lt3A_453 : i32 to vector<16xi32>
        %lt3A_455 = arith.cmpi ult, %bitcast3A_452, %lt3A_454 : vector<16xi32>
        %mul3A_456 = arith.mulf %get3A_387, %get3A_391 : vector<16xf32>
        tpu.vector_store_idx %arg4[%sub3A_451, %and3A_410], %mul3A_456 masked %lt3A_455 {add = true} : memref<176x512xf32, #tpu.memory_space<vmem>>[vector<16xi32>, vector<16xi32>], vector<16xf32>, vector<16xi1>
        %mul3A_457 = arith.mulf %get3A_387, %get3A_395 : vector<16xf32>
        tpu.vector_store_idx %arg4[%sub3A_451, %add3A_413], %mul3A_457 masked %lt3A_455 {add = true} : memref<176x512xf32, #tpu.memory_space<vmem>>[vector<16xi32>, vector<16xi32>], vector<16xf32>, vector<16xi1>
        %mul3A_458 = arith.mulf %get3A_387, %get3A_399 : vector<16xf32>
        tpu.vector_store_idx %arg4[%sub3A_451, %min3A_419], %mul3A_458 masked %lt3A_455 {add = true} : memref<176x512xf32, #tpu.memory_space<vmem>>[vector<16xi32>, vector<16xi32>], vector<16xf32>, vector<16xi1>
        %scan3A_459 = arith.constant 0 : i32
        scf.yield %scan3A_459 : i32
      }
      %scan3A_87 = arith.constant 20 : i32
      %add3A_88 = arith.constant 1 : i32
      %add3A_89 = arith.addi %mul3A_65, %add3A_88 : i32
      %mul3A_90 = arith.constant 1280 : i32
      %mul3A_91 = arith.muli %add3A_89, %mul3A_90 : i32
      %add3A_92 = arith.addi %mul3A_2, %mul3A_91 : i32
      %dma_wait3A_93 = arith.constant 0 : i32
      %dma_wait3A_94 = tpu.memref_slice %arg2[%dma_wait3A_93, %add3A_92] : memref<7x819200xf32, #tpu.memory_space<hbm>> -> memref<7x1280xf32, #tpu.memory_space<hbm>>
      %dma_wait3A_95 = arith.constant 0 : i32
      %dma_wait3A_96 = tpu.memref_slice %arg2[%dma_wait3A_95, %add3A_92] : memref<7x819200xf32, #tpu.memory_space<hbm>> -> memref<7x1280xf32, #tpu.memory_space<hbm>>
      tpu.wait_dma2 semaphore(%arg8 : memref<!tpu.dma_semaphore, #tpu.memory_space<semaphore_mem>>) src(%dma_wait3A_96 : memref<7x1280xf32, #tpu.memory_space<hbm>>) dst(%arg6 : memref<7x1280xf32, #tpu.memory_space<vmem>>)
      %lt3A = arith.constant 9 : i32
      %lt3A_97 = arith.cmpi slt, %scan3A_62, %lt3A : i32
      %convert_element_type3A = arith.extui %lt3A_97 : i1 to i32
      %cond3A = arith.constant 0 : i32
      %cond3A_98 = arith.cmpi ne, %convert_element_type3A, %cond3A : i32
      scf.if %cond3A_98 {
        %add3A_107 = arith.constant 2 : i32
        %add3A_108 = arith.addi %mul3A_65, %add3A_107 : i32
        %mul3A_109 = arith.constant 1280 : i32
        %mul3A_110 = arith.muli %add3A_108, %mul3A_109 : i32
        %add3A_111 = arith.addi %mul3A_2, %mul3A_110 : i32
        %dma_start3A_112 = arith.constant 0 : i32
        %dma_start3A_113 = tpu.memref_slice %arg2[%dma_start3A_112, %add3A_111] : memref<7x819200xf32, #tpu.memory_space<hbm>> -> memref<7x1280xf32, #tpu.memory_space<hbm>>
        %dma_start3A_114 = arith.constant 0 : i32
        %dma_start3A_115 = tpu.memref_slice %arg2[%dma_start3A_114, %add3A_111] : memref<7x819200xf32, #tpu.memory_space<hbm>> -> memref<7x1280xf32, #tpu.memory_space<hbm>>
        tpu.enqueue_dma source(%dma_start3A_115 : memref<7x1280xf32, #tpu.memory_space<hbm>>) target(%arg5 : memref<7x1280xf32, #tpu.memory_space<vmem>>) target_semaphore(%arg7 : memref<!tpu.dma_semaphore, #tpu.memory_space<semaphore_mem>>)
      } else {
      }
      %scan3A_99 = arith.constant 0 : i32
      %scan3A_100 = arith.constant 0 : i32
      %scan3A_101 = arith.constant 20 : i32
      %scan3A_102 = arith.addi %scan3A_100, %scan3A_101 : i32
      %scan3A_103 = arith.constant 1 : i32
      %scan3A_104 = scf.for %scan3A_107 = %scan3A_100 to %scan3A_102 step %scan3A_103 iter_args(%scan3A_108 = %scan3A_99) -> (i32)  : i32 {
        %mul3A_109 = arith.constant 4 : i32
        %mul3A_110 = arith.muli %scan3A_107, %mul3A_109 : i32
        %add3A_111 = arith.constant 0 : i32
        %add3A_112 = arith.addi %mul3A_110, %add3A_111 : i32
        %mul3A_113 = arith.constant 16 : i32
        %mul3A_114 = arith.muli %add3A_112, %mul3A_113 : i32
        %get3A = arith.constant 0 : i32
        %get3A_115 = arith.index_cast %get3A : i32 to index
        %get3A_116 = arith.index_cast %mul3A_114 : i32 to index
        %get3A_117 = tpu.vector_load %arg6[%get3A_115, %get3A_116] {strides = array<i32>} : memref<7x1280xf32, #tpu.memory_space<vmem>>, vector<16xf32>,
        %get3A_118 = arith.constant 1 : i32
        %get3A_119 = arith.index_cast %get3A_118 : i32 to index
        %get3A_120 = arith.index_cast %mul3A_114 : i32 to index
        %get3A_121 = tpu.vector_load %arg6[%get3A_119, %get3A_120] {strides = array<i32>} : memref<7x1280xf32, #tpu.memory_space<vmem>>, vector<16xf32>,
        %get3A_122 = arith.constant 2 : i32
        %get3A_123 = arith.index_cast %get3A_122 : i32 to index
        %get3A_124 = arith.index_cast %mul3A_114 : i32 to index
        %get3A_125 = tpu.vector_load %arg6[%get3A_123, %get3A_124] {strides = array<i32>} : memref<7x1280xf32, #tpu.memory_space<vmem>>, vector<16xf32>,
        %get3A_126 = arith.constant 3 : i32
        %get3A_127 = arith.index_cast %get3A_126 : i32 to index
        %get3A_128 = arith.index_cast %mul3A_114 : i32 to index
        %get3A_129 = tpu.vector_load %arg6[%get3A_127, %get3A_128] {strides = array<i32>} : memref<7x1280xf32, #tpu.memory_space<vmem>>, vector<16xf32>,
        %get3A_130 = arith.constant 4 : i32
        %get3A_131 = arith.index_cast %get3A_130 : i32 to index
        %get3A_132 = arith.index_cast %mul3A_114 : i32 to index
        %get3A_133 = tpu.vector_load %arg6[%get3A_131, %get3A_132] {strides = array<i32>} : memref<7x1280xf32, #tpu.memory_space<vmem>>, vector<16xf32>,
        %get3A_134 = arith.constant 5 : i32
        %get3A_135 = arith.index_cast %get3A_134 : i32 to index
        %get3A_136 = arith.index_cast %mul3A_114 : i32 to index
        %get3A_137 = tpu.vector_load %arg6[%get3A_135, %get3A_136] {strides = array<i32>} : memref<7x1280xf32, #tpu.memory_space<vmem>>, vector<16xf32>,
        %get3A_138 = arith.constant 6 : i32
        %get3A_139 = arith.index_cast %get3A_138 : i32 to index
        %get3A_140 = arith.index_cast %mul3A_114 : i32 to index
        %get3A_141 = tpu.vector_load %arg6[%get3A_139, %get3A_140] {strides = array<i32>} : memref<7x1280xf32, #tpu.memory_space<vmem>>, vector<16xf32>,
        %bitcast3A = vector.bitcast %get3A_141 : vector<16xf32> to vector<16xi32>
        %shift_right_arithmetic3A = arith.constant 10 : i32
        %shift_right_arithmetic3A_142 = vector.broadcast %shift_right_arithmetic3A : i32 to vector<16xi32>
        %shift_right_arithmetic3A_143 = arith.shrsi %bitcast3A, %shift_right_arithmetic3A_142 : vector<16xi32>
        %and3A = arith.constant 1023 : i32
        %and3A_144 = vector.broadcast %and3A : i32 to vector<16xi32>
        %and3A_145 = arith.andi %bitcast3A, %and3A_144 : vector<16xi32>
        %add3A_146 = arith.constant 1 : i32
        %add3A_147 = vector.broadcast %add3A_146 : i32 to vector<16xi32>
        %add3A_148 = arith.addi %and3A_145, %add3A_147 : vector<16xi32>
        %add3A_149 = arith.constant 2 : i32
        %add3A_150 = vector.broadcast %add3A_149 : i32 to vector<16xi32>
        %add3A_151 = arith.addi %and3A_145, %add3A_150 : vector<16xi32>
        %min3A = arith.constant 511 : i32
        %min3A_152 = vector.broadcast %min3A : i32 to vector<16xi32>
        %min3A_153 = arith.minsi %add3A_151, %min3A_152 : vector<16xi32>
        %add3A_154 = arith.constant 1 : i32
        %add3A_155 = vector.broadcast %add3A_154 : i32 to vector<16xi32>
        %add3A_156 = arith.addi %shift_right_arithmetic3A_143, %add3A_155 : vector<16xi32>
        %add3A_157 = arith.constant 2 : i32
        %add3A_158 = vector.broadcast %add3A_157 : i32 to vector<16xi32>
        %add3A_159 = arith.addi %shift_right_arithmetic3A_143, %add3A_158 : vector<16xi32>
        %min3A_160 = arith.constant 511 : i32
        %min3A_161 = vector.broadcast %min3A_160 : i32 to vector<16xi32>
        %min3A_162 = arith.minsi %add3A_159, %min3A_161 : vector<16xi32>
        %sub3A = arith.constant 0 : i32
        %sub3A_163 = vector.broadcast %sub3A : i32 to vector<16xi32>
        %sub3A_164 = arith.subi %shift_right_arithmetic3A_143, %sub3A_163 : vector<16xi32>
        %bitcast3A_165 = vector.bitcast %sub3A_164 : vector<16xi32> to vector<16xi32>
        %lt3A_166 = arith.constant 176 : i32
        %lt3A_167 = vector.broadcast %lt3A_166 : i32 to vector<16xi32>
        %lt3A_168 = arith.cmpi ult, %bitcast3A_165, %lt3A_167 : vector<16xi32>
        %mul3A_169 = arith.mulf %get3A_117, %get3A_129 : vector<16xf32>
        tpu.vector_store_idx %arg4[%sub3A_164, %and3A_145], %mul3A_169 masked %lt3A_168 {add = true} : memref<176x512xf32, #tpu.memory_space<vmem>>[vector<16xi32>, vector<16xi32>], vector<16xf32>, vector<16xi1>
        %mul3A_170 = arith.mulf %get3A_117, %get3A_133 : vector<16xf32>
        tpu.vector_store_idx %arg4[%sub3A_164, %add3A_148], %mul3A_170 masked %lt3A_168 {add = true} : memref<176x512xf32, #tpu.memory_space<vmem>>[vector<16xi32>, vector<16xi32>], vector<16xf32>, vector<16xi1>
        %mul3A_171 = arith.mulf %get3A_117, %get3A_137 : vector<16xf32>
        tpu.vector_store_idx %arg4[%sub3A_164, %min3A_153], %mul3A_171 masked %lt3A_168 {add = true} : memref<176x512xf32, #tpu.memory_space<vmem>>[vector<16xi32>, vector<16xi32>], vector<16xf32>, vector<16xi1>
        %sub3A_172 = arith.constant 0 : i32
        %sub3A_173 = vector.broadcast %sub3A_172 : i32 to vector<16xi32>
        %sub3A_174 = arith.subi %add3A_156, %sub3A_173 : vector<16xi32>
        %bitcast3A_175 = vector.bitcast %sub3A_174 : vector<16xi32> to vector<16xi32>
        %lt3A_176 = arith.constant 176 : i32
        %lt3A_177 = vector.broadcast %lt3A_176 : i32 to vector<16xi32>
        %lt3A_178 = arith.cmpi ult, %bitcast3A_175, %lt3A_177 : vector<16xi32>
        %mul3A_179 = arith.mulf %get3A_121, %get3A_129 : vector<16xf32>
        tpu.vector_store_idx %arg4[%sub3A_174, %and3A_145], %mul3A_179 masked %lt3A_178 {add = true} : memref<176x512xf32, #tpu.memory_space<vmem>>[vector<16xi32>, vector<16xi32>], vector<16xf32>, vector<16xi1>
        %mul3A_180 = arith.mulf %get3A_121, %get3A_133 : vector<16xf32>
        tpu.vector_store_idx %arg4[%sub3A_174, %add3A_148], %mul3A_180 masked %lt3A_178 {add = true} : memref<176x512xf32, #tpu.memory_space<vmem>>[vector<16xi32>, vector<16xi32>], vector<16xf32>, vector<16xi1>
        %mul3A_181 = arith.mulf %get3A_121, %get3A_137 : vector<16xf32>
        tpu.vector_store_idx %arg4[%sub3A_174, %min3A_153], %mul3A_181 masked %lt3A_178 {add = true} : memref<176x512xf32, #tpu.memory_space<vmem>>[vector<16xi32>, vector<16xi32>], vector<16xf32>, vector<16xi1>
        %sub3A_182 = arith.constant 0 : i32
        %sub3A_183 = vector.broadcast %sub3A_182 : i32 to vector<16xi32>
        %sub3A_184 = arith.subi %min3A_162, %sub3A_183 : vector<16xi32>
        %bitcast3A_185 = vector.bitcast %sub3A_184 : vector<16xi32> to vector<16xi32>
        %lt3A_186 = arith.constant 176 : i32
        %lt3A_187 = vector.broadcast %lt3A_186 : i32 to vector<16xi32>
        %lt3A_188 = arith.cmpi ult, %bitcast3A_185, %lt3A_187 : vector<16xi32>
        %mul3A_189 = arith.mulf %get3A_125, %get3A_129 : vector<16xf32>
        tpu.vector_store_idx %arg4[%sub3A_184, %and3A_145], %mul3A_189 masked %lt3A_188 {add = true} : memref<176x512xf32, #tpu.memory_space<vmem>>[vector<16xi32>, vector<16xi32>], vector<16xf32>, vector<16xi1>
        %mul3A_190 = arith.mulf %get3A_125, %get3A_133 : vector<16xf32>
        tpu.vector_store_idx %arg4[%sub3A_184, %add3A_148], %mul3A_190 masked %lt3A_188 {add = true} : memref<176x512xf32, #tpu.memory_space<vmem>>[vector<16xi32>, vector<16xi32>], vector<16xf32>, vector<16xi1>
        %mul3A_191 = arith.mulf %get3A_125, %get3A_137 : vector<16xf32>
        tpu.vector_store_idx %arg4[%sub3A_184, %min3A_153], %mul3A_191 masked %lt3A_188 {add = true} : memref<176x512xf32, #tpu.memory_space<vmem>>[vector<16xi32>, vector<16xi32>], vector<16xf32>, vector<16xi1>
        %mul3A_192 = arith.constant 4 : i32
        %mul3A_193 = arith.muli %scan3A_107, %mul3A_192 : i32
        %add3A_194 = arith.constant 1 : i32
        %add3A_195 = arith.addi %mul3A_193, %add3A_194 : i32
        %mul3A_196 = arith.constant 16 : i32
        %mul3A_197 = arith.muli %add3A_195, %mul3A_196 : i32
        %get3A_198 = arith.constant 0 : i32
        %get3A_199 = arith.index_cast %get3A_198 : i32 to index
        %get3A_200 = arith.index_cast %mul3A_197 : i32 to index
        %get3A_201 = tpu.vector_load %arg6[%get3A_199, %get3A_200] {strides = array<i32>} : memref<7x1280xf32, #tpu.memory_space<vmem>>, vector<16xf32>,
        %get3A_202 = arith.constant 1 : i32
        %get3A_203 = arith.index_cast %get3A_202 : i32 to index
        %get3A_204 = arith.index_cast %mul3A_197 : i32 to index
        %get3A_205 = tpu.vector_load %arg6[%get3A_203, %get3A_204] {strides = array<i32>} : memref<7x1280xf32, #tpu.memory_space<vmem>>, vector<16xf32>,
        %get3A_206 = arith.constant 2 : i32
        %get3A_207 = arith.index_cast %get3A_206 : i32 to index
        %get3A_208 = arith.index_cast %mul3A_197 : i32 to index
        %get3A_209 = tpu.vector_load %arg6[%get3A_207, %get3A_208] {strides = array<i32>} : memref<7x1280xf32, #tpu.memory_space<vmem>>, vector<16xf32>,
        %get3A_210 = arith.constant 3 : i32
        %get3A_211 = arith.index_cast %get3A_210 : i32 to index
        %get3A_212 = arith.index_cast %mul3A_197 : i32 to index
        %get3A_213 = tpu.vector_load %arg6[%get3A_211, %get3A_212] {strides = array<i32>} : memref<7x1280xf32, #tpu.memory_space<vmem>>, vector<16xf32>,
        %get3A_214 = arith.constant 4 : i32
        %get3A_215 = arith.index_cast %get3A_214 : i32 to index
        %get3A_216 = arith.index_cast %mul3A_197 : i32 to index
        %get3A_217 = tpu.vector_load %arg6[%get3A_215, %get3A_216] {strides = array<i32>} : memref<7x1280xf32, #tpu.memory_space<vmem>>, vector<16xf32>,
        %get3A_218 = arith.constant 5 : i32
        %get3A_219 = arith.index_cast %get3A_218 : i32 to index
        %get3A_220 = arith.index_cast %mul3A_197 : i32 to index
        %get3A_221 = tpu.vector_load %arg6[%get3A_219, %get3A_220] {strides = array<i32>} : memref<7x1280xf32, #tpu.memory_space<vmem>>, vector<16xf32>,
        %get3A_222 = arith.constant 6 : i32
        %get3A_223 = arith.index_cast %get3A_222 : i32 to index
        %get3A_224 = arith.index_cast %mul3A_197 : i32 to index
        %get3A_225 = tpu.vector_load %arg6[%get3A_223, %get3A_224] {strides = array<i32>} : memref<7x1280xf32, #tpu.memory_space<vmem>>, vector<16xf32>,
        %bitcast3A_226 = vector.bitcast %get3A_225 : vector<16xf32> to vector<16xi32>
        %shift_right_arithmetic3A_227 = arith.constant 10 : i32
        %shift_right_arithmetic3A_228 = vector.broadcast %shift_right_arithmetic3A_227 : i32 to vector<16xi32>
        %shift_right_arithmetic3A_229 = arith.shrsi %bitcast3A_226, %shift_right_arithmetic3A_228 : vector<16xi32>
        %and3A_230 = arith.constant 1023 : i32
        %and3A_231 = vector.broadcast %and3A_230 : i32 to vector<16xi32>
        %and3A_232 = arith.andi %bitcast3A_226, %and3A_231 : vector<16xi32>
        %add3A_233 = arith.constant 1 : i32
        %add3A_234 = vector.broadcast %add3A_233 : i32 to vector<16xi32>
        %add3A_235 = arith.addi %and3A_232, %add3A_234 : vector<16xi32>
        %add3A_236 = arith.constant 2 : i32
        %add3A_237 = vector.broadcast %add3A_236 : i32 to vector<16xi32>
        %add3A_238 = arith.addi %and3A_232, %add3A_237 : vector<16xi32>
        %min3A_239 = arith.constant 511 : i32
        %min3A_240 = vector.broadcast %min3A_239 : i32 to vector<16xi32>
        %min3A_241 = arith.minsi %add3A_238, %min3A_240 : vector<16xi32>
        %add3A_242 = arith.constant 1 : i32
        %add3A_243 = vector.broadcast %add3A_242 : i32 to vector<16xi32>
        %add3A_244 = arith.addi %shift_right_arithmetic3A_229, %add3A_243 : vector<16xi32>
        %add3A_245 = arith.constant 2 : i32
        %add3A_246 = vector.broadcast %add3A_245 : i32 to vector<16xi32>
        %add3A_247 = arith.addi %shift_right_arithmetic3A_229, %add3A_246 : vector<16xi32>
        %min3A_248 = arith.constant 511 : i32
        %min3A_249 = vector.broadcast %min3A_248 : i32 to vector<16xi32>
        %min3A_250 = arith.minsi %add3A_247, %min3A_249 : vector<16xi32>
        %sub3A_251 = arith.constant 0 : i32
        %sub3A_252 = vector.broadcast %sub3A_251 : i32 to vector<16xi32>
        %sub3A_253 = arith.subi %shift_right_arithmetic3A_229, %sub3A_252 : vector<16xi32>
        %bitcast3A_254 = vector.bitcast %sub3A_253 : vector<16xi32> to vector<16xi32>
        %lt3A_255 = arith.constant 176 : i32
        %lt3A_256 = vector.broadcast %lt3A_255 : i32 to vector<16xi32>
        %lt3A_257 = arith.cmpi ult, %bitcast3A_254, %lt3A_256 : vector<16xi32>
        %mul3A_258 = arith.mulf %get3A_201, %get3A_213 : vector<16xf32>
        tpu.vector_store_idx %arg4[%sub3A_253, %and3A_232], %mul3A_258 masked %lt3A_257 {add = true} : memref<176x512xf32, #tpu.memory_space<vmem>>[vector<16xi32>, vector<16xi32>], vector<16xf32>, vector<16xi1>
        %mul3A_259 = arith.mulf %get3A_201, %get3A_217 : vector<16xf32>
        tpu.vector_store_idx %arg4[%sub3A_253, %add3A_235], %mul3A_259 masked %lt3A_257 {add = true} : memref<176x512xf32, #tpu.memory_space<vmem>>[vector<16xi32>, vector<16xi32>], vector<16xf32>, vector<16xi1>
        %mul3A_260 = arith.mulf %get3A_201, %get3A_221 : vector<16xf32>
        tpu.vector_store_idx %arg4[%sub3A_253, %min3A_241], %mul3A_260 masked %lt3A_257 {add = true} : memref<176x512xf32, #tpu.memory_space<vmem>>[vector<16xi32>, vector<16xi32>], vector<16xf32>, vector<16xi1>
        %sub3A_261 = arith.constant 0 : i32
        %sub3A_262 = vector.broadcast %sub3A_261 : i32 to vector<16xi32>
        %sub3A_263 = arith.subi %add3A_244, %sub3A_262 : vector<16xi32>
        %bitcast3A_264 = vector.bitcast %sub3A_263 : vector<16xi32> to vector<16xi32>
        %lt3A_265 = arith.constant 176 : i32
        %lt3A_266 = vector.broadcast %lt3A_265 : i32 to vector<16xi32>
        %lt3A_267 = arith.cmpi ult, %bitcast3A_264, %lt3A_266 : vector<16xi32>
        %mul3A_268 = arith.mulf %get3A_205, %get3A_213 : vector<16xf32>
        tpu.vector_store_idx %arg4[%sub3A_263, %and3A_232], %mul3A_268 masked %lt3A_267 {add = true} : memref<176x512xf32, #tpu.memory_space<vmem>>[vector<16xi32>, vector<16xi32>], vector<16xf32>, vector<16xi1>
        %mul3A_269 = arith.mulf %get3A_205, %get3A_217 : vector<16xf32>
        tpu.vector_store_idx %arg4[%sub3A_263, %add3A_235], %mul3A_269 masked %lt3A_267 {add = true} : memref<176x512xf32, #tpu.memory_space<vmem>>[vector<16xi32>, vector<16xi32>], vector<16xf32>, vector<16xi1>
        %mul3A_270 = arith.mulf %get3A_205, %get3A_221 : vector<16xf32>
        tpu.vector_store_idx %arg4[%sub3A_263, %min3A_241], %mul3A_270 masked %lt3A_267 {add = true} : memref<176x512xf32, #tpu.memory_space<vmem>>[vector<16xi32>, vector<16xi32>], vector<16xf32>, vector<16xi1>
        %sub3A_271 = arith.constant 0 : i32
        %sub3A_272 = vector.broadcast %sub3A_271 : i32 to vector<16xi32>
        %sub3A_273 = arith.subi %min3A_250, %sub3A_272 : vector<16xi32>
        %bitcast3A_274 = vector.bitcast %sub3A_273 : vector<16xi32> to vector<16xi32>
        %lt3A_275 = arith.constant 176 : i32
        %lt3A_276 = vector.broadcast %lt3A_275 : i32 to vector<16xi32>
        %lt3A_277 = arith.cmpi ult, %bitcast3A_274, %lt3A_276 : vector<16xi32>
        %mul3A_278 = arith.mulf %get3A_209, %get3A_213 : vector<16xf32>
        tpu.vector_store_idx %arg4[%sub3A_273, %and3A_232], %mul3A_278 masked %lt3A_277 {add = true} : memref<176x512xf32, #tpu.memory_space<vmem>>[vector<16xi32>, vector<16xi32>], vector<16xf32>, vector<16xi1>
        %mul3A_279 = arith.mulf %get3A_209, %get3A_217 : vector<16xf32>
        tpu.vector_store_idx %arg4[%sub3A_273, %add3A_235], %mul3A_279 masked %lt3A_277 {add = true} : memref<176x512xf32, #tpu.memory_space<vmem>>[vector<16xi32>, vector<16xi32>], vector<16xf32>, vector<16xi1>
        %mul3A_280 = arith.mulf %get3A_209, %get3A_221 : vector<16xf32>
        tpu.vector_store_idx %arg4[%sub3A_273, %min3A_241], %mul3A_280 masked %lt3A_277 {add = true} : memref<176x512xf32, #tpu.memory_space<vmem>>[vector<16xi32>, vector<16xi32>], vector<16xf32>, vector<16xi1>
        %mul3A_281 = arith.constant 4 : i32
        %mul3A_282 = arith.muli %scan3A_107, %mul3A_281 : i32
        %add3A_283 = arith.constant 2 : i32
        %add3A_284 = arith.addi %mul3A_282, %add3A_283 : i32
        %mul3A_285 = arith.constant 16 : i32
        %mul3A_286 = arith.muli %add3A_284, %mul3A_285 : i32
        %get3A_287 = arith.constant 0 : i32
        %get3A_288 = arith.index_cast %get3A_287 : i32 to index
        %get3A_289 = arith.index_cast %mul3A_286 : i32 to index
        %get3A_290 = tpu.vector_load %arg6[%get3A_288, %get3A_289] {strides = array<i32>} : memref<7x1280xf32, #tpu.memory_space<vmem>>, vector<16xf32>,
        %get3A_291 = arith.constant 1 : i32
        %get3A_292 = arith.index_cast %get3A_291 : i32 to index
        %get3A_293 = arith.index_cast %mul3A_286 : i32 to index
        %get3A_294 = tpu.vector_load %arg6[%get3A_292, %get3A_293] {strides = array<i32>} : memref<7x1280xf32, #tpu.memory_space<vmem>>, vector<16xf32>,
        %get3A_295 = arith.constant 2 : i32
        %get3A_296 = arith.index_cast %get3A_295 : i32 to index
        %get3A_297 = arith.index_cast %mul3A_286 : i32 to index
        %get3A_298 = tpu.vector_load %arg6[%get3A_296, %get3A_297] {strides = array<i32>} : memref<7x1280xf32, #tpu.memory_space<vmem>>, vector<16xf32>,
        %get3A_299 = arith.constant 3 : i32
        %get3A_300 = arith.index_cast %get3A_299 : i32 to index
        %get3A_301 = arith.index_cast %mul3A_286 : i32 to index
        %get3A_302 = tpu.vector_load %arg6[%get3A_300, %get3A_301] {strides = array<i32>} : memref<7x1280xf32, #tpu.memory_space<vmem>>, vector<16xf32>,
        %get3A_303 = arith.constant 4 : i32
        %get3A_304 = arith.index_cast %get3A_303 : i32 to index
        %get3A_305 = arith.index_cast %mul3A_286 : i32 to index
        %get3A_306 = tpu.vector_load %arg6[%get3A_304, %get3A_305] {strides = array<i32>} : memref<7x1280xf32, #tpu.memory_space<vmem>>, vector<16xf32>,
        %get3A_307 = arith.constant 5 : i32
        %get3A_308 = arith.index_cast %get3A_307 : i32 to index
        %get3A_309 = arith.index_cast %mul3A_286 : i32 to index
        %get3A_310 = tpu.vector_load %arg6[%get3A_308, %get3A_309] {strides = array<i32>} : memref<7x1280xf32, #tpu.memory_space<vmem>>, vector<16xf32>,
        %get3A_311 = arith.constant 6 : i32
        %get3A_312 = arith.index_cast %get3A_311 : i32 to index
        %get3A_313 = arith.index_cast %mul3A_286 : i32 to index
        %get3A_314 = tpu.vector_load %arg6[%get3A_312, %get3A_313] {strides = array<i32>} : memref<7x1280xf32, #tpu.memory_space<vmem>>, vector<16xf32>,
        %bitcast3A_315 = vector.bitcast %get3A_314 : vector<16xf32> to vector<16xi32>
        %shift_right_arithmetic3A_316 = arith.constant 10 : i32
        %shift_right_arithmetic3A_317 = vector.broadcast %shift_right_arithmetic3A_316 : i32 to vector<16xi32>
        %shift_right_arithmetic3A_318 = arith.shrsi %bitcast3A_315, %shift_right_arithmetic3A_317 : vector<16xi32>
        %and3A_319 = arith.constant 1023 : i32
        %and3A_320 = vector.broadcast %and3A_319 : i32 to vector<16xi32>
        %and3A_321 = arith.andi %bitcast3A_315, %and3A_320 : vector<16xi32>
        %add3A_322 = arith.constant 1 : i32
        %add3A_323 = vector.broadcast %add3A_322 : i32 to vector<16xi32>
        %add3A_324 = arith.addi %and3A_321, %add3A_323 : vector<16xi32>
        %add3A_325 = arith.constant 2 : i32
        %add3A_326 = vector.broadcast %add3A_325 : i32 to vector<16xi32>
        %add3A_327 = arith.addi %and3A_321, %add3A_326 : vector<16xi32>
        %min3A_328 = arith.constant 511 : i32
        %min3A_329 = vector.broadcast %min3A_328 : i32 to vector<16xi32>
        %min3A_330 = arith.minsi %add3A_327, %min3A_329 : vector<16xi32>
        %add3A_331 = arith.constant 1 : i32
        %add3A_332 = vector.broadcast %add3A_331 : i32 to vector<16xi32>
        %add3A_333 = arith.addi %shift_right_arithmetic3A_318, %add3A_332 : vector<16xi32>
        %add3A_334 = arith.constant 2 : i32
        %add3A_335 = vector.broadcast %add3A_334 : i32 to vector<16xi32>
        %add3A_336 = arith.addi %shift_right_arithmetic3A_318, %add3A_335 : vector<16xi32>
        %min3A_337 = arith.constant 511 : i32
        %min3A_338 = vector.broadcast %min3A_337 : i32 to vector<16xi32>
        %min3A_339 = arith.minsi %add3A_336, %min3A_338 : vector<16xi32>
        %sub3A_340 = arith.constant 0 : i32
        %sub3A_341 = vector.broadcast %sub3A_340 : i32 to vector<16xi32>
        %sub3A_342 = arith.subi %shift_right_arithmetic3A_318, %sub3A_341 : vector<16xi32>
        %bitcast3A_343 = vector.bitcast %sub3A_342 : vector<16xi32> to vector<16xi32>
        %lt3A_344 = arith.constant 176 : i32
        %lt3A_345 = vector.broadcast %lt3A_344 : i32 to vector<16xi32>
        %lt3A_346 = arith.cmpi ult, %bitcast3A_343, %lt3A_345 : vector<16xi32>
        %mul3A_347 = arith.mulf %get3A_290, %get3A_302 : vector<16xf32>
        tpu.vector_store_idx %arg4[%sub3A_342, %and3A_321], %mul3A_347 masked %lt3A_346 {add = true} : memref<176x512xf32, #tpu.memory_space<vmem>>[vector<16xi32>, vector<16xi32>], vector<16xf32>, vector<16xi1>
        %mul3A_348 = arith.mulf %get3A_290, %get3A_306 : vector<16xf32>
        tpu.vector_store_idx %arg4[%sub3A_342, %add3A_324], %mul3A_348 masked %lt3A_346 {add = true} : memref<176x512xf32, #tpu.memory_space<vmem>>[vector<16xi32>, vector<16xi32>], vector<16xf32>, vector<16xi1>
        %mul3A_349 = arith.mulf %get3A_290, %get3A_310 : vector<16xf32>
        tpu.vector_store_idx %arg4[%sub3A_342, %min3A_330], %mul3A_349 masked %lt3A_346 {add = true} : memref<176x512xf32, #tpu.memory_space<vmem>>[vector<16xi32>, vector<16xi32>], vector<16xf32>, vector<16xi1>
        %sub3A_350 = arith.constant 0 : i32
        %sub3A_351 = vector.broadcast %sub3A_350 : i32 to vector<16xi32>
        %sub3A_352 = arith.subi %add3A_333, %sub3A_351 : vector<16xi32>
        %bitcast3A_353 = vector.bitcast %sub3A_352 : vector<16xi32> to vector<16xi32>
        %lt3A_354 = arith.constant 176 : i32
        %lt3A_355 = vector.broadcast %lt3A_354 : i32 to vector<16xi32>
        %lt3A_356 = arith.cmpi ult, %bitcast3A_353, %lt3A_355 : vector<16xi32>
        %mul3A_357 = arith.mulf %get3A_294, %get3A_302 : vector<16xf32>
        tpu.vector_store_idx %arg4[%sub3A_352, %and3A_321], %mul3A_357 masked %lt3A_356 {add = true} : memref<176x512xf32, #tpu.memory_space<vmem>>[vector<16xi32>, vector<16xi32>], vector<16xf32>, vector<16xi1>
        %mul3A_358 = arith.mulf %get3A_294, %get3A_306 : vector<16xf32>
        tpu.vector_store_idx %arg4[%sub3A_352, %add3A_324], %mul3A_358 masked %lt3A_356 {add = true} : memref<176x512xf32, #tpu.memory_space<vmem>>[vector<16xi32>, vector<16xi32>], vector<16xf32>, vector<16xi1>
        %mul3A_359 = arith.mulf %get3A_294, %get3A_310 : vector<16xf32>
        tpu.vector_store_idx %arg4[%sub3A_352, %min3A_330], %mul3A_359 masked %lt3A_356 {add = true} : memref<176x512xf32, #tpu.memory_space<vmem>>[vector<16xi32>, vector<16xi32>], vector<16xf32>, vector<16xi1>
        %sub3A_360 = arith.constant 0 : i32
        %sub3A_361 = vector.broadcast %sub3A_360 : i32 to vector<16xi32>
        %sub3A_362 = arith.subi %min3A_339, %sub3A_361 : vector<16xi32>
        %bitcast3A_363 = vector.bitcast %sub3A_362 : vector<16xi32> to vector<16xi32>
        %lt3A_364 = arith.constant 176 : i32
        %lt3A_365 = vector.broadcast %lt3A_364 : i32 to vector<16xi32>
        %lt3A_366 = arith.cmpi ult, %bitcast3A_363, %lt3A_365 : vector<16xi32>
        %mul3A_367 = arith.mulf %get3A_298, %get3A_302 : vector<16xf32>
        tpu.vector_store_idx %arg4[%sub3A_362, %and3A_321], %mul3A_367 masked %lt3A_366 {add = true} : memref<176x512xf32, #tpu.memory_space<vmem>>[vector<16xi32>, vector<16xi32>], vector<16xf32>, vector<16xi1>
        %mul3A_368 = arith.mulf %get3A_298, %get3A_306 : vector<16xf32>
        tpu.vector_store_idx %arg4[%sub3A_362, %add3A_324], %mul3A_368 masked %lt3A_366 {add = true} : memref<176x512xf32, #tpu.memory_space<vmem>>[vector<16xi32>, vector<16xi32>], vector<16xf32>, vector<16xi1>
        %mul3A_369 = arith.mulf %get3A_298, %get3A_310 : vector<16xf32>
        tpu.vector_store_idx %arg4[%sub3A_362, %min3A_330], %mul3A_369 masked %lt3A_366 {add = true} : memref<176x512xf32, #tpu.memory_space<vmem>>[vector<16xi32>, vector<16xi32>], vector<16xf32>, vector<16xi1>
        %mul3A_370 = arith.constant 4 : i32
        %mul3A_371 = arith.muli %scan3A_107, %mul3A_370 : i32
        %add3A_372 = arith.constant 3 : i32
        %add3A_373 = arith.addi %mul3A_371, %add3A_372 : i32
        %mul3A_374 = arith.constant 16 : i32
        %mul3A_375 = arith.muli %add3A_373, %mul3A_374 : i32
        %get3A_376 = arith.constant 0 : i32
        %get3A_377 = arith.index_cast %get3A_376 : i32 to index
        %get3A_378 = arith.index_cast %mul3A_375 : i32 to index
        %get3A_379 = tpu.vector_load %arg6[%get3A_377, %get3A_378] {strides = array<i32>} : memref<7x1280xf32, #tpu.memory_space<vmem>>, vector<16xf32>,
        %get3A_380 = arith.constant 1 : i32
        %get3A_381 = arith.index_cast %get3A_380 : i32 to index
        %get3A_382 = arith.index_cast %mul3A_375 : i32 to index
        %get3A_383 = tpu.vector_load %arg6[%get3A_381, %get3A_382] {strides = array<i32>} : memref<7x1280xf32, #tpu.memory_space<vmem>>, vector<16xf32>,
        %get3A_384 = arith.constant 2 : i32
        %get3A_385 = arith.index_cast %get3A_384 : i32 to index
        %get3A_386 = arith.index_cast %mul3A_375 : i32 to index
        %get3A_387 = tpu.vector_load %arg6[%get3A_385, %get3A_386] {strides = array<i32>} : memref<7x1280xf32, #tpu.memory_space<vmem>>, vector<16xf32>,
        %get3A_388 = arith.constant 3 : i32
        %get3A_389 = arith.index_cast %get3A_388 : i32 to index
        %get3A_390 = arith.index_cast %mul3A_375 : i32 to index
        %get3A_391 = tpu.vector_load %arg6[%get3A_389, %get3A_390] {strides = array<i32>} : memref<7x1280xf32, #tpu.memory_space<vmem>>, vector<16xf32>,
        %get3A_392 = arith.constant 4 : i32
        %get3A_393 = arith.index_cast %get3A_392 : i32 to index
        %get3A_394 = arith.index_cast %mul3A_375 : i32 to index
        %get3A_395 = tpu.vector_load %arg6[%get3A_393, %get3A_394] {strides = array<i32>} : memref<7x1280xf32, #tpu.memory_space<vmem>>, vector<16xf32>,
        %get3A_396 = arith.constant 5 : i32
        %get3A_397 = arith.index_cast %get3A_396 : i32 to index
        %get3A_398 = arith.index_cast %mul3A_375 : i32 to index
        %get3A_399 = tpu.vector_load %arg6[%get3A_397, %get3A_398] {strides = array<i32>} : memref<7x1280xf32, #tpu.memory_space<vmem>>, vector<16xf32>,
        %get3A_400 = arith.constant 6 : i32
        %get3A_401 = arith.index_cast %get3A_400 : i32 to index
        %get3A_402 = arith.index_cast %mul3A_375 : i32 to index
        %get3A_403 = tpu.vector_load %arg6[%get3A_401, %get3A_402] {strides = array<i32>} : memref<7x1280xf32, #tpu.memory_space<vmem>>, vector<16xf32>,
        %bitcast3A_404 = vector.bitcast %get3A_403 : vector<16xf32> to vector<16xi32>
        %shift_right_arithmetic3A_405 = arith.constant 10 : i32
        %shift_right_arithmetic3A_406 = vector.broadcast %shift_right_arithmetic3A_405 : i32 to vector<16xi32>
        %shift_right_arithmetic3A_407 = arith.shrsi %bitcast3A_404, %shift_right_arithmetic3A_406 : vector<16xi32>
        %and3A_408 = arith.constant 1023 : i32
        %and3A_409 = vector.broadcast %and3A_408 : i32 to vector<16xi32>
        %and3A_410 = arith.andi %bitcast3A_404, %and3A_409 : vector<16xi32>
        %add3A_411 = arith.constant 1 : i32
        %add3A_412 = vector.broadcast %add3A_411 : i32 to vector<16xi32>
        %add3A_413 = arith.addi %and3A_410, %add3A_412 : vector<16xi32>
        %add3A_414 = arith.constant 2 : i32
        %add3A_415 = vector.broadcast %add3A_414 : i32 to vector<16xi32>
        %add3A_416 = arith.addi %and3A_410, %add3A_415 : vector<16xi32>
        %min3A_417 = arith.constant 511 : i32
        %min3A_418 = vector.broadcast %min3A_417 : i32 to vector<16xi32>
        %min3A_419 = arith.minsi %add3A_416, %min3A_418 : vector<16xi32>
        %add3A_420 = arith.constant 1 : i32
        %add3A_421 = vector.broadcast %add3A_420 : i32 to vector<16xi32>
        %add3A_422 = arith.addi %shift_right_arithmetic3A_407, %add3A_421 : vector<16xi32>
        %add3A_423 = arith.constant 2 : i32
        %add3A_424 = vector.broadcast %add3A_423 : i32 to vector<16xi32>
        %add3A_425 = arith.addi %shift_right_arithmetic3A_407, %add3A_424 : vector<16xi32>
        %min3A_426 = arith.constant 511 : i32
        %min3A_427 = vector.broadcast %min3A_426 : i32 to vector<16xi32>
        %min3A_428 = arith.minsi %add3A_425, %min3A_427 : vector<16xi32>
        %sub3A_429 = arith.constant 0 : i32
        %sub3A_430 = vector.broadcast %sub3A_429 : i32 to vector<16xi32>
        %sub3A_431 = arith.subi %shift_right_arithmetic3A_407, %sub3A_430 : vector<16xi32>
        %bitcast3A_432 = vector.bitcast %sub3A_431 : vector<16xi32> to vector<16xi32>
        %lt3A_433 = arith.constant 176 : i32
        %lt3A_434 = vector.broadcast %lt3A_433 : i32 to vector<16xi32>
        %lt3A_435 = arith.cmpi ult, %bitcast3A_432, %lt3A_434 : vector<16xi32>
        %mul3A_436 = arith.mulf %get3A_379, %get3A_391 : vector<16xf32>
        tpu.vector_store_idx %arg4[%sub3A_431, %and3A_410], %mul3A_436 masked %lt3A_435 {add = true} : memref<176x512xf32, #tpu.memory_space<vmem>>[vector<16xi32>, vector<16xi32>], vector<16xf32>, vector<16xi1>
        %mul3A_437 = arith.mulf %get3A_379, %get3A_395 : vector<16xf32>
        tpu.vector_store_idx %arg4[%sub3A_431, %add3A_413], %mul3A_437 masked %lt3A_435 {add = true} : memref<176x512xf32, #tpu.memory_space<vmem>>[vector<16xi32>, vector<16xi32>], vector<16xf32>, vector<16xi1>
        %mul3A_438 = arith.mulf %get3A_379, %get3A_399 : vector<16xf32>
        tpu.vector_store_idx %arg4[%sub3A_431, %min3A_419], %mul3A_438 masked %lt3A_435 {add = true} : memref<176x512xf32, #tpu.memory_space<vmem>>[vector<16xi32>, vector<16xi32>], vector<16xf32>, vector<16xi1>
        %sub3A_439 = arith.constant 0 : i32
        %sub3A_440 = vector.broadcast %sub3A_439 : i32 to vector<16xi32>
        %sub3A_441 = arith.subi %add3A_422, %sub3A_440 : vector<16xi32>
        %bitcast3A_442 = vector.bitcast %sub3A_441 : vector<16xi32> to vector<16xi32>
        %lt3A_443 = arith.constant 176 : i32
        %lt3A_444 = vector.broadcast %lt3A_443 : i32 to vector<16xi32>
        %lt3A_445 = arith.cmpi ult, %bitcast3A_442, %lt3A_444 : vector<16xi32>
        %mul3A_446 = arith.mulf %get3A_383, %get3A_391 : vector<16xf32>
        tpu.vector_store_idx %arg4[%sub3A_441, %and3A_410], %mul3A_446 masked %lt3A_445 {add = true} : memref<176x512xf32, #tpu.memory_space<vmem>>[vector<16xi32>, vector<16xi32>], vector<16xf32>, vector<16xi1>
        %mul3A_447 = arith.mulf %get3A_383, %get3A_395 : vector<16xf32>
        tpu.vector_store_idx %arg4[%sub3A_441, %add3A_413], %mul3A_447 masked %lt3A_445 {add = true} : memref<176x512xf32, #tpu.memory_space<vmem>>[vector<16xi32>, vector<16xi32>], vector<16xf32>, vector<16xi1>
        %mul3A_448 = arith.mulf %get3A_383, %get3A_399 : vector<16xf32>
        tpu.vector_store_idx %arg4[%sub3A_441, %min3A_419], %mul3A_448 masked %lt3A_445 {add = true} : memref<176x512xf32, #tpu.memory_space<vmem>>[vector<16xi32>, vector<16xi32>], vector<16xf32>, vector<16xi1>
        %sub3A_449 = arith.constant 0 : i32
        %sub3A_450 = vector.broadcast %sub3A_449 : i32 to vector<16xi32>
        %sub3A_451 = arith.subi %min3A_428, %sub3A_450 : vector<16xi32>
        %bitcast3A_452 = vector.bitcast %sub3A_451 : vector<16xi32> to vector<16xi32>
        %lt3A_453 = arith.constant 176 : i32
        %lt3A_454 = vector.broadcast %lt3A_453 : i32 to vector<16xi32>
        %lt3A_455 = arith.cmpi ult, %bitcast3A_452, %lt3A_454 : vector<16xi32>
        %mul3A_456 = arith.mulf %get3A_387, %get3A_391 : vector<16xf32>
        tpu.vector_store_idx %arg4[%sub3A_451, %and3A_410], %mul3A_456 masked %lt3A_455 {add = true} : memref<176x512xf32, #tpu.memory_space<vmem>>[vector<16xi32>, vector<16xi32>], vector<16xf32>, vector<16xi1>
        %mul3A_457 = arith.mulf %get3A_387, %get3A_395 : vector<16xf32>
        tpu.vector_store_idx %arg4[%sub3A_451, %add3A_413], %mul3A_457 masked %lt3A_455 {add = true} : memref<176x512xf32, #tpu.memory_space<vmem>>[vector<16xi32>, vector<16xi32>], vector<16xf32>, vector<16xi1>
        %mul3A_458 = arith.mulf %get3A_387, %get3A_399 : vector<16xf32>
        tpu.vector_store_idx %arg4[%sub3A_451, %min3A_419], %mul3A_458 masked %lt3A_455 {add = true} : memref<176x512xf32, #tpu.memory_space<vmem>>[vector<16xi32>, vector<16xi32>], vector<16xf32>, vector<16xi1>
        %scan3A_459 = arith.constant 0 : i32
        scf.yield %scan3A_459 : i32
      }
      %scan3A_105 = arith.constant 20 : i32
      %scan3A_106 = arith.constant 0 : i32
      scf.yield %scan3A_106 : i32
    }
    %scan3A_21 = arith.constant 10 : i32
    "tpu.region"() ({
      %run_scoped3A = tpu.sem_alloc : memref<!tpu.dma_semaphore, #tpu.memory_space<semaphore_mem>>
      %dma_start3A_62 = arith.constant 0 : i32
      %dma_start3A_63 = arith.constant 0 : i32
      %dma_start3A_64 = tpu.memref_slice %arg4[%dma_start3A_62, %dma_start3A_63] : memref<176x512xf32, #tpu.memory_space<vmem>> -> memref<176x512xf32, #tpu.memory_space<vmem>>
      %dma_start3A_65 = arith.constant 0 : i32
      %dma_start3A_66 = arith.constant 0 : i32
      %dma_start3A_67 = tpu.memref_slice %arg3[%add3A, %dma_start3A_65, %dma_start3A_66] : memref<32x512x512xf32, #tpu.memory_space<hbm>> -> memref<1x176x512xf32, #tpu.memory_space<hbm>>
      %dma_start3A_68 = tpu.memref_squeeze %dma_start3A_67 : memref<1x176x512xf32, #tpu.memory_space<hbm>> -> memref<176x512xf32, #tpu.memory_space<hbm>>
      %dma_start3A_69 = arith.constant 0 : i32
      %dma_start3A_70 = arith.constant 0 : i32
      %dma_start3A_71 = tpu.memref_slice %arg3[%add3A, %dma_start3A_69, %dma_start3A_70] : memref<32x512x512xf32, #tpu.memory_space<hbm>> -> memref<1x176x512xf32, #tpu.memory_space<hbm>>
      %dma_start3A_72 = tpu.memref_squeeze %dma_start3A_71 : memref<1x176x512xf32, #tpu.memory_space<hbm>> -> memref<176x512xf32, #tpu.memory_space<hbm>>
      %dma_start3A_73 = arith.constant 0 : i32
      %dma_start3A_74 = arith.constant 0 : i32
      %dma_start3A_75 = tpu.memref_slice %arg4[%dma_start3A_73, %dma_start3A_74] : memref<176x512xf32, #tpu.memory_space<vmem>> -> memref<176x512xf32, #tpu.memory_space<vmem>>
      tpu.enqueue_dma source(%dma_start3A_75 : memref<176x512xf32, #tpu.memory_space<vmem>>) target(%dma_start3A_72 : memref<176x512xf32, #tpu.memory_space<hbm>>) target_semaphore(%run_scoped3A : memref<!tpu.dma_semaphore, #tpu.memory_space<semaphore_mem>>)
      %dma_wait3A = arith.constant 0 : i32
      %dma_wait3A_76 = arith.constant 0 : i32
      %dma_wait3A_77 = tpu.memref_slice %arg4[%dma_wait3A, %dma_wait3A_76] : memref<176x512xf32, #tpu.memory_space<vmem>> -> memref<176x512xf32, #tpu.memory_space<vmem>>
      %dma_wait3A_78 = arith.constant 0 : i32
      %dma_wait3A_79 = arith.constant 0 : i32
      %dma_wait3A_80 = tpu.memref_slice %arg3[%add3A, %dma_wait3A_78, %dma_wait3A_79] : memref<32x512x512xf32, #tpu.memory_space<hbm>> -> memref<1x176x512xf32, #tpu.memory_space<hbm>>
      %dma_wait3A_81 = tpu.memref_squeeze %dma_wait3A_80 : memref<1x176x512xf32, #tpu.memory_space<hbm>> -> memref<176x512xf32, #tpu.memory_space<hbm>>
      %dma_wait3A_82 = arith.constant 0 : i32
      %dma_wait3A_83 = arith.constant 0 : i32
      %dma_wait3A_84 = tpu.memref_slice %arg3[%add3A, %dma_wait3A_82, %dma_wait3A_83] : memref<32x512x512xf32, #tpu.memory_space<hbm>> -> memref<1x176x512xf32, #tpu.memory_space<hbm>>
      %dma_wait3A_85 = tpu.memref_squeeze %dma_wait3A_84 : memref<1x176x512xf32, #tpu.memory_space<hbm>> -> memref<176x512xf32, #tpu.memory_space<hbm>>
      %dma_wait3A_86 = arith.constant 0 : i32
      %dma_wait3A_87 = arith.constant 0 : i32
      %dma_wait3A_88 = tpu.memref_slice %arg4[%dma_wait3A_86, %dma_wait3A_87] : memref<176x512xf32, #tpu.memory_space<vmem>> -> memref<176x512xf32, #tpu.memory_space<vmem>>
      tpu.wait_dma2 semaphore(%run_scoped3A : memref<!tpu.dma_semaphore, #tpu.memory_space<semaphore_mem>>) src(%dma_wait3A_88 : memref<176x512xf32, #tpu.memory_space<vmem>>) dst(%dma_wait3A_85 : memref<176x512xf32, #tpu.memory_space<hbm>>)
      tpu.yield
    }) : () -> ()
    %add3A_22 = arith.constant 0 : i32
    %add3A_23 = arith.addi %mul3A_2, %add3A_22 : i32
    %dma_start3A_24 = arith.constant 0 : i32
    %dma_start3A_25 = tpu.memref_slice %arg2[%dma_start3A_24, %add3A_23] : memref<7x819200xf32, #tpu.memory_space<hbm>> -> memref<7x1280xf32, #tpu.memory_space<hbm>>
    %dma_start3A_26 = arith.constant 0 : i32
    %dma_start3A_27 = tpu.memref_slice %arg2[%dma_start3A_26, %add3A_23] : memref<7x819200xf32, #tpu.memory_space<hbm>> -> memref<7x1280xf32, #tpu.memory_space<hbm>>
    tpu.enqueue_dma source(%dma_start3A_27 : memref<7x1280xf32, #tpu.memory_space<hbm>>) target(%arg5 : memref<7x1280xf32, #tpu.memory_space<vmem>>) target_semaphore(%arg7 : memref<!tpu.dma_semaphore, #tpu.memory_space<semaphore_mem>>)
    %scan3A_28 = arith.constant 0 : i32
    %scan3A_29 = arith.constant 0 : i32
    %scan3A_30 = arith.constant 176 : i32
    %scan3A_31 = arith.addi %scan3A_29, %scan3A_30 : i32
    %scan3A_32 = arith.constant 1 : i32
    %scan3A_33 = scf.for %scan3A_62 = %scan3A_29 to %scan3A_31 step %scan3A_32 iter_args(%scan3A_63 = %scan3A_28) -> (i32)  : i32 {
      %swap3A = arith.index_cast %scan3A_62 : i32 to index
      %swap3A_64 = arith.constant 0 : index
      %swap3A_65 = tpu.vector_load %arg4[%swap3A, %swap3A_64] {strides = array<i32>} : memref<176x512xf32, #tpu.memory_space<vmem>>, vector<16xf32>,
      tpu.vector_store %arg4[%swap3A, %swap3A_64], %broadcast_in_dim3A_3 {strides = array<i32>} : memref<176x512xf32, #tpu.memory_space<vmem>>, vector<16xf32>,
      %swap3A_66 = arith.index_cast %scan3A_62 : i32 to index
      %swap3A_67 = arith.constant 16 : index
      %swap3A_68 = tpu.vector_load %arg4[%swap3A_66, %swap3A_67] {strides = array<i32>} : memref<176x512xf32, #tpu.memory_space<vmem>>, vector<16xf32>,
      tpu.vector_store %arg4[%swap3A_66, %swap3A_67], %broadcast_in_dim3A_3 {strides = array<i32>} : memref<176x512xf32, #tpu.memory_space<vmem>>, vector<16xf32>,
      %swap3A_69 = arith.index_cast %scan3A_62 : i32 to index
      %swap3A_70 = arith.constant 32 : index
      %swap3A_71 = tpu.vector_load %arg4[%swap3A_69, %swap3A_70] {strides = array<i32>} : memref<176x512xf32, #tpu.memory_space<vmem>>, vector<16xf32>,
      tpu.vector_store %arg4[%swap3A_69, %swap3A_70], %broadcast_in_dim3A_3 {strides = array<i32>} : memref<176x512xf32, #tpu.memory_space<vmem>>, vector<16xf32>,
      %swap3A_72 = arith.index_cast %scan3A_62 : i32 to index
      %swap3A_73 = arith.constant 48 : index
      %swap3A_74 = tpu.vector_load %arg4[%swap3A_72, %swap3A_73] {strides = array<i32>} : memref<176x512xf32, #tpu.memory_space<vmem>>, vector<16xf32>,
      tpu.vector_store %arg4[%swap3A_72, %swap3A_73], %broadcast_in_dim3A_3 {strides = array<i32>} : memref<176x512xf32, #tpu.memory_space<vmem>>, vector<16xf32>,
      %swap3A_75 = arith.index_cast %scan3A_62 : i32 to index
      %swap3A_76 = arith.constant 64 : index
      %swap3A_77 = tpu.vector_load %arg4[%swap3A_75, %swap3A_76] {strides = array<i32>} : memref<176x512xf32, #tpu.memory_space<vmem>>, vector<16xf32>,
      tpu.vector_store %arg4[%swap3A_75, %swap3A_76], %broadcast_in_dim3A_3 {strides = array<i32>} : memref<176x512xf32, #tpu.memory_space<vmem>>, vector<16xf32>,
      %swap3A_78 = arith.index_cast %scan3A_62 : i32 to index
      %swap3A_79 = arith.constant 80 : index
      %swap3A_80 = tpu.vector_load %arg4[%swap3A_78, %swap3A_79] {strides = array<i32>} : memref<176x512xf32, #tpu.memory_space<vmem>>, vector<16xf32>,
      tpu.vector_store %arg4[%swap3A_78, %swap3A_79], %broadcast_in_dim3A_3 {strides = array<i32>} : memref<176x512xf32, #tpu.memory_space<vmem>>, vector<16xf32>,
      %swap3A_81 = arith.index_cast %scan3A_62 : i32 to index
      %swap3A_82 = arith.constant 96 : index
      %swap3A_83 = tpu.vector_load %arg4[%swap3A_81, %swap3A_82] {strides = array<i32>} : memref<176x512xf32, #tpu.memory_space<vmem>>, vector<16xf32>,
      tpu.vector_store %arg4[%swap3A_81, %swap3A_82], %broadcast_in_dim3A_3 {strides = array<i32>} : memref<176x512xf32, #tpu.memory_space<vmem>>, vector<16xf32>,
      %swap3A_84 = arith.index_cast %scan3A_62 : i32 to index
      %swap3A_85 = arith.constant 112 : index
      %swap3A_86 = tpu.vector_load %arg4[%swap3A_84, %swap3A_85] {strides = array<i32>} : memref<176x512xf32, #tpu.memory_space<vmem>>, vector<16xf32>,
      tpu.vector_store %arg4[%swap3A_84, %swap3A_85], %broadcast_in_dim3A_3 {strides = array<i32>} : memref<176x512xf32, #tpu.memory_space<vmem>>, vector<16xf32>,
      %swap3A_87 = arith.index_cast %scan3A_62 : i32 to index
      %swap3A_88 = arith.constant 128 : index
      %swap3A_89 = tpu.vector_load %arg4[%swap3A_87, %swap3A_88] {strides = array<i32>} : memref<176x512xf32, #tpu.memory_space<vmem>>, vector<16xf32>,
      tpu.vector_store %arg4[%swap3A_87, %swap3A_88], %broadcast_in_dim3A_3 {strides = array<i32>} : memref<176x512xf32, #tpu.memory_space<vmem>>, vector<16xf32>,
      %swap3A_90 = arith.index_cast %scan3A_62 : i32 to index
      %swap3A_91 = arith.constant 144 : index
      %swap3A_92 = tpu.vector_load %arg4[%swap3A_90, %swap3A_91] {strides = array<i32>} : memref<176x512xf32, #tpu.memory_space<vmem>>, vector<16xf32>,
      tpu.vector_store %arg4[%swap3A_90, %swap3A_91], %broadcast_in_dim3A_3 {strides = array<i32>} : memref<176x512xf32, #tpu.memory_space<vmem>>, vector<16xf32>,
      %swap3A_93 = arith.index_cast %scan3A_62 : i32 to index
      %swap3A_94 = arith.constant 160 : index
      %swap3A_95 = tpu.vector_load %arg4[%swap3A_93, %swap3A_94] {strides = array<i32>} : memref<176x512xf32, #tpu.memory_space<vmem>>, vector<16xf32>,
      tpu.vector_store %arg4[%swap3A_93, %swap3A_94], %broadcast_in_dim3A_3 {strides = array<i32>} : memref<176x512xf32, #tpu.memory_space<vmem>>, vector<16xf32>,
      %swap3A_96 = arith.index_cast %scan3A_62 : i32 to index
      %swap3A_97 = arith.constant 176 : index
      %swap3A_98 = tpu.vector_load %arg4[%swap3A_96, %swap3A_97] {strides = array<i32>} : memref<176x512xf32, #tpu.memory_space<vmem>>, vector<16xf32>,
      tpu.vector_store %arg4[%swap3A_96, %swap3A_97], %broadcast_in_dim3A_3 {strides = array<i32>} : memref<176x512xf32, #tpu.memory_space<vmem>>, vector<16xf32>,
      %swap3A_99 = arith.index_cast %scan3A_62 : i32 to index
      %swap3A_100 = arith.constant 192 : index
      %swap3A_101 = tpu.vector_load %arg4[%swap3A_99, %swap3A_100] {strides = array<i32>} : memref<176x512xf32, #tpu.memory_space<vmem>>, vector<16xf32>,
      tpu.vector_store %arg4[%swap3A_99, %swap3A_100], %broadcast_in_dim3A_3 {strides = array<i32>} : memref<176x512xf32, #tpu.memory_space<vmem>>, vector<16xf32>,
      %swap3A_102 = arith.index_cast %scan3A_62 : i32 to index
      %swap3A_103 = arith.constant 208 : index
      %swap3A_104 = tpu.vector_load %arg4[%swap3A_102, %swap3A_103] {strides = array<i32>} : memref<176x512xf32, #tpu.memory_space<vmem>>, vector<16xf32>,
      tpu.vector_store %arg4[%swap3A_102, %swap3A_103], %broadcast_in_dim3A_3 {strides = array<i32>} : memref<176x512xf32, #tpu.memory_space<vmem>>, vector<16xf32>,
      %swap3A_105 = arith.index_cast %scan3A_62 : i32 to index
      %swap3A_106 = arith.constant 224 : index
      %swap3A_107 = tpu.vector_load %arg4[%swap3A_105, %swap3A_106] {strides = array<i32>} : memref<176x512xf32, #tpu.memory_space<vmem>>, vector<16xf32>,
      tpu.vector_store %arg4[%swap3A_105, %swap3A_106], %broadcast_in_dim3A_3 {strides = array<i32>} : memref<176x512xf32, #tpu.memory_space<vmem>>, vector<16xf32>,
      %swap3A_108 = arith.index_cast %scan3A_62 : i32 to index
      %swap3A_109 = arith.constant 240 : index
      %swap3A_110 = tpu.vector_load %arg4[%swap3A_108, %swap3A_109] {strides = array<i32>} : memref<176x512xf32, #tpu.memory_space<vmem>>, vector<16xf32>,
      tpu.vector_store %arg4[%swap3A_108, %swap3A_109], %broadcast_in_dim3A_3 {strides = array<i32>} : memref<176x512xf32, #tpu.memory_space<vmem>>, vector<16xf32>,
      %swap3A_111 = arith.index_cast %scan3A_62 : i32 to index
      %swap3A_112 = arith.constant 256 : index
      %swap3A_113 = tpu.vector_load %arg4[%swap3A_111, %swap3A_112] {strides = array<i32>} : memref<176x512xf32, #tpu.memory_space<vmem>>, vector<16xf32>,
      tpu.vector_store %arg4[%swap3A_111, %swap3A_112], %broadcast_in_dim3A_3 {strides = array<i32>} : memref<176x512xf32, #tpu.memory_space<vmem>>, vector<16xf32>,
      %swap3A_114 = arith.index_cast %scan3A_62 : i32 to index
      %swap3A_115 = arith.constant 272 : index
      %swap3A_116 = tpu.vector_load %arg4[%swap3A_114, %swap3A_115] {strides = array<i32>} : memref<176x512xf32, #tpu.memory_space<vmem>>, vector<16xf32>,
      tpu.vector_store %arg4[%swap3A_114, %swap3A_115], %broadcast_in_dim3A_3 {strides = array<i32>} : memref<176x512xf32, #tpu.memory_space<vmem>>, vector<16xf32>,
      %swap3A_117 = arith.index_cast %scan3A_62 : i32 to index
      %swap3A_118 = arith.constant 288 : index
      %swap3A_119 = tpu.vector_load %arg4[%swap3A_117, %swap3A_118] {strides = array<i32>} : memref<176x512xf32, #tpu.memory_space<vmem>>, vector<16xf32>,
      tpu.vector_store %arg4[%swap3A_117, %swap3A_118], %broadcast_in_dim3A_3 {strides = array<i32>} : memref<176x512xf32, #tpu.memory_space<vmem>>, vector<16xf32>,
      %swap3A_120 = arith.index_cast %scan3A_62 : i32 to index
      %swap3A_121 = arith.constant 304 : index
      %swap3A_122 = tpu.vector_load %arg4[%swap3A_120, %swap3A_121] {strides = array<i32>} : memref<176x512xf32, #tpu.memory_space<vmem>>, vector<16xf32>,
      tpu.vector_store %arg4[%swap3A_120, %swap3A_121], %broadcast_in_dim3A_3 {strides = array<i32>} : memref<176x512xf32, #tpu.memory_space<vmem>>, vector<16xf32>,
      %swap3A_123 = arith.index_cast %scan3A_62 : i32 to index
      %swap3A_124 = arith.constant 320 : index
      %swap3A_125 = tpu.vector_load %arg4[%swap3A_123, %swap3A_124] {strides = array<i32>} : memref<176x512xf32, #tpu.memory_space<vmem>>, vector<16xf32>,
      tpu.vector_store %arg4[%swap3A_123, %swap3A_124], %broadcast_in_dim3A_3 {strides = array<i32>} : memref<176x512xf32, #tpu.memory_space<vmem>>, vector<16xf32>,
      %swap3A_126 = arith.index_cast %scan3A_62 : i32 to index
      %swap3A_127 = arith.constant 336 : index
      %swap3A_128 = tpu.vector_load %arg4[%swap3A_126, %swap3A_127] {strides = array<i32>} : memref<176x512xf32, #tpu.memory_space<vmem>>, vector<16xf32>,
      tpu.vector_store %arg4[%swap3A_126, %swap3A_127], %broadcast_in_dim3A_3 {strides = array<i32>} : memref<176x512xf32, #tpu.memory_space<vmem>>, vector<16xf32>,
      %swap3A_129 = arith.index_cast %scan3A_62 : i32 to index
      %swap3A_130 = arith.constant 352 : index
      %swap3A_131 = tpu.vector_load %arg4[%swap3A_129, %swap3A_130] {strides = array<i32>} : memref<176x512xf32, #tpu.memory_space<vmem>>, vector<16xf32>,
      tpu.vector_store %arg4[%swap3A_129, %swap3A_130], %broadcast_in_dim3A_3 {strides = array<i32>} : memref<176x512xf32, #tpu.memory_space<vmem>>, vector<16xf32>,
      %swap3A_132 = arith.index_cast %scan3A_62 : i32 to index
      %swap3A_133 = arith.constant 368 : index
      %swap3A_134 = tpu.vector_load %arg4[%swap3A_132, %swap3A_133] {strides = array<i32>} : memref<176x512xf32, #tpu.memory_space<vmem>>, vector<16xf32>,
      tpu.vector_store %arg4[%swap3A_132, %swap3A_133], %broadcast_in_dim3A_3 {strides = array<i32>} : memref<176x512xf32, #tpu.memory_space<vmem>>, vector<16xf32>,
      %swap3A_135 = arith.index_cast %scan3A_62 : i32 to index
      %swap3A_136 = arith.constant 384 : index
      %swap3A_137 = tpu.vector_load %arg4[%swap3A_135, %swap3A_136] {strides = array<i32>} : memref<176x512xf32, #tpu.memory_space<vmem>>, vector<16xf32>,
      tpu.vector_store %arg4[%swap3A_135, %swap3A_136], %broadcast_in_dim3A_3 {strides = array<i32>} : memref<176x512xf32, #tpu.memory_space<vmem>>, vector<16xf32>,
      %swap3A_138 = arith.index_cast %scan3A_62 : i32 to index
      %swap3A_139 = arith.constant 400 : index
      %swap3A_140 = tpu.vector_load %arg4[%swap3A_138, %swap3A_139] {strides = array<i32>} : memref<176x512xf32, #tpu.memory_space<vmem>>, vector<16xf32>,
      tpu.vector_store %arg4[%swap3A_138, %swap3A_139], %broadcast_in_dim3A_3 {strides = array<i32>} : memref<176x512xf32, #tpu.memory_space<vmem>>, vector<16xf32>,
      %swap3A_141 = arith.index_cast %scan3A_62 : i32 to index
      %swap3A_142 = arith.constant 416 : index
      %swap3A_143 = tpu.vector_load %arg4[%swap3A_141, %swap3A_142] {strides = array<i32>} : memref<176x512xf32, #tpu.memory_space<vmem>>, vector<16xf32>,
      tpu.vector_store %arg4[%swap3A_141, %swap3A_142], %broadcast_in_dim3A_3 {strides = array<i32>} : memref<176x512xf32, #tpu.memory_space<vmem>>, vector<16xf32>,
      %swap3A_144 = arith.index_cast %scan3A_62 : i32 to index
      %swap3A_145 = arith.constant 432 : index
      %swap3A_146 = tpu.vector_load %arg4[%swap3A_144, %swap3A_145] {strides = array<i32>} : memref<176x512xf32, #tpu.memory_space<vmem>>, vector<16xf32>,
      tpu.vector_store %arg4[%swap3A_144, %swap3A_145], %broadcast_in_dim3A_3 {strides = array<i32>} : memref<176x512xf32, #tpu.memory_space<vmem>>, vector<16xf32>,
      %swap3A_147 = arith.index_cast %scan3A_62 : i32 to index
      %swap3A_148 = arith.constant 448 : index
      %swap3A_149 = tpu.vector_load %arg4[%swap3A_147, %swap3A_148] {strides = array<i32>} : memref<176x512xf32, #tpu.memory_space<vmem>>, vector<16xf32>,
      tpu.vector_store %arg4[%swap3A_147, %swap3A_148], %broadcast_in_dim3A_3 {strides = array<i32>} : memref<176x512xf32, #tpu.memory_space<vmem>>, vector<16xf32>,
      %swap3A_150 = arith.index_cast %scan3A_62 : i32 to index
      %swap3A_151 = arith.constant 464 : index
      %swap3A_152 = tpu.vector_load %arg4[%swap3A_150, %swap3A_151] {strides = array<i32>} : memref<176x512xf32, #tpu.memory_space<vmem>>, vector<16xf32>,
      tpu.vector_store %arg4[%swap3A_150, %swap3A_151], %broadcast_in_dim3A_3 {strides = array<i32>} : memref<176x512xf32, #tpu.memory_space<vmem>>, vector<16xf32>,
      %swap3A_153 = arith.index_cast %scan3A_62 : i32 to index
      %swap3A_154 = arith.constant 480 : index
      %swap3A_155 = tpu.vector_load %arg4[%swap3A_153, %swap3A_154] {strides = array<i32>} : memref<176x512xf32, #tpu.memory_space<vmem>>, vector<16xf32>,
      tpu.vector_store %arg4[%swap3A_153, %swap3A_154], %broadcast_in_dim3A_3 {strides = array<i32>} : memref<176x512xf32, #tpu.memory_space<vmem>>, vector<16xf32>,
      %swap3A_156 = arith.index_cast %scan3A_62 : i32 to index
      %swap3A_157 = arith.constant 496 : index
      %swap3A_158 = tpu.vector_load %arg4[%swap3A_156, %swap3A_157] {strides = array<i32>} : memref<176x512xf32, #tpu.memory_space<vmem>>, vector<16xf32>,
      tpu.vector_store %arg4[%swap3A_156, %swap3A_157], %broadcast_in_dim3A_3 {strides = array<i32>} : memref<176x512xf32, #tpu.memory_space<vmem>>, vector<16xf32>,
      %scan3A_159 = arith.constant 0 : i32
      scf.yield %scan3A_159 : i32
    }
    %scan3A_34 = arith.constant 176 : i32
    %scan3A_35 = arith.constant 0 : i32
    %scan3A_36 = arith.constant 0 : i32
    %scan3A_37 = arith.constant 10 : i32
    %scan3A_38 = arith.addi %scan3A_36, %scan3A_37 : i32
    %scan3A_39 = arith.constant 1 : i32
    %scan3A_40 = scf.for %scan3A_62 = %scan3A_36 to %scan3A_38 step %scan3A_39 iter_args(%scan3A_63 = %scan3A_35) -> (i32)  : i32 {
      %mul3A_64 = arith.constant 2 : i32
      %mul3A_65 = arith.muli %scan3A_62, %mul3A_64 : i32
      %mul3A_66 = arith.constant 1280 : i32
      %mul3A_67 = arith.muli %mul3A_65, %mul3A_66 : i32
      %add3A_68 = arith.addi %mul3A_2, %mul3A_67 : i32
      %dma_wait3A = arith.constant 0 : i32
      %dma_wait3A_69 = tpu.memref_slice %arg2[%dma_wait3A, %add3A_68] : memref<7x819200xf32, #tpu.memory_space<hbm>> -> memref<7x1280xf32, #tpu.memory_space<hbm>>
      %dma_wait3A_70 = arith.constant 0 : i32
      %dma_wait3A_71 = tpu.memref_slice %arg2[%dma_wait3A_70, %add3A_68] : memref<7x819200xf32, #tpu.memory_space<hbm>> -> memref<7x1280xf32, #tpu.memory_space<hbm>>
      tpu.wait_dma2 semaphore(%arg7 : memref<!tpu.dma_semaphore, #tpu.memory_space<semaphore_mem>>) src(%dma_wait3A_71 : memref<7x1280xf32, #tpu.memory_space<hbm>>) dst(%arg5 : memref<7x1280xf32, #tpu.memory_space<vmem>>)
      %add3A_72 = arith.constant 1 : i32
      %add3A_73 = arith.addi %mul3A_65, %add3A_72 : i32
      %mul3A_74 = arith.constant 1280 : i32
      %mul3A_75 = arith.muli %add3A_73, %mul3A_74 : i32
      %add3A_76 = arith.addi %mul3A_2, %mul3A_75 : i32
      %dma_start3A_77 = arith.constant 0 : i32
      %dma_start3A_78 = tpu.memref_slice %arg2[%dma_start3A_77, %add3A_76] : memref<7x819200xf32, #tpu.memory_space<hbm>> -> memref<7x1280xf32, #tpu.memory_space<hbm>>
      %dma_start3A_79 = arith.constant 0 : i32
      %dma_start3A_80 = tpu.memref_slice %arg2[%dma_start3A_79, %add3A_76] : memref<7x819200xf32, #tpu.memory_space<hbm>> -> memref<7x1280xf32, #tpu.memory_space<hbm>>
      tpu.enqueue_dma source(%dma_start3A_80 : memref<7x1280xf32, #tpu.memory_space<hbm>>) target(%arg6 : memref<7x1280xf32, #tpu.memory_space<vmem>>) target_semaphore(%arg8 : memref<!tpu.dma_semaphore, #tpu.memory_space<semaphore_mem>>)
      %scan3A_81 = arith.constant 0 : i32
      %scan3A_82 = arith.constant 0 : i32
      %scan3A_83 = arith.constant 20 : i32
      %scan3A_84 = arith.addi %scan3A_82, %scan3A_83 : i32
      %scan3A_85 = arith.constant 1 : i32
      %scan3A_86 = scf.for %scan3A_107 = %scan3A_82 to %scan3A_84 step %scan3A_85 iter_args(%scan3A_108 = %scan3A_81) -> (i32)  : i32 {
        %mul3A_109 = arith.constant 4 : i32
        %mul3A_110 = arith.muli %scan3A_107, %mul3A_109 : i32
        %add3A_111 = arith.constant 0 : i32
        %add3A_112 = arith.addi %mul3A_110, %add3A_111 : i32
        %mul3A_113 = arith.constant 16 : i32
        %mul3A_114 = arith.muli %add3A_112, %mul3A_113 : i32
        %get3A = arith.constant 0 : i32
        %get3A_115 = arith.index_cast %get3A : i32 to index
        %get3A_116 = arith.index_cast %mul3A_114 : i32 to index
        %get3A_117 = tpu.vector_load %arg5[%get3A_115, %get3A_116] {strides = array<i32>} : memref<7x1280xf32, #tpu.memory_space<vmem>>, vector<16xf32>,
        %get3A_118 = arith.constant 1 : i32
        %get3A_119 = arith.index_cast %get3A_118 : i32 to index
        %get3A_120 = arith.index_cast %mul3A_114 : i32 to index
        %get3A_121 = tpu.vector_load %arg5[%get3A_119, %get3A_120] {strides = array<i32>} : memref<7x1280xf32, #tpu.memory_space<vmem>>, vector<16xf32>,
        %get3A_122 = arith.constant 2 : i32
        %get3A_123 = arith.index_cast %get3A_122 : i32 to index
        %get3A_124 = arith.index_cast %mul3A_114 : i32 to index
        %get3A_125 = tpu.vector_load %arg5[%get3A_123, %get3A_124] {strides = array<i32>} : memref<7x1280xf32, #tpu.memory_space<vmem>>, vector<16xf32>,
        %get3A_126 = arith.constant 3 : i32
        %get3A_127 = arith.index_cast %get3A_126 : i32 to index
        %get3A_128 = arith.index_cast %mul3A_114 : i32 to index
        %get3A_129 = tpu.vector_load %arg5[%get3A_127, %get3A_128] {strides = array<i32>} : memref<7x1280xf32, #tpu.memory_space<vmem>>, vector<16xf32>,
        %get3A_130 = arith.constant 4 : i32
        %get3A_131 = arith.index_cast %get3A_130 : i32 to index
        %get3A_132 = arith.index_cast %mul3A_114 : i32 to index
        %get3A_133 = tpu.vector_load %arg5[%get3A_131, %get3A_132] {strides = array<i32>} : memref<7x1280xf32, #tpu.memory_space<vmem>>, vector<16xf32>,
        %get3A_134 = arith.constant 5 : i32
        %get3A_135 = arith.index_cast %get3A_134 : i32 to index
        %get3A_136 = arith.index_cast %mul3A_114 : i32 to index
        %get3A_137 = tpu.vector_load %arg5[%get3A_135, %get3A_136] {strides = array<i32>} : memref<7x1280xf32, #tpu.memory_space<vmem>>, vector<16xf32>,
        %get3A_138 = arith.constant 6 : i32
        %get3A_139 = arith.index_cast %get3A_138 : i32 to index
        %get3A_140 = arith.index_cast %mul3A_114 : i32 to index
        %get3A_141 = tpu.vector_load %arg5[%get3A_139, %get3A_140] {strides = array<i32>} : memref<7x1280xf32, #tpu.memory_space<vmem>>, vector<16xf32>,
        %bitcast3A = vector.bitcast %get3A_141 : vector<16xf32> to vector<16xi32>
        %shift_right_arithmetic3A = arith.constant 10 : i32
        %shift_right_arithmetic3A_142 = vector.broadcast %shift_right_arithmetic3A : i32 to vector<16xi32>
        %shift_right_arithmetic3A_143 = arith.shrsi %bitcast3A, %shift_right_arithmetic3A_142 : vector<16xi32>
        %and3A = arith.constant 1023 : i32
        %and3A_144 = vector.broadcast %and3A : i32 to vector<16xi32>
        %and3A_145 = arith.andi %bitcast3A, %and3A_144 : vector<16xi32>
        %add3A_146 = arith.constant 1 : i32
        %add3A_147 = vector.broadcast %add3A_146 : i32 to vector<16xi32>
        %add3A_148 = arith.addi %and3A_145, %add3A_147 : vector<16xi32>
        %add3A_149 = arith.constant 2 : i32
        %add3A_150 = vector.broadcast %add3A_149 : i32 to vector<16xi32>
        %add3A_151 = arith.addi %and3A_145, %add3A_150 : vector<16xi32>
        %min3A = arith.constant 511 : i32
        %min3A_152 = vector.broadcast %min3A : i32 to vector<16xi32>
        %min3A_153 = arith.minsi %add3A_151, %min3A_152 : vector<16xi32>
        %add3A_154 = arith.constant 1 : i32
        %add3A_155 = vector.broadcast %add3A_154 : i32 to vector<16xi32>
        %add3A_156 = arith.addi %shift_right_arithmetic3A_143, %add3A_155 : vector<16xi32>
        %add3A_157 = arith.constant 2 : i32
        %add3A_158 = vector.broadcast %add3A_157 : i32 to vector<16xi32>
        %add3A_159 = arith.addi %shift_right_arithmetic3A_143, %add3A_158 : vector<16xi32>
        %min3A_160 = arith.constant 511 : i32
        %min3A_161 = vector.broadcast %min3A_160 : i32 to vector<16xi32>
        %min3A_162 = arith.minsi %add3A_159, %min3A_161 : vector<16xi32>
        %sub3A = arith.constant 176 : i32
        %sub3A_163 = vector.broadcast %sub3A : i32 to vector<16xi32>
        %sub3A_164 = arith.subi %shift_right_arithmetic3A_143, %sub3A_163 : vector<16xi32>
        %bitcast3A_165 = vector.bitcast %sub3A_164 : vector<16xi32> to vector<16xi32>
        %lt3A_166 = arith.constant 176 : i32
        %lt3A_167 = vector.broadcast %lt3A_166 : i32 to vector<16xi32>
        %lt3A_168 = arith.cmpi ult, %bitcast3A_165, %lt3A_167 : vector<16xi32>
        %mul3A_169 = arith.mulf %get3A_117, %get3A_129 : vector<16xf32>
        tpu.vector_store_idx %arg4[%sub3A_164, %and3A_145], %mul3A_169 masked %lt3A_168 {add = true} : memref<176x512xf32, #tpu.memory_space<vmem>>[vector<16xi32>, vector<16xi32>], vector<16xf32>, vector<16xi1>
        %mul3A_170 = arith.mulf %get3A_117, %get3A_133 : vector<16xf32>
        tpu.vector_store_idx %arg4[%sub3A_164, %add3A_148], %mul3A_170 masked %lt3A_168 {add = true} : memref<176x512xf32, #tpu.memory_space<vmem>>[vector<16xi32>, vector<16xi32>], vector<16xf32>, vector<16xi1>
        %mul3A_171 = arith.mulf %get3A_117, %get3A_137 : vector<16xf32>
        tpu.vector_store_idx %arg4[%sub3A_164, %min3A_153], %mul3A_171 masked %lt3A_168 {add = true} : memref<176x512xf32, #tpu.memory_space<vmem>>[vector<16xi32>, vector<16xi32>], vector<16xf32>, vector<16xi1>
        %sub3A_172 = arith.constant 176 : i32
        %sub3A_173 = vector.broadcast %sub3A_172 : i32 to vector<16xi32>
        %sub3A_174 = arith.subi %add3A_156, %sub3A_173 : vector<16xi32>
        %bitcast3A_175 = vector.bitcast %sub3A_174 : vector<16xi32> to vector<16xi32>
        %lt3A_176 = arith.constant 176 : i32
        %lt3A_177 = vector.broadcast %lt3A_176 : i32 to vector<16xi32>
        %lt3A_178 = arith.cmpi ult, %bitcast3A_175, %lt3A_177 : vector<16xi32>
        %mul3A_179 = arith.mulf %get3A_121, %get3A_129 : vector<16xf32>
        tpu.vector_store_idx %arg4[%sub3A_174, %and3A_145], %mul3A_179 masked %lt3A_178 {add = true} : memref<176x512xf32, #tpu.memory_space<vmem>>[vector<16xi32>, vector<16xi32>], vector<16xf32>, vector<16xi1>
        %mul3A_180 = arith.mulf %get3A_121, %get3A_133 : vector<16xf32>
        tpu.vector_store_idx %arg4[%sub3A_174, %add3A_148], %mul3A_180 masked %lt3A_178 {add = true} : memref<176x512xf32, #tpu.memory_space<vmem>>[vector<16xi32>, vector<16xi32>], vector<16xf32>, vector<16xi1>
        %mul3A_181 = arith.mulf %get3A_121, %get3A_137 : vector<16xf32>
        tpu.vector_store_idx %arg4[%sub3A_174, %min3A_153], %mul3A_181 masked %lt3A_178 {add = true} : memref<176x512xf32, #tpu.memory_space<vmem>>[vector<16xi32>, vector<16xi32>], vector<16xf32>, vector<16xi1>
        %sub3A_182 = arith.constant 176 : i32
        %sub3A_183 = vector.broadcast %sub3A_182 : i32 to vector<16xi32>
        %sub3A_184 = arith.subi %min3A_162, %sub3A_183 : vector<16xi32>
        %bitcast3A_185 = vector.bitcast %sub3A_184 : vector<16xi32> to vector<16xi32>
        %lt3A_186 = arith.constant 176 : i32
        %lt3A_187 = vector.broadcast %lt3A_186 : i32 to vector<16xi32>
        %lt3A_188 = arith.cmpi ult, %bitcast3A_185, %lt3A_187 : vector<16xi32>
        %mul3A_189 = arith.mulf %get3A_125, %get3A_129 : vector<16xf32>
        tpu.vector_store_idx %arg4[%sub3A_184, %and3A_145], %mul3A_189 masked %lt3A_188 {add = true} : memref<176x512xf32, #tpu.memory_space<vmem>>[vector<16xi32>, vector<16xi32>], vector<16xf32>, vector<16xi1>
        %mul3A_190 = arith.mulf %get3A_125, %get3A_133 : vector<16xf32>
        tpu.vector_store_idx %arg4[%sub3A_184, %add3A_148], %mul3A_190 masked %lt3A_188 {add = true} : memref<176x512xf32, #tpu.memory_space<vmem>>[vector<16xi32>, vector<16xi32>], vector<16xf32>, vector<16xi1>
        %mul3A_191 = arith.mulf %get3A_125, %get3A_137 : vector<16xf32>
        tpu.vector_store_idx %arg4[%sub3A_184, %min3A_153], %mul3A_191 masked %lt3A_188 {add = true} : memref<176x512xf32, #tpu.memory_space<vmem>>[vector<16xi32>, vector<16xi32>], vector<16xf32>, vector<16xi1>
        %mul3A_192 = arith.constant 4 : i32
        %mul3A_193 = arith.muli %scan3A_107, %mul3A_192 : i32
        %add3A_194 = arith.constant 1 : i32
        %add3A_195 = arith.addi %mul3A_193, %add3A_194 : i32
        %mul3A_196 = arith.constant 16 : i32
        %mul3A_197 = arith.muli %add3A_195, %mul3A_196 : i32
        %get3A_198 = arith.constant 0 : i32
        %get3A_199 = arith.index_cast %get3A_198 : i32 to index
        %get3A_200 = arith.index_cast %mul3A_197 : i32 to index
        %get3A_201 = tpu.vector_load %arg5[%get3A_199, %get3A_200] {strides = array<i32>} : memref<7x1280xf32, #tpu.memory_space<vmem>>, vector<16xf32>,
        %get3A_202 = arith.constant 1 : i32
        %get3A_203 = arith.index_cast %get3A_202 : i32 to index
        %get3A_204 = arith.index_cast %mul3A_197 : i32 to index
        %get3A_205 = tpu.vector_load %arg5[%get3A_203, %get3A_204] {strides = array<i32>} : memref<7x1280xf32, #tpu.memory_space<vmem>>, vector<16xf32>,
        %get3A_206 = arith.constant 2 : i32
        %get3A_207 = arith.index_cast %get3A_206 : i32 to index
        %get3A_208 = arith.index_cast %mul3A_197 : i32 to index
        %get3A_209 = tpu.vector_load %arg5[%get3A_207, %get3A_208] {strides = array<i32>} : memref<7x1280xf32, #tpu.memory_space<vmem>>, vector<16xf32>,
        %get3A_210 = arith.constant 3 : i32
        %get3A_211 = arith.index_cast %get3A_210 : i32 to index
        %get3A_212 = arith.index_cast %mul3A_197 : i32 to index
        %get3A_213 = tpu.vector_load %arg5[%get3A_211, %get3A_212] {strides = array<i32>} : memref<7x1280xf32, #tpu.memory_space<vmem>>, vector<16xf32>,
        %get3A_214 = arith.constant 4 : i32
        %get3A_215 = arith.index_cast %get3A_214 : i32 to index
        %get3A_216 = arith.index_cast %mul3A_197 : i32 to index
        %get3A_217 = tpu.vector_load %arg5[%get3A_215, %get3A_216] {strides = array<i32>} : memref<7x1280xf32, #tpu.memory_space<vmem>>, vector<16xf32>,
        %get3A_218 = arith.constant 5 : i32
        %get3A_219 = arith.index_cast %get3A_218 : i32 to index
        %get3A_220 = arith.index_cast %mul3A_197 : i32 to index
        %get3A_221 = tpu.vector_load %arg5[%get3A_219, %get3A_220] {strides = array<i32>} : memref<7x1280xf32, #tpu.memory_space<vmem>>, vector<16xf32>,
        %get3A_222 = arith.constant 6 : i32
        %get3A_223 = arith.index_cast %get3A_222 : i32 to index
        %get3A_224 = arith.index_cast %mul3A_197 : i32 to index
        %get3A_225 = tpu.vector_load %arg5[%get3A_223, %get3A_224] {strides = array<i32>} : memref<7x1280xf32, #tpu.memory_space<vmem>>, vector<16xf32>,
        %bitcast3A_226 = vector.bitcast %get3A_225 : vector<16xf32> to vector<16xi32>
        %shift_right_arithmetic3A_227 = arith.constant 10 : i32
        %shift_right_arithmetic3A_228 = vector.broadcast %shift_right_arithmetic3A_227 : i32 to vector<16xi32>
        %shift_right_arithmetic3A_229 = arith.shrsi %bitcast3A_226, %shift_right_arithmetic3A_228 : vector<16xi32>
        %and3A_230 = arith.constant 1023 : i32
        %and3A_231 = vector.broadcast %and3A_230 : i32 to vector<16xi32>
        %and3A_232 = arith.andi %bitcast3A_226, %and3A_231 : vector<16xi32>
        %add3A_233 = arith.constant 1 : i32
        %add3A_234 = vector.broadcast %add3A_233 : i32 to vector<16xi32>
        %add3A_235 = arith.addi %and3A_232, %add3A_234 : vector<16xi32>
        %add3A_236 = arith.constant 2 : i32
        %add3A_237 = vector.broadcast %add3A_236 : i32 to vector<16xi32>
        %add3A_238 = arith.addi %and3A_232, %add3A_237 : vector<16xi32>
        %min3A_239 = arith.constant 511 : i32
        %min3A_240 = vector.broadcast %min3A_239 : i32 to vector<16xi32>
        %min3A_241 = arith.minsi %add3A_238, %min3A_240 : vector<16xi32>
        %add3A_242 = arith.constant 1 : i32
        %add3A_243 = vector.broadcast %add3A_242 : i32 to vector<16xi32>
        %add3A_244 = arith.addi %shift_right_arithmetic3A_229, %add3A_243 : vector<16xi32>
        %add3A_245 = arith.constant 2 : i32
        %add3A_246 = vector.broadcast %add3A_245 : i32 to vector<16xi32>
        %add3A_247 = arith.addi %shift_right_arithmetic3A_229, %add3A_246 : vector<16xi32>
        %min3A_248 = arith.constant 511 : i32
        %min3A_249 = vector.broadcast %min3A_248 : i32 to vector<16xi32>
        %min3A_250 = arith.minsi %add3A_247, %min3A_249 : vector<16xi32>
        %sub3A_251 = arith.constant 176 : i32
        %sub3A_252 = vector.broadcast %sub3A_251 : i32 to vector<16xi32>
        %sub3A_253 = arith.subi %shift_right_arithmetic3A_229, %sub3A_252 : vector<16xi32>
        %bitcast3A_254 = vector.bitcast %sub3A_253 : vector<16xi32> to vector<16xi32>
        %lt3A_255 = arith.constant 176 : i32
        %lt3A_256 = vector.broadcast %lt3A_255 : i32 to vector<16xi32>
        %lt3A_257 = arith.cmpi ult, %bitcast3A_254, %lt3A_256 : vector<16xi32>
        %mul3A_258 = arith.mulf %get3A_201, %get3A_213 : vector<16xf32>
        tpu.vector_store_idx %arg4[%sub3A_253, %and3A_232], %mul3A_258 masked %lt3A_257 {add = true} : memref<176x512xf32, #tpu.memory_space<vmem>>[vector<16xi32>, vector<16xi32>], vector<16xf32>, vector<16xi1>
        %mul3A_259 = arith.mulf %get3A_201, %get3A_217 : vector<16xf32>
        tpu.vector_store_idx %arg4[%sub3A_253, %add3A_235], %mul3A_259 masked %lt3A_257 {add = true} : memref<176x512xf32, #tpu.memory_space<vmem>>[vector<16xi32>, vector<16xi32>], vector<16xf32>, vector<16xi1>
        %mul3A_260 = arith.mulf %get3A_201, %get3A_221 : vector<16xf32>
        tpu.vector_store_idx %arg4[%sub3A_253, %min3A_241], %mul3A_260 masked %lt3A_257 {add = true} : memref<176x512xf32, #tpu.memory_space<vmem>>[vector<16xi32>, vector<16xi32>], vector<16xf32>, vector<16xi1>
        %sub3A_261 = arith.constant 176 : i32
        %sub3A_262 = vector.broadcast %sub3A_261 : i32 to vector<16xi32>
        %sub3A_263 = arith.subi %add3A_244, %sub3A_262 : vector<16xi32>
        %bitcast3A_264 = vector.bitcast %sub3A_263 : vector<16xi32> to vector<16xi32>
        %lt3A_265 = arith.constant 176 : i32
        %lt3A_266 = vector.broadcast %lt3A_265 : i32 to vector<16xi32>
        %lt3A_267 = arith.cmpi ult, %bitcast3A_264, %lt3A_266 : vector<16xi32>
        %mul3A_268 = arith.mulf %get3A_205, %get3A_213 : vector<16xf32>
        tpu.vector_store_idx %arg4[%sub3A_263, %and3A_232], %mul3A_268 masked %lt3A_267 {add = true} : memref<176x512xf32, #tpu.memory_space<vmem>>[vector<16xi32>, vector<16xi32>], vector<16xf32>, vector<16xi1>
        %mul3A_269 = arith.mulf %get3A_205, %get3A_217 : vector<16xf32>
        tpu.vector_store_idx %arg4[%sub3A_263, %add3A_235], %mul3A_269 masked %lt3A_267 {add = true} : memref<176x512xf32, #tpu.memory_space<vmem>>[vector<16xi32>, vector<16xi32>], vector<16xf32>, vector<16xi1>
        %mul3A_270 = arith.mulf %get3A_205, %get3A_221 : vector<16xf32>
        tpu.vector_store_idx %arg4[%sub3A_263, %min3A_241], %mul3A_270 masked %lt3A_267 {add = true} : memref<176x512xf32, #tpu.memory_space<vmem>>[vector<16xi32>, vector<16xi32>], vector<16xf32>, vector<16xi1>
        %sub3A_271 = arith.constant 176 : i32
        %sub3A_272 = vector.broadcast %sub3A_271 : i32 to vector<16xi32>
        %sub3A_273 = arith.subi %min3A_250, %sub3A_272 : vector<16xi32>
        %bitcast3A_274 = vector.bitcast %sub3A_273 : vector<16xi32> to vector<16xi32>
        %lt3A_275 = arith.constant 176 : i32
        %lt3A_276 = vector.broadcast %lt3A_275 : i32 to vector<16xi32>
        %lt3A_277 = arith.cmpi ult, %bitcast3A_274, %lt3A_276 : vector<16xi32>
        %mul3A_278 = arith.mulf %get3A_209, %get3A_213 : vector<16xf32>
        tpu.vector_store_idx %arg4[%sub3A_273, %and3A_232], %mul3A_278 masked %lt3A_277 {add = true} : memref<176x512xf32, #tpu.memory_space<vmem>>[vector<16xi32>, vector<16xi32>], vector<16xf32>, vector<16xi1>
        %mul3A_279 = arith.mulf %get3A_209, %get3A_217 : vector<16xf32>
        tpu.vector_store_idx %arg4[%sub3A_273, %add3A_235], %mul3A_279 masked %lt3A_277 {add = true} : memref<176x512xf32, #tpu.memory_space<vmem>>[vector<16xi32>, vector<16xi32>], vector<16xf32>, vector<16xi1>
        %mul3A_280 = arith.mulf %get3A_209, %get3A_221 : vector<16xf32>
        tpu.vector_store_idx %arg4[%sub3A_273, %min3A_241], %mul3A_280 masked %lt3A_277 {add = true} : memref<176x512xf32, #tpu.memory_space<vmem>>[vector<16xi32>, vector<16xi32>], vector<16xf32>, vector<16xi1>
        %mul3A_281 = arith.constant 4 : i32
        %mul3A_282 = arith.muli %scan3A_107, %mul3A_281 : i32
        %add3A_283 = arith.constant 2 : i32
        %add3A_284 = arith.addi %mul3A_282, %add3A_283 : i32
        %mul3A_285 = arith.constant 16 : i32
        %mul3A_286 = arith.muli %add3A_284, %mul3A_285 : i32
        %get3A_287 = arith.constant 0 : i32
        %get3A_288 = arith.index_cast %get3A_287 : i32 to index
        %get3A_289 = arith.index_cast %mul3A_286 : i32 to index
        %get3A_290 = tpu.vector_load %arg5[%get3A_288, %get3A_289] {strides = array<i32>} : memref<7x1280xf32, #tpu.memory_space<vmem>>, vector<16xf32>,
        %get3A_291 = arith.constant 1 : i32
        %get3A_292 = arith.index_cast %get3A_291 : i32 to index
        %get3A_293 = arith.index_cast %mul3A_286 : i32 to index
        %get3A_294 = tpu.vector_load %arg5[%get3A_292, %get3A_293] {strides = array<i32>} : memref<7x1280xf32, #tpu.memory_space<vmem>>, vector<16xf32>,
        %get3A_295 = arith.constant 2 : i32
        %get3A_296 = arith.index_cast %get3A_295 : i32 to index
        %get3A_297 = arith.index_cast %mul3A_286 : i32 to index
        %get3A_298 = tpu.vector_load %arg5[%get3A_296, %get3A_297] {strides = array<i32>} : memref<7x1280xf32, #tpu.memory_space<vmem>>, vector<16xf32>,
        %get3A_299 = arith.constant 3 : i32
        %get3A_300 = arith.index_cast %get3A_299 : i32 to index
        %get3A_301 = arith.index_cast %mul3A_286 : i32 to index
        %get3A_302 = tpu.vector_load %arg5[%get3A_300, %get3A_301] {strides = array<i32>} : memref<7x1280xf32, #tpu.memory_space<vmem>>, vector<16xf32>,
        %get3A_303 = arith.constant 4 : i32
        %get3A_304 = arith.index_cast %get3A_303 : i32 to index
        %get3A_305 = arith.index_cast %mul3A_286 : i32 to index
        %get3A_306 = tpu.vector_load %arg5[%get3A_304, %get3A_305] {strides = array<i32>} : memref<7x1280xf32, #tpu.memory_space<vmem>>, vector<16xf32>,
        %get3A_307 = arith.constant 5 : i32
        %get3A_308 = arith.index_cast %get3A_307 : i32 to index
        %get3A_309 = arith.index_cast %mul3A_286 : i32 to index
        %get3A_310 = tpu.vector_load %arg5[%get3A_308, %get3A_309] {strides = array<i32>} : memref<7x1280xf32, #tpu.memory_space<vmem>>, vector<16xf32>,
        %get3A_311 = arith.constant 6 : i32
        %get3A_312 = arith.index_cast %get3A_311 : i32 to index
        %get3A_313 = arith.index_cast %mul3A_286 : i32 to index
        %get3A_314 = tpu.vector_load %arg5[%get3A_312, %get3A_313] {strides = array<i32>} : memref<7x1280xf32, #tpu.memory_space<vmem>>, vector<16xf32>,
        %bitcast3A_315 = vector.bitcast %get3A_314 : vector<16xf32> to vector<16xi32>
        %shift_right_arithmetic3A_316 = arith.constant 10 : i32
        %shift_right_arithmetic3A_317 = vector.broadcast %shift_right_arithmetic3A_316 : i32 to vector<16xi32>
        %shift_right_arithmetic3A_318 = arith.shrsi %bitcast3A_315, %shift_right_arithmetic3A_317 : vector<16xi32>
        %and3A_319 = arith.constant 1023 : i32
        %and3A_320 = vector.broadcast %and3A_319 : i32 to vector<16xi32>
        %and3A_321 = arith.andi %bitcast3A_315, %and3A_320 : vector<16xi32>
        %add3A_322 = arith.constant 1 : i32
        %add3A_323 = vector.broadcast %add3A_322 : i32 to vector<16xi32>
        %add3A_324 = arith.addi %and3A_321, %add3A_323 : vector<16xi32>
        %add3A_325 = arith.constant 2 : i32
        %add3A_326 = vector.broadcast %add3A_325 : i32 to vector<16xi32>
        %add3A_327 = arith.addi %and3A_321, %add3A_326 : vector<16xi32>
        %min3A_328 = arith.constant 511 : i32
        %min3A_329 = vector.broadcast %min3A_328 : i32 to vector<16xi32>
        %min3A_330 = arith.minsi %add3A_327, %min3A_329 : vector<16xi32>
        %add3A_331 = arith.constant 1 : i32
        %add3A_332 = vector.broadcast %add3A_331 : i32 to vector<16xi32>
        %add3A_333 = arith.addi %shift_right_arithmetic3A_318, %add3A_332 : vector<16xi32>
        %add3A_334 = arith.constant 2 : i32
        %add3A_335 = vector.broadcast %add3A_334 : i32 to vector<16xi32>
        %add3A_336 = arith.addi %shift_right_arithmetic3A_318, %add3A_335 : vector<16xi32>
        %min3A_337 = arith.constant 511 : i32
        %min3A_338 = vector.broadcast %min3A_337 : i32 to vector<16xi32>
        %min3A_339 = arith.minsi %add3A_336, %min3A_338 : vector<16xi32>
        %sub3A_340 = arith.constant 176 : i32
        %sub3A_341 = vector.broadcast %sub3A_340 : i32 to vector<16xi32>
        %sub3A_342 = arith.subi %shift_right_arithmetic3A_318, %sub3A_341 : vector<16xi32>
        %bitcast3A_343 = vector.bitcast %sub3A_342 : vector<16xi32> to vector<16xi32>
        %lt3A_344 = arith.constant 176 : i32
        %lt3A_345 = vector.broadcast %lt3A_344 : i32 to vector<16xi32>
        %lt3A_346 = arith.cmpi ult, %bitcast3A_343, %lt3A_345 : vector<16xi32>
        %mul3A_347 = arith.mulf %get3A_290, %get3A_302 : vector<16xf32>
        tpu.vector_store_idx %arg4[%sub3A_342, %and3A_321], %mul3A_347 masked %lt3A_346 {add = true} : memref<176x512xf32, #tpu.memory_space<vmem>>[vector<16xi32>, vector<16xi32>], vector<16xf32>, vector<16xi1>
        %mul3A_348 = arith.mulf %get3A_290, %get3A_306 : vector<16xf32>
        tpu.vector_store_idx %arg4[%sub3A_342, %add3A_324], %mul3A_348 masked %lt3A_346 {add = true} : memref<176x512xf32, #tpu.memory_space<vmem>>[vector<16xi32>, vector<16xi32>], vector<16xf32>, vector<16xi1>
        %mul3A_349 = arith.mulf %get3A_290, %get3A_310 : vector<16xf32>
        tpu.vector_store_idx %arg4[%sub3A_342, %min3A_330], %mul3A_349 masked %lt3A_346 {add = true} : memref<176x512xf32, #tpu.memory_space<vmem>>[vector<16xi32>, vector<16xi32>], vector<16xf32>, vector<16xi1>
        %sub3A_350 = arith.constant 176 : i32
        %sub3A_351 = vector.broadcast %sub3A_350 : i32 to vector<16xi32>
        %sub3A_352 = arith.subi %add3A_333, %sub3A_351 : vector<16xi32>
        %bitcast3A_353 = vector.bitcast %sub3A_352 : vector<16xi32> to vector<16xi32>
        %lt3A_354 = arith.constant 176 : i32
        %lt3A_355 = vector.broadcast %lt3A_354 : i32 to vector<16xi32>
        %lt3A_356 = arith.cmpi ult, %bitcast3A_353, %lt3A_355 : vector<16xi32>
        %mul3A_357 = arith.mulf %get3A_294, %get3A_302 : vector<16xf32>
        tpu.vector_store_idx %arg4[%sub3A_352, %and3A_321], %mul3A_357 masked %lt3A_356 {add = true} : memref<176x512xf32, #tpu.memory_space<vmem>>[vector<16xi32>, vector<16xi32>], vector<16xf32>, vector<16xi1>
        %mul3A_358 = arith.mulf %get3A_294, %get3A_306 : vector<16xf32>
        tpu.vector_store_idx %arg4[%sub3A_352, %add3A_324], %mul3A_358 masked %lt3A_356 {add = true} : memref<176x512xf32, #tpu.memory_space<vmem>>[vector<16xi32>, vector<16xi32>], vector<16xf32>, vector<16xi1>
        %mul3A_359 = arith.mulf %get3A_294, %get3A_310 : vector<16xf32>
        tpu.vector_store_idx %arg4[%sub3A_352, %min3A_330], %mul3A_359 masked %lt3A_356 {add = true} : memref<176x512xf32, #tpu.memory_space<vmem>>[vector<16xi32>, vector<16xi32>], vector<16xf32>, vector<16xi1>
        %sub3A_360 = arith.constant 176 : i32
        %sub3A_361 = vector.broadcast %sub3A_360 : i32 to vector<16xi32>
        %sub3A_362 = arith.subi %min3A_339, %sub3A_361 : vector<16xi32>
        %bitcast3A_363 = vector.bitcast %sub3A_362 : vector<16xi32> to vector<16xi32>
        %lt3A_364 = arith.constant 176 : i32
        %lt3A_365 = vector.broadcast %lt3A_364 : i32 to vector<16xi32>
        %lt3A_366 = arith.cmpi ult, %bitcast3A_363, %lt3A_365 : vector<16xi32>
        %mul3A_367 = arith.mulf %get3A_298, %get3A_302 : vector<16xf32>
        tpu.vector_store_idx %arg4[%sub3A_362, %and3A_321], %mul3A_367 masked %lt3A_366 {add = true} : memref<176x512xf32, #tpu.memory_space<vmem>>[vector<16xi32>, vector<16xi32>], vector<16xf32>, vector<16xi1>
        %mul3A_368 = arith.mulf %get3A_298, %get3A_306 : vector<16xf32>
        tpu.vector_store_idx %arg4[%sub3A_362, %add3A_324], %mul3A_368 masked %lt3A_366 {add = true} : memref<176x512xf32, #tpu.memory_space<vmem>>[vector<16xi32>, vector<16xi32>], vector<16xf32>, vector<16xi1>
        %mul3A_369 = arith.mulf %get3A_298, %get3A_310 : vector<16xf32>
        tpu.vector_store_idx %arg4[%sub3A_362, %min3A_330], %mul3A_369 masked %lt3A_366 {add = true} : memref<176x512xf32, #tpu.memory_space<vmem>>[vector<16xi32>, vector<16xi32>], vector<16xf32>, vector<16xi1>
        %mul3A_370 = arith.constant 4 : i32
        %mul3A_371 = arith.muli %scan3A_107, %mul3A_370 : i32
        %add3A_372 = arith.constant 3 : i32
        %add3A_373 = arith.addi %mul3A_371, %add3A_372 : i32
        %mul3A_374 = arith.constant 16 : i32
        %mul3A_375 = arith.muli %add3A_373, %mul3A_374 : i32
        %get3A_376 = arith.constant 0 : i32
        %get3A_377 = arith.index_cast %get3A_376 : i32 to index
        %get3A_378 = arith.index_cast %mul3A_375 : i32 to index
        %get3A_379 = tpu.vector_load %arg5[%get3A_377, %get3A_378] {strides = array<i32>} : memref<7x1280xf32, #tpu.memory_space<vmem>>, vector<16xf32>,
        %get3A_380 = arith.constant 1 : i32
        %get3A_381 = arith.index_cast %get3A_380 : i32 to index
        %get3A_382 = arith.index_cast %mul3A_375 : i32 to index
        %get3A_383 = tpu.vector_load %arg5[%get3A_381, %get3A_382] {strides = array<i32>} : memref<7x1280xf32, #tpu.memory_space<vmem>>, vector<16xf32>,
        %get3A_384 = arith.constant 2 : i32
        %get3A_385 = arith.index_cast %get3A_384 : i32 to index
        %get3A_386 = arith.index_cast %mul3A_375 : i32 to index
        %get3A_387 = tpu.vector_load %arg5[%get3A_385, %get3A_386] {strides = array<i32>} : memref<7x1280xf32, #tpu.memory_space<vmem>>, vector<16xf32>,
        %get3A_388 = arith.constant 3 : i32
        %get3A_389 = arith.index_cast %get3A_388 : i32 to index
        %get3A_390 = arith.index_cast %mul3A_375 : i32 to index
        %get3A_391 = tpu.vector_load %arg5[%get3A_389, %get3A_390] {strides = array<i32>} : memref<7x1280xf32, #tpu.memory_space<vmem>>, vector<16xf32>,
        %get3A_392 = arith.constant 4 : i32
        %get3A_393 = arith.index_cast %get3A_392 : i32 to index
        %get3A_394 = arith.index_cast %mul3A_375 : i32 to index
        %get3A_395 = tpu.vector_load %arg5[%get3A_393, %get3A_394] {strides = array<i32>} : memref<7x1280xf32, #tpu.memory_space<vmem>>, vector<16xf32>,
        %get3A_396 = arith.constant 5 : i32
        %get3A_397 = arith.index_cast %get3A_396 : i32 to index
        %get3A_398 = arith.index_cast %mul3A_375 : i32 to index
        %get3A_399 = tpu.vector_load %arg5[%get3A_397, %get3A_398] {strides = array<i32>} : memref<7x1280xf32, #tpu.memory_space<vmem>>, vector<16xf32>,
        %get3A_400 = arith.constant 6 : i32
        %get3A_401 = arith.index_cast %get3A_400 : i32 to index
        %get3A_402 = arith.index_cast %mul3A_375 : i32 to index
        %get3A_403 = tpu.vector_load %arg5[%get3A_401, %get3A_402] {strides = array<i32>} : memref<7x1280xf32, #tpu.memory_space<vmem>>, vector<16xf32>,
        %bitcast3A_404 = vector.bitcast %get3A_403 : vector<16xf32> to vector<16xi32>
        %shift_right_arithmetic3A_405 = arith.constant 10 : i32
        %shift_right_arithmetic3A_406 = vector.broadcast %shift_right_arithmetic3A_405 : i32 to vector<16xi32>
        %shift_right_arithmetic3A_407 = arith.shrsi %bitcast3A_404, %shift_right_arithmetic3A_406 : vector<16xi32>
        %and3A_408 = arith.constant 1023 : i32
        %and3A_409 = vector.broadcast %and3A_408 : i32 to vector<16xi32>
        %and3A_410 = arith.andi %bitcast3A_404, %and3A_409 : vector<16xi32>
        %add3A_411 = arith.constant 1 : i32
        %add3A_412 = vector.broadcast %add3A_411 : i32 to vector<16xi32>
        %add3A_413 = arith.addi %and3A_410, %add3A_412 : vector<16xi32>
        %add3A_414 = arith.constant 2 : i32
        %add3A_415 = vector.broadcast %add3A_414 : i32 to vector<16xi32>
        %add3A_416 = arith.addi %and3A_410, %add3A_415 : vector<16xi32>
        %min3A_417 = arith.constant 511 : i32
        %min3A_418 = vector.broadcast %min3A_417 : i32 to vector<16xi32>
        %min3A_419 = arith.minsi %add3A_416, %min3A_418 : vector<16xi32>
        %add3A_420 = arith.constant 1 : i32
        %add3A_421 = vector.broadcast %add3A_420 : i32 to vector<16xi32>
        %add3A_422 = arith.addi %shift_right_arithmetic3A_407, %add3A_421 : vector<16xi32>
        %add3A_423 = arith.constant 2 : i32
        %add3A_424 = vector.broadcast %add3A_423 : i32 to vector<16xi32>
        %add3A_425 = arith.addi %shift_right_arithmetic3A_407, %add3A_424 : vector<16xi32>
        %min3A_426 = arith.constant 511 : i32
        %min3A_427 = vector.broadcast %min3A_426 : i32 to vector<16xi32>
        %min3A_428 = arith.minsi %add3A_425, %min3A_427 : vector<16xi32>
        %sub3A_429 = arith.constant 176 : i32
        %sub3A_430 = vector.broadcast %sub3A_429 : i32 to vector<16xi32>
        %sub3A_431 = arith.subi %shift_right_arithmetic3A_407, %sub3A_430 : vector<16xi32>
        %bitcast3A_432 = vector.bitcast %sub3A_431 : vector<16xi32> to vector<16xi32>
        %lt3A_433 = arith.constant 176 : i32
        %lt3A_434 = vector.broadcast %lt3A_433 : i32 to vector<16xi32>
        %lt3A_435 = arith.cmpi ult, %bitcast3A_432, %lt3A_434 : vector<16xi32>
        %mul3A_436 = arith.mulf %get3A_379, %get3A_391 : vector<16xf32>
        tpu.vector_store_idx %arg4[%sub3A_431, %and3A_410], %mul3A_436 masked %lt3A_435 {add = true} : memref<176x512xf32, #tpu.memory_space<vmem>>[vector<16xi32>, vector<16xi32>], vector<16xf32>, vector<16xi1>
        %mul3A_437 = arith.mulf %get3A_379, %get3A_395 : vector<16xf32>
        tpu.vector_store_idx %arg4[%sub3A_431, %add3A_413], %mul3A_437 masked %lt3A_435 {add = true} : memref<176x512xf32, #tpu.memory_space<vmem>>[vector<16xi32>, vector<16xi32>], vector<16xf32>, vector<16xi1>
        %mul3A_438 = arith.mulf %get3A_379, %get3A_399 : vector<16xf32>
        tpu.vector_store_idx %arg4[%sub3A_431, %min3A_419], %mul3A_438 masked %lt3A_435 {add = true} : memref<176x512xf32, #tpu.memory_space<vmem>>[vector<16xi32>, vector<16xi32>], vector<16xf32>, vector<16xi1>
        %sub3A_439 = arith.constant 176 : i32
        %sub3A_440 = vector.broadcast %sub3A_439 : i32 to vector<16xi32>
        %sub3A_441 = arith.subi %add3A_422, %sub3A_440 : vector<16xi32>
        %bitcast3A_442 = vector.bitcast %sub3A_441 : vector<16xi32> to vector<16xi32>
        %lt3A_443 = arith.constant 176 : i32
        %lt3A_444 = vector.broadcast %lt3A_443 : i32 to vector<16xi32>
        %lt3A_445 = arith.cmpi ult, %bitcast3A_442, %lt3A_444 : vector<16xi32>
        %mul3A_446 = arith.mulf %get3A_383, %get3A_391 : vector<16xf32>
        tpu.vector_store_idx %arg4[%sub3A_441, %and3A_410], %mul3A_446 masked %lt3A_445 {add = true} : memref<176x512xf32, #tpu.memory_space<vmem>>[vector<16xi32>, vector<16xi32>], vector<16xf32>, vector<16xi1>
        %mul3A_447 = arith.mulf %get3A_383, %get3A_395 : vector<16xf32>
        tpu.vector_store_idx %arg4[%sub3A_441, %add3A_413], %mul3A_447 masked %lt3A_445 {add = true} : memref<176x512xf32, #tpu.memory_space<vmem>>[vector<16xi32>, vector<16xi32>], vector<16xf32>, vector<16xi1>
        %mul3A_448 = arith.mulf %get3A_383, %get3A_399 : vector<16xf32>
        tpu.vector_store_idx %arg4[%sub3A_441, %min3A_419], %mul3A_448 masked %lt3A_445 {add = true} : memref<176x512xf32, #tpu.memory_space<vmem>>[vector<16xi32>, vector<16xi32>], vector<16xf32>, vector<16xi1>
        %sub3A_449 = arith.constant 176 : i32
        %sub3A_450 = vector.broadcast %sub3A_449 : i32 to vector<16xi32>
        %sub3A_451 = arith.subi %min3A_428, %sub3A_450 : vector<16xi32>
        %bitcast3A_452 = vector.bitcast %sub3A_451 : vector<16xi32> to vector<16xi32>
        %lt3A_453 = arith.constant 176 : i32
        %lt3A_454 = vector.broadcast %lt3A_453 : i32 to vector<16xi32>
        %lt3A_455 = arith.cmpi ult, %bitcast3A_452, %lt3A_454 : vector<16xi32>
        %mul3A_456 = arith.mulf %get3A_387, %get3A_391 : vector<16xf32>
        tpu.vector_store_idx %arg4[%sub3A_451, %and3A_410], %mul3A_456 masked %lt3A_455 {add = true} : memref<176x512xf32, #tpu.memory_space<vmem>>[vector<16xi32>, vector<16xi32>], vector<16xf32>, vector<16xi1>
        %mul3A_457 = arith.mulf %get3A_387, %get3A_395 : vector<16xf32>
        tpu.vector_store_idx %arg4[%sub3A_451, %add3A_413], %mul3A_457 masked %lt3A_455 {add = true} : memref<176x512xf32, #tpu.memory_space<vmem>>[vector<16xi32>, vector<16xi32>], vector<16xf32>, vector<16xi1>
        %mul3A_458 = arith.mulf %get3A_387, %get3A_399 : vector<16xf32>
        tpu.vector_store_idx %arg4[%sub3A_451, %min3A_419], %mul3A_458 masked %lt3A_455 {add = true} : memref<176x512xf32, #tpu.memory_space<vmem>>[vector<16xi32>, vector<16xi32>], vector<16xf32>, vector<16xi1>
        %scan3A_459 = arith.constant 0 : i32
        scf.yield %scan3A_459 : i32
      }
      %scan3A_87 = arith.constant 20 : i32
      %add3A_88 = arith.constant 1 : i32
      %add3A_89 = arith.addi %mul3A_65, %add3A_88 : i32
      %mul3A_90 = arith.constant 1280 : i32
      %mul3A_91 = arith.muli %add3A_89, %mul3A_90 : i32
      %add3A_92 = arith.addi %mul3A_2, %mul3A_91 : i32
      %dma_wait3A_93 = arith.constant 0 : i32
      %dma_wait3A_94 = tpu.memref_slice %arg2[%dma_wait3A_93, %add3A_92] : memref<7x819200xf32, #tpu.memory_space<hbm>> -> memref<7x1280xf32, #tpu.memory_space<hbm>>
      %dma_wait3A_95 = arith.constant 0 : i32
      %dma_wait3A_96 = tpu.memref_slice %arg2[%dma_wait3A_95, %add3A_92] : memref<7x819200xf32, #tpu.memory_space<hbm>> -> memref<7x1280xf32, #tpu.memory_space<hbm>>
      tpu.wait_dma2 semaphore(%arg8 : memref<!tpu.dma_semaphore, #tpu.memory_space<semaphore_mem>>) src(%dma_wait3A_96 : memref<7x1280xf32, #tpu.memory_space<hbm>>) dst(%arg6 : memref<7x1280xf32, #tpu.memory_space<vmem>>)
      %lt3A = arith.constant 9 : i32
      %lt3A_97 = arith.cmpi slt, %scan3A_62, %lt3A : i32
      %convert_element_type3A = arith.extui %lt3A_97 : i1 to i32
      %cond3A = arith.constant 0 : i32
      %cond3A_98 = arith.cmpi ne, %convert_element_type3A, %cond3A : i32
      scf.if %cond3A_98 {
        %add3A_107 = arith.constant 2 : i32
        %add3A_108 = arith.addi %mul3A_65, %add3A_107 : i32
        %mul3A_109 = arith.constant 1280 : i32
        %mul3A_110 = arith.muli %add3A_108, %mul3A_109 : i32
        %add3A_111 = arith.addi %mul3A_2, %mul3A_110 : i32
        %dma_start3A_112 = arith.constant 0 : i32
        %dma_start3A_113 = tpu.memref_slice %arg2[%dma_start3A_112, %add3A_111] : memref<7x819200xf32, #tpu.memory_space<hbm>> -> memref<7x1280xf32, #tpu.memory_space<hbm>>
        %dma_start3A_114 = arith.constant 0 : i32
        %dma_start3A_115 = tpu.memref_slice %arg2[%dma_start3A_114, %add3A_111] : memref<7x819200xf32, #tpu.memory_space<hbm>> -> memref<7x1280xf32, #tpu.memory_space<hbm>>
        tpu.enqueue_dma source(%dma_start3A_115 : memref<7x1280xf32, #tpu.memory_space<hbm>>) target(%arg5 : memref<7x1280xf32, #tpu.memory_space<vmem>>) target_semaphore(%arg7 : memref<!tpu.dma_semaphore, #tpu.memory_space<semaphore_mem>>)
      } else {
      }
      %scan3A_99 = arith.constant 0 : i32
      %scan3A_100 = arith.constant 0 : i32
      %scan3A_101 = arith.constant 20 : i32
      %scan3A_102 = arith.addi %scan3A_100, %scan3A_101 : i32
      %scan3A_103 = arith.constant 1 : i32
      %scan3A_104 = scf.for %scan3A_107 = %scan3A_100 to %scan3A_102 step %scan3A_103 iter_args(%scan3A_108 = %scan3A_99) -> (i32)  : i32 {
        %mul3A_109 = arith.constant 4 : i32
        %mul3A_110 = arith.muli %scan3A_107, %mul3A_109 : i32
        %add3A_111 = arith.constant 0 : i32
        %add3A_112 = arith.addi %mul3A_110, %add3A_111 : i32
        %mul3A_113 = arith.constant 16 : i32
        %mul3A_114 = arith.muli %add3A_112, %mul3A_113 : i32
        %get3A = arith.constant 0 : i32
        %get3A_115 = arith.index_cast %get3A : i32 to index
        %get3A_116 = arith.index_cast %mul3A_114 : i32 to index
        %get3A_117 = tpu.vector_load %arg6[%get3A_115, %get3A_116] {strides = array<i32>} : memref<7x1280xf32, #tpu.memory_space<vmem>>, vector<16xf32>,
        %get3A_118 = arith.constant 1 : i32
        %get3A_119 = arith.index_cast %get3A_118 : i32 to index
        %get3A_120 = arith.index_cast %mul3A_114 : i32 to index
        %get3A_121 = tpu.vector_load %arg6[%get3A_119, %get3A_120] {strides = array<i32>} : memref<7x1280xf32, #tpu.memory_space<vmem>>, vector<16xf32>,
        %get3A_122 = arith.constant 2 : i32
        %get3A_123 = arith.index_cast %get3A_122 : i32 to index
        %get3A_124 = arith.index_cast %mul3A_114 : i32 to index
        %get3A_125 = tpu.vector_load %arg6[%get3A_123, %get3A_124] {strides = array<i32>} : memref<7x1280xf32, #tpu.memory_space<vmem>>, vector<16xf32>,
        %get3A_126 = arith.constant 3 : i32
        %get3A_127 = arith.index_cast %get3A_126 : i32 to index
        %get3A_128 = arith.index_cast %mul3A_114 : i32 to index
        %get3A_129 = tpu.vector_load %arg6[%get3A_127, %get3A_128] {strides = array<i32>} : memref<7x1280xf32, #tpu.memory_space<vmem>>, vector<16xf32>,
        %get3A_130 = arith.constant 4 : i32
        %get3A_131 = arith.index_cast %get3A_130 : i32 to index
        %get3A_132 = arith.index_cast %mul3A_114 : i32 to index
        %get3A_133 = tpu.vector_load %arg6[%get3A_131, %get3A_132] {strides = array<i32>} : memref<7x1280xf32, #tpu.memory_space<vmem>>, vector<16xf32>,
        %get3A_134 = arith.constant 5 : i32
        %get3A_135 = arith.index_cast %get3A_134 : i32 to index
        %get3A_136 = arith.index_cast %mul3A_114 : i32 to index
        %get3A_137 = tpu.vector_load %arg6[%get3A_135, %get3A_136] {strides = array<i32>} : memref<7x1280xf32, #tpu.memory_space<vmem>>, vector<16xf32>,
        %get3A_138 = arith.constant 6 : i32
        %get3A_139 = arith.index_cast %get3A_138 : i32 to index
        %get3A_140 = arith.index_cast %mul3A_114 : i32 to index
        %get3A_141 = tpu.vector_load %arg6[%get3A_139, %get3A_140] {strides = array<i32>} : memref<7x1280xf32, #tpu.memory_space<vmem>>, vector<16xf32>,
        %bitcast3A = vector.bitcast %get3A_141 : vector<16xf32> to vector<16xi32>
        %shift_right_arithmetic3A = arith.constant 10 : i32
        %shift_right_arithmetic3A_142 = vector.broadcast %shift_right_arithmetic3A : i32 to vector<16xi32>
        %shift_right_arithmetic3A_143 = arith.shrsi %bitcast3A, %shift_right_arithmetic3A_142 : vector<16xi32>
        %and3A = arith.constant 1023 : i32
        %and3A_144 = vector.broadcast %and3A : i32 to vector<16xi32>
        %and3A_145 = arith.andi %bitcast3A, %and3A_144 : vector<16xi32>
        %add3A_146 = arith.constant 1 : i32
        %add3A_147 = vector.broadcast %add3A_146 : i32 to vector<16xi32>
        %add3A_148 = arith.addi %and3A_145, %add3A_147 : vector<16xi32>
        %add3A_149 = arith.constant 2 : i32
        %add3A_150 = vector.broadcast %add3A_149 : i32 to vector<16xi32>
        %add3A_151 = arith.addi %and3A_145, %add3A_150 : vector<16xi32>
        %min3A = arith.constant 511 : i32
        %min3A_152 = vector.broadcast %min3A : i32 to vector<16xi32>
        %min3A_153 = arith.minsi %add3A_151, %min3A_152 : vector<16xi32>
        %add3A_154 = arith.constant 1 : i32
        %add3A_155 = vector.broadcast %add3A_154 : i32 to vector<16xi32>
        %add3A_156 = arith.addi %shift_right_arithmetic3A_143, %add3A_155 : vector<16xi32>
        %add3A_157 = arith.constant 2 : i32
        %add3A_158 = vector.broadcast %add3A_157 : i32 to vector<16xi32>
        %add3A_159 = arith.addi %shift_right_arithmetic3A_143, %add3A_158 : vector<16xi32>
        %min3A_160 = arith.constant 511 : i32
        %min3A_161 = vector.broadcast %min3A_160 : i32 to vector<16xi32>
        %min3A_162 = arith.minsi %add3A_159, %min3A_161 : vector<16xi32>
        %sub3A = arith.constant 176 : i32
        %sub3A_163 = vector.broadcast %sub3A : i32 to vector<16xi32>
        %sub3A_164 = arith.subi %shift_right_arithmetic3A_143, %sub3A_163 : vector<16xi32>
        %bitcast3A_165 = vector.bitcast %sub3A_164 : vector<16xi32> to vector<16xi32>
        %lt3A_166 = arith.constant 176 : i32
        %lt3A_167 = vector.broadcast %lt3A_166 : i32 to vector<16xi32>
        %lt3A_168 = arith.cmpi ult, %bitcast3A_165, %lt3A_167 : vector<16xi32>
        %mul3A_169 = arith.mulf %get3A_117, %get3A_129 : vector<16xf32>
        tpu.vector_store_idx %arg4[%sub3A_164, %and3A_145], %mul3A_169 masked %lt3A_168 {add = true} : memref<176x512xf32, #tpu.memory_space<vmem>>[vector<16xi32>, vector<16xi32>], vector<16xf32>, vector<16xi1>
        %mul3A_170 = arith.mulf %get3A_117, %get3A_133 : vector<16xf32>
        tpu.vector_store_idx %arg4[%sub3A_164, %add3A_148], %mul3A_170 masked %lt3A_168 {add = true} : memref<176x512xf32, #tpu.memory_space<vmem>>[vector<16xi32>, vector<16xi32>], vector<16xf32>, vector<16xi1>
        %mul3A_171 = arith.mulf %get3A_117, %get3A_137 : vector<16xf32>
        tpu.vector_store_idx %arg4[%sub3A_164, %min3A_153], %mul3A_171 masked %lt3A_168 {add = true} : memref<176x512xf32, #tpu.memory_space<vmem>>[vector<16xi32>, vector<16xi32>], vector<16xf32>, vector<16xi1>
        %sub3A_172 = arith.constant 176 : i32
        %sub3A_173 = vector.broadcast %sub3A_172 : i32 to vector<16xi32>
        %sub3A_174 = arith.subi %add3A_156, %sub3A_173 : vector<16xi32>
        %bitcast3A_175 = vector.bitcast %sub3A_174 : vector<16xi32> to vector<16xi32>
        %lt3A_176 = arith.constant 176 : i32
        %lt3A_177 = vector.broadcast %lt3A_176 : i32 to vector<16xi32>
        %lt3A_178 = arith.cmpi ult, %bitcast3A_175, %lt3A_177 : vector<16xi32>
        %mul3A_179 = arith.mulf %get3A_121, %get3A_129 : vector<16xf32>
        tpu.vector_store_idx %arg4[%sub3A_174, %and3A_145], %mul3A_179 masked %lt3A_178 {add = true} : memref<176x512xf32, #tpu.memory_space<vmem>>[vector<16xi32>, vector<16xi32>], vector<16xf32>, vector<16xi1>
        %mul3A_180 = arith.mulf %get3A_121, %get3A_133 : vector<16xf32>
        tpu.vector_store_idx %arg4[%sub3A_174, %add3A_148], %mul3A_180 masked %lt3A_178 {add = true} : memref<176x512xf32, #tpu.memory_space<vmem>>[vector<16xi32>, vector<16xi32>], vector<16xf32>, vector<16xi1>
        %mul3A_181 = arith.mulf %get3A_121, %get3A_137 : vector<16xf32>
        tpu.vector_store_idx %arg4[%sub3A_174, %min3A_153], %mul3A_181 masked %lt3A_178 {add = true} : memref<176x512xf32, #tpu.memory_space<vmem>>[vector<16xi32>, vector<16xi32>], vector<16xf32>, vector<16xi1>
        %sub3A_182 = arith.constant 176 : i32
        %sub3A_183 = vector.broadcast %sub3A_182 : i32 to vector<16xi32>
        %sub3A_184 = arith.subi %min3A_162, %sub3A_183 : vector<16xi32>
        %bitcast3A_185 = vector.bitcast %sub3A_184 : vector<16xi32> to vector<16xi32>
        %lt3A_186 = arith.constant 176 : i32
        %lt3A_187 = vector.broadcast %lt3A_186 : i32 to vector<16xi32>
        %lt3A_188 = arith.cmpi ult, %bitcast3A_185, %lt3A_187 : vector<16xi32>
        %mul3A_189 = arith.mulf %get3A_125, %get3A_129 : vector<16xf32>
        tpu.vector_store_idx %arg4[%sub3A_184, %and3A_145], %mul3A_189 masked %lt3A_188 {add = true} : memref<176x512xf32, #tpu.memory_space<vmem>>[vector<16xi32>, vector<16xi32>], vector<16xf32>, vector<16xi1>
        %mul3A_190 = arith.mulf %get3A_125, %get3A_133 : vector<16xf32>
        tpu.vector_store_idx %arg4[%sub3A_184, %add3A_148], %mul3A_190 masked %lt3A_188 {add = true} : memref<176x512xf32, #tpu.memory_space<vmem>>[vector<16xi32>, vector<16xi32>], vector<16xf32>, vector<16xi1>
        %mul3A_191 = arith.mulf %get3A_125, %get3A_137 : vector<16xf32>
        tpu.vector_store_idx %arg4[%sub3A_184, %min3A_153], %mul3A_191 masked %lt3A_188 {add = true} : memref<176x512xf32, #tpu.memory_space<vmem>>[vector<16xi32>, vector<16xi32>], vector<16xf32>, vector<16xi1>
        %mul3A_192 = arith.constant 4 : i32
        %mul3A_193 = arith.muli %scan3A_107, %mul3A_192 : i32
        %add3A_194 = arith.constant 1 : i32
        %add3A_195 = arith.addi %mul3A_193, %add3A_194 : i32
        %mul3A_196 = arith.constant 16 : i32
        %mul3A_197 = arith.muli %add3A_195, %mul3A_196 : i32
        %get3A_198 = arith.constant 0 : i32
        %get3A_199 = arith.index_cast %get3A_198 : i32 to index
        %get3A_200 = arith.index_cast %mul3A_197 : i32 to index
        %get3A_201 = tpu.vector_load %arg6[%get3A_199, %get3A_200] {strides = array<i32>} : memref<7x1280xf32, #tpu.memory_space<vmem>>, vector<16xf32>,
        %get3A_202 = arith.constant 1 : i32
        %get3A_203 = arith.index_cast %get3A_202 : i32 to index
        %get3A_204 = arith.index_cast %mul3A_197 : i32 to index
        %get3A_205 = tpu.vector_load %arg6[%get3A_203, %get3A_204] {strides = array<i32>} : memref<7x1280xf32, #tpu.memory_space<vmem>>, vector<16xf32>,
        %get3A_206 = arith.constant 2 : i32
        %get3A_207 = arith.index_cast %get3A_206 : i32 to index
        %get3A_208 = arith.index_cast %mul3A_197 : i32 to index
        %get3A_209 = tpu.vector_load %arg6[%get3A_207, %get3A_208] {strides = array<i32>} : memref<7x1280xf32, #tpu.memory_space<vmem>>, vector<16xf32>,
        %get3A_210 = arith.constant 3 : i32
        %get3A_211 = arith.index_cast %get3A_210 : i32 to index
        %get3A_212 = arith.index_cast %mul3A_197 : i32 to index
        %get3A_213 = tpu.vector_load %arg6[%get3A_211, %get3A_212] {strides = array<i32>} : memref<7x1280xf32, #tpu.memory_space<vmem>>, vector<16xf32>,
        %get3A_214 = arith.constant 4 : i32
        %get3A_215 = arith.index_cast %get3A_214 : i32 to index
        %get3A_216 = arith.index_cast %mul3A_197 : i32 to index
        %get3A_217 = tpu.vector_load %arg6[%get3A_215, %get3A_216] {strides = array<i32>} : memref<7x1280xf32, #tpu.memory_space<vmem>>, vector<16xf32>,
        %get3A_218 = arith.constant 5 : i32
        %get3A_219 = arith.index_cast %get3A_218 : i32 to index
        %get3A_220 = arith.index_cast %mul3A_197 : i32 to index
        %get3A_221 = tpu.vector_load %arg6[%get3A_219, %get3A_220] {strides = array<i32>} : memref<7x1280xf32, #tpu.memory_space<vmem>>, vector<16xf32>,
        %get3A_222 = arith.constant 6 : i32
        %get3A_223 = arith.index_cast %get3A_222 : i32 to index
        %get3A_224 = arith.index_cast %mul3A_197 : i32 to index
        %get3A_225 = tpu.vector_load %arg6[%get3A_223, %get3A_224] {strides = array<i32>} : memref<7x1280xf32, #tpu.memory_space<vmem>>, vector<16xf32>,
        %bitcast3A_226 = vector.bitcast %get3A_225 : vector<16xf32> to vector<16xi32>
        %shift_right_arithmetic3A_227 = arith.constant 10 : i32
        %shift_right_arithmetic3A_228 = vector.broadcast %shift_right_arithmetic3A_227 : i32 to vector<16xi32>
        %shift_right_arithmetic3A_229 = arith.shrsi %bitcast3A_226, %shift_right_arithmetic3A_228 : vector<16xi32>
        %and3A_230 = arith.constant 1023 : i32
        %and3A_231 = vector.broadcast %and3A_230 : i32 to vector<16xi32>
        %and3A_232 = arith.andi %bitcast3A_226, %and3A_231 : vector<16xi32>
        %add3A_233 = arith.constant 1 : i32
        %add3A_234 = vector.broadcast %add3A_233 : i32 to vector<16xi32>
        %add3A_235 = arith.addi %and3A_232, %add3A_234 : vector<16xi32>
        %add3A_236 = arith.constant 2 : i32
        %add3A_237 = vector.broadcast %add3A_236 : i32 to vector<16xi32>
        %add3A_238 = arith.addi %and3A_232, %add3A_237 : vector<16xi32>
        %min3A_239 = arith.constant 511 : i32
        %min3A_240 = vector.broadcast %min3A_239 : i32 to vector<16xi32>
        %min3A_241 = arith.minsi %add3A_238, %min3A_240 : vector<16xi32>
        %add3A_242 = arith.constant 1 : i32
        %add3A_243 = vector.broadcast %add3A_242 : i32 to vector<16xi32>
        %add3A_244 = arith.addi %shift_right_arithmetic3A_229, %add3A_243 : vector<16xi32>
        %add3A_245 = arith.constant 2 : i32
        %add3A_246 = vector.broadcast %add3A_245 : i32 to vector<16xi32>
        %add3A_247 = arith.addi %shift_right_arithmetic3A_229, %add3A_246 : vector<16xi32>
        %min3A_248 = arith.constant 511 : i32
        %min3A_249 = vector.broadcast %min3A_248 : i32 to vector<16xi32>
        %min3A_250 = arith.minsi %add3A_247, %min3A_249 : vector<16xi32>
        %sub3A_251 = arith.constant 176 : i32
        %sub3A_252 = vector.broadcast %sub3A_251 : i32 to vector<16xi32>
        %sub3A_253 = arith.subi %shift_right_arithmetic3A_229, %sub3A_252 : vector<16xi32>
        %bitcast3A_254 = vector.bitcast %sub3A_253 : vector<16xi32> to vector<16xi32>
        %lt3A_255 = arith.constant 176 : i32
        %lt3A_256 = vector.broadcast %lt3A_255 : i32 to vector<16xi32>
        %lt3A_257 = arith.cmpi ult, %bitcast3A_254, %lt3A_256 : vector<16xi32>
        %mul3A_258 = arith.mulf %get3A_201, %get3A_213 : vector<16xf32>
        tpu.vector_store_idx %arg4[%sub3A_253, %and3A_232], %mul3A_258 masked %lt3A_257 {add = true} : memref<176x512xf32, #tpu.memory_space<vmem>>[vector<16xi32>, vector<16xi32>], vector<16xf32>, vector<16xi1>
        %mul3A_259 = arith.mulf %get3A_201, %get3A_217 : vector<16xf32>
        tpu.vector_store_idx %arg4[%sub3A_253, %add3A_235], %mul3A_259 masked %lt3A_257 {add = true} : memref<176x512xf32, #tpu.memory_space<vmem>>[vector<16xi32>, vector<16xi32>], vector<16xf32>, vector<16xi1>
        %mul3A_260 = arith.mulf %get3A_201, %get3A_221 : vector<16xf32>
        tpu.vector_store_idx %arg4[%sub3A_253, %min3A_241], %mul3A_260 masked %lt3A_257 {add = true} : memref<176x512xf32, #tpu.memory_space<vmem>>[vector<16xi32>, vector<16xi32>], vector<16xf32>, vector<16xi1>
        %sub3A_261 = arith.constant 176 : i32
        %sub3A_262 = vector.broadcast %sub3A_261 : i32 to vector<16xi32>
        %sub3A_263 = arith.subi %add3A_244, %sub3A_262 : vector<16xi32>
        %bitcast3A_264 = vector.bitcast %sub3A_263 : vector<16xi32> to vector<16xi32>
        %lt3A_265 = arith.constant 176 : i32
        %lt3A_266 = vector.broadcast %lt3A_265 : i32 to vector<16xi32>
        %lt3A_267 = arith.cmpi ult, %bitcast3A_264, %lt3A_266 : vector<16xi32>
        %mul3A_268 = arith.mulf %get3A_205, %get3A_213 : vector<16xf32>
        tpu.vector_store_idx %arg4[%sub3A_263, %and3A_232], %mul3A_268 masked %lt3A_267 {add = true} : memref<176x512xf32, #tpu.memory_space<vmem>>[vector<16xi32>, vector<16xi32>], vector<16xf32>, vector<16xi1>
        %mul3A_269 = arith.mulf %get3A_205, %get3A_217 : vector<16xf32>
        tpu.vector_store_idx %arg4[%sub3A_263, %add3A_235], %mul3A_269 masked %lt3A_267 {add = true} : memref<176x512xf32, #tpu.memory_space<vmem>>[vector<16xi32>, vector<16xi32>], vector<16xf32>, vector<16xi1>
        %mul3A_270 = arith.mulf %get3A_205, %get3A_221 : vector<16xf32>
        tpu.vector_store_idx %arg4[%sub3A_263, %min3A_241], %mul3A_270 masked %lt3A_267 {add = true} : memref<176x512xf32, #tpu.memory_space<vmem>>[vector<16xi32>, vector<16xi32>], vector<16xf32>, vector<16xi1>
        %sub3A_271 = arith.constant 176 : i32
        %sub3A_272 = vector.broadcast %sub3A_271 : i32 to vector<16xi32>
        %sub3A_273 = arith.subi %min3A_250, %sub3A_272 : vector<16xi32>
        %bitcast3A_274 = vector.bitcast %sub3A_273 : vector<16xi32> to vector<16xi32>
        %lt3A_275 = arith.constant 176 : i32
        %lt3A_276 = vector.broadcast %lt3A_275 : i32 to vector<16xi32>
        %lt3A_277 = arith.cmpi ult, %bitcast3A_274, %lt3A_276 : vector<16xi32>
        %mul3A_278 = arith.mulf %get3A_209, %get3A_213 : vector<16xf32>
        tpu.vector_store_idx %arg4[%sub3A_273, %and3A_232], %mul3A_278 masked %lt3A_277 {add = true} : memref<176x512xf32, #tpu.memory_space<vmem>>[vector<16xi32>, vector<16xi32>], vector<16xf32>, vector<16xi1>
        %mul3A_279 = arith.mulf %get3A_209, %get3A_217 : vector<16xf32>
        tpu.vector_store_idx %arg4[%sub3A_273, %add3A_235], %mul3A_279 masked %lt3A_277 {add = true} : memref<176x512xf32, #tpu.memory_space<vmem>>[vector<16xi32>, vector<16xi32>], vector<16xf32>, vector<16xi1>
        %mul3A_280 = arith.mulf %get3A_209, %get3A_221 : vector<16xf32>
        tpu.vector_store_idx %arg4[%sub3A_273, %min3A_241], %mul3A_280 masked %lt3A_277 {add = true} : memref<176x512xf32, #tpu.memory_space<vmem>>[vector<16xi32>, vector<16xi32>], vector<16xf32>, vector<16xi1>
        %mul3A_281 = arith.constant 4 : i32
        %mul3A_282 = arith.muli %scan3A_107, %mul3A_281 : i32
        %add3A_283 = arith.constant 2 : i32
        %add3A_284 = arith.addi %mul3A_282, %add3A_283 : i32
        %mul3A_285 = arith.constant 16 : i32
        %mul3A_286 = arith.muli %add3A_284, %mul3A_285 : i32
        %get3A_287 = arith.constant 0 : i32
        %get3A_288 = arith.index_cast %get3A_287 : i32 to index
        %get3A_289 = arith.index_cast %mul3A_286 : i32 to index
        %get3A_290 = tpu.vector_load %arg6[%get3A_288, %get3A_289] {strides = array<i32>} : memref<7x1280xf32, #tpu.memory_space<vmem>>, vector<16xf32>,
        %get3A_291 = arith.constant 1 : i32
        %get3A_292 = arith.index_cast %get3A_291 : i32 to index
        %get3A_293 = arith.index_cast %mul3A_286 : i32 to index
        %get3A_294 = tpu.vector_load %arg6[%get3A_292, %get3A_293] {strides = array<i32>} : memref<7x1280xf32, #tpu.memory_space<vmem>>, vector<16xf32>,
        %get3A_295 = arith.constant 2 : i32
        %get3A_296 = arith.index_cast %get3A_295 : i32 to index
        %get3A_297 = arith.index_cast %mul3A_286 : i32 to index
        %get3A_298 = tpu.vector_load %arg6[%get3A_296, %get3A_297] {strides = array<i32>} : memref<7x1280xf32, #tpu.memory_space<vmem>>, vector<16xf32>,
        %get3A_299 = arith.constant 3 : i32
        %get3A_300 = arith.index_cast %get3A_299 : i32 to index
        %get3A_301 = arith.index_cast %mul3A_286 : i32 to index
        %get3A_302 = tpu.vector_load %arg6[%get3A_300, %get3A_301] {strides = array<i32>} : memref<7x1280xf32, #tpu.memory_space<vmem>>, vector<16xf32>,
        %get3A_303 = arith.constant 4 : i32
        %get3A_304 = arith.index_cast %get3A_303 : i32 to index
        %get3A_305 = arith.index_cast %mul3A_286 : i32 to index
        %get3A_306 = tpu.vector_load %arg6[%get3A_304, %get3A_305] {strides = array<i32>} : memref<7x1280xf32, #tpu.memory_space<vmem>>, vector<16xf32>,
        %get3A_307 = arith.constant 5 : i32
        %get3A_308 = arith.index_cast %get3A_307 : i32 to index
        %get3A_309 = arith.index_cast %mul3A_286 : i32 to index
        %get3A_310 = tpu.vector_load %arg6[%get3A_308, %get3A_309] {strides = array<i32>} : memref<7x1280xf32, #tpu.memory_space<vmem>>, vector<16xf32>,
        %get3A_311 = arith.constant 6 : i32
        %get3A_312 = arith.index_cast %get3A_311 : i32 to index
        %get3A_313 = arith.index_cast %mul3A_286 : i32 to index
        %get3A_314 = tpu.vector_load %arg6[%get3A_312, %get3A_313] {strides = array<i32>} : memref<7x1280xf32, #tpu.memory_space<vmem>>, vector<16xf32>,
        %bitcast3A_315 = vector.bitcast %get3A_314 : vector<16xf32> to vector<16xi32>
        %shift_right_arithmetic3A_316 = arith.constant 10 : i32
        %shift_right_arithmetic3A_317 = vector.broadcast %shift_right_arithmetic3A_316 : i32 to vector<16xi32>
        %shift_right_arithmetic3A_318 = arith.shrsi %bitcast3A_315, %shift_right_arithmetic3A_317 : vector<16xi32>
        %and3A_319 = arith.constant 1023 : i32
        %and3A_320 = vector.broadcast %and3A_319 : i32 to vector<16xi32>
        %and3A_321 = arith.andi %bitcast3A_315, %and3A_320 : vector<16xi32>
        %add3A_322 = arith.constant 1 : i32
        %add3A_323 = vector.broadcast %add3A_322 : i32 to vector<16xi32>
        %add3A_324 = arith.addi %and3A_321, %add3A_323 : vector<16xi32>
        %add3A_325 = arith.constant 2 : i32
        %add3A_326 = vector.broadcast %add3A_325 : i32 to vector<16xi32>
        %add3A_327 = arith.addi %and3A_321, %add3A_326 : vector<16xi32>
        %min3A_328 = arith.constant 511 : i32
        %min3A_329 = vector.broadcast %min3A_328 : i32 to vector<16xi32>
        %min3A_330 = arith.minsi %add3A_327, %min3A_329 : vector<16xi32>
        %add3A_331 = arith.constant 1 : i32
        %add3A_332 = vector.broadcast %add3A_331 : i32 to vector<16xi32>
        %add3A_333 = arith.addi %shift_right_arithmetic3A_318, %add3A_332 : vector<16xi32>
        %add3A_334 = arith.constant 2 : i32
        %add3A_335 = vector.broadcast %add3A_334 : i32 to vector<16xi32>
        %add3A_336 = arith.addi %shift_right_arithmetic3A_318, %add3A_335 : vector<16xi32>
        %min3A_337 = arith.constant 511 : i32
        %min3A_338 = vector.broadcast %min3A_337 : i32 to vector<16xi32>
        %min3A_339 = arith.minsi %add3A_336, %min3A_338 : vector<16xi32>
        %sub3A_340 = arith.constant 176 : i32
        %sub3A_341 = vector.broadcast %sub3A_340 : i32 to vector<16xi32>
        %sub3A_342 = arith.subi %shift_right_arithmetic3A_318, %sub3A_341 : vector<16xi32>
        %bitcast3A_343 = vector.bitcast %sub3A_342 : vector<16xi32> to vector<16xi32>
        %lt3A_344 = arith.constant 176 : i32
        %lt3A_345 = vector.broadcast %lt3A_344 : i32 to vector<16xi32>
        %lt3A_346 = arith.cmpi ult, %bitcast3A_343, %lt3A_345 : vector<16xi32>
        %mul3A_347 = arith.mulf %get3A_290, %get3A_302 : vector<16xf32>
        tpu.vector_store_idx %arg4[%sub3A_342, %and3A_321], %mul3A_347 masked %lt3A_346 {add = true} : memref<176x512xf32, #tpu.memory_space<vmem>>[vector<16xi32>, vector<16xi32>], vector<16xf32>, vector<16xi1>
        %mul3A_348 = arith.mulf %get3A_290, %get3A_306 : vector<16xf32>
        tpu.vector_store_idx %arg4[%sub3A_342, %add3A_324], %mul3A_348 masked %lt3A_346 {add = true} : memref<176x512xf32, #tpu.memory_space<vmem>>[vector<16xi32>, vector<16xi32>], vector<16xf32>, vector<16xi1>
        %mul3A_349 = arith.mulf %get3A_290, %get3A_310 : vector<16xf32>
        tpu.vector_store_idx %arg4[%sub3A_342, %min3A_330], %mul3A_349 masked %lt3A_346 {add = true} : memref<176x512xf32, #tpu.memory_space<vmem>>[vector<16xi32>, vector<16xi32>], vector<16xf32>, vector<16xi1>
        %sub3A_350 = arith.constant 176 : i32
        %sub3A_351 = vector.broadcast %sub3A_350 : i32 to vector<16xi32>
        %sub3A_352 = arith.subi %add3A_333, %sub3A_351 : vector<16xi32>
        %bitcast3A_353 = vector.bitcast %sub3A_352 : vector<16xi32> to vector<16xi32>
        %lt3A_354 = arith.constant 176 : i32
        %lt3A_355 = vector.broadcast %lt3A_354 : i32 to vector<16xi32>
        %lt3A_356 = arith.cmpi ult, %bitcast3A_353, %lt3A_355 : vector<16xi32>
        %mul3A_357 = arith.mulf %get3A_294, %get3A_302 : vector<16xf32>
        tpu.vector_store_idx %arg4[%sub3A_352, %and3A_321], %mul3A_357 masked %lt3A_356 {add = true} : memref<176x512xf32, #tpu.memory_space<vmem>>[vector<16xi32>, vector<16xi32>], vector<16xf32>, vector<16xi1>
        %mul3A_358 = arith.mulf %get3A_294, %get3A_306 : vector<16xf32>
        tpu.vector_store_idx %arg4[%sub3A_352, %add3A_324], %mul3A_358 masked %lt3A_356 {add = true} : memref<176x512xf32, #tpu.memory_space<vmem>>[vector<16xi32>, vector<16xi32>], vector<16xf32>, vector<16xi1>
        %mul3A_359 = arith.mulf %get3A_294, %get3A_310 : vector<16xf32>
        tpu.vector_store_idx %arg4[%sub3A_352, %min3A_330], %mul3A_359 masked %lt3A_356 {add = true} : memref<176x512xf32, #tpu.memory_space<vmem>>[vector<16xi32>, vector<16xi32>], vector<16xf32>, vector<16xi1>
        %sub3A_360 = arith.constant 176 : i32
        %sub3A_361 = vector.broadcast %sub3A_360 : i32 to vector<16xi32>
        %sub3A_362 = arith.subi %min3A_339, %sub3A_361 : vector<16xi32>
        %bitcast3A_363 = vector.bitcast %sub3A_362 : vector<16xi32> to vector<16xi32>
        %lt3A_364 = arith.constant 176 : i32
        %lt3A_365 = vector.broadcast %lt3A_364 : i32 to vector<16xi32>
        %lt3A_366 = arith.cmpi ult, %bitcast3A_363, %lt3A_365 : vector<16xi32>
        %mul3A_367 = arith.mulf %get3A_298, %get3A_302 : vector<16xf32>
        tpu.vector_store_idx %arg4[%sub3A_362, %and3A_321], %mul3A_367 masked %lt3A_366 {add = true} : memref<176x512xf32, #tpu.memory_space<vmem>>[vector<16xi32>, vector<16xi32>], vector<16xf32>, vector<16xi1>
        %mul3A_368 = arith.mulf %get3A_298, %get3A_306 : vector<16xf32>
        tpu.vector_store_idx %arg4[%sub3A_362, %add3A_324], %mul3A_368 masked %lt3A_366 {add = true} : memref<176x512xf32, #tpu.memory_space<vmem>>[vector<16xi32>, vector<16xi32>], vector<16xf32>, vector<16xi1>
        %mul3A_369 = arith.mulf %get3A_298, %get3A_310 : vector<16xf32>
        tpu.vector_store_idx %arg4[%sub3A_362, %min3A_330], %mul3A_369 masked %lt3A_366 {add = true} : memref<176x512xf32, #tpu.memory_space<vmem>>[vector<16xi32>, vector<16xi32>], vector<16xf32>, vector<16xi1>
        %mul3A_370 = arith.constant 4 : i32
        %mul3A_371 = arith.muli %scan3A_107, %mul3A_370 : i32
        %add3A_372 = arith.constant 3 : i32
        %add3A_373 = arith.addi %mul3A_371, %add3A_372 : i32
        %mul3A_374 = arith.constant 16 : i32
        %mul3A_375 = arith.muli %add3A_373, %mul3A_374 : i32
        %get3A_376 = arith.constant 0 : i32
        %get3A_377 = arith.index_cast %get3A_376 : i32 to index
        %get3A_378 = arith.index_cast %mul3A_375 : i32 to index
        %get3A_379 = tpu.vector_load %arg6[%get3A_377, %get3A_378] {strides = array<i32>} : memref<7x1280xf32, #tpu.memory_space<vmem>>, vector<16xf32>,
        %get3A_380 = arith.constant 1 : i32
        %get3A_381 = arith.index_cast %get3A_380 : i32 to index
        %get3A_382 = arith.index_cast %mul3A_375 : i32 to index
        %get3A_383 = tpu.vector_load %arg6[%get3A_381, %get3A_382] {strides = array<i32>} : memref<7x1280xf32, #tpu.memory_space<vmem>>, vector<16xf32>,
        %get3A_384 = arith.constant 2 : i32
        %get3A_385 = arith.index_cast %get3A_384 : i32 to index
        %get3A_386 = arith.index_cast %mul3A_375 : i32 to index
        %get3A_387 = tpu.vector_load %arg6[%get3A_385, %get3A_386] {strides = array<i32>} : memref<7x1280xf32, #tpu.memory_space<vmem>>, vector<16xf32>,
        %get3A_388 = arith.constant 3 : i32
        %get3A_389 = arith.index_cast %get3A_388 : i32 to index
        %get3A_390 = arith.index_cast %mul3A_375 : i32 to index
        %get3A_391 = tpu.vector_load %arg6[%get3A_389, %get3A_390] {strides = array<i32>} : memref<7x1280xf32, #tpu.memory_space<vmem>>, vector<16xf32>,
        %get3A_392 = arith.constant 4 : i32
        %get3A_393 = arith.index_cast %get3A_392 : i32 to index
        %get3A_394 = arith.index_cast %mul3A_375 : i32 to index
        %get3A_395 = tpu.vector_load %arg6[%get3A_393, %get3A_394] {strides = array<i32>} : memref<7x1280xf32, #tpu.memory_space<vmem>>, vector<16xf32>,
        %get3A_396 = arith.constant 5 : i32
        %get3A_397 = arith.index_cast %get3A_396 : i32 to index
        %get3A_398 = arith.index_cast %mul3A_375 : i32 to index
        %get3A_399 = tpu.vector_load %arg6[%get3A_397, %get3A_398] {strides = array<i32>} : memref<7x1280xf32, #tpu.memory_space<vmem>>, vector<16xf32>,
        %get3A_400 = arith.constant 6 : i32
        %get3A_401 = arith.index_cast %get3A_400 : i32 to index
        %get3A_402 = arith.index_cast %mul3A_375 : i32 to index
        %get3A_403 = tpu.vector_load %arg6[%get3A_401, %get3A_402] {strides = array<i32>} : memref<7x1280xf32, #tpu.memory_space<vmem>>, vector<16xf32>,
        %bitcast3A_404 = vector.bitcast %get3A_403 : vector<16xf32> to vector<16xi32>
        %shift_right_arithmetic3A_405 = arith.constant 10 : i32
        %shift_right_arithmetic3A_406 = vector.broadcast %shift_right_arithmetic3A_405 : i32 to vector<16xi32>
        %shift_right_arithmetic3A_407 = arith.shrsi %bitcast3A_404, %shift_right_arithmetic3A_406 : vector<16xi32>
        %and3A_408 = arith.constant 1023 : i32
        %and3A_409 = vector.broadcast %and3A_408 : i32 to vector<16xi32>
        %and3A_410 = arith.andi %bitcast3A_404, %and3A_409 : vector<16xi32>
        %add3A_411 = arith.constant 1 : i32
        %add3A_412 = vector.broadcast %add3A_411 : i32 to vector<16xi32>
        %add3A_413 = arith.addi %and3A_410, %add3A_412 : vector<16xi32>
        %add3A_414 = arith.constant 2 : i32
        %add3A_415 = vector.broadcast %add3A_414 : i32 to vector<16xi32>
        %add3A_416 = arith.addi %and3A_410, %add3A_415 : vector<16xi32>
        %min3A_417 = arith.constant 511 : i32
        %min3A_418 = vector.broadcast %min3A_417 : i32 to vector<16xi32>
        %min3A_419 = arith.minsi %add3A_416, %min3A_418 : vector<16xi32>
        %add3A_420 = arith.constant 1 : i32
        %add3A_421 = vector.broadcast %add3A_420 : i32 to vector<16xi32>
        %add3A_422 = arith.addi %shift_right_arithmetic3A_407, %add3A_421 : vector<16xi32>
        %add3A_423 = arith.constant 2 : i32
        %add3A_424 = vector.broadcast %add3A_423 : i32 to vector<16xi32>
        %add3A_425 = arith.addi %shift_right_arithmetic3A_407, %add3A_424 : vector<16xi32>
        %min3A_426 = arith.constant 511 : i32
        %min3A_427 = vector.broadcast %min3A_426 : i32 to vector<16xi32>
        %min3A_428 = arith.minsi %add3A_425, %min3A_427 : vector<16xi32>
        %sub3A_429 = arith.constant 176 : i32
        %sub3A_430 = vector.broadcast %sub3A_429 : i32 to vector<16xi32>
        %sub3A_431 = arith.subi %shift_right_arithmetic3A_407, %sub3A_430 : vector<16xi32>
        %bitcast3A_432 = vector.bitcast %sub3A_431 : vector<16xi32> to vector<16xi32>
        %lt3A_433 = arith.constant 176 : i32
        %lt3A_434 = vector.broadcast %lt3A_433 : i32 to vector<16xi32>
        %lt3A_435 = arith.cmpi ult, %bitcast3A_432, %lt3A_434 : vector<16xi32>
        %mul3A_436 = arith.mulf %get3A_379, %get3A_391 : vector<16xf32>
        tpu.vector_store_idx %arg4[%sub3A_431, %and3A_410], %mul3A_436 masked %lt3A_435 {add = true} : memref<176x512xf32, #tpu.memory_space<vmem>>[vector<16xi32>, vector<16xi32>], vector<16xf32>, vector<16xi1>
        %mul3A_437 = arith.mulf %get3A_379, %get3A_395 : vector<16xf32>
        tpu.vector_store_idx %arg4[%sub3A_431, %add3A_413], %mul3A_437 masked %lt3A_435 {add = true} : memref<176x512xf32, #tpu.memory_space<vmem>>[vector<16xi32>, vector<16xi32>], vector<16xf32>, vector<16xi1>
        %mul3A_438 = arith.mulf %get3A_379, %get3A_399 : vector<16xf32>
        tpu.vector_store_idx %arg4[%sub3A_431, %min3A_419], %mul3A_438 masked %lt3A_435 {add = true} : memref<176x512xf32, #tpu.memory_space<vmem>>[vector<16xi32>, vector<16xi32>], vector<16xf32>, vector<16xi1>
        %sub3A_439 = arith.constant 176 : i32
        %sub3A_440 = vector.broadcast %sub3A_439 : i32 to vector<16xi32>
        %sub3A_441 = arith.subi %add3A_422, %sub3A_440 : vector<16xi32>
        %bitcast3A_442 = vector.bitcast %sub3A_441 : vector<16xi32> to vector<16xi32>
        %lt3A_443 = arith.constant 176 : i32
        %lt3A_444 = vector.broadcast %lt3A_443 : i32 to vector<16xi32>
        %lt3A_445 = arith.cmpi ult, %bitcast3A_442, %lt3A_444 : vector<16xi32>
        %mul3A_446 = arith.mulf %get3A_383, %get3A_391 : vector<16xf32>
        tpu.vector_store_idx %arg4[%sub3A_441, %and3A_410], %mul3A_446 masked %lt3A_445 {add = true} : memref<176x512xf32, #tpu.memory_space<vmem>>[vector<16xi32>, vector<16xi32>], vector<16xf32>, vector<16xi1>
        %mul3A_447 = arith.mulf %get3A_383, %get3A_395 : vector<16xf32>
        tpu.vector_store_idx %arg4[%sub3A_441, %add3A_413], %mul3A_447 masked %lt3A_445 {add = true} : memref<176x512xf32, #tpu.memory_space<vmem>>[vector<16xi32>, vector<16xi32>], vector<16xf32>, vector<16xi1>
        %mul3A_448 = arith.mulf %get3A_383, %get3A_399 : vector<16xf32>
        tpu.vector_store_idx %arg4[%sub3A_441, %min3A_419], %mul3A_448 masked %lt3A_445 {add = true} : memref<176x512xf32, #tpu.memory_space<vmem>>[vector<16xi32>, vector<16xi32>], vector<16xf32>, vector<16xi1>
        %sub3A_449 = arith.constant 176 : i32
        %sub3A_450 = vector.broadcast %sub3A_449 : i32 to vector<16xi32>
        %sub3A_451 = arith.subi %min3A_428, %sub3A_450 : vector<16xi32>
        %bitcast3A_452 = vector.bitcast %sub3A_451 : vector<16xi32> to vector<16xi32>
        %lt3A_453 = arith.constant 176 : i32
        %lt3A_454 = vector.broadcast %lt3A_453 : i32 to vector<16xi32>
        %lt3A_455 = arith.cmpi ult, %bitcast3A_452, %lt3A_454 : vector<16xi32>
        %mul3A_456 = arith.mulf %get3A_387, %get3A_391 : vector<16xf32>
        tpu.vector_store_idx %arg4[%sub3A_451, %and3A_410], %mul3A_456 masked %lt3A_455 {add = true} : memref<176x512xf32, #tpu.memory_space<vmem>>[vector<16xi32>, vector<16xi32>], vector<16xf32>, vector<16xi1>
        %mul3A_457 = arith.mulf %get3A_387, %get3A_395 : vector<16xf32>
        tpu.vector_store_idx %arg4[%sub3A_451, %add3A_413], %mul3A_457 masked %lt3A_455 {add = true} : memref<176x512xf32, #tpu.memory_space<vmem>>[vector<16xi32>, vector<16xi32>], vector<16xf32>, vector<16xi1>
        %mul3A_458 = arith.mulf %get3A_387, %get3A_399 : vector<16xf32>
        tpu.vector_store_idx %arg4[%sub3A_451, %min3A_419], %mul3A_458 masked %lt3A_455 {add = true} : memref<176x512xf32, #tpu.memory_space<vmem>>[vector<16xi32>, vector<16xi32>], vector<16xf32>, vector<16xi1>
        %scan3A_459 = arith.constant 0 : i32
        scf.yield %scan3A_459 : i32
      }
      %scan3A_105 = arith.constant 20 : i32
      %scan3A_106 = arith.constant 0 : i32
      scf.yield %scan3A_106 : i32
    }
    %scan3A_41 = arith.constant 10 : i32
    "tpu.region"() ({
      %run_scoped3A = tpu.sem_alloc : memref<!tpu.dma_semaphore, #tpu.memory_space<semaphore_mem>>
      %dma_start3A_62 = arith.constant 0 : i32
      %dma_start3A_63 = arith.constant 0 : i32
      %dma_start3A_64 = tpu.memref_slice %arg4[%dma_start3A_62, %dma_start3A_63] : memref<176x512xf32, #tpu.memory_space<vmem>> -> memref<176x512xf32, #tpu.memory_space<vmem>>
      %dma_start3A_65 = arith.constant 176 : i32
      %dma_start3A_66 = arith.constant 0 : i32
      %dma_start3A_67 = tpu.memref_slice %arg3[%add3A, %dma_start3A_65, %dma_start3A_66] : memref<32x512x512xf32, #tpu.memory_space<hbm>> -> memref<1x176x512xf32, #tpu.memory_space<hbm>>
      %dma_start3A_68 = tpu.memref_squeeze %dma_start3A_67 : memref<1x176x512xf32, #tpu.memory_space<hbm>> -> memref<176x512xf32, #tpu.memory_space<hbm>>
      %dma_start3A_69 = arith.constant 176 : i32
      %dma_start3A_70 = arith.constant 0 : i32
      %dma_start3A_71 = tpu.memref_slice %arg3[%add3A, %dma_start3A_69, %dma_start3A_70] : memref<32x512x512xf32, #tpu.memory_space<hbm>> -> memref<1x176x512xf32, #tpu.memory_space<hbm>>
      %dma_start3A_72 = tpu.memref_squeeze %dma_start3A_71 : memref<1x176x512xf32, #tpu.memory_space<hbm>> -> memref<176x512xf32, #tpu.memory_space<hbm>>
      %dma_start3A_73 = arith.constant 0 : i32
      %dma_start3A_74 = arith.constant 0 : i32
      %dma_start3A_75 = tpu.memref_slice %arg4[%dma_start3A_73, %dma_start3A_74] : memref<176x512xf32, #tpu.memory_space<vmem>> -> memref<176x512xf32, #tpu.memory_space<vmem>>
      tpu.enqueue_dma source(%dma_start3A_75 : memref<176x512xf32, #tpu.memory_space<vmem>>) target(%dma_start3A_72 : memref<176x512xf32, #tpu.memory_space<hbm>>) target_semaphore(%run_scoped3A : memref<!tpu.dma_semaphore, #tpu.memory_space<semaphore_mem>>)
      %dma_wait3A = arith.constant 0 : i32
      %dma_wait3A_76 = arith.constant 0 : i32
      %dma_wait3A_77 = tpu.memref_slice %arg4[%dma_wait3A, %dma_wait3A_76] : memref<176x512xf32, #tpu.memory_space<vmem>> -> memref<176x512xf32, #tpu.memory_space<vmem>>
      %dma_wait3A_78 = arith.constant 176 : i32
      %dma_wait3A_79 = arith.constant 0 : i32
      %dma_wait3A_80 = tpu.memref_slice %arg3[%add3A, %dma_wait3A_78, %dma_wait3A_79] : memref<32x512x512xf32, #tpu.memory_space<hbm>> -> memref<1x176x512xf32, #tpu.memory_space<hbm>>
      %dma_wait3A_81 = tpu.memref_squeeze %dma_wait3A_80 : memref<1x176x512xf32, #tpu.memory_space<hbm>> -> memref<176x512xf32, #tpu.memory_space<hbm>>
      %dma_wait3A_82 = arith.constant 176 : i32
      %dma_wait3A_83 = arith.constant 0 : i32
      %dma_wait3A_84 = tpu.memref_slice %arg3[%add3A, %dma_wait3A_82, %dma_wait3A_83] : memref<32x512x512xf32, #tpu.memory_space<hbm>> -> memref<1x176x512xf32, #tpu.memory_space<hbm>>
      %dma_wait3A_85 = tpu.memref_squeeze %dma_wait3A_84 : memref<1x176x512xf32, #tpu.memory_space<hbm>> -> memref<176x512xf32, #tpu.memory_space<hbm>>
      %dma_wait3A_86 = arith.constant 0 : i32
      %dma_wait3A_87 = arith.constant 0 : i32
      %dma_wait3A_88 = tpu.memref_slice %arg4[%dma_wait3A_86, %dma_wait3A_87] : memref<176x512xf32, #tpu.memory_space<vmem>> -> memref<176x512xf32, #tpu.memory_space<vmem>>
      tpu.wait_dma2 semaphore(%run_scoped3A : memref<!tpu.dma_semaphore, #tpu.memory_space<semaphore_mem>>) src(%dma_wait3A_88 : memref<176x512xf32, #tpu.memory_space<vmem>>) dst(%dma_wait3A_85 : memref<176x512xf32, #tpu.memory_space<hbm>>)
      tpu.yield
    }) : () -> ()
    %add3A_42 = arith.constant 0 : i32
    %add3A_43 = arith.addi %mul3A_2, %add3A_42 : i32
    %dma_start3A_44 = arith.constant 0 : i32
    %dma_start3A_45 = tpu.memref_slice %arg2[%dma_start3A_44, %add3A_43] : memref<7x819200xf32, #tpu.memory_space<hbm>> -> memref<7x1280xf32, #tpu.memory_space<hbm>>
    %dma_start3A_46 = arith.constant 0 : i32
    %dma_start3A_47 = tpu.memref_slice %arg2[%dma_start3A_46, %add3A_43] : memref<7x819200xf32, #tpu.memory_space<hbm>> -> memref<7x1280xf32, #tpu.memory_space<hbm>>
    tpu.enqueue_dma source(%dma_start3A_47 : memref<7x1280xf32, #tpu.memory_space<hbm>>) target(%arg5 : memref<7x1280xf32, #tpu.memory_space<vmem>>) target_semaphore(%arg7 : memref<!tpu.dma_semaphore, #tpu.memory_space<semaphore_mem>>)
    %scan3A_48 = arith.constant 0 : i32
    %scan3A_49 = arith.constant 0 : i32
    %scan3A_50 = arith.constant 160 : i32
    %scan3A_51 = arith.addi %scan3A_49, %scan3A_50 : i32
    %scan3A_52 = arith.constant 1 : i32
    %scan3A_53 = scf.for %scan3A_62 = %scan3A_49 to %scan3A_51 step %scan3A_52 iter_args(%scan3A_63 = %scan3A_48) -> (i32)  : i32 {
      %swap3A = arith.index_cast %scan3A_62 : i32 to index
      %swap3A_64 = arith.constant 0 : index
      %swap3A_65 = tpu.vector_load %arg4[%swap3A, %swap3A_64] {strides = array<i32>} : memref<176x512xf32, #tpu.memory_space<vmem>>, vector<16xf32>,
      tpu.vector_store %arg4[%swap3A, %swap3A_64], %broadcast_in_dim3A_3 {strides = array<i32>} : memref<176x512xf32, #tpu.memory_space<vmem>>, vector<16xf32>,
      %swap3A_66 = arith.index_cast %scan3A_62 : i32 to index
      %swap3A_67 = arith.constant 16 : index
      %swap3A_68 = tpu.vector_load %arg4[%swap3A_66, %swap3A_67] {strides = array<i32>} : memref<176x512xf32, #tpu.memory_space<vmem>>, vector<16xf32>,
      tpu.vector_store %arg4[%swap3A_66, %swap3A_67], %broadcast_in_dim3A_3 {strides = array<i32>} : memref<176x512xf32, #tpu.memory_space<vmem>>, vector<16xf32>,
      %swap3A_69 = arith.index_cast %scan3A_62 : i32 to index
      %swap3A_70 = arith.constant 32 : index
      %swap3A_71 = tpu.vector_load %arg4[%swap3A_69, %swap3A_70] {strides = array<i32>} : memref<176x512xf32, #tpu.memory_space<vmem>>, vector<16xf32>,
      tpu.vector_store %arg4[%swap3A_69, %swap3A_70], %broadcast_in_dim3A_3 {strides = array<i32>} : memref<176x512xf32, #tpu.memory_space<vmem>>, vector<16xf32>,
      %swap3A_72 = arith.index_cast %scan3A_62 : i32 to index
      %swap3A_73 = arith.constant 48 : index
      %swap3A_74 = tpu.vector_load %arg4[%swap3A_72, %swap3A_73] {strides = array<i32>} : memref<176x512xf32, #tpu.memory_space<vmem>>, vector<16xf32>,
      tpu.vector_store %arg4[%swap3A_72, %swap3A_73], %broadcast_in_dim3A_3 {strides = array<i32>} : memref<176x512xf32, #tpu.memory_space<vmem>>, vector<16xf32>,
      %swap3A_75 = arith.index_cast %scan3A_62 : i32 to index
      %swap3A_76 = arith.constant 64 : index
      %swap3A_77 = tpu.vector_load %arg4[%swap3A_75, %swap3A_76] {strides = array<i32>} : memref<176x512xf32, #tpu.memory_space<vmem>>, vector<16xf32>,
      tpu.vector_store %arg4[%swap3A_75, %swap3A_76], %broadcast_in_dim3A_3 {strides = array<i32>} : memref<176x512xf32, #tpu.memory_space<vmem>>, vector<16xf32>,
      %swap3A_78 = arith.index_cast %scan3A_62 : i32 to index
      %swap3A_79 = arith.constant 80 : index
      %swap3A_80 = tpu.vector_load %arg4[%swap3A_78, %swap3A_79] {strides = array<i32>} : memref<176x512xf32, #tpu.memory_space<vmem>>, vector<16xf32>,
      tpu.vector_store %arg4[%swap3A_78, %swap3A_79], %broadcast_in_dim3A_3 {strides = array<i32>} : memref<176x512xf32, #tpu.memory_space<vmem>>, vector<16xf32>,
      %swap3A_81 = arith.index_cast %scan3A_62 : i32 to index
      %swap3A_82 = arith.constant 96 : index
      %swap3A_83 = tpu.vector_load %arg4[%swap3A_81, %swap3A_82] {strides = array<i32>} : memref<176x512xf32, #tpu.memory_space<vmem>>, vector<16xf32>,
      tpu.vector_store %arg4[%swap3A_81, %swap3A_82], %broadcast_in_dim3A_3 {strides = array<i32>} : memref<176x512xf32, #tpu.memory_space<vmem>>, vector<16xf32>,
      %swap3A_84 = arith.index_cast %scan3A_62 : i32 to index
      %swap3A_85 = arith.constant 112 : index
      %swap3A_86 = tpu.vector_load %arg4[%swap3A_84, %swap3A_85] {strides = array<i32>} : memref<176x512xf32, #tpu.memory_space<vmem>>, vector<16xf32>,
      tpu.vector_store %arg4[%swap3A_84, %swap3A_85], %broadcast_in_dim3A_3 {strides = array<i32>} : memref<176x512xf32, #tpu.memory_space<vmem>>, vector<16xf32>,
      %swap3A_87 = arith.index_cast %scan3A_62 : i32 to index
      %swap3A_88 = arith.constant 128 : index
      %swap3A_89 = tpu.vector_load %arg4[%swap3A_87, %swap3A_88] {strides = array<i32>} : memref<176x512xf32, #tpu.memory_space<vmem>>, vector<16xf32>,
      tpu.vector_store %arg4[%swap3A_87, %swap3A_88], %broadcast_in_dim3A_3 {strides = array<i32>} : memref<176x512xf32, #tpu.memory_space<vmem>>, vector<16xf32>,
      %swap3A_90 = arith.index_cast %scan3A_62 : i32 to index
      %swap3A_91 = arith.constant 144 : index
      %swap3A_92 = tpu.vector_load %arg4[%swap3A_90, %swap3A_91] {strides = array<i32>} : memref<176x512xf32, #tpu.memory_space<vmem>>, vector<16xf32>,
      tpu.vector_store %arg4[%swap3A_90, %swap3A_91], %broadcast_in_dim3A_3 {strides = array<i32>} : memref<176x512xf32, #tpu.memory_space<vmem>>, vector<16xf32>,
      %swap3A_93 = arith.index_cast %scan3A_62 : i32 to index
      %swap3A_94 = arith.constant 160 : index
      %swap3A_95 = tpu.vector_load %arg4[%swap3A_93, %swap3A_94] {strides = array<i32>} : memref<176x512xf32, #tpu.memory_space<vmem>>, vector<16xf32>,
      tpu.vector_store %arg4[%swap3A_93, %swap3A_94], %broadcast_in_dim3A_3 {strides = array<i32>} : memref<176x512xf32, #tpu.memory_space<vmem>>, vector<16xf32>,
      %swap3A_96 = arith.index_cast %scan3A_62 : i32 to index
      %swap3A_97 = arith.constant 176 : index
      %swap3A_98 = tpu.vector_load %arg4[%swap3A_96, %swap3A_97] {strides = array<i32>} : memref<176x512xf32, #tpu.memory_space<vmem>>, vector<16xf32>,
      tpu.vector_store %arg4[%swap3A_96, %swap3A_97], %broadcast_in_dim3A_3 {strides = array<i32>} : memref<176x512xf32, #tpu.memory_space<vmem>>, vector<16xf32>,
      %swap3A_99 = arith.index_cast %scan3A_62 : i32 to index
      %swap3A_100 = arith.constant 192 : index
      %swap3A_101 = tpu.vector_load %arg4[%swap3A_99, %swap3A_100] {strides = array<i32>} : memref<176x512xf32, #tpu.memory_space<vmem>>, vector<16xf32>,
      tpu.vector_store %arg4[%swap3A_99, %swap3A_100], %broadcast_in_dim3A_3 {strides = array<i32>} : memref<176x512xf32, #tpu.memory_space<vmem>>, vector<16xf32>,
      %swap3A_102 = arith.index_cast %scan3A_62 : i32 to index
      %swap3A_103 = arith.constant 208 : index
      %swap3A_104 = tpu.vector_load %arg4[%swap3A_102, %swap3A_103] {strides = array<i32>} : memref<176x512xf32, #tpu.memory_space<vmem>>, vector<16xf32>,
      tpu.vector_store %arg4[%swap3A_102, %swap3A_103], %broadcast_in_dim3A_3 {strides = array<i32>} : memref<176x512xf32, #tpu.memory_space<vmem>>, vector<16xf32>,
      %swap3A_105 = arith.index_cast %scan3A_62 : i32 to index
      %swap3A_106 = arith.constant 224 : index
      %swap3A_107 = tpu.vector_load %arg4[%swap3A_105, %swap3A_106] {strides = array<i32>} : memref<176x512xf32, #tpu.memory_space<vmem>>, vector<16xf32>,
      tpu.vector_store %arg4[%swap3A_105, %swap3A_106], %broadcast_in_dim3A_3 {strides = array<i32>} : memref<176x512xf32, #tpu.memory_space<vmem>>, vector<16xf32>,
      %swap3A_108 = arith.index_cast %scan3A_62 : i32 to index
      %swap3A_109 = arith.constant 240 : index
      %swap3A_110 = tpu.vector_load %arg4[%swap3A_108, %swap3A_109] {strides = array<i32>} : memref<176x512xf32, #tpu.memory_space<vmem>>, vector<16xf32>,
      tpu.vector_store %arg4[%swap3A_108, %swap3A_109], %broadcast_in_dim3A_3 {strides = array<i32>} : memref<176x512xf32, #tpu.memory_space<vmem>>, vector<16xf32>,
      %swap3A_111 = arith.index_cast %scan3A_62 : i32 to index
      %swap3A_112 = arith.constant 256 : index
      %swap3A_113 = tpu.vector_load %arg4[%swap3A_111, %swap3A_112] {strides = array<i32>} : memref<176x512xf32, #tpu.memory_space<vmem>>, vector<16xf32>,
      tpu.vector_store %arg4[%swap3A_111, %swap3A_112], %broadcast_in_dim3A_3 {strides = array<i32>} : memref<176x512xf32, #tpu.memory_space<vmem>>, vector<16xf32>,
      %swap3A_114 = arith.index_cast %scan3A_62 : i32 to index
      %swap3A_115 = arith.constant 272 : index
      %swap3A_116 = tpu.vector_load %arg4[%swap3A_114, %swap3A_115] {strides = array<i32>} : memref<176x512xf32, #tpu.memory_space<vmem>>, vector<16xf32>,
      tpu.vector_store %arg4[%swap3A_114, %swap3A_115], %broadcast_in_dim3A_3 {strides = array<i32>} : memref<176x512xf32, #tpu.memory_space<vmem>>, vector<16xf32>,
      %swap3A_117 = arith.index_cast %scan3A_62 : i32 to index
      %swap3A_118 = arith.constant 288 : index
      %swap3A_119 = tpu.vector_load %arg4[%swap3A_117, %swap3A_118] {strides = array<i32>} : memref<176x512xf32, #tpu.memory_space<vmem>>, vector<16xf32>,
      tpu.vector_store %arg4[%swap3A_117, %swap3A_118], %broadcast_in_dim3A_3 {strides = array<i32>} : memref<176x512xf32, #tpu.memory_space<vmem>>, vector<16xf32>,
      %swap3A_120 = arith.index_cast %scan3A_62 : i32 to index
      %swap3A_121 = arith.constant 304 : index
      %swap3A_122 = tpu.vector_load %arg4[%swap3A_120, %swap3A_121] {strides = array<i32>} : memref<176x512xf32, #tpu.memory_space<vmem>>, vector<16xf32>,
      tpu.vector_store %arg4[%swap3A_120, %swap3A_121], %broadcast_in_dim3A_3 {strides = array<i32>} : memref<176x512xf32, #tpu.memory_space<vmem>>, vector<16xf32>,
      %swap3A_123 = arith.index_cast %scan3A_62 : i32 to index
      %swap3A_124 = arith.constant 320 : index
      %swap3A_125 = tpu.vector_load %arg4[%swap3A_123, %swap3A_124] {strides = array<i32>} : memref<176x512xf32, #tpu.memory_space<vmem>>, vector<16xf32>,
      tpu.vector_store %arg4[%swap3A_123, %swap3A_124], %broadcast_in_dim3A_3 {strides = array<i32>} : memref<176x512xf32, #tpu.memory_space<vmem>>, vector<16xf32>,
      %swap3A_126 = arith.index_cast %scan3A_62 : i32 to index
      %swap3A_127 = arith.constant 336 : index
      %swap3A_128 = tpu.vector_load %arg4[%swap3A_126, %swap3A_127] {strides = array<i32>} : memref<176x512xf32, #tpu.memory_space<vmem>>, vector<16xf32>,
      tpu.vector_store %arg4[%swap3A_126, %swap3A_127], %broadcast_in_dim3A_3 {strides = array<i32>} : memref<176x512xf32, #tpu.memory_space<vmem>>, vector<16xf32>,
      %swap3A_129 = arith.index_cast %scan3A_62 : i32 to index
      %swap3A_130 = arith.constant 352 : index
      %swap3A_131 = tpu.vector_load %arg4[%swap3A_129, %swap3A_130] {strides = array<i32>} : memref<176x512xf32, #tpu.memory_space<vmem>>, vector<16xf32>,
      tpu.vector_store %arg4[%swap3A_129, %swap3A_130], %broadcast_in_dim3A_3 {strides = array<i32>} : memref<176x512xf32, #tpu.memory_space<vmem>>, vector<16xf32>,
      %swap3A_132 = arith.index_cast %scan3A_62 : i32 to index
      %swap3A_133 = arith.constant 368 : index
      %swap3A_134 = tpu.vector_load %arg4[%swap3A_132, %swap3A_133] {strides = array<i32>} : memref<176x512xf32, #tpu.memory_space<vmem>>, vector<16xf32>,
      tpu.vector_store %arg4[%swap3A_132, %swap3A_133], %broadcast_in_dim3A_3 {strides = array<i32>} : memref<176x512xf32, #tpu.memory_space<vmem>>, vector<16xf32>,
      %swap3A_135 = arith.index_cast %scan3A_62 : i32 to index
      %swap3A_136 = arith.constant 384 : index
      %swap3A_137 = tpu.vector_load %arg4[%swap3A_135, %swap3A_136] {strides = array<i32>} : memref<176x512xf32, #tpu.memory_space<vmem>>, vector<16xf32>,
      tpu.vector_store %arg4[%swap3A_135, %swap3A_136], %broadcast_in_dim3A_3 {strides = array<i32>} : memref<176x512xf32, #tpu.memory_space<vmem>>, vector<16xf32>,
      %swap3A_138 = arith.index_cast %scan3A_62 : i32 to index
      %swap3A_139 = arith.constant 400 : index
      %swap3A_140 = tpu.vector_load %arg4[%swap3A_138, %swap3A_139] {strides = array<i32>} : memref<176x512xf32, #tpu.memory_space<vmem>>, vector<16xf32>,
      tpu.vector_store %arg4[%swap3A_138, %swap3A_139], %broadcast_in_dim3A_3 {strides = array<i32>} : memref<176x512xf32, #tpu.memory_space<vmem>>, vector<16xf32>,
      %swap3A_141 = arith.index_cast %scan3A_62 : i32 to index
      %swap3A_142 = arith.constant 416 : index
      %swap3A_143 = tpu.vector_load %arg4[%swap3A_141, %swap3A_142] {strides = array<i32>} : memref<176x512xf32, #tpu.memory_space<vmem>>, vector<16xf32>,
      tpu.vector_store %arg4[%swap3A_141, %swap3A_142], %broadcast_in_dim3A_3 {strides = array<i32>} : memref<176x512xf32, #tpu.memory_space<vmem>>, vector<16xf32>,
      %swap3A_144 = arith.index_cast %scan3A_62 : i32 to index
      %swap3A_145 = arith.constant 432 : index
      %swap3A_146 = tpu.vector_load %arg4[%swap3A_144, %swap3A_145] {strides = array<i32>} : memref<176x512xf32, #tpu.memory_space<vmem>>, vector<16xf32>,
      tpu.vector_store %arg4[%swap3A_144, %swap3A_145], %broadcast_in_dim3A_3 {strides = array<i32>} : memref<176x512xf32, #tpu.memory_space<vmem>>, vector<16xf32>,
      %swap3A_147 = arith.index_cast %scan3A_62 : i32 to index
      %swap3A_148 = arith.constant 448 : index
      %swap3A_149 = tpu.vector_load %arg4[%swap3A_147, %swap3A_148] {strides = array<i32>} : memref<176x512xf32, #tpu.memory_space<vmem>>, vector<16xf32>,
      tpu.vector_store %arg4[%swap3A_147, %swap3A_148], %broadcast_in_dim3A_3 {strides = array<i32>} : memref<176x512xf32, #tpu.memory_space<vmem>>, vector<16xf32>,
      %swap3A_150 = arith.index_cast %scan3A_62 : i32 to index
      %swap3A_151 = arith.constant 464 : index
      %swap3A_152 = tpu.vector_load %arg4[%swap3A_150, %swap3A_151] {strides = array<i32>} : memref<176x512xf32, #tpu.memory_space<vmem>>, vector<16xf32>,
      tpu.vector_store %arg4[%swap3A_150, %swap3A_151], %broadcast_in_dim3A_3 {strides = array<i32>} : memref<176x512xf32, #tpu.memory_space<vmem>>, vector<16xf32>,
      %swap3A_153 = arith.index_cast %scan3A_62 : i32 to index
      %swap3A_154 = arith.constant 480 : index
      %swap3A_155 = tpu.vector_load %arg4[%swap3A_153, %swap3A_154] {strides = array<i32>} : memref<176x512xf32, #tpu.memory_space<vmem>>, vector<16xf32>,
      tpu.vector_store %arg4[%swap3A_153, %swap3A_154], %broadcast_in_dim3A_3 {strides = array<i32>} : memref<176x512xf32, #tpu.memory_space<vmem>>, vector<16xf32>,
      %swap3A_156 = arith.index_cast %scan3A_62 : i32 to index
      %swap3A_157 = arith.constant 496 : index
      %swap3A_158 = tpu.vector_load %arg4[%swap3A_156, %swap3A_157] {strides = array<i32>} : memref<176x512xf32, #tpu.memory_space<vmem>>, vector<16xf32>,
      tpu.vector_store %arg4[%swap3A_156, %swap3A_157], %broadcast_in_dim3A_3 {strides = array<i32>} : memref<176x512xf32, #tpu.memory_space<vmem>>, vector<16xf32>,
      %scan3A_159 = arith.constant 0 : i32
      scf.yield %scan3A_159 : i32
    }
    %scan3A_54 = arith.constant 160 : i32
    %scan3A_55 = arith.constant 0 : i32
    %scan3A_56 = arith.constant 0 : i32
    %scan3A_57 = arith.constant 10 : i32
    %scan3A_58 = arith.addi %scan3A_56, %scan3A_57 : i32
    %scan3A_59 = arith.constant 1 : i32
    %scan3A_60 = scf.for %scan3A_62 = %scan3A_56 to %scan3A_58 step %scan3A_59 iter_args(%scan3A_63 = %scan3A_55) -> (i32)  : i32 {
      %mul3A_64 = arith.constant 2 : i32
      %mul3A_65 = arith.muli %scan3A_62, %mul3A_64 : i32
      %mul3A_66 = arith.constant 1280 : i32
      %mul3A_67 = arith.muli %mul3A_65, %mul3A_66 : i32
      %add3A_68 = arith.addi %mul3A_2, %mul3A_67 : i32
      %dma_wait3A = arith.constant 0 : i32
      %dma_wait3A_69 = tpu.memref_slice %arg2[%dma_wait3A, %add3A_68] : memref<7x819200xf32, #tpu.memory_space<hbm>> -> memref<7x1280xf32, #tpu.memory_space<hbm>>
      %dma_wait3A_70 = arith.constant 0 : i32
      %dma_wait3A_71 = tpu.memref_slice %arg2[%dma_wait3A_70, %add3A_68] : memref<7x819200xf32, #tpu.memory_space<hbm>> -> memref<7x1280xf32, #tpu.memory_space<hbm>>
      tpu.wait_dma2 semaphore(%arg7 : memref<!tpu.dma_semaphore, #tpu.memory_space<semaphore_mem>>) src(%dma_wait3A_71 : memref<7x1280xf32, #tpu.memory_space<hbm>>) dst(%arg5 : memref<7x1280xf32, #tpu.memory_space<vmem>>)
      %add3A_72 = arith.constant 1 : i32
      %add3A_73 = arith.addi %mul3A_65, %add3A_72 : i32
      %mul3A_74 = arith.constant 1280 : i32
      %mul3A_75 = arith.muli %add3A_73, %mul3A_74 : i32
      %add3A_76 = arith.addi %mul3A_2, %mul3A_75 : i32
      %dma_start3A_77 = arith.constant 0 : i32
      %dma_start3A_78 = tpu.memref_slice %arg2[%dma_start3A_77, %add3A_76] : memref<7x819200xf32, #tpu.memory_space<hbm>> -> memref<7x1280xf32, #tpu.memory_space<hbm>>
      %dma_start3A_79 = arith.constant 0 : i32
      %dma_start3A_80 = tpu.memref_slice %arg2[%dma_start3A_79, %add3A_76] : memref<7x819200xf32, #tpu.memory_space<hbm>> -> memref<7x1280xf32, #tpu.memory_space<hbm>>
      tpu.enqueue_dma source(%dma_start3A_80 : memref<7x1280xf32, #tpu.memory_space<hbm>>) target(%arg6 : memref<7x1280xf32, #tpu.memory_space<vmem>>) target_semaphore(%arg8 : memref<!tpu.dma_semaphore, #tpu.memory_space<semaphore_mem>>)
      %scan3A_81 = arith.constant 0 : i32
      %scan3A_82 = arith.constant 0 : i32
      %scan3A_83 = arith.constant 20 : i32
      %scan3A_84 = arith.addi %scan3A_82, %scan3A_83 : i32
      %scan3A_85 = arith.constant 1 : i32
      %scan3A_86 = scf.for %scan3A_107 = %scan3A_82 to %scan3A_84 step %scan3A_85 iter_args(%scan3A_108 = %scan3A_81) -> (i32)  : i32 {
        %mul3A_109 = arith.constant 4 : i32
        %mul3A_110 = arith.muli %scan3A_107, %mul3A_109 : i32
        %add3A_111 = arith.constant 0 : i32
        %add3A_112 = arith.addi %mul3A_110, %add3A_111 : i32
        %mul3A_113 = arith.constant 16 : i32
        %mul3A_114 = arith.muli %add3A_112, %mul3A_113 : i32
        %get3A = arith.constant 0 : i32
        %get3A_115 = arith.index_cast %get3A : i32 to index
        %get3A_116 = arith.index_cast %mul3A_114 : i32 to index
        %get3A_117 = tpu.vector_load %arg5[%get3A_115, %get3A_116] {strides = array<i32>} : memref<7x1280xf32, #tpu.memory_space<vmem>>, vector<16xf32>,
        %get3A_118 = arith.constant 1 : i32
        %get3A_119 = arith.index_cast %get3A_118 : i32 to index
        %get3A_120 = arith.index_cast %mul3A_114 : i32 to index
        %get3A_121 = tpu.vector_load %arg5[%get3A_119, %get3A_120] {strides = array<i32>} : memref<7x1280xf32, #tpu.memory_space<vmem>>, vector<16xf32>,
        %get3A_122 = arith.constant 2 : i32
        %get3A_123 = arith.index_cast %get3A_122 : i32 to index
        %get3A_124 = arith.index_cast %mul3A_114 : i32 to index
        %get3A_125 = tpu.vector_load %arg5[%get3A_123, %get3A_124] {strides = array<i32>} : memref<7x1280xf32, #tpu.memory_space<vmem>>, vector<16xf32>,
        %get3A_126 = arith.constant 3 : i32
        %get3A_127 = arith.index_cast %get3A_126 : i32 to index
        %get3A_128 = arith.index_cast %mul3A_114 : i32 to index
        %get3A_129 = tpu.vector_load %arg5[%get3A_127, %get3A_128] {strides = array<i32>} : memref<7x1280xf32, #tpu.memory_space<vmem>>, vector<16xf32>,
        %get3A_130 = arith.constant 4 : i32
        %get3A_131 = arith.index_cast %get3A_130 : i32 to index
        %get3A_132 = arith.index_cast %mul3A_114 : i32 to index
        %get3A_133 = tpu.vector_load %arg5[%get3A_131, %get3A_132] {strides = array<i32>} : memref<7x1280xf32, #tpu.memory_space<vmem>>, vector<16xf32>,
        %get3A_134 = arith.constant 5 : i32
        %get3A_135 = arith.index_cast %get3A_134 : i32 to index
        %get3A_136 = arith.index_cast %mul3A_114 : i32 to index
        %get3A_137 = tpu.vector_load %arg5[%get3A_135, %get3A_136] {strides = array<i32>} : memref<7x1280xf32, #tpu.memory_space<vmem>>, vector<16xf32>,
        %get3A_138 = arith.constant 6 : i32
        %get3A_139 = arith.index_cast %get3A_138 : i32 to index
        %get3A_140 = arith.index_cast %mul3A_114 : i32 to index
        %get3A_141 = tpu.vector_load %arg5[%get3A_139, %get3A_140] {strides = array<i32>} : memref<7x1280xf32, #tpu.memory_space<vmem>>, vector<16xf32>,
        %bitcast3A = vector.bitcast %get3A_141 : vector<16xf32> to vector<16xi32>
        %shift_right_arithmetic3A = arith.constant 10 : i32
        %shift_right_arithmetic3A_142 = vector.broadcast %shift_right_arithmetic3A : i32 to vector<16xi32>
        %shift_right_arithmetic3A_143 = arith.shrsi %bitcast3A, %shift_right_arithmetic3A_142 : vector<16xi32>
        %and3A = arith.constant 1023 : i32
        %and3A_144 = vector.broadcast %and3A : i32 to vector<16xi32>
        %and3A_145 = arith.andi %bitcast3A, %and3A_144 : vector<16xi32>
        %add3A_146 = arith.constant 1 : i32
        %add3A_147 = vector.broadcast %add3A_146 : i32 to vector<16xi32>
        %add3A_148 = arith.addi %and3A_145, %add3A_147 : vector<16xi32>
        %add3A_149 = arith.constant 2 : i32
        %add3A_150 = vector.broadcast %add3A_149 : i32 to vector<16xi32>
        %add3A_151 = arith.addi %and3A_145, %add3A_150 : vector<16xi32>
        %min3A = arith.constant 511 : i32
        %min3A_152 = vector.broadcast %min3A : i32 to vector<16xi32>
        %min3A_153 = arith.minsi %add3A_151, %min3A_152 : vector<16xi32>
        %add3A_154 = arith.constant 1 : i32
        %add3A_155 = vector.broadcast %add3A_154 : i32 to vector<16xi32>
        %add3A_156 = arith.addi %shift_right_arithmetic3A_143, %add3A_155 : vector<16xi32>
        %add3A_157 = arith.constant 2 : i32
        %add3A_158 = vector.broadcast %add3A_157 : i32 to vector<16xi32>
        %add3A_159 = arith.addi %shift_right_arithmetic3A_143, %add3A_158 : vector<16xi32>
        %min3A_160 = arith.constant 511 : i32
        %min3A_161 = vector.broadcast %min3A_160 : i32 to vector<16xi32>
        %min3A_162 = arith.minsi %add3A_159, %min3A_161 : vector<16xi32>
        %sub3A = arith.constant 352 : i32
        %sub3A_163 = vector.broadcast %sub3A : i32 to vector<16xi32>
        %sub3A_164 = arith.subi %shift_right_arithmetic3A_143, %sub3A_163 : vector<16xi32>
        %bitcast3A_165 = vector.bitcast %sub3A_164 : vector<16xi32> to vector<16xi32>
        %lt3A_166 = arith.constant 160 : i32
        %lt3A_167 = vector.broadcast %lt3A_166 : i32 to vector<16xi32>
        %lt3A_168 = arith.cmpi ult, %bitcast3A_165, %lt3A_167 : vector<16xi32>
        %mul3A_169 = arith.mulf %get3A_117, %get3A_129 : vector<16xf32>
        tpu.vector_store_idx %arg4[%sub3A_164, %and3A_145], %mul3A_169 masked %lt3A_168 {add = true} : memref<176x512xf32, #tpu.memory_space<vmem>>[vector<16xi32>, vector<16xi32>], vector<16xf32>, vector<16xi1>
        %mul3A_170 = arith.mulf %get3A_117, %get3A_133 : vector<16xf32>
        tpu.vector_store_idx %arg4[%sub3A_164, %add3A_148], %mul3A_170 masked %lt3A_168 {add = true} : memref<176x512xf32, #tpu.memory_space<vmem>>[vector<16xi32>, vector<16xi32>], vector<16xf32>, vector<16xi1>
        %mul3A_171 = arith.mulf %get3A_117, %get3A_137 : vector<16xf32>
        tpu.vector_store_idx %arg4[%sub3A_164, %min3A_153], %mul3A_171 masked %lt3A_168 {add = true} : memref<176x512xf32, #tpu.memory_space<vmem>>[vector<16xi32>, vector<16xi32>], vector<16xf32>, vector<16xi1>
        %sub3A_172 = arith.constant 352 : i32
        %sub3A_173 = vector.broadcast %sub3A_172 : i32 to vector<16xi32>
        %sub3A_174 = arith.subi %add3A_156, %sub3A_173 : vector<16xi32>
        %bitcast3A_175 = vector.bitcast %sub3A_174 : vector<16xi32> to vector<16xi32>
        %lt3A_176 = arith.constant 160 : i32
        %lt3A_177 = vector.broadcast %lt3A_176 : i32 to vector<16xi32>
        %lt3A_178 = arith.cmpi ult, %bitcast3A_175, %lt3A_177 : vector<16xi32>
        %mul3A_179 = arith.mulf %get3A_121, %get3A_129 : vector<16xf32>
        tpu.vector_store_idx %arg4[%sub3A_174, %and3A_145], %mul3A_179 masked %lt3A_178 {add = true} : memref<176x512xf32, #tpu.memory_space<vmem>>[vector<16xi32>, vector<16xi32>], vector<16xf32>, vector<16xi1>
        %mul3A_180 = arith.mulf %get3A_121, %get3A_133 : vector<16xf32>
        tpu.vector_store_idx %arg4[%sub3A_174, %add3A_148], %mul3A_180 masked %lt3A_178 {add = true} : memref<176x512xf32, #tpu.memory_space<vmem>>[vector<16xi32>, vector<16xi32>], vector<16xf32>, vector<16xi1>
        %mul3A_181 = arith.mulf %get3A_121, %get3A_137 : vector<16xf32>
        tpu.vector_store_idx %arg4[%sub3A_174, %min3A_153], %mul3A_181 masked %lt3A_178 {add = true} : memref<176x512xf32, #tpu.memory_space<vmem>>[vector<16xi32>, vector<16xi32>], vector<16xf32>, vector<16xi1>
        %sub3A_182 = arith.constant 352 : i32
        %sub3A_183 = vector.broadcast %sub3A_182 : i32 to vector<16xi32>
        %sub3A_184 = arith.subi %min3A_162, %sub3A_183 : vector<16xi32>
        %bitcast3A_185 = vector.bitcast %sub3A_184 : vector<16xi32> to vector<16xi32>
        %lt3A_186 = arith.constant 160 : i32
        %lt3A_187 = vector.broadcast %lt3A_186 : i32 to vector<16xi32>
        %lt3A_188 = arith.cmpi ult, %bitcast3A_185, %lt3A_187 : vector<16xi32>
        %mul3A_189 = arith.mulf %get3A_125, %get3A_129 : vector<16xf32>
        tpu.vector_store_idx %arg4[%sub3A_184, %and3A_145], %mul3A_189 masked %lt3A_188 {add = true} : memref<176x512xf32, #tpu.memory_space<vmem>>[vector<16xi32>, vector<16xi32>], vector<16xf32>, vector<16xi1>
        %mul3A_190 = arith.mulf %get3A_125, %get3A_133 : vector<16xf32>
        tpu.vector_store_idx %arg4[%sub3A_184, %add3A_148], %mul3A_190 masked %lt3A_188 {add = true} : memref<176x512xf32, #tpu.memory_space<vmem>>[vector<16xi32>, vector<16xi32>], vector<16xf32>, vector<16xi1>
        %mul3A_191 = arith.mulf %get3A_125, %get3A_137 : vector<16xf32>
        tpu.vector_store_idx %arg4[%sub3A_184, %min3A_153], %mul3A_191 masked %lt3A_188 {add = true} : memref<176x512xf32, #tpu.memory_space<vmem>>[vector<16xi32>, vector<16xi32>], vector<16xf32>, vector<16xi1>
        %mul3A_192 = arith.constant 4 : i32
        %mul3A_193 = arith.muli %scan3A_107, %mul3A_192 : i32
        %add3A_194 = arith.constant 1 : i32
        %add3A_195 = arith.addi %mul3A_193, %add3A_194 : i32
        %mul3A_196 = arith.constant 16 : i32
        %mul3A_197 = arith.muli %add3A_195, %mul3A_196 : i32
        %get3A_198 = arith.constant 0 : i32
        %get3A_199 = arith.index_cast %get3A_198 : i32 to index
        %get3A_200 = arith.index_cast %mul3A_197 : i32 to index
        %get3A_201 = tpu.vector_load %arg5[%get3A_199, %get3A_200] {strides = array<i32>} : memref<7x1280xf32, #tpu.memory_space<vmem>>, vector<16xf32>,
        %get3A_202 = arith.constant 1 : i32
        %get3A_203 = arith.index_cast %get3A_202 : i32 to index
        %get3A_204 = arith.index_cast %mul3A_197 : i32 to index
        %get3A_205 = tpu.vector_load %arg5[%get3A_203, %get3A_204] {strides = array<i32>} : memref<7x1280xf32, #tpu.memory_space<vmem>>, vector<16xf32>,
        %get3A_206 = arith.constant 2 : i32
        %get3A_207 = arith.index_cast %get3A_206 : i32 to index
        %get3A_208 = arith.index_cast %mul3A_197 : i32 to index
        %get3A_209 = tpu.vector_load %arg5[%get3A_207, %get3A_208] {strides = array<i32>} : memref<7x1280xf32, #tpu.memory_space<vmem>>, vector<16xf32>,
        %get3A_210 = arith.constant 3 : i32
        %get3A_211 = arith.index_cast %get3A_210 : i32 to index
        %get3A_212 = arith.index_cast %mul3A_197 : i32 to index
        %get3A_213 = tpu.vector_load %arg5[%get3A_211, %get3A_212] {strides = array<i32>} : memref<7x1280xf32, #tpu.memory_space<vmem>>, vector<16xf32>,
        %get3A_214 = arith.constant 4 : i32
        %get3A_215 = arith.index_cast %get3A_214 : i32 to index
        %get3A_216 = arith.index_cast %mul3A_197 : i32 to index
        %get3A_217 = tpu.vector_load %arg5[%get3A_215, %get3A_216] {strides = array<i32>} : memref<7x1280xf32, #tpu.memory_space<vmem>>, vector<16xf32>,
        %get3A_218 = arith.constant 5 : i32
        %get3A_219 = arith.index_cast %get3A_218 : i32 to index
        %get3A_220 = arith.index_cast %mul3A_197 : i32 to index
        %get3A_221 = tpu.vector_load %arg5[%get3A_219, %get3A_220] {strides = array<i32>} : memref<7x1280xf32, #tpu.memory_space<vmem>>, vector<16xf32>,
        %get3A_222 = arith.constant 6 : i32
        %get3A_223 = arith.index_cast %get3A_222 : i32 to index
        %get3A_224 = arith.index_cast %mul3A_197 : i32 to index
        %get3A_225 = tpu.vector_load %arg5[%get3A_223, %get3A_224] {strides = array<i32>} : memref<7x1280xf32, #tpu.memory_space<vmem>>, vector<16xf32>,
        %bitcast3A_226 = vector.bitcast %get3A_225 : vector<16xf32> to vector<16xi32>
        %shift_right_arithmetic3A_227 = arith.constant 10 : i32
        %shift_right_arithmetic3A_228 = vector.broadcast %shift_right_arithmetic3A_227 : i32 to vector<16xi32>
        %shift_right_arithmetic3A_229 = arith.shrsi %bitcast3A_226, %shift_right_arithmetic3A_228 : vector<16xi32>
        %and3A_230 = arith.constant 1023 : i32
        %and3A_231 = vector.broadcast %and3A_230 : i32 to vector<16xi32>
        %and3A_232 = arith.andi %bitcast3A_226, %and3A_231 : vector<16xi32>
        %add3A_233 = arith.constant 1 : i32
        %add3A_234 = vector.broadcast %add3A_233 : i32 to vector<16xi32>
        %add3A_235 = arith.addi %and3A_232, %add3A_234 : vector<16xi32>
        %add3A_236 = arith.constant 2 : i32
        %add3A_237 = vector.broadcast %add3A_236 : i32 to vector<16xi32>
        %add3A_238 = arith.addi %and3A_232, %add3A_237 : vector<16xi32>
        %min3A_239 = arith.constant 511 : i32
        %min3A_240 = vector.broadcast %min3A_239 : i32 to vector<16xi32>
        %min3A_241 = arith.minsi %add3A_238, %min3A_240 : vector<16xi32>
        %add3A_242 = arith.constant 1 : i32
        %add3A_243 = vector.broadcast %add3A_242 : i32 to vector<16xi32>
        %add3A_244 = arith.addi %shift_right_arithmetic3A_229, %add3A_243 : vector<16xi32>
        %add3A_245 = arith.constant 2 : i32
        %add3A_246 = vector.broadcast %add3A_245 : i32 to vector<16xi32>
        %add3A_247 = arith.addi %shift_right_arithmetic3A_229, %add3A_246 : vector<16xi32>
        %min3A_248 = arith.constant 511 : i32
        %min3A_249 = vector.broadcast %min3A_248 : i32 to vector<16xi32>
        %min3A_250 = arith.minsi %add3A_247, %min3A_249 : vector<16xi32>
        %sub3A_251 = arith.constant 352 : i32
        %sub3A_252 = vector.broadcast %sub3A_251 : i32 to vector<16xi32>
        %sub3A_253 = arith.subi %shift_right_arithmetic3A_229, %sub3A_252 : vector<16xi32>
        %bitcast3A_254 = vector.bitcast %sub3A_253 : vector<16xi32> to vector<16xi32>
        %lt3A_255 = arith.constant 160 : i32
        %lt3A_256 = vector.broadcast %lt3A_255 : i32 to vector<16xi32>
        %lt3A_257 = arith.cmpi ult, %bitcast3A_254, %lt3A_256 : vector<16xi32>
        %mul3A_258 = arith.mulf %get3A_201, %get3A_213 : vector<16xf32>
        tpu.vector_store_idx %arg4[%sub3A_253, %and3A_232], %mul3A_258 masked %lt3A_257 {add = true} : memref<176x512xf32, #tpu.memory_space<vmem>>[vector<16xi32>, vector<16xi32>], vector<16xf32>, vector<16xi1>
        %mul3A_259 = arith.mulf %get3A_201, %get3A_217 : vector<16xf32>
        tpu.vector_store_idx %arg4[%sub3A_253, %add3A_235], %mul3A_259 masked %lt3A_257 {add = true} : memref<176x512xf32, #tpu.memory_space<vmem>>[vector<16xi32>, vector<16xi32>], vector<16xf32>, vector<16xi1>
        %mul3A_260 = arith.mulf %get3A_201, %get3A_221 : vector<16xf32>
        tpu.vector_store_idx %arg4[%sub3A_253, %min3A_241], %mul3A_260 masked %lt3A_257 {add = true} : memref<176x512xf32, #tpu.memory_space<vmem>>[vector<16xi32>, vector<16xi32>], vector<16xf32>, vector<16xi1>
        %sub3A_261 = arith.constant 352 : i32
        %sub3A_262 = vector.broadcast %sub3A_261 : i32 to vector<16xi32>
        %sub3A_263 = arith.subi %add3A_244, %sub3A_262 : vector<16xi32>
        %bitcast3A_264 = vector.bitcast %sub3A_263 : vector<16xi32> to vector<16xi32>
        %lt3A_265 = arith.constant 160 : i32
        %lt3A_266 = vector.broadcast %lt3A_265 : i32 to vector<16xi32>
        %lt3A_267 = arith.cmpi ult, %bitcast3A_264, %lt3A_266 : vector<16xi32>
        %mul3A_268 = arith.mulf %get3A_205, %get3A_213 : vector<16xf32>
        tpu.vector_store_idx %arg4[%sub3A_263, %and3A_232], %mul3A_268 masked %lt3A_267 {add = true} : memref<176x512xf32, #tpu.memory_space<vmem>>[vector<16xi32>, vector<16xi32>], vector<16xf32>, vector<16xi1>
        %mul3A_269 = arith.mulf %get3A_205, %get3A_217 : vector<16xf32>
        tpu.vector_store_idx %arg4[%sub3A_263, %add3A_235], %mul3A_269 masked %lt3A_267 {add = true} : memref<176x512xf32, #tpu.memory_space<vmem>>[vector<16xi32>, vector<16xi32>], vector<16xf32>, vector<16xi1>
        %mul3A_270 = arith.mulf %get3A_205, %get3A_221 : vector<16xf32>
        tpu.vector_store_idx %arg4[%sub3A_263, %min3A_241], %mul3A_270 masked %lt3A_267 {add = true} : memref<176x512xf32, #tpu.memory_space<vmem>>[vector<16xi32>, vector<16xi32>], vector<16xf32>, vector<16xi1>
        %sub3A_271 = arith.constant 352 : i32
        %sub3A_272 = vector.broadcast %sub3A_271 : i32 to vector<16xi32>
        %sub3A_273 = arith.subi %min3A_250, %sub3A_272 : vector<16xi32>
        %bitcast3A_274 = vector.bitcast %sub3A_273 : vector<16xi32> to vector<16xi32>
        %lt3A_275 = arith.constant 160 : i32
        %lt3A_276 = vector.broadcast %lt3A_275 : i32 to vector<16xi32>
        %lt3A_277 = arith.cmpi ult, %bitcast3A_274, %lt3A_276 : vector<16xi32>
        %mul3A_278 = arith.mulf %get3A_209, %get3A_213 : vector<16xf32>
        tpu.vector_store_idx %arg4[%sub3A_273, %and3A_232], %mul3A_278 masked %lt3A_277 {add = true} : memref<176x512xf32, #tpu.memory_space<vmem>>[vector<16xi32>, vector<16xi32>], vector<16xf32>, vector<16xi1>
        %mul3A_279 = arith.mulf %get3A_209, %get3A_217 : vector<16xf32>
        tpu.vector_store_idx %arg4[%sub3A_273, %add3A_235], %mul3A_279 masked %lt3A_277 {add = true} : memref<176x512xf32, #tpu.memory_space<vmem>>[vector<16xi32>, vector<16xi32>], vector<16xf32>, vector<16xi1>
        %mul3A_280 = arith.mulf %get3A_209, %get3A_221 : vector<16xf32>
        tpu.vector_store_idx %arg4[%sub3A_273, %min3A_241], %mul3A_280 masked %lt3A_277 {add = true} : memref<176x512xf32, #tpu.memory_space<vmem>>[vector<16xi32>, vector<16xi32>], vector<16xf32>, vector<16xi1>
        %mul3A_281 = arith.constant 4 : i32
        %mul3A_282 = arith.muli %scan3A_107, %mul3A_281 : i32
        %add3A_283 = arith.constant 2 : i32
        %add3A_284 = arith.addi %mul3A_282, %add3A_283 : i32
        %mul3A_285 = arith.constant 16 : i32
        %mul3A_286 = arith.muli %add3A_284, %mul3A_285 : i32
        %get3A_287 = arith.constant 0 : i32
        %get3A_288 = arith.index_cast %get3A_287 : i32 to index
        %get3A_289 = arith.index_cast %mul3A_286 : i32 to index
        %get3A_290 = tpu.vector_load %arg5[%get3A_288, %get3A_289] {strides = array<i32>} : memref<7x1280xf32, #tpu.memory_space<vmem>>, vector<16xf32>,
        %get3A_291 = arith.constant 1 : i32
        %get3A_292 = arith.index_cast %get3A_291 : i32 to index
        %get3A_293 = arith.index_cast %mul3A_286 : i32 to index
        %get3A_294 = tpu.vector_load %arg5[%get3A_292, %get3A_293] {strides = array<i32>} : memref<7x1280xf32, #tpu.memory_space<vmem>>, vector<16xf32>,
        %get3A_295 = arith.constant 2 : i32
        %get3A_296 = arith.index_cast %get3A_295 : i32 to index
        %get3A_297 = arith.index_cast %mul3A_286 : i32 to index
        %get3A_298 = tpu.vector_load %arg5[%get3A_296, %get3A_297] {strides = array<i32>} : memref<7x1280xf32, #tpu.memory_space<vmem>>, vector<16xf32>,
        %get3A_299 = arith.constant 3 : i32
        %get3A_300 = arith.index_cast %get3A_299 : i32 to index
        %get3A_301 = arith.index_cast %mul3A_286 : i32 to index
        %get3A_302 = tpu.vector_load %arg5[%get3A_300, %get3A_301] {strides = array<i32>} : memref<7x1280xf32, #tpu.memory_space<vmem>>, vector<16xf32>,
        %get3A_303 = arith.constant 4 : i32
        %get3A_304 = arith.index_cast %get3A_303 : i32 to index
        %get3A_305 = arith.index_cast %mul3A_286 : i32 to index
        %get3A_306 = tpu.vector_load %arg5[%get3A_304, %get3A_305] {strides = array<i32>} : memref<7x1280xf32, #tpu.memory_space<vmem>>, vector<16xf32>,
        %get3A_307 = arith.constant 5 : i32
        %get3A_308 = arith.index_cast %get3A_307 : i32 to index
        %get3A_309 = arith.index_cast %mul3A_286 : i32 to index
        %get3A_310 = tpu.vector_load %arg5[%get3A_308, %get3A_309] {strides = array<i32>} : memref<7x1280xf32, #tpu.memory_space<vmem>>, vector<16xf32>,
        %get3A_311 = arith.constant 6 : i32
        %get3A_312 = arith.index_cast %get3A_311 : i32 to index
        %get3A_313 = arith.index_cast %mul3A_286 : i32 to index
        %get3A_314 = tpu.vector_load %arg5[%get3A_312, %get3A_313] {strides = array<i32>} : memref<7x1280xf32, #tpu.memory_space<vmem>>, vector<16xf32>,
        %bitcast3A_315 = vector.bitcast %get3A_314 : vector<16xf32> to vector<16xi32>
        %shift_right_arithmetic3A_316 = arith.constant 10 : i32
        %shift_right_arithmetic3A_317 = vector.broadcast %shift_right_arithmetic3A_316 : i32 to vector<16xi32>
        %shift_right_arithmetic3A_318 = arith.shrsi %bitcast3A_315, %shift_right_arithmetic3A_317 : vector<16xi32>
        %and3A_319 = arith.constant 1023 : i32
        %and3A_320 = vector.broadcast %and3A_319 : i32 to vector<16xi32>
        %and3A_321 = arith.andi %bitcast3A_315, %and3A_320 : vector<16xi32>
        %add3A_322 = arith.constant 1 : i32
        %add3A_323 = vector.broadcast %add3A_322 : i32 to vector<16xi32>
        %add3A_324 = arith.addi %and3A_321, %add3A_323 : vector<16xi32>
        %add3A_325 = arith.constant 2 : i32
        %add3A_326 = vector.broadcast %add3A_325 : i32 to vector<16xi32>
        %add3A_327 = arith.addi %and3A_321, %add3A_326 : vector<16xi32>
        %min3A_328 = arith.constant 511 : i32
        %min3A_329 = vector.broadcast %min3A_328 : i32 to vector<16xi32>
        %min3A_330 = arith.minsi %add3A_327, %min3A_329 : vector<16xi32>
        %add3A_331 = arith.constant 1 : i32
        %add3A_332 = vector.broadcast %add3A_331 : i32 to vector<16xi32>
        %add3A_333 = arith.addi %shift_right_arithmetic3A_318, %add3A_332 : vector<16xi32>
        %add3A_334 = arith.constant 2 : i32
        %add3A_335 = vector.broadcast %add3A_334 : i32 to vector<16xi32>
        %add3A_336 = arith.addi %shift_right_arithmetic3A_318, %add3A_335 : vector<16xi32>
        %min3A_337 = arith.constant 511 : i32
        %min3A_338 = vector.broadcast %min3A_337 : i32 to vector<16xi32>
        %min3A_339 = arith.minsi %add3A_336, %min3A_338 : vector<16xi32>
        %sub3A_340 = arith.constant 352 : i32
        %sub3A_341 = vector.broadcast %sub3A_340 : i32 to vector<16xi32>
        %sub3A_342 = arith.subi %shift_right_arithmetic3A_318, %sub3A_341 : vector<16xi32>
        %bitcast3A_343 = vector.bitcast %sub3A_342 : vector<16xi32> to vector<16xi32>
        %lt3A_344 = arith.constant 160 : i32
        %lt3A_345 = vector.broadcast %lt3A_344 : i32 to vector<16xi32>
        %lt3A_346 = arith.cmpi ult, %bitcast3A_343, %lt3A_345 : vector<16xi32>
        %mul3A_347 = arith.mulf %get3A_290, %get3A_302 : vector<16xf32>
        tpu.vector_store_idx %arg4[%sub3A_342, %and3A_321], %mul3A_347 masked %lt3A_346 {add = true} : memref<176x512xf32, #tpu.memory_space<vmem>>[vector<16xi32>, vector<16xi32>], vector<16xf32>, vector<16xi1>
        %mul3A_348 = arith.mulf %get3A_290, %get3A_306 : vector<16xf32>
        tpu.vector_store_idx %arg4[%sub3A_342, %add3A_324], %mul3A_348 masked %lt3A_346 {add = true} : memref<176x512xf32, #tpu.memory_space<vmem>>[vector<16xi32>, vector<16xi32>], vector<16xf32>, vector<16xi1>
        %mul3A_349 = arith.mulf %get3A_290, %get3A_310 : vector<16xf32>
        tpu.vector_store_idx %arg4[%sub3A_342, %min3A_330], %mul3A_349 masked %lt3A_346 {add = true} : memref<176x512xf32, #tpu.memory_space<vmem>>[vector<16xi32>, vector<16xi32>], vector<16xf32>, vector<16xi1>
        %sub3A_350 = arith.constant 352 : i32
        %sub3A_351 = vector.broadcast %sub3A_350 : i32 to vector<16xi32>
        %sub3A_352 = arith.subi %add3A_333, %sub3A_351 : vector<16xi32>
        %bitcast3A_353 = vector.bitcast %sub3A_352 : vector<16xi32> to vector<16xi32>
        %lt3A_354 = arith.constant 160 : i32
        %lt3A_355 = vector.broadcast %lt3A_354 : i32 to vector<16xi32>
        %lt3A_356 = arith.cmpi ult, %bitcast3A_353, %lt3A_355 : vector<16xi32>
        %mul3A_357 = arith.mulf %get3A_294, %get3A_302 : vector<16xf32>
        tpu.vector_store_idx %arg4[%sub3A_352, %and3A_321], %mul3A_357 masked %lt3A_356 {add = true} : memref<176x512xf32, #tpu.memory_space<vmem>>[vector<16xi32>, vector<16xi32>], vector<16xf32>, vector<16xi1>
        %mul3A_358 = arith.mulf %get3A_294, %get3A_306 : vector<16xf32>
        tpu.vector_store_idx %arg4[%sub3A_352, %add3A_324], %mul3A_358 masked %lt3A_356 {add = true} : memref<176x512xf32, #tpu.memory_space<vmem>>[vector<16xi32>, vector<16xi32>], vector<16xf32>, vector<16xi1>
        %mul3A_359 = arith.mulf %get3A_294, %get3A_310 : vector<16xf32>
        tpu.vector_store_idx %arg4[%sub3A_352, %min3A_330], %mul3A_359 masked %lt3A_356 {add = true} : memref<176x512xf32, #tpu.memory_space<vmem>>[vector<16xi32>, vector<16xi32>], vector<16xf32>, vector<16xi1>
        %sub3A_360 = arith.constant 352 : i32
        %sub3A_361 = vector.broadcast %sub3A_360 : i32 to vector<16xi32>
        %sub3A_362 = arith.subi %min3A_339, %sub3A_361 : vector<16xi32>
        %bitcast3A_363 = vector.bitcast %sub3A_362 : vector<16xi32> to vector<16xi32>
        %lt3A_364 = arith.constant 160 : i32
        %lt3A_365 = vector.broadcast %lt3A_364 : i32 to vector<16xi32>
        %lt3A_366 = arith.cmpi ult, %bitcast3A_363, %lt3A_365 : vector<16xi32>
        %mul3A_367 = arith.mulf %get3A_298, %get3A_302 : vector<16xf32>
        tpu.vector_store_idx %arg4[%sub3A_362, %and3A_321], %mul3A_367 masked %lt3A_366 {add = true} : memref<176x512xf32, #tpu.memory_space<vmem>>[vector<16xi32>, vector<16xi32>], vector<16xf32>, vector<16xi1>
        %mul3A_368 = arith.mulf %get3A_298, %get3A_306 : vector<16xf32>
        tpu.vector_store_idx %arg4[%sub3A_362, %add3A_324], %mul3A_368 masked %lt3A_366 {add = true} : memref<176x512xf32, #tpu.memory_space<vmem>>[vector<16xi32>, vector<16xi32>], vector<16xf32>, vector<16xi1>
        %mul3A_369 = arith.mulf %get3A_298, %get3A_310 : vector<16xf32>
        tpu.vector_store_idx %arg4[%sub3A_362, %min3A_330], %mul3A_369 masked %lt3A_366 {add = true} : memref<176x512xf32, #tpu.memory_space<vmem>>[vector<16xi32>, vector<16xi32>], vector<16xf32>, vector<16xi1>
        %mul3A_370 = arith.constant 4 : i32
        %mul3A_371 = arith.muli %scan3A_107, %mul3A_370 : i32
        %add3A_372 = arith.constant 3 : i32
        %add3A_373 = arith.addi %mul3A_371, %add3A_372 : i32
        %mul3A_374 = arith.constant 16 : i32
        %mul3A_375 = arith.muli %add3A_373, %mul3A_374 : i32
        %get3A_376 = arith.constant 0 : i32
        %get3A_377 = arith.index_cast %get3A_376 : i32 to index
        %get3A_378 = arith.index_cast %mul3A_375 : i32 to index
        %get3A_379 = tpu.vector_load %arg5[%get3A_377, %get3A_378] {strides = array<i32>} : memref<7x1280xf32, #tpu.memory_space<vmem>>, vector<16xf32>,
        %get3A_380 = arith.constant 1 : i32
        %get3A_381 = arith.index_cast %get3A_380 : i32 to index
        %get3A_382 = arith.index_cast %mul3A_375 : i32 to index
        %get3A_383 = tpu.vector_load %arg5[%get3A_381, %get3A_382] {strides = array<i32>} : memref<7x1280xf32, #tpu.memory_space<vmem>>, vector<16xf32>,
        %get3A_384 = arith.constant 2 : i32
        %get3A_385 = arith.index_cast %get3A_384 : i32 to index
        %get3A_386 = arith.index_cast %mul3A_375 : i32 to index
        %get3A_387 = tpu.vector_load %arg5[%get3A_385, %get3A_386] {strides = array<i32>} : memref<7x1280xf32, #tpu.memory_space<vmem>>, vector<16xf32>,
        %get3A_388 = arith.constant 3 : i32
        %get3A_389 = arith.index_cast %get3A_388 : i32 to index
        %get3A_390 = arith.index_cast %mul3A_375 : i32 to index
        %get3A_391 = tpu.vector_load %arg5[%get3A_389, %get3A_390] {strides = array<i32>} : memref<7x1280xf32, #tpu.memory_space<vmem>>, vector<16xf32>,
        %get3A_392 = arith.constant 4 : i32
        %get3A_393 = arith.index_cast %get3A_392 : i32 to index
        %get3A_394 = arith.index_cast %mul3A_375 : i32 to index
        %get3A_395 = tpu.vector_load %arg5[%get3A_393, %get3A_394] {strides = array<i32>} : memref<7x1280xf32, #tpu.memory_space<vmem>>, vector<16xf32>,
        %get3A_396 = arith.constant 5 : i32
        %get3A_397 = arith.index_cast %get3A_396 : i32 to index
        %get3A_398 = arith.index_cast %mul3A_375 : i32 to index
        %get3A_399 = tpu.vector_load %arg5[%get3A_397, %get3A_398] {strides = array<i32>} : memref<7x1280xf32, #tpu.memory_space<vmem>>, vector<16xf32>,
        %get3A_400 = arith.constant 6 : i32
        %get3A_401 = arith.index_cast %get3A_400 : i32 to index
        %get3A_402 = arith.index_cast %mul3A_375 : i32 to index
        %get3A_403 = tpu.vector_load %arg5[%get3A_401, %get3A_402] {strides = array<i32>} : memref<7x1280xf32, #tpu.memory_space<vmem>>, vector<16xf32>,
        %bitcast3A_404 = vector.bitcast %get3A_403 : vector<16xf32> to vector<16xi32>
        %shift_right_arithmetic3A_405 = arith.constant 10 : i32
        %shift_right_arithmetic3A_406 = vector.broadcast %shift_right_arithmetic3A_405 : i32 to vector<16xi32>
        %shift_right_arithmetic3A_407 = arith.shrsi %bitcast3A_404, %shift_right_arithmetic3A_406 : vector<16xi32>
        %and3A_408 = arith.constant 1023 : i32
        %and3A_409 = vector.broadcast %and3A_408 : i32 to vector<16xi32>
        %and3A_410 = arith.andi %bitcast3A_404, %and3A_409 : vector<16xi32>
        %add3A_411 = arith.constant 1 : i32
        %add3A_412 = vector.broadcast %add3A_411 : i32 to vector<16xi32>
        %add3A_413 = arith.addi %and3A_410, %add3A_412 : vector<16xi32>
        %add3A_414 = arith.constant 2 : i32
        %add3A_415 = vector.broadcast %add3A_414 : i32 to vector<16xi32>
        %add3A_416 = arith.addi %and3A_410, %add3A_415 : vector<16xi32>
        %min3A_417 = arith.constant 511 : i32
        %min3A_418 = vector.broadcast %min3A_417 : i32 to vector<16xi32>
        %min3A_419 = arith.minsi %add3A_416, %min3A_418 : vector<16xi32>
        %add3A_420 = arith.constant 1 : i32
        %add3A_421 = vector.broadcast %add3A_420 : i32 to vector<16xi32>
        %add3A_422 = arith.addi %shift_right_arithmetic3A_407, %add3A_421 : vector<16xi32>
        %add3A_423 = arith.constant 2 : i32
        %add3A_424 = vector.broadcast %add3A_423 : i32 to vector<16xi32>
        %add3A_425 = arith.addi %shift_right_arithmetic3A_407, %add3A_424 : vector<16xi32>
        %min3A_426 = arith.constant 511 : i32
        %min3A_427 = vector.broadcast %min3A_426 : i32 to vector<16xi32>
        %min3A_428 = arith.minsi %add3A_425, %min3A_427 : vector<16xi32>
        %sub3A_429 = arith.constant 352 : i32
        %sub3A_430 = vector.broadcast %sub3A_429 : i32 to vector<16xi32>
        %sub3A_431 = arith.subi %shift_right_arithmetic3A_407, %sub3A_430 : vector<16xi32>
        %bitcast3A_432 = vector.bitcast %sub3A_431 : vector<16xi32> to vector<16xi32>
        %lt3A_433 = arith.constant 160 : i32
        %lt3A_434 = vector.broadcast %lt3A_433 : i32 to vector<16xi32>
        %lt3A_435 = arith.cmpi ult, %bitcast3A_432, %lt3A_434 : vector<16xi32>
        %mul3A_436 = arith.mulf %get3A_379, %get3A_391 : vector<16xf32>
        tpu.vector_store_idx %arg4[%sub3A_431, %and3A_410], %mul3A_436 masked %lt3A_435 {add = true} : memref<176x512xf32, #tpu.memory_space<vmem>>[vector<16xi32>, vector<16xi32>], vector<16xf32>, vector<16xi1>
        %mul3A_437 = arith.mulf %get3A_379, %get3A_395 : vector<16xf32>
        tpu.vector_store_idx %arg4[%sub3A_431, %add3A_413], %mul3A_437 masked %lt3A_435 {add = true} : memref<176x512xf32, #tpu.memory_space<vmem>>[vector<16xi32>, vector<16xi32>], vector<16xf32>, vector<16xi1>
        %mul3A_438 = arith.mulf %get3A_379, %get3A_399 : vector<16xf32>
        tpu.vector_store_idx %arg4[%sub3A_431, %min3A_419], %mul3A_438 masked %lt3A_435 {add = true} : memref<176x512xf32, #tpu.memory_space<vmem>>[vector<16xi32>, vector<16xi32>], vector<16xf32>, vector<16xi1>
        %sub3A_439 = arith.constant 352 : i32
        %sub3A_440 = vector.broadcast %sub3A_439 : i32 to vector<16xi32>
        %sub3A_441 = arith.subi %add3A_422, %sub3A_440 : vector<16xi32>
        %bitcast3A_442 = vector.bitcast %sub3A_441 : vector<16xi32> to vector<16xi32>
        %lt3A_443 = arith.constant 160 : i32
        %lt3A_444 = vector.broadcast %lt3A_443 : i32 to vector<16xi32>
        %lt3A_445 = arith.cmpi ult, %bitcast3A_442, %lt3A_444 : vector<16xi32>
        %mul3A_446 = arith.mulf %get3A_383, %get3A_391 : vector<16xf32>
        tpu.vector_store_idx %arg4[%sub3A_441, %and3A_410], %mul3A_446 masked %lt3A_445 {add = true} : memref<176x512xf32, #tpu.memory_space<vmem>>[vector<16xi32>, vector<16xi32>], vector<16xf32>, vector<16xi1>
        %mul3A_447 = arith.mulf %get3A_383, %get3A_395 : vector<16xf32>
        tpu.vector_store_idx %arg4[%sub3A_441, %add3A_413], %mul3A_447 masked %lt3A_445 {add = true} : memref<176x512xf32, #tpu.memory_space<vmem>>[vector<16xi32>, vector<16xi32>], vector<16xf32>, vector<16xi1>
        %mul3A_448 = arith.mulf %get3A_383, %get3A_399 : vector<16xf32>
        tpu.vector_store_idx %arg4[%sub3A_441, %min3A_419], %mul3A_448 masked %lt3A_445 {add = true} : memref<176x512xf32, #tpu.memory_space<vmem>>[vector<16xi32>, vector<16xi32>], vector<16xf32>, vector<16xi1>
        %sub3A_449 = arith.constant 352 : i32
        %sub3A_450 = vector.broadcast %sub3A_449 : i32 to vector<16xi32>
        %sub3A_451 = arith.subi %min3A_428, %sub3A_450 : vector<16xi32>
        %bitcast3A_452 = vector.bitcast %sub3A_451 : vector<16xi32> to vector<16xi32>
        %lt3A_453 = arith.constant 160 : i32
        %lt3A_454 = vector.broadcast %lt3A_453 : i32 to vector<16xi32>
        %lt3A_455 = arith.cmpi ult, %bitcast3A_452, %lt3A_454 : vector<16xi32>
        %mul3A_456 = arith.mulf %get3A_387, %get3A_391 : vector<16xf32>
        tpu.vector_store_idx %arg4[%sub3A_451, %and3A_410], %mul3A_456 masked %lt3A_455 {add = true} : memref<176x512xf32, #tpu.memory_space<vmem>>[vector<16xi32>, vector<16xi32>], vector<16xf32>, vector<16xi1>
        %mul3A_457 = arith.mulf %get3A_387, %get3A_395 : vector<16xf32>
        tpu.vector_store_idx %arg4[%sub3A_451, %add3A_413], %mul3A_457 masked %lt3A_455 {add = true} : memref<176x512xf32, #tpu.memory_space<vmem>>[vector<16xi32>, vector<16xi32>], vector<16xf32>, vector<16xi1>
        %mul3A_458 = arith.mulf %get3A_387, %get3A_399 : vector<16xf32>
        tpu.vector_store_idx %arg4[%sub3A_451, %min3A_419], %mul3A_458 masked %lt3A_455 {add = true} : memref<176x512xf32, #tpu.memory_space<vmem>>[vector<16xi32>, vector<16xi32>], vector<16xf32>, vector<16xi1>
        %scan3A_459 = arith.constant 0 : i32
        scf.yield %scan3A_459 : i32
      }
      %scan3A_87 = arith.constant 20 : i32
      %add3A_88 = arith.constant 1 : i32
      %add3A_89 = arith.addi %mul3A_65, %add3A_88 : i32
      %mul3A_90 = arith.constant 1280 : i32
      %mul3A_91 = arith.muli %add3A_89, %mul3A_90 : i32
      %add3A_92 = arith.addi %mul3A_2, %mul3A_91 : i32
      %dma_wait3A_93 = arith.constant 0 : i32
      %dma_wait3A_94 = tpu.memref_slice %arg2[%dma_wait3A_93, %add3A_92] : memref<7x819200xf32, #tpu.memory_space<hbm>> -> memref<7x1280xf32, #tpu.memory_space<hbm>>
      %dma_wait3A_95 = arith.constant 0 : i32
      %dma_wait3A_96 = tpu.memref_slice %arg2[%dma_wait3A_95, %add3A_92] : memref<7x819200xf32, #tpu.memory_space<hbm>> -> memref<7x1280xf32, #tpu.memory_space<hbm>>
      tpu.wait_dma2 semaphore(%arg8 : memref<!tpu.dma_semaphore, #tpu.memory_space<semaphore_mem>>) src(%dma_wait3A_96 : memref<7x1280xf32, #tpu.memory_space<hbm>>) dst(%arg6 : memref<7x1280xf32, #tpu.memory_space<vmem>>)
      %lt3A = arith.constant 9 : i32
      %lt3A_97 = arith.cmpi slt, %scan3A_62, %lt3A : i32
      %convert_element_type3A = arith.extui %lt3A_97 : i1 to i32
      %cond3A = arith.constant 0 : i32
      %cond3A_98 = arith.cmpi ne, %convert_element_type3A, %cond3A : i32
      scf.if %cond3A_98 {
        %add3A_107 = arith.constant 2 : i32
        %add3A_108 = arith.addi %mul3A_65, %add3A_107 : i32
        %mul3A_109 = arith.constant 1280 : i32
        %mul3A_110 = arith.muli %add3A_108, %mul3A_109 : i32
        %add3A_111 = arith.addi %mul3A_2, %mul3A_110 : i32
        %dma_start3A_112 = arith.constant 0 : i32
        %dma_start3A_113 = tpu.memref_slice %arg2[%dma_start3A_112, %add3A_111] : memref<7x819200xf32, #tpu.memory_space<hbm>> -> memref<7x1280xf32, #tpu.memory_space<hbm>>
        %dma_start3A_114 = arith.constant 0 : i32
        %dma_start3A_115 = tpu.memref_slice %arg2[%dma_start3A_114, %add3A_111] : memref<7x819200xf32, #tpu.memory_space<hbm>> -> memref<7x1280xf32, #tpu.memory_space<hbm>>
        tpu.enqueue_dma source(%dma_start3A_115 : memref<7x1280xf32, #tpu.memory_space<hbm>>) target(%arg5 : memref<7x1280xf32, #tpu.memory_space<vmem>>) target_semaphore(%arg7 : memref<!tpu.dma_semaphore, #tpu.memory_space<semaphore_mem>>)
      } else {
      }
      %scan3A_99 = arith.constant 0 : i32
      %scan3A_100 = arith.constant 0 : i32
      %scan3A_101 = arith.constant 20 : i32
      %scan3A_102 = arith.addi %scan3A_100, %scan3A_101 : i32
      %scan3A_103 = arith.constant 1 : i32
      %scan3A_104 = scf.for %scan3A_107 = %scan3A_100 to %scan3A_102 step %scan3A_103 iter_args(%scan3A_108 = %scan3A_99) -> (i32)  : i32 {
        %mul3A_109 = arith.constant 4 : i32
        %mul3A_110 = arith.muli %scan3A_107, %mul3A_109 : i32
        %add3A_111 = arith.constant 0 : i32
        %add3A_112 = arith.addi %mul3A_110, %add3A_111 : i32
        %mul3A_113 = arith.constant 16 : i32
        %mul3A_114 = arith.muli %add3A_112, %mul3A_113 : i32
        %get3A = arith.constant 0 : i32
        %get3A_115 = arith.index_cast %get3A : i32 to index
        %get3A_116 = arith.index_cast %mul3A_114 : i32 to index
        %get3A_117 = tpu.vector_load %arg6[%get3A_115, %get3A_116] {strides = array<i32>} : memref<7x1280xf32, #tpu.memory_space<vmem>>, vector<16xf32>,
        %get3A_118 = arith.constant 1 : i32
        %get3A_119 = arith.index_cast %get3A_118 : i32 to index
        %get3A_120 = arith.index_cast %mul3A_114 : i32 to index
        %get3A_121 = tpu.vector_load %arg6[%get3A_119, %get3A_120] {strides = array<i32>} : memref<7x1280xf32, #tpu.memory_space<vmem>>, vector<16xf32>,
        %get3A_122 = arith.constant 2 : i32
        %get3A_123 = arith.index_cast %get3A_122 : i32 to index
        %get3A_124 = arith.index_cast %mul3A_114 : i32 to index
        %get3A_125 = tpu.vector_load %arg6[%get3A_123, %get3A_124] {strides = array<i32>} : memref<7x1280xf32, #tpu.memory_space<vmem>>, vector<16xf32>,
        %get3A_126 = arith.constant 3 : i32
        %get3A_127 = arith.index_cast %get3A_126 : i32 to index
        %get3A_128 = arith.index_cast %mul3A_114 : i32 to index
        %get3A_129 = tpu.vector_load %arg6[%get3A_127, %get3A_128] {strides = array<i32>} : memref<7x1280xf32, #tpu.memory_space<vmem>>, vector<16xf32>,
        %get3A_130 = arith.constant 4 : i32
        %get3A_131 = arith.index_cast %get3A_130 : i32 to index
        %get3A_132 = arith.index_cast %mul3A_114 : i32 to index
        %get3A_133 = tpu.vector_load %arg6[%get3A_131, %get3A_132] {strides = array<i32>} : memref<7x1280xf32, #tpu.memory_space<vmem>>, vector<16xf32>,
        %get3A_134 = arith.constant 5 : i32
        %get3A_135 = arith.index_cast %get3A_134 : i32 to index
        %get3A_136 = arith.index_cast %mul3A_114 : i32 to index
        %get3A_137 = tpu.vector_load %arg6[%get3A_135, %get3A_136] {strides = array<i32>} : memref<7x1280xf32, #tpu.memory_space<vmem>>, vector<16xf32>,
        %get3A_138 = arith.constant 6 : i32
        %get3A_139 = arith.index_cast %get3A_138 : i32 to index
        %get3A_140 = arith.index_cast %mul3A_114 : i32 to index
        %get3A_141 = tpu.vector_load %arg6[%get3A_139, %get3A_140] {strides = array<i32>} : memref<7x1280xf32, #tpu.memory_space<vmem>>, vector<16xf32>,
        %bitcast3A = vector.bitcast %get3A_141 : vector<16xf32> to vector<16xi32>
        %shift_right_arithmetic3A = arith.constant 10 : i32
        %shift_right_arithmetic3A_142 = vector.broadcast %shift_right_arithmetic3A : i32 to vector<16xi32>
        %shift_right_arithmetic3A_143 = arith.shrsi %bitcast3A, %shift_right_arithmetic3A_142 : vector<16xi32>
        %and3A = arith.constant 1023 : i32
        %and3A_144 = vector.broadcast %and3A : i32 to vector<16xi32>
        %and3A_145 = arith.andi %bitcast3A, %and3A_144 : vector<16xi32>
        %add3A_146 = arith.constant 1 : i32
        %add3A_147 = vector.broadcast %add3A_146 : i32 to vector<16xi32>
        %add3A_148 = arith.addi %and3A_145, %add3A_147 : vector<16xi32>
        %add3A_149 = arith.constant 2 : i32
        %add3A_150 = vector.broadcast %add3A_149 : i32 to vector<16xi32>
        %add3A_151 = arith.addi %and3A_145, %add3A_150 : vector<16xi32>
        %min3A = arith.constant 511 : i32
        %min3A_152 = vector.broadcast %min3A : i32 to vector<16xi32>
        %min3A_153 = arith.minsi %add3A_151, %min3A_152 : vector<16xi32>
        %add3A_154 = arith.constant 1 : i32
        %add3A_155 = vector.broadcast %add3A_154 : i32 to vector<16xi32>
        %add3A_156 = arith.addi %shift_right_arithmetic3A_143, %add3A_155 : vector<16xi32>
        %add3A_157 = arith.constant 2 : i32
        %add3A_158 = vector.broadcast %add3A_157 : i32 to vector<16xi32>
        %add3A_159 = arith.addi %shift_right_arithmetic3A_143, %add3A_158 : vector<16xi32>
        %min3A_160 = arith.constant 511 : i32
        %min3A_161 = vector.broadcast %min3A_160 : i32 to vector<16xi32>
        %min3A_162 = arith.minsi %add3A_159, %min3A_161 : vector<16xi32>
        %sub3A = arith.constant 352 : i32
        %sub3A_163 = vector.broadcast %sub3A : i32 to vector<16xi32>
        %sub3A_164 = arith.subi %shift_right_arithmetic3A_143, %sub3A_163 : vector<16xi32>
        %bitcast3A_165 = vector.bitcast %sub3A_164 : vector<16xi32> to vector<16xi32>
        %lt3A_166 = arith.constant 160 : i32
        %lt3A_167 = vector.broadcast %lt3A_166 : i32 to vector<16xi32>
        %lt3A_168 = arith.cmpi ult, %bitcast3A_165, %lt3A_167 : vector<16xi32>
        %mul3A_169 = arith.mulf %get3A_117, %get3A_129 : vector<16xf32>
        tpu.vector_store_idx %arg4[%sub3A_164, %and3A_145], %mul3A_169 masked %lt3A_168 {add = true} : memref<176x512xf32, #tpu.memory_space<vmem>>[vector<16xi32>, vector<16xi32>], vector<16xf32>, vector<16xi1>
        %mul3A_170 = arith.mulf %get3A_117, %get3A_133 : vector<16xf32>
        tpu.vector_store_idx %arg4[%sub3A_164, %add3A_148], %mul3A_170 masked %lt3A_168 {add = true} : memref<176x512xf32, #tpu.memory_space<vmem>>[vector<16xi32>, vector<16xi32>], vector<16xf32>, vector<16xi1>
        %mul3A_171 = arith.mulf %get3A_117, %get3A_137 : vector<16xf32>
        tpu.vector_store_idx %arg4[%sub3A_164, %min3A_153], %mul3A_171 masked %lt3A_168 {add = true} : memref<176x512xf32, #tpu.memory_space<vmem>>[vector<16xi32>, vector<16xi32>], vector<16xf32>, vector<16xi1>
        %sub3A_172 = arith.constant 352 : i32
        %sub3A_173 = vector.broadcast %sub3A_172 : i32 to vector<16xi32>
        %sub3A_174 = arith.subi %add3A_156, %sub3A_173 : vector<16xi32>
        %bitcast3A_175 = vector.bitcast %sub3A_174 : vector<16xi32> to vector<16xi32>
        %lt3A_176 = arith.constant 160 : i32
        %lt3A_177 = vector.broadcast %lt3A_176 : i32 to vector<16xi32>
        %lt3A_178 = arith.cmpi ult, %bitcast3A_175, %lt3A_177 : vector<16xi32>
        %mul3A_179 = arith.mulf %get3A_121, %get3A_129 : vector<16xf32>
        tpu.vector_store_idx %arg4[%sub3A_174, %and3A_145], %mul3A_179 masked %lt3A_178 {add = true} : memref<176x512xf32, #tpu.memory_space<vmem>>[vector<16xi32>, vector<16xi32>], vector<16xf32>, vector<16xi1>
        %mul3A_180 = arith.mulf %get3A_121, %get3A_133 : vector<16xf32>
        tpu.vector_store_idx %arg4[%sub3A_174, %add3A_148], %mul3A_180 masked %lt3A_178 {add = true} : memref<176x512xf32, #tpu.memory_space<vmem>>[vector<16xi32>, vector<16xi32>], vector<16xf32>, vector<16xi1>
        %mul3A_181 = arith.mulf %get3A_121, %get3A_137 : vector<16xf32>
        tpu.vector_store_idx %arg4[%sub3A_174, %min3A_153], %mul3A_181 masked %lt3A_178 {add = true} : memref<176x512xf32, #tpu.memory_space<vmem>>[vector<16xi32>, vector<16xi32>], vector<16xf32>, vector<16xi1>
        %sub3A_182 = arith.constant 352 : i32
        %sub3A_183 = vector.broadcast %sub3A_182 : i32 to vector<16xi32>
        %sub3A_184 = arith.subi %min3A_162, %sub3A_183 : vector<16xi32>
        %bitcast3A_185 = vector.bitcast %sub3A_184 : vector<16xi32> to vector<16xi32>
        %lt3A_186 = arith.constant 160 : i32
        %lt3A_187 = vector.broadcast %lt3A_186 : i32 to vector<16xi32>
        %lt3A_188 = arith.cmpi ult, %bitcast3A_185, %lt3A_187 : vector<16xi32>
        %mul3A_189 = arith.mulf %get3A_125, %get3A_129 : vector<16xf32>
        tpu.vector_store_idx %arg4[%sub3A_184, %and3A_145], %mul3A_189 masked %lt3A_188 {add = true} : memref<176x512xf32, #tpu.memory_space<vmem>>[vector<16xi32>, vector<16xi32>], vector<16xf32>, vector<16xi1>
        %mul3A_190 = arith.mulf %get3A_125, %get3A_133 : vector<16xf32>
        tpu.vector_store_idx %arg4[%sub3A_184, %add3A_148], %mul3A_190 masked %lt3A_188 {add = true} : memref<176x512xf32, #tpu.memory_space<vmem>>[vector<16xi32>, vector<16xi32>], vector<16xf32>, vector<16xi1>
        %mul3A_191 = arith.mulf %get3A_125, %get3A_137 : vector<16xf32>
        tpu.vector_store_idx %arg4[%sub3A_184, %min3A_153], %mul3A_191 masked %lt3A_188 {add = true} : memref<176x512xf32, #tpu.memory_space<vmem>>[vector<16xi32>, vector<16xi32>], vector<16xf32>, vector<16xi1>
        %mul3A_192 = arith.constant 4 : i32
        %mul3A_193 = arith.muli %scan3A_107, %mul3A_192 : i32
        %add3A_194 = arith.constant 1 : i32
        %add3A_195 = arith.addi %mul3A_193, %add3A_194 : i32
        %mul3A_196 = arith.constant 16 : i32
        %mul3A_197 = arith.muli %add3A_195, %mul3A_196 : i32
        %get3A_198 = arith.constant 0 : i32
        %get3A_199 = arith.index_cast %get3A_198 : i32 to index
        %get3A_200 = arith.index_cast %mul3A_197 : i32 to index
        %get3A_201 = tpu.vector_load %arg6[%get3A_199, %get3A_200] {strides = array<i32>} : memref<7x1280xf32, #tpu.memory_space<vmem>>, vector<16xf32>,
        %get3A_202 = arith.constant 1 : i32
        %get3A_203 = arith.index_cast %get3A_202 : i32 to index
        %get3A_204 = arith.index_cast %mul3A_197 : i32 to index
        %get3A_205 = tpu.vector_load %arg6[%get3A_203, %get3A_204] {strides = array<i32>} : memref<7x1280xf32, #tpu.memory_space<vmem>>, vector<16xf32>,
        %get3A_206 = arith.constant 2 : i32
        %get3A_207 = arith.index_cast %get3A_206 : i32 to index
        %get3A_208 = arith.index_cast %mul3A_197 : i32 to index
        %get3A_209 = tpu.vector_load %arg6[%get3A_207, %get3A_208] {strides = array<i32>} : memref<7x1280xf32, #tpu.memory_space<vmem>>, vector<16xf32>,
        %get3A_210 = arith.constant 3 : i32
        %get3A_211 = arith.index_cast %get3A_210 : i32 to index
        %get3A_212 = arith.index_cast %mul3A_197 : i32 to index
        %get3A_213 = tpu.vector_load %arg6[%get3A_211, %get3A_212] {strides = array<i32>} : memref<7x1280xf32, #tpu.memory_space<vmem>>, vector<16xf32>,
        %get3A_214 = arith.constant 4 : i32
        %get3A_215 = arith.index_cast %get3A_214 : i32 to index
        %get3A_216 = arith.index_cast %mul3A_197 : i32 to index
        %get3A_217 = tpu.vector_load %arg6[%get3A_215, %get3A_216] {strides = array<i32>} : memref<7x1280xf32, #tpu.memory_space<vmem>>, vector<16xf32>,
        %get3A_218 = arith.constant 5 : i32
        %get3A_219 = arith.index_cast %get3A_218 : i32 to index
        %get3A_220 = arith.index_cast %mul3A_197 : i32 to index
        %get3A_221 = tpu.vector_load %arg6[%get3A_219, %get3A_220] {strides = array<i32>} : memref<7x1280xf32, #tpu.memory_space<vmem>>, vector<16xf32>,
        %get3A_222 = arith.constant 6 : i32
        %get3A_223 = arith.index_cast %get3A_222 : i32 to index
        %get3A_224 = arith.index_cast %mul3A_197 : i32 to index
        %get3A_225 = tpu.vector_load %arg6[%get3A_223, %get3A_224] {strides = array<i32>} : memref<7x1280xf32, #tpu.memory_space<vmem>>, vector<16xf32>,
        %bitcast3A_226 = vector.bitcast %get3A_225 : vector<16xf32> to vector<16xi32>
        %shift_right_arithmetic3A_227 = arith.constant 10 : i32
        %shift_right_arithmetic3A_228 = vector.broadcast %shift_right_arithmetic3A_227 : i32 to vector<16xi32>
        %shift_right_arithmetic3A_229 = arith.shrsi %bitcast3A_226, %shift_right_arithmetic3A_228 : vector<16xi32>
        %and3A_230 = arith.constant 1023 : i32
        %and3A_231 = vector.broadcast %and3A_230 : i32 to vector<16xi32>
        %and3A_232 = arith.andi %bitcast3A_226, %and3A_231 : vector<16xi32>
        %add3A_233 = arith.constant 1 : i32
        %add3A_234 = vector.broadcast %add3A_233 : i32 to vector<16xi32>
        %add3A_235 = arith.addi %and3A_232, %add3A_234 : vector<16xi32>
        %add3A_236 = arith.constant 2 : i32
        %add3A_237 = vector.broadcast %add3A_236 : i32 to vector<16xi32>
        %add3A_238 = arith.addi %and3A_232, %add3A_237 : vector<16xi32>
        %min3A_239 = arith.constant 511 : i32
        %min3A_240 = vector.broadcast %min3A_239 : i32 to vector<16xi32>
        %min3A_241 = arith.minsi %add3A_238, %min3A_240 : vector<16xi32>
        %add3A_242 = arith.constant 1 : i32
        %add3A_243 = vector.broadcast %add3A_242 : i32 to vector<16xi32>
        %add3A_244 = arith.addi %shift_right_arithmetic3A_229, %add3A_243 : vector<16xi32>
        %add3A_245 = arith.constant 2 : i32
        %add3A_246 = vector.broadcast %add3A_245 : i32 to vector<16xi32>
        %add3A_247 = arith.addi %shift_right_arithmetic3A_229, %add3A_246 : vector<16xi32>
        %min3A_248 = arith.constant 511 : i32
        %min3A_249 = vector.broadcast %min3A_248 : i32 to vector<16xi32>
        %min3A_250 = arith.minsi %add3A_247, %min3A_249 : vector<16xi32>
        %sub3A_251 = arith.constant 352 : i32
        %sub3A_252 = vector.broadcast %sub3A_251 : i32 to vector<16xi32>
        %sub3A_253 = arith.subi %shift_right_arithmetic3A_229, %sub3A_252 : vector<16xi32>
        %bitcast3A_254 = vector.bitcast %sub3A_253 : vector<16xi32> to vector<16xi32>
        %lt3A_255 = arith.constant 160 : i32
        %lt3A_256 = vector.broadcast %lt3A_255 : i32 to vector<16xi32>
        %lt3A_257 = arith.cmpi ult, %bitcast3A_254, %lt3A_256 : vector<16xi32>
        %mul3A_258 = arith.mulf %get3A_201, %get3A_213 : vector<16xf32>
        tpu.vector_store_idx %arg4[%sub3A_253, %and3A_232], %mul3A_258 masked %lt3A_257 {add = true} : memref<176x512xf32, #tpu.memory_space<vmem>>[vector<16xi32>, vector<16xi32>], vector<16xf32>, vector<16xi1>
        %mul3A_259 = arith.mulf %get3A_201, %get3A_217 : vector<16xf32>
        tpu.vector_store_idx %arg4[%sub3A_253, %add3A_235], %mul3A_259 masked %lt3A_257 {add = true} : memref<176x512xf32, #tpu.memory_space<vmem>>[vector<16xi32>, vector<16xi32>], vector<16xf32>, vector<16xi1>
        %mul3A_260 = arith.mulf %get3A_201, %get3A_221 : vector<16xf32>
        tpu.vector_store_idx %arg4[%sub3A_253, %min3A_241], %mul3A_260 masked %lt3A_257 {add = true} : memref<176x512xf32, #tpu.memory_space<vmem>>[vector<16xi32>, vector<16xi32>], vector<16xf32>, vector<16xi1>
        %sub3A_261 = arith.constant 352 : i32
        %sub3A_262 = vector.broadcast %sub3A_261 : i32 to vector<16xi32>
        %sub3A_263 = arith.subi %add3A_244, %sub3A_262 : vector<16xi32>
        %bitcast3A_264 = vector.bitcast %sub3A_263 : vector<16xi32> to vector<16xi32>
        %lt3A_265 = arith.constant 160 : i32
        %lt3A_266 = vector.broadcast %lt3A_265 : i32 to vector<16xi32>
        %lt3A_267 = arith.cmpi ult, %bitcast3A_264, %lt3A_266 : vector<16xi32>
        %mul3A_268 = arith.mulf %get3A_205, %get3A_213 : vector<16xf32>
        tpu.vector_store_idx %arg4[%sub3A_263, %and3A_232], %mul3A_268 masked %lt3A_267 {add = true} : memref<176x512xf32, #tpu.memory_space<vmem>>[vector<16xi32>, vector<16xi32>], vector<16xf32>, vector<16xi1>
        %mul3A_269 = arith.mulf %get3A_205, %get3A_217 : vector<16xf32>
        tpu.vector_store_idx %arg4[%sub3A_263, %add3A_235], %mul3A_269 masked %lt3A_267 {add = true} : memref<176x512xf32, #tpu.memory_space<vmem>>[vector<16xi32>, vector<16xi32>], vector<16xf32>, vector<16xi1>
        %mul3A_270 = arith.mulf %get3A_205, %get3A_221 : vector<16xf32>
        tpu.vector_store_idx %arg4[%sub3A_263, %min3A_241], %mul3A_270 masked %lt3A_267 {add = true} : memref<176x512xf32, #tpu.memory_space<vmem>>[vector<16xi32>, vector<16xi32>], vector<16xf32>, vector<16xi1>
        %sub3A_271 = arith.constant 352 : i32
        %sub3A_272 = vector.broadcast %sub3A_271 : i32 to vector<16xi32>
        %sub3A_273 = arith.subi %min3A_250, %sub3A_272 : vector<16xi32>
        %bitcast3A_274 = vector.bitcast %sub3A_273 : vector<16xi32> to vector<16xi32>
        %lt3A_275 = arith.constant 160 : i32
        %lt3A_276 = vector.broadcast %lt3A_275 : i32 to vector<16xi32>
        %lt3A_277 = arith.cmpi ult, %bitcast3A_274, %lt3A_276 : vector<16xi32>
        %mul3A_278 = arith.mulf %get3A_209, %get3A_213 : vector<16xf32>
        tpu.vector_store_idx %arg4[%sub3A_273, %and3A_232], %mul3A_278 masked %lt3A_277 {add = true} : memref<176x512xf32, #tpu.memory_space<vmem>>[vector<16xi32>, vector<16xi32>], vector<16xf32>, vector<16xi1>
        %mul3A_279 = arith.mulf %get3A_209, %get3A_217 : vector<16xf32>
        tpu.vector_store_idx %arg4[%sub3A_273, %add3A_235], %mul3A_279 masked %lt3A_277 {add = true} : memref<176x512xf32, #tpu.memory_space<vmem>>[vector<16xi32>, vector<16xi32>], vector<16xf32>, vector<16xi1>
        %mul3A_280 = arith.mulf %get3A_209, %get3A_221 : vector<16xf32>
        tpu.vector_store_idx %arg4[%sub3A_273, %min3A_241], %mul3A_280 masked %lt3A_277 {add = true} : memref<176x512xf32, #tpu.memory_space<vmem>>[vector<16xi32>, vector<16xi32>], vector<16xf32>, vector<16xi1>
        %mul3A_281 = arith.constant 4 : i32
        %mul3A_282 = arith.muli %scan3A_107, %mul3A_281 : i32
        %add3A_283 = arith.constant 2 : i32
        %add3A_284 = arith.addi %mul3A_282, %add3A_283 : i32
        %mul3A_285 = arith.constant 16 : i32
        %mul3A_286 = arith.muli %add3A_284, %mul3A_285 : i32
        %get3A_287 = arith.constant 0 : i32
        %get3A_288 = arith.index_cast %get3A_287 : i32 to index
        %get3A_289 = arith.index_cast %mul3A_286 : i32 to index
        %get3A_290 = tpu.vector_load %arg6[%get3A_288, %get3A_289] {strides = array<i32>} : memref<7x1280xf32, #tpu.memory_space<vmem>>, vector<16xf32>,
        %get3A_291 = arith.constant 1 : i32
        %get3A_292 = arith.index_cast %get3A_291 : i32 to index
        %get3A_293 = arith.index_cast %mul3A_286 : i32 to index
        %get3A_294 = tpu.vector_load %arg6[%get3A_292, %get3A_293] {strides = array<i32>} : memref<7x1280xf32, #tpu.memory_space<vmem>>, vector<16xf32>,
        %get3A_295 = arith.constant 2 : i32
        %get3A_296 = arith.index_cast %get3A_295 : i32 to index
        %get3A_297 = arith.index_cast %mul3A_286 : i32 to index
        %get3A_298 = tpu.vector_load %arg6[%get3A_296, %get3A_297] {strides = array<i32>} : memref<7x1280xf32, #tpu.memory_space<vmem>>, vector<16xf32>,
        %get3A_299 = arith.constant 3 : i32
        %get3A_300 = arith.index_cast %get3A_299 : i32 to index
        %get3A_301 = arith.index_cast %mul3A_286 : i32 to index
        %get3A_302 = tpu.vector_load %arg6[%get3A_300, %get3A_301] {strides = array<i32>} : memref<7x1280xf32, #tpu.memory_space<vmem>>, vector<16xf32>,
        %get3A_303 = arith.constant 4 : i32
        %get3A_304 = arith.index_cast %get3A_303 : i32 to index
        %get3A_305 = arith.index_cast %mul3A_286 : i32 to index
        %get3A_306 = tpu.vector_load %arg6[%get3A_304, %get3A_305] {strides = array<i32>} : memref<7x1280xf32, #tpu.memory_space<vmem>>, vector<16xf32>,
        %get3A_307 = arith.constant 5 : i32
        %get3A_308 = arith.index_cast %get3A_307 : i32 to index
        %get3A_309 = arith.index_cast %mul3A_286 : i32 to index
        %get3A_310 = tpu.vector_load %arg6[%get3A_308, %get3A_309] {strides = array<i32>} : memref<7x1280xf32, #tpu.memory_space<vmem>>, vector<16xf32>,
        %get3A_311 = arith.constant 6 : i32
        %get3A_312 = arith.index_cast %get3A_311 : i32 to index
        %get3A_313 = arith.index_cast %mul3A_286 : i32 to index
        %get3A_314 = tpu.vector_load %arg6[%get3A_312, %get3A_313] {strides = array<i32>} : memref<7x1280xf32, #tpu.memory_space<vmem>>, vector<16xf32>,
        %bitcast3A_315 = vector.bitcast %get3A_314 : vector<16xf32> to vector<16xi32>
        %shift_right_arithmetic3A_316 = arith.constant 10 : i32
        %shift_right_arithmetic3A_317 = vector.broadcast %shift_right_arithmetic3A_316 : i32 to vector<16xi32>
        %shift_right_arithmetic3A_318 = arith.shrsi %bitcast3A_315, %shift_right_arithmetic3A_317 : vector<16xi32>
        %and3A_319 = arith.constant 1023 : i32
        %and3A_320 = vector.broadcast %and3A_319 : i32 to vector<16xi32>
        %and3A_321 = arith.andi %bitcast3A_315, %and3A_320 : vector<16xi32>
        %add3A_322 = arith.constant 1 : i32
        %add3A_323 = vector.broadcast %add3A_322 : i32 to vector<16xi32>
        %add3A_324 = arith.addi %and3A_321, %add3A_323 : vector<16xi32>
        %add3A_325 = arith.constant 2 : i32
        %add3A_326 = vector.broadcast %add3A_325 : i32 to vector<16xi32>
        %add3A_327 = arith.addi %and3A_321, %add3A_326 : vector<16xi32>
        %min3A_328 = arith.constant 511 : i32
        %min3A_329 = vector.broadcast %min3A_328 : i32 to vector<16xi32>
        %min3A_330 = arith.minsi %add3A_327, %min3A_329 : vector<16xi32>
        %add3A_331 = arith.constant 1 : i32
        %add3A_332 = vector.broadcast %add3A_331 : i32 to vector<16xi32>
        %add3A_333 = arith.addi %shift_right_arithmetic3A_318, %add3A_332 : vector<16xi32>
        %add3A_334 = arith.constant 2 : i32
        %add3A_335 = vector.broadcast %add3A_334 : i32 to vector<16xi32>
        %add3A_336 = arith.addi %shift_right_arithmetic3A_318, %add3A_335 : vector<16xi32>
        %min3A_337 = arith.constant 511 : i32
        %min3A_338 = vector.broadcast %min3A_337 : i32 to vector<16xi32>
        %min3A_339 = arith.minsi %add3A_336, %min3A_338 : vector<16xi32>
        %sub3A_340 = arith.constant 352 : i32
        %sub3A_341 = vector.broadcast %sub3A_340 : i32 to vector<16xi32>
        %sub3A_342 = arith.subi %shift_right_arithmetic3A_318, %sub3A_341 : vector<16xi32>
        %bitcast3A_343 = vector.bitcast %sub3A_342 : vector<16xi32> to vector<16xi32>
        %lt3A_344 = arith.constant 160 : i32
        %lt3A_345 = vector.broadcast %lt3A_344 : i32 to vector<16xi32>
        %lt3A_346 = arith.cmpi ult, %bitcast3A_343, %lt3A_345 : vector<16xi32>
        %mul3A_347 = arith.mulf %get3A_290, %get3A_302 : vector<16xf32>
        tpu.vector_store_idx %arg4[%sub3A_342, %and3A_321], %mul3A_347 masked %lt3A_346 {add = true} : memref<176x512xf32, #tpu.memory_space<vmem>>[vector<16xi32>, vector<16xi32>], vector<16xf32>, vector<16xi1>
        %mul3A_348 = arith.mulf %get3A_290, %get3A_306 : vector<16xf32>
        tpu.vector_store_idx %arg4[%sub3A_342, %add3A_324], %mul3A_348 masked %lt3A_346 {add = true} : memref<176x512xf32, #tpu.memory_space<vmem>>[vector<16xi32>, vector<16xi32>], vector<16xf32>, vector<16xi1>
        %mul3A_349 = arith.mulf %get3A_290, %get3A_310 : vector<16xf32>
        tpu.vector_store_idx %arg4[%sub3A_342, %min3A_330], %mul3A_349 masked %lt3A_346 {add = true} : memref<176x512xf32, #tpu.memory_space<vmem>>[vector<16xi32>, vector<16xi32>], vector<16xf32>, vector<16xi1>
        %sub3A_350 = arith.constant 352 : i32
        %sub3A_351 = vector.broadcast %sub3A_350 : i32 to vector<16xi32>
        %sub3A_352 = arith.subi %add3A_333, %sub3A_351 : vector<16xi32>
        %bitcast3A_353 = vector.bitcast %sub3A_352 : vector<16xi32> to vector<16xi32>
        %lt3A_354 = arith.constant 160 : i32
        %lt3A_355 = vector.broadcast %lt3A_354 : i32 to vector<16xi32>
        %lt3A_356 = arith.cmpi ult, %bitcast3A_353, %lt3A_355 : vector<16xi32>
        %mul3A_357 = arith.mulf %get3A_294, %get3A_302 : vector<16xf32>
        tpu.vector_store_idx %arg4[%sub3A_352, %and3A_321], %mul3A_357 masked %lt3A_356 {add = true} : memref<176x512xf32, #tpu.memory_space<vmem>>[vector<16xi32>, vector<16xi32>], vector<16xf32>, vector<16xi1>
        %mul3A_358 = arith.mulf %get3A_294, %get3A_306 : vector<16xf32>
        tpu.vector_store_idx %arg4[%sub3A_352, %add3A_324], %mul3A_358 masked %lt3A_356 {add = true} : memref<176x512xf32, #tpu.memory_space<vmem>>[vector<16xi32>, vector<16xi32>], vector<16xf32>, vector<16xi1>
        %mul3A_359 = arith.mulf %get3A_294, %get3A_310 : vector<16xf32>
        tpu.vector_store_idx %arg4[%sub3A_352, %min3A_330], %mul3A_359 masked %lt3A_356 {add = true} : memref<176x512xf32, #tpu.memory_space<vmem>>[vector<16xi32>, vector<16xi32>], vector<16xf32>, vector<16xi1>
        %sub3A_360 = arith.constant 352 : i32
        %sub3A_361 = vector.broadcast %sub3A_360 : i32 to vector<16xi32>
        %sub3A_362 = arith.subi %min3A_339, %sub3A_361 : vector<16xi32>
        %bitcast3A_363 = vector.bitcast %sub3A_362 : vector<16xi32> to vector<16xi32>
        %lt3A_364 = arith.constant 160 : i32
        %lt3A_365 = vector.broadcast %lt3A_364 : i32 to vector<16xi32>
        %lt3A_366 = arith.cmpi ult, %bitcast3A_363, %lt3A_365 : vector<16xi32>
        %mul3A_367 = arith.mulf %get3A_298, %get3A_302 : vector<16xf32>
        tpu.vector_store_idx %arg4[%sub3A_362, %and3A_321], %mul3A_367 masked %lt3A_366 {add = true} : memref<176x512xf32, #tpu.memory_space<vmem>>[vector<16xi32>, vector<16xi32>], vector<16xf32>, vector<16xi1>
        %mul3A_368 = arith.mulf %get3A_298, %get3A_306 : vector<16xf32>
        tpu.vector_store_idx %arg4[%sub3A_362, %add3A_324], %mul3A_368 masked %lt3A_366 {add = true} : memref<176x512xf32, #tpu.memory_space<vmem>>[vector<16xi32>, vector<16xi32>], vector<16xf32>, vector<16xi1>
        %mul3A_369 = arith.mulf %get3A_298, %get3A_310 : vector<16xf32>
        tpu.vector_store_idx %arg4[%sub3A_362, %min3A_330], %mul3A_369 masked %lt3A_366 {add = true} : memref<176x512xf32, #tpu.memory_space<vmem>>[vector<16xi32>, vector<16xi32>], vector<16xf32>, vector<16xi1>
        %mul3A_370 = arith.constant 4 : i32
        %mul3A_371 = arith.muli %scan3A_107, %mul3A_370 : i32
        %add3A_372 = arith.constant 3 : i32
        %add3A_373 = arith.addi %mul3A_371, %add3A_372 : i32
        %mul3A_374 = arith.constant 16 : i32
        %mul3A_375 = arith.muli %add3A_373, %mul3A_374 : i32
        %get3A_376 = arith.constant 0 : i32
        %get3A_377 = arith.index_cast %get3A_376 : i32 to index
        %get3A_378 = arith.index_cast %mul3A_375 : i32 to index
        %get3A_379 = tpu.vector_load %arg6[%get3A_377, %get3A_378] {strides = array<i32>} : memref<7x1280xf32, #tpu.memory_space<vmem>>, vector<16xf32>,
        %get3A_380 = arith.constant 1 : i32
        %get3A_381 = arith.index_cast %get3A_380 : i32 to index
        %get3A_382 = arith.index_cast %mul3A_375 : i32 to index
        %get3A_383 = tpu.vector_load %arg6[%get3A_381, %get3A_382] {strides = array<i32>} : memref<7x1280xf32, #tpu.memory_space<vmem>>, vector<16xf32>,
        %get3A_384 = arith.constant 2 : i32
        %get3A_385 = arith.index_cast %get3A_384 : i32 to index
        %get3A_386 = arith.index_cast %mul3A_375 : i32 to index
        %get3A_387 = tpu.vector_load %arg6[%get3A_385, %get3A_386] {strides = array<i32>} : memref<7x1280xf32, #tpu.memory_space<vmem>>, vector<16xf32>,
        %get3A_388 = arith.constant 3 : i32
        %get3A_389 = arith.index_cast %get3A_388 : i32 to index
        %get3A_390 = arith.index_cast %mul3A_375 : i32 to index
        %get3A_391 = tpu.vector_load %arg6[%get3A_389, %get3A_390] {strides = array<i32>} : memref<7x1280xf32, #tpu.memory_space<vmem>>, vector<16xf32>,
        %get3A_392 = arith.constant 4 : i32
        %get3A_393 = arith.index_cast %get3A_392 : i32 to index
        %get3A_394 = arith.index_cast %mul3A_375 : i32 to index
        %get3A_395 = tpu.vector_load %arg6[%get3A_393, %get3A_394] {strides = array<i32>} : memref<7x1280xf32, #tpu.memory_space<vmem>>, vector<16xf32>,
        %get3A_396 = arith.constant 5 : i32
        %get3A_397 = arith.index_cast %get3A_396 : i32 to index
        %get3A_398 = arith.index_cast %mul3A_375 : i32 to index
        %get3A_399 = tpu.vector_load %arg6[%get3A_397, %get3A_398] {strides = array<i32>} : memref<7x1280xf32, #tpu.memory_space<vmem>>, vector<16xf32>,
        %get3A_400 = arith.constant 6 : i32
        %get3A_401 = arith.index_cast %get3A_400 : i32 to index
        %get3A_402 = arith.index_cast %mul3A_375 : i32 to index
        %get3A_403 = tpu.vector_load %arg6[%get3A_401, %get3A_402] {strides = array<i32>} : memref<7x1280xf32, #tpu.memory_space<vmem>>, vector<16xf32>,
        %bitcast3A_404 = vector.bitcast %get3A_403 : vector<16xf32> to vector<16xi32>
        %shift_right_arithmetic3A_405 = arith.constant 10 : i32
        %shift_right_arithmetic3A_406 = vector.broadcast %shift_right_arithmetic3A_405 : i32 to vector<16xi32>
        %shift_right_arithmetic3A_407 = arith.shrsi %bitcast3A_404, %shift_right_arithmetic3A_406 : vector<16xi32>
        %and3A_408 = arith.constant 1023 : i32
        %and3A_409 = vector.broadcast %and3A_408 : i32 to vector<16xi32>
        %and3A_410 = arith.andi %bitcast3A_404, %and3A_409 : vector<16xi32>
        %add3A_411 = arith.constant 1 : i32
        %add3A_412 = vector.broadcast %add3A_411 : i32 to vector<16xi32>
        %add3A_413 = arith.addi %and3A_410, %add3A_412 : vector<16xi32>
        %add3A_414 = arith.constant 2 : i32
        %add3A_415 = vector.broadcast %add3A_414 : i32 to vector<16xi32>
        %add3A_416 = arith.addi %and3A_410, %add3A_415 : vector<16xi32>
        %min3A_417 = arith.constant 511 : i32
        %min3A_418 = vector.broadcast %min3A_417 : i32 to vector<16xi32>
        %min3A_419 = arith.minsi %add3A_416, %min3A_418 : vector<16xi32>
        %add3A_420 = arith.constant 1 : i32
        %add3A_421 = vector.broadcast %add3A_420 : i32 to vector<16xi32>
        %add3A_422 = arith.addi %shift_right_arithmetic3A_407, %add3A_421 : vector<16xi32>
        %add3A_423 = arith.constant 2 : i32
        %add3A_424 = vector.broadcast %add3A_423 : i32 to vector<16xi32>
        %add3A_425 = arith.addi %shift_right_arithmetic3A_407, %add3A_424 : vector<16xi32>
        %min3A_426 = arith.constant 511 : i32
        %min3A_427 = vector.broadcast %min3A_426 : i32 to vector<16xi32>
        %min3A_428 = arith.minsi %add3A_425, %min3A_427 : vector<16xi32>
        %sub3A_429 = arith.constant 352 : i32
        %sub3A_430 = vector.broadcast %sub3A_429 : i32 to vector<16xi32>
        %sub3A_431 = arith.subi %shift_right_arithmetic3A_407, %sub3A_430 : vector<16xi32>
        %bitcast3A_432 = vector.bitcast %sub3A_431 : vector<16xi32> to vector<16xi32>
        %lt3A_433 = arith.constant 160 : i32
        %lt3A_434 = vector.broadcast %lt3A_433 : i32 to vector<16xi32>
        %lt3A_435 = arith.cmpi ult, %bitcast3A_432, %lt3A_434 : vector<16xi32>
        %mul3A_436 = arith.mulf %get3A_379, %get3A_391 : vector<16xf32>
        tpu.vector_store_idx %arg4[%sub3A_431, %and3A_410], %mul3A_436 masked %lt3A_435 {add = true} : memref<176x512xf32, #tpu.memory_space<vmem>>[vector<16xi32>, vector<16xi32>], vector<16xf32>, vector<16xi1>
        %mul3A_437 = arith.mulf %get3A_379, %get3A_395 : vector<16xf32>
        tpu.vector_store_idx %arg4[%sub3A_431, %add3A_413], %mul3A_437 masked %lt3A_435 {add = true} : memref<176x512xf32, #tpu.memory_space<vmem>>[vector<16xi32>, vector<16xi32>], vector<16xf32>, vector<16xi1>
        %mul3A_438 = arith.mulf %get3A_379, %get3A_399 : vector<16xf32>
        tpu.vector_store_idx %arg4[%sub3A_431, %min3A_419], %mul3A_438 masked %lt3A_435 {add = true} : memref<176x512xf32, #tpu.memory_space<vmem>>[vector<16xi32>, vector<16xi32>], vector<16xf32>, vector<16xi1>
        %sub3A_439 = arith.constant 352 : i32
        %sub3A_440 = vector.broadcast %sub3A_439 : i32 to vector<16xi32>
        %sub3A_441 = arith.subi %add3A_422, %sub3A_440 : vector<16xi32>
        %bitcast3A_442 = vector.bitcast %sub3A_441 : vector<16xi32> to vector<16xi32>
        %lt3A_443 = arith.constant 160 : i32
        %lt3A_444 = vector.broadcast %lt3A_443 : i32 to vector<16xi32>
        %lt3A_445 = arith.cmpi ult, %bitcast3A_442, %lt3A_444 : vector<16xi32>
        %mul3A_446 = arith.mulf %get3A_383, %get3A_391 : vector<16xf32>
        tpu.vector_store_idx %arg4[%sub3A_441, %and3A_410], %mul3A_446 masked %lt3A_445 {add = true} : memref<176x512xf32, #tpu.memory_space<vmem>>[vector<16xi32>, vector<16xi32>], vector<16xf32>, vector<16xi1>
        %mul3A_447 = arith.mulf %get3A_383, %get3A_395 : vector<16xf32>
        tpu.vector_store_idx %arg4[%sub3A_441, %add3A_413], %mul3A_447 masked %lt3A_445 {add = true} : memref<176x512xf32, #tpu.memory_space<vmem>>[vector<16xi32>, vector<16xi32>], vector<16xf32>, vector<16xi1>
        %mul3A_448 = arith.mulf %get3A_383, %get3A_399 : vector<16xf32>
        tpu.vector_store_idx %arg4[%sub3A_441, %min3A_419], %mul3A_448 masked %lt3A_445 {add = true} : memref<176x512xf32, #tpu.memory_space<vmem>>[vector<16xi32>, vector<16xi32>], vector<16xf32>, vector<16xi1>
        %sub3A_449 = arith.constant 352 : i32
        %sub3A_450 = vector.broadcast %sub3A_449 : i32 to vector<16xi32>
        %sub3A_451 = arith.subi %min3A_428, %sub3A_450 : vector<16xi32>
        %bitcast3A_452 = vector.bitcast %sub3A_451 : vector<16xi32> to vector<16xi32>
        %lt3A_453 = arith.constant 160 : i32
        %lt3A_454 = vector.broadcast %lt3A_453 : i32 to vector<16xi32>
        %lt3A_455 = arith.cmpi ult, %bitcast3A_452, %lt3A_454 : vector<16xi32>
        %mul3A_456 = arith.mulf %get3A_387, %get3A_391 : vector<16xf32>
        tpu.vector_store_idx %arg4[%sub3A_451, %and3A_410], %mul3A_456 masked %lt3A_455 {add = true} : memref<176x512xf32, #tpu.memory_space<vmem>>[vector<16xi32>, vector<16xi32>], vector<16xf32>, vector<16xi1>
        %mul3A_457 = arith.mulf %get3A_387, %get3A_395 : vector<16xf32>
        tpu.vector_store_idx %arg4[%sub3A_451, %add3A_413], %mul3A_457 masked %lt3A_455 {add = true} : memref<176x512xf32, #tpu.memory_space<vmem>>[vector<16xi32>, vector<16xi32>], vector<16xf32>, vector<16xi1>
        %mul3A_458 = arith.mulf %get3A_387, %get3A_399 : vector<16xf32>
        tpu.vector_store_idx %arg4[%sub3A_451, %min3A_419], %mul3A_458 masked %lt3A_455 {add = true} : memref<176x512xf32, #tpu.memory_space<vmem>>[vector<16xi32>, vector<16xi32>], vector<16xf32>, vector<16xi1>
        %scan3A_459 = arith.constant 0 : i32
        scf.yield %scan3A_459 : i32
      }
      %scan3A_105 = arith.constant 20 : i32
      %scan3A_106 = arith.constant 0 : i32
      scf.yield %scan3A_106 : i32
    }
    %scan3A_61 = arith.constant 10 : i32
    "tpu.region"() ({
      %run_scoped3A = tpu.sem_alloc : memref<!tpu.dma_semaphore, #tpu.memory_space<semaphore_mem>>
      %dma_start3A_62 = arith.constant 0 : i32
      %dma_start3A_63 = arith.constant 0 : i32
      %dma_start3A_64 = tpu.memref_slice %arg4[%dma_start3A_62, %dma_start3A_63] : memref<176x512xf32, #tpu.memory_space<vmem>> -> memref<160x512xf32, #tpu.memory_space<vmem>>
      %dma_start3A_65 = arith.constant 352 : i32
      %dma_start3A_66 = arith.constant 0 : i32
      %dma_start3A_67 = tpu.memref_slice %arg3[%add3A, %dma_start3A_65, %dma_start3A_66] : memref<32x512x512xf32, #tpu.memory_space<hbm>> -> memref<1x160x512xf32, #tpu.memory_space<hbm>>
      %dma_start3A_68 = tpu.memref_squeeze %dma_start3A_67 : memref<1x160x512xf32, #tpu.memory_space<hbm>> -> memref<160x512xf32, #tpu.memory_space<hbm>>
      %dma_start3A_69 = arith.constant 352 : i32
      %dma_start3A_70 = arith.constant 0 : i32
      %dma_start3A_71 = tpu.memref_slice %arg3[%add3A, %dma_start3A_69, %dma_start3A_70] : memref<32x512x512xf32, #tpu.memory_space<hbm>> -> memref<1x160x512xf32, #tpu.memory_space<hbm>>
      %dma_start3A_72 = tpu.memref_squeeze %dma_start3A_71 : memref<1x160x512xf32, #tpu.memory_space<hbm>> -> memref<160x512xf32, #tpu.memory_space<hbm>>
      %dma_start3A_73 = arith.constant 0 : i32
      %dma_start3A_74 = arith.constant 0 : i32
      %dma_start3A_75 = tpu.memref_slice %arg4[%dma_start3A_73, %dma_start3A_74] : memref<176x512xf32, #tpu.memory_space<vmem>> -> memref<160x512xf32, #tpu.memory_space<vmem>>
      tpu.enqueue_dma source(%dma_start3A_75 : memref<160x512xf32, #tpu.memory_space<vmem>>) target(%dma_start3A_72 : memref<160x512xf32, #tpu.memory_space<hbm>>) target_semaphore(%run_scoped3A : memref<!tpu.dma_semaphore, #tpu.memory_space<semaphore_mem>>)
      %dma_wait3A = arith.constant 0 : i32
      %dma_wait3A_76 = arith.constant 0 : i32
      %dma_wait3A_77 = tpu.memref_slice %arg4[%dma_wait3A, %dma_wait3A_76] : memref<176x512xf32, #tpu.memory_space<vmem>> -> memref<160x512xf32, #tpu.memory_space<vmem>>
      %dma_wait3A_78 = arith.constant 352 : i32
      %dma_wait3A_79 = arith.constant 0 : i32
      %dma_wait3A_80 = tpu.memref_slice %arg3[%add3A, %dma_wait3A_78, %dma_wait3A_79] : memref<32x512x512xf32, #tpu.memory_space<hbm>> -> memref<1x160x512xf32, #tpu.memory_space<hbm>>
      %dma_wait3A_81 = tpu.memref_squeeze %dma_wait3A_80 : memref<1x160x512xf32, #tpu.memory_space<hbm>> -> memref<160x512xf32, #tpu.memory_space<hbm>>
      %dma_wait3A_82 = arith.constant 352 : i32
      %dma_wait3A_83 = arith.constant 0 : i32
      %dma_wait3A_84 = tpu.memref_slice %arg3[%add3A, %dma_wait3A_82, %dma_wait3A_83] : memref<32x512x512xf32, #tpu.memory_space<hbm>> -> memref<1x160x512xf32, #tpu.memory_space<hbm>>
      %dma_wait3A_85 = tpu.memref_squeeze %dma_wait3A_84 : memref<1x160x512xf32, #tpu.memory_space<hbm>> -> memref<160x512xf32, #tpu.memory_space<hbm>>
      %dma_wait3A_86 = arith.constant 0 : i32
      %dma_wait3A_87 = arith.constant 0 : i32
      %dma_wait3A_88 = tpu.memref_slice %arg4[%dma_wait3A_86, %dma_wait3A_87] : memref<176x512xf32, #tpu.memory_space<vmem>> -> memref<160x512xf32, #tpu.memory_space<vmem>>
      tpu.wait_dma2 semaphore(%run_scoped3A : memref<!tpu.dma_semaphore, #tpu.memory_space<semaphore_mem>>) src(%dma_wait3A_88 : memref<160x512xf32, #tpu.memory_space<vmem>>) dst(%dma_wait3A_85 : memref<160x512xf32, #tpu.memory_space<hbm>>)
      tpu.yield
    }) : () -> ()
    return
  }
}

module attributes {stable_mosaic.version = 14 : i64} {
  func.func @body(%arg0: i32, %arg1: memref<16384xf32, #tpu.memory_space<vmem>>, %arg2: memref<16384xf32, #tpu.memory_space<vmem>>, %arg3: memref<16384xf32, #tpu.memory_space<vmem>>, %arg4: memref<16384xf32, #tpu.memory_space<vmem>>, %arg5: memref<16384xf32, #tpu.memory_space<vmem>>, %arg6: memref<7x16384xf32, #tpu.memory_space<vmem>>) attributes {dimension_semantics = [#tpu.dimension_semantics<arbitrary>], iteration_bounds = array<i64: 50>, scalar_prefetch = 0 : i64, scratch_operands = 0 : i64, tpu.core_type = #tpu.core_type<tc>, window_params = [{transform_indices = @transform_0, window_bounds = array<i64: 16384>}, {transform_indices = @transform_1, window_bounds = array<i64: 16384>}, {transform_indices = @transform_2, window_bounds = array<i64: 16384>}, {transform_indices = @transform_3, window_bounds = array<i64: 16384>}, {transform_indices = @transform_4, window_bounds = array<i64: 16384>}, {transform_indices = @transform_5, window_bounds = array<i64: 7, 16384>}]} {
    %get3A = arith.constant 0 : index
    %get3A_0 = vector.load %arg1[%get3A] : memref<16384xf32, #tpu.memory_space<vmem>>, vector<16384xf32>
    %get3A_1 = arith.constant 0 : index
    %get3A_2 = vector.load %arg2[%get3A_1] : memref<16384xf32, #tpu.memory_space<vmem>>, vector<16384xf32>
    %get3A_3 = arith.constant 0 : index
    %get3A_4 = vector.load %arg3[%get3A_3] : memref<16384xf32, #tpu.memory_space<vmem>>, vector<16384xf32>
    %get3A_5 = arith.constant 0 : index
    %get3A_6 = vector.load %arg4[%get3A_5] : memref<16384xf32, #tpu.memory_space<vmem>>, vector<16384xf32>
    %get3A_7 = arith.constant 0 : index
    %get3A_8 = vector.load %arg5[%get3A_7] : memref<16384xf32, #tpu.memory_space<vmem>>, vector<16384xf32>
    %max3A = arith.constant 1.41421354 : f32
    %max3A_9 = vector.broadcast %max3A : f32 to vector<16384xf32>
    %max3A_10 = arith.maximumf %get3A_4, %max3A_9 : vector<16384xf32>
    %mul3A = arith.constant 5.000000e-01 : f32
    %mul3A_11 = vector.broadcast %mul3A : f32 to vector<16384xf32>
    %mul3A_12 = arith.mulf %mul3A_11, %max3A_10 : vector<16384xf32>
    %max3A_13 = arith.constant 1.41421354 : f32
    %max3A_14 = vector.broadcast %max3A_13 : f32 to vector<16384xf32>
    %max3A_15 = arith.maximumf %get3A_6, %max3A_14 : vector<16384xf32>
    %mul3A_16 = arith.constant 5.000000e-01 : f32
    %mul3A_17 = vector.broadcast %mul3A_16 : f32 to vector<16384xf32>
    %mul3A_18 = arith.mulf %mul3A_17, %max3A_15 : vector<16384xf32>
    %mul3A_19 = arith.constant 5.000000e-01 : f32
    %mul3A_20 = vector.broadcast %mul3A_19 : f32 to vector<16384xf32>
    %mul3A_21 = arith.mulf %mul3A_20, %get3A_4 : vector<16384xf32>
    %add3A = arith.addf %get3A_0, %mul3A_21 : vector<16384xf32>
    %mul3A_22 = arith.constant 5.000000e-01 : f32
    %mul3A_23 = vector.broadcast %mul3A_22 : f32 to vector<16384xf32>
    %mul3A_24 = arith.mulf %mul3A_23, %get3A_6 : vector<16384xf32>
    %add3A_25 = arith.addf %get3A_2, %mul3A_24 : vector<16384xf32>
    %sub3A = arith.subf %add3A, %mul3A_12 : vector<16384xf32>
    %add3A_26 = arith.addf %add3A, %mul3A_12 : vector<16384xf32>
    %sub3A_27 = arith.subf %add3A_25, %mul3A_18 : vector<16384xf32>
    %add3A_28 = arith.addf %add3A_25, %mul3A_18 : vector<16384xf32>
    %convert_element_type3A = arith.fptosi %sub3A : vector<16384xf32> to vector<16384xi32>
    %max3A_29 = arith.constant 0 : i32
    %max3A_30 = vector.broadcast %max3A_29 : i32 to vector<16384xi32>
    %max3A_31 = arith.maxsi %convert_element_type3A, %max3A_30 : vector<16384xi32>
    %convert_element_type3A_32 = arith.fptosi %sub3A_27 : vector<16384xf32> to vector<16384xi32>
    %max3A_33 = arith.constant 0 : i32
    %max3A_34 = vector.broadcast %max3A_33 : i32 to vector<16384xi32>
    %max3A_35 = arith.maxsi %convert_element_type3A_32, %max3A_34 : vector<16384xi32>
    %convert_element_type3A_36 = arith.sitofp %max3A_31 : vector<16384xi32> to vector<16384xf32>
    %convert_element_type3A_37 = arith.sitofp %max3A_35 : vector<16384xi32> to vector<16384xf32>
    %mul3A_38 = arith.constant 4.000000e+00 : f32
    %mul3A_39 = vector.broadcast %mul3A_38 : f32 to vector<16384xf32>
    %mul3A_40 = arith.mulf %mul3A_39, %mul3A_12 : vector<16384xf32>
    %mul3A_41 = arith.mulf %mul3A_40, %mul3A_18 : vector<16384xf32>
    %div3A = arith.divf %get3A_8, %mul3A_41 : vector<16384xf32>
    %add3A_42 = arith.constant 1.000000e+00 : f32
    %add3A_43 = vector.broadcast %add3A_42 : f32 to vector<16384xf32>
    %add3A_44 = arith.addf %convert_element_type3A_36, %add3A_43 : vector<16384xf32>
    %add3A_45 = arith.constant 2.000000e+00 : f32
    %add3A_46 = vector.broadcast %add3A_45 : f32 to vector<16384xf32>
    %add3A_47 = arith.addf %convert_element_type3A_36, %add3A_46 : vector<16384xf32>
    %add3A_48 = arith.constant 1.000000e+00 : f32
    %add3A_49 = vector.broadcast %add3A_48 : f32 to vector<16384xf32>
    %add3A_50 = arith.addf %convert_element_type3A_37, %add3A_49 : vector<16384xf32>
    %add3A_51 = arith.constant 2.000000e+00 : f32
    %add3A_52 = vector.broadcast %add3A_51 : f32 to vector<16384xf32>
    %add3A_53 = arith.addf %convert_element_type3A_37, %add3A_52 : vector<16384xf32>
    %max3A_54 = arith.maximumf %sub3A, %convert_element_type3A_36 : vector<16384xf32>
    %sub3A_55 = arith.subf %add3A_44, %max3A_54 : vector<16384xf32>
    %swap3A = arith.constant 0 : index
    %swap3A_56 = arith.constant 0 : index
    %swap3A_57 = vector.load %arg6[%swap3A, %swap3A_56] : memref<7x16384xf32, #tpu.memory_space<vmem>>, vector<1x16384xf32>
    %swap3A_58 = vector.shape_cast %swap3A_57 : vector<1x16384xf32> to vector<16384xf32>
    %swap3A_59 = vector.shape_cast %sub3A_55 : vector<16384xf32> to vector<1x16384xf32>
    tpu.vector_store %arg6[%swap3A, %swap3A_56], %swap3A_59 {strides = array<i32>} : memref<7x16384xf32, #tpu.memory_space<vmem>>, vector<1x16384xf32>,
    %min3A = arith.minimumf %add3A_26, %add3A_47 : vector<16384xf32>
    %sub3A_60 = arith.subf %min3A, %add3A_44 : vector<16384xf32>
    %swap3A_61 = arith.constant 1 : index
    %swap3A_62 = arith.constant 0 : index
    %swap3A_63 = vector.load %arg6[%swap3A_61, %swap3A_62] : memref<7x16384xf32, #tpu.memory_space<vmem>>, vector<1x16384xf32>
    %swap3A_64 = vector.shape_cast %swap3A_63 : vector<1x16384xf32> to vector<16384xf32>
    %swap3A_65 = vector.shape_cast %sub3A_60 : vector<16384xf32> to vector<1x16384xf32>
    tpu.vector_store %arg6[%swap3A_61, %swap3A_62], %swap3A_65 {strides = array<i32>} : memref<7x16384xf32, #tpu.memory_space<vmem>>, vector<1x16384xf32>,
    %sub3A_66 = arith.subf %add3A_26, %add3A_47 : vector<16384xf32>
    %max3A_67 = arith.constant 0.000000e+00 : f32
    %max3A_68 = vector.broadcast %max3A_67 : f32 to vector<16384xf32>
    %max3A_69 = arith.maximumf %sub3A_66, %max3A_68 : vector<16384xf32>
    %swap3A_70 = arith.constant 2 : index
    %swap3A_71 = arith.constant 0 : index
    %swap3A_72 = vector.load %arg6[%swap3A_70, %swap3A_71] : memref<7x16384xf32, #tpu.memory_space<vmem>>, vector<1x16384xf32>
    %swap3A_73 = vector.shape_cast %swap3A_72 : vector<1x16384xf32> to vector<16384xf32>
    %swap3A_74 = vector.shape_cast %max3A_69 : vector<16384xf32> to vector<1x16384xf32>
    tpu.vector_store %arg6[%swap3A_70, %swap3A_71], %swap3A_74 {strides = array<i32>} : memref<7x16384xf32, #tpu.memory_space<vmem>>, vector<1x16384xf32>,
    %max3A_75 = arith.maximumf %sub3A_27, %convert_element_type3A_37 : vector<16384xf32>
    %sub3A_76 = arith.subf %add3A_50, %max3A_75 : vector<16384xf32>
    %mul3A_77 = arith.mulf %sub3A_76, %div3A : vector<16384xf32>
    %swap3A_78 = arith.constant 3 : index
    %swap3A_79 = arith.constant 0 : index
    %swap3A_80 = vector.load %arg6[%swap3A_78, %swap3A_79] : memref<7x16384xf32, #tpu.memory_space<vmem>>, vector<1x16384xf32>
    %swap3A_81 = vector.shape_cast %swap3A_80 : vector<1x16384xf32> to vector<16384xf32>
    %swap3A_82 = vector.shape_cast %mul3A_77 : vector<16384xf32> to vector<1x16384xf32>
    tpu.vector_store %arg6[%swap3A_78, %swap3A_79], %swap3A_82 {strides = array<i32>} : memref<7x16384xf32, #tpu.memory_space<vmem>>, vector<1x16384xf32>,
    %min3A_83 = arith.minimumf %add3A_28, %add3A_53 : vector<16384xf32>
    %sub3A_84 = arith.subf %min3A_83, %add3A_50 : vector<16384xf32>
    %mul3A_85 = arith.mulf %sub3A_84, %div3A : vector<16384xf32>
    %swap3A_86 = arith.constant 4 : index
    %swap3A_87 = arith.constant 0 : index
    %swap3A_88 = vector.load %arg6[%swap3A_86, %swap3A_87] : memref<7x16384xf32, #tpu.memory_space<vmem>>, vector<1x16384xf32>
    %swap3A_89 = vector.shape_cast %swap3A_88 : vector<1x16384xf32> to vector<16384xf32>
    %swap3A_90 = vector.shape_cast %mul3A_85 : vector<16384xf32> to vector<1x16384xf32>
    tpu.vector_store %arg6[%swap3A_86, %swap3A_87], %swap3A_90 {strides = array<i32>} : memref<7x16384xf32, #tpu.memory_space<vmem>>, vector<1x16384xf32>,
    %sub3A_91 = arith.subf %add3A_28, %add3A_53 : vector<16384xf32>
    %max3A_92 = arith.constant 0.000000e+00 : f32
    %max3A_93 = vector.broadcast %max3A_92 : f32 to vector<16384xf32>
    %max3A_94 = arith.maximumf %sub3A_91, %max3A_93 : vector<16384xf32>
    %mul3A_95 = arith.mulf %max3A_94, %div3A : vector<16384xf32>
    %swap3A_96 = arith.constant 5 : index
    %swap3A_97 = arith.constant 0 : index
    %swap3A_98 = vector.load %arg6[%swap3A_96, %swap3A_97] : memref<7x16384xf32, #tpu.memory_space<vmem>>, vector<1x16384xf32>
    %swap3A_99 = vector.shape_cast %swap3A_98 : vector<1x16384xf32> to vector<16384xf32>
    %swap3A_100 = vector.shape_cast %mul3A_95 : vector<16384xf32> to vector<1x16384xf32>
    tpu.vector_store %arg6[%swap3A_96, %swap3A_97], %swap3A_100 {strides = array<i32>} : memref<7x16384xf32, #tpu.memory_space<vmem>>, vector<1x16384xf32>,
    %mul3A_101 = arith.constant 1024 : i32
    %mul3A_102 = vector.broadcast %mul3A_101 : i32 to vector<16384xi32>
    %mul3A_103 = arith.muli %max3A_31, %mul3A_102 : vector<16384xi32>
    %add3A_104 = arith.addi %mul3A_103, %max3A_35 : vector<16384xi32>
    %bitcast_convert_type3A = tpu.bitcast %add3A_104 : vector<16384xi32> -> vector<16384xf32>
    %swap3A_105 = arith.constant 6 : index
    %swap3A_106 = arith.constant 0 : index
    %swap3A_107 = vector.load %arg6[%swap3A_105, %swap3A_106] : memref<7x16384xf32, #tpu.memory_space<vmem>>, vector<1x16384xf32>
    %swap3A_108 = vector.shape_cast %swap3A_107 : vector<1x16384xf32> to vector<16384xf32>
    %swap3A_109 = vector.shape_cast %bitcast_convert_type3A : vector<16384xf32> to vector<1x16384xf32>
    tpu.vector_store %arg6[%swap3A_105, %swap3A_106], %swap3A_109 {strides = array<i32>} : memref<7x16384xf32, #tpu.memory_space<vmem>>, vector<1x16384xf32>,
    return
  }
  func.func @transform_0(%arg0: i32) -> i32 {
    %c0_i32 = arith.constant 0 : i32
    return %arg0 : i32
  }
  func.func @transform_1(%arg0: i32) -> i32 {
    %c0_i32 = arith.constant 0 : i32
    return %arg0 : i32
  }
  func.func @transform_2(%arg0: i32) -> i32 {
    %c0_i32 = arith.constant 0 : i32
    return %arg0 : i32
  }
  func.func @transform_3(%arg0: i32) -> i32 {
    %c0_i32 = arith.constant 0 : i32
    return %arg0 : i32
  }
  func.func @transform_4(%arg0: i32) -> i32 {
    %c0_i32 = arith.constant 0 : i32
    return %arg0 : i32
  }
  func.func @transform_5(%arg0: i32) -> (i32, i32) {
    %c0_i32 = arith.constant 0 : i32
    %c0_i32_0 = arith.constant 0 : i32
    return %c0_i32, %arg0 : i32, i32
  }
}

module attributes {stable_mosaic.version = 14 : i64} {
  func.func @body(%arg0: i32, %arg1: memref<32x8x512xf32, #tpu.memory_space<vmem>>, %arg2: memref<8x512xf32, #tpu.memory_space<vmem>>) attributes {dimension_semantics = [#tpu.dimension_semantics<arbitrary>], iteration_bounds = array<i64: 64>, scalar_prefetch = 0 : i64, scratch_operands = 0 : i64, tpu.core_type = #tpu.core_type<tc>, window_params = [{transform_indices = @transform_0, window_bounds = array<i64: 32, 8, 512>}, {transform_indices = @transform_1, window_bounds = array<i64: 8, 512>}]} {
    %get3A = arith.constant 0 : index
    %get3A_0 = arith.constant 0 : index
    %get3A_1 = arith.constant 0 : index
    %get3A_2 = vector.load %arg1[%get3A, %get3A_0, %get3A_1] : memref<32x8x512xf32, #tpu.memory_space<vmem>>, vector<32x8x512xf32>
    %reduce_sum3A = arith.constant dense<0.000000e+00> : vector<8x512xf32>
    %reduce_sum3A_3 = vector.multi_reduction <add>, %get3A_2, %reduce_sum3A [0] : vector<32x8x512xf32> to vector<8x512xf32>
    %mul3A = arith.constant 5.000000e-01 : f32
    %mul3A_4 = vector.broadcast %mul3A : f32 to vector<8x512xf32>
    %mul3A_5 = arith.mulf %reduce_sum3A_3, %mul3A_4 : vector<8x512xf32>
    %swap3A = arith.constant 0 : index
    %swap3A_6 = arith.constant 0 : index
    %swap3A_7 = vector.load %arg2[%swap3A, %swap3A_6] : memref<8x512xf32, #tpu.memory_space<vmem>>, vector<8x512xf32>
    tpu.vector_store %arg2[%swap3A, %swap3A_6], %mul3A_5 {strides = array<i32>} : memref<8x512xf32, #tpu.memory_space<vmem>>, vector<8x512xf32>,
    return
  }
  func.func @transform_0(%arg0: i32) -> (i32, i32, i32) {
    %c0_i32 = arith.constant 0 : i32
    %c0_i32_0 = arith.constant 0 : i32
    %c0_i32_1 = arith.constant 0 : i32
    return %c0_i32, %arg0, %c0_i32_0 : i32, i32, i32
  }
  func.func @transform_1(%arg0: i32) -> (i32, i32) {
    %c0_i32 = arith.constant 0 : i32
    %c0_i32_0 = arith.constant 0 : i32
    return %arg0, %c0_i32 : i32, i32
  }
}

</mosaic_0001>

<sc_bundles>
// kernel: kernel.5.cloned.1.call-start
scs
__scs_entry_jumppad:
0x0: {  	(pc) =	sbr.rel $0x88, $3  }
0x1: {  	(tag) =	ssettag $0x0;
	lr =	simm.s32 $0x1  }
0x2: {  	[smem:$0x3F9D] =	sst lr;
	_ =	strace $0xD0000000  }
0x3: {  	_ = 	snop  }
0x4: {  	_ = 	snop  }
0x5: {  	_ = 	snop  }
0x6: {  	_ = 	snop  }
0x7: {  	_ = 	snop  }
__scs_overlays_trampoline_lowered:
0x8: {  	[smem:$0x3FAC] =	sst s0  }
0x9: {  	[smem:$0x3FAD] =	sst s1  }
0xa: {  	[smem:$0x3FAE] =	sst s2  }
0xb: {  	[smem:$0x3FAF] =	sst s3  }
0xc: {  	[smem:$0x3FB0] =	sst s4  }
0xd: {  	[smem:$0x3FB1] =	sst s5  }
0xe: {  	[smem:$0x3FB2] =	sst s6  }
0xf: {  	[smem:$0x3FB3] =	sst s7  }
0x10: {  	[smem:$0x3FB4] =	sst s8  }
0x11: {  	[smem:$0x3FB5] =	sst s9;
	s0 =	simm.s32 @!p0 $0x0  }
0x12: {  	s1 =	sld [smem:$0x3F9B];
	s0 =	simm.s32 @p0 $0x1  }
0x13: {  	[smem:$0x3FB6] =	sst s0;
	s0 =	simm.s32 @!p1 $0x0  }
0x14: {  	s2 =	sld [smem:$0x3F9A];
	s0 =	simm.s32 @p1 $0x1  }
0x15: {  	[smem:$0x3FB7] =	sst s0;
	s0 =	simm.s32 @!p2 $0x0  }
0x16: {  	s3 =	sld [smem:$0x3FDB];
	s0 =	simm.s32 @p2 $0x1  }
0x17: {  	s4 =	simm.s32 $0x1BF5;
	[smem:$0x3FB9] =	sst s0  }
0x18: {  	s0 =	sld [smem:$0x3F9C];
	_ =	swait.ge [sflag:s4], $0x0  }
0x19: {  	s7 =	sld [smem:$0x3F9D]  }
0x1a: {  	s8 =	sadd.s32 $0xFFFFE003, lr  }
0x1b: {  	s9 =	sadd.s32 $0xFFFFFEF7, lr;
	s5 =	simm.s32 $0xFFFFFFFF;
	p2 =	slt.u32 s8, $0xFFFFF086  }
0x1c: {  	p1 =	slt.u32 s9, $0xF7A;
	s5 =	simm.s32 @!p2 $0x0  }
0x1d: {  	s5 =	simm.s32 @p1 $0x1;
	p0 =	seq.s32 s7, s2  }
0x1e: {  	s7 =	smul.u32 @!p0 $0xF7A, s2;
	p2 =	seq.s32 @!p0 s5, $0x0  }
0x1f: {  	s9 =	smul.u32 $0xF7A, s1;
	s8 =	simm.s32 @!p0 $0x1BF5;
	p2 =	por !p2, p0  }
0x20: {  	[sflag:s8] =	ssyncset.s32 @!p0 $0xFFFFF086;
	s6 =	sadd.s32 @!p0 s3, s7;
	s7 =	simm.s32 @!p0 $0x108  }
0x21: {  	s3 =	sadd.s32 s3, s9;
	s6 =	sadd.s32 @!p0 $0x88, s6;
	s7 =	simm.s32 @p2 $0x1082  }
0x22: {  	[simem:s7], [sflag:s8] =	dma.local @!p0 [hbm:s6], $0xF7A  }
0x23: {  	s9 =	sor.u32 $0xD0000000, s2;
	s6 =	simm.s32 $0x108;
	_ =	swait.ge @!p0 [sflag:s8], $0x0  }
0x24: {  	s3 =	sadd.s32 $0x88, s3;
	s6 =	simm.s32 @!p1 $0x1082;
	[sflag:s4] =	ssyncset.s32 $0xFFFFF086  }
0x25: {  	[simem:s6], [sflag:s4] =	dma.local [hbm:s3], $0xF7A  }
0x26: {  	[smem:$0x3F9D] =	sst s1;
	(tag) =	ssettag s2;
	_ =	strace s9  }
0x27: {  	s1 =	sld [smem:$0x3FAD]  }
0x28: {  	s2 =	sld [smem:$0x3FAE]  }
0x29: {  	s4 =	sld [smem:$0x3FB0]  }
0x2a: {  	p0 =	seq.s32 s5, $0x0;
	s5 =	sld [smem:$0x3FB1]  }
0x2b: {  	s6 =	sld [smem:$0x3FB2]  }
0x2c: {  	s7 =	sld [smem:$0x3FB3]  }
0x2d: {  	s3 =	simm.s32 $0x108;
	s8 =	sld [smem:$0x3FB4]  }
0x2e: {  	s3 =	simm.s32 @!p0 $0x1082;
	s9 =	sld [smem:$0x3FB5]  }
0x2f: {  	lr =	sadd.s32 s0, s3;
	s0 =	sld [smem:$0x3FAC]  }
0x30: {  	s3 =	sld [smem:$0x3FAF]  }
0x31: {  	[smem:$0x3FB8] =	sst s10  }
0x32: {  	s10 =	sld [smem:$0x3FB6];
	_ =	sdelay $0x3  }
0x33: {  	p0 =	seq.s32 s10, $0x1;
	s10 =	sld [smem:$0x3FB8];
	_ =	sdelay $0x3  }
0x34: {  	[smem:$0x3FB8] =	sst s10  }
0x35: {  	s10 =	sld [smem:$0x3FB7];
	_ =	sdelay $0x3  }
0x36: {  	p1 =	seq.s32 s10, $0x1;
	s10 =	sld [smem:$0x3FB8];
	_ =	sdelay $0x3  }
0x37: {  	[smem:$0x3FB8] =	sst s10  }
0x38: {  	s10 =	sld [smem:$0x3FB9]  }
0x39: {  	_ = 	snop;
	(pc) =	sbr.ind lr, $3  }
0x3a: {  	_ = 	snop  }
0x3b: {  	_ = 	snop  }
0x3c: {  	p2 =	seq.s32 s10, $0x1;
	s10 =	sld [smem:$0x3FB8]  }
0x3d: {  	_ =	shalt  }
0x3e: {  	_ =	shalt  }
0x3f: {  	_ =	shalt  }
0x40: {  	_ =	shalt  }
0x41: {  	_ =	shalt  }
0x42: {  	_ =	shalt  }
0x43: {  	_ =	shalt  }
0x44: {  	_ =	shalt  }
0x45: {  	_ =	shalt  }
0x46: {  	_ =	shalt  }
0x47: {  	_ =	shalt  }
0x48: {  	_ =	shalt  }
0x49: {  	_ =	shalt  }
0x4a: {  	_ =	shalt  }
0x4b: {  	_ =	shalt  }
0x4c: {  	_ =	shalt  }
0x4d: {  	_ =	shalt  }
0x4e: {  	_ =	shalt  }
0x4f: {  	_ =	shalt  }
0x50: {  	_ =	shalt  }
0x51: {  	_ =	shalt  }
0x52: {  	_ =	shalt  }
0x53: {  	_ =	shalt  }
0x54: {  	_ =	shalt  }
0x55: {  	_ =	shalt  }
0x56: {  	_ =	shalt  }
0x57: {  	_ =	shalt  }
0x58: {  	_ =	shalt  }
0x59: {  	_ =	shalt  }
0x5a: {  	_ =	shalt  }
0x5b: {  	_ =	shalt  }
0x5c: {  	_ =	shalt  }
0x5d: {  	_ =	shalt  }
0x5e: {  	_ =	shalt  }
0x5f: {  	_ =	shalt  }
0x60: {  	_ =	shalt  }
0x61: {  	_ =	shalt  }
0x62: {  	_ =	shalt  }
0x63: {  	_ =	shalt  }
0x64: {  	_ =	shalt  }
0x65: {  	_ =	shalt  }
0x66: {  	_ =	shalt  }
0x67: {  	_ =	shalt  }
0x68: {  	_ =	shalt  }
0x69: {  	_ =	shalt  }
0x6a: {  	_ =	shalt  }
0x6b: {  	_ =	shalt  }
0x6c: {  	_ =	shalt  }
0x6d: {  	_ =	shalt  }
0x6e: {  	_ =	shalt  }
0x6f: {  	_ =	shalt  }
0x70: {  	_ =	shalt  }
0x71: {  	_ =	shalt  }
0x72: {  	_ =	shalt  }
0x73: {  	_ =	shalt  }
0x74: {  	_ =	shalt  }
0x75: {  	_ =	shalt  }
0x76: {  	_ =	shalt  }
0x77: {  	_ =	shalt  }
0x78: {  	_ =	shalt  }
0x79: {  	_ =	shalt  }
0x7a: {  	_ =	shalt  }
0x7b: {  	_ =	shalt  }
0x7c: {  	_ =	shalt  }
0x7d: {  	_ =	shalt  }
0x7e: {  	_ =	shalt  }
0x7f: {  	_ =	shalt  }
0x80: {  	_ =	shalt  }
0x81: {  	_ =	shalt  }
0x82: {  	_ =	shalt  }
0x83: {  	_ =	shalt  }
0x84: {  	_ =	shalt  }
0x85: {  	_ =	shalt  }
0x86: {  	_ =	shalt  }
0x87: {  	_ =	shalt  }
.Lfunc_end0:
.L_simem_size_0:
called_computation_lowered:
.L_overlay_start_0:
0x88: {  	s2 =	sld [smem:$0x3FD9]  }
0x89: {  	s3 =	sld [smem:$0x3FFE];
	_ =	sdelay $0x1  }
0x8a: {  	s1 =	srdreg.scid  }
0x8b: {  	s0 =	sand.u32 $0x1, s1  }
0x8c: {  	s16 =	sshll.u32 s0, $0xA;
	s2 =	sadd.s32 s3, s2  }
0x8d: {  	s2 =	sadd.s32 s2, s16  }
0x8e: {  	[smem:$0x3FC4] =	sst s2  }
0x8f: {  	_ = 	snop  }
0x90: {  	(tm) =	ssettm $0x1  }
0x91: {  	s17 =	sld [smem:$0x3FFB];
	_ =	sdelay $0x3  }
0x92: {  	_ =	strace s17  }
0x93: {  	s2 =	sld [smem:$0x3FFC];
	_ =	sdelay $0x3  }
0x94: {  	_ =	strace s2  }
0x95: {  	s2 =	sld [smem:$0x3FFD];
	_ =	sdelay $0x3  }
0x96: {  	_ =	strace s2  }
0x97: {  	_ =	strace $0x8FFFFFFF  }
0x98: {  	s18 =	sld [smem:$0x3FDB];
	_ =	sdelay $0x1  }
0x99: {  	s19 =	simm.s32 $_scs_section_size  }
0x9a: {  	s4 =	simm.s32 $_size__tile_overlayer_lowered;
	s5 =	simm.s32 $_tile_overlayer_lowered  }
0x9b: {  	s22 =	simm.s32 $0x1BFF;
	s21 =	sshll.u32 s5, $0x1;
	s2 =	sadd.s32 s19, s18  }
0x9c: {  	s6 =	simm.s32 $0x0;
	s20 =	sshll.u32 s4, $0x1;
	s4 =	sadd.s32 s21, s2  }
0x9d: {  	[timem:s6], [sflag:s22] =	dma.local [hbm:s4], s20  }
0x9e: {  	_ =	swait.ge [sflag:s22], s20  }
0x9f: {  	s3 =	ssub.s32 $0x0, s20;
	[sflag:s22] =	ssyncset.done $0x0  }
0xa0: {  	[sflag:s22] =	ssyncadd.s32 s3;
	_ =	sdelay $0x1  }
0xa1: {  	s23 =	simm.s32 $0x1B8B  }
0xa2: {  	_ =	swait.ge [sflag:s23], $0x1  }
0xa3: {  	[sflag:s23] =	ssyncset.done $0x0  }
0xa4: {  	s25 =	simm.s32 $0x1B8E;
	s24 =	sld [smem:$0x3FFE];
	[sflag:s23] =	ssyncadd.s32 $0xFFFFFFFF  }
0xa5: {  	s26 =	simm.s32 $execute0_lowered;
	[smem:$0x3FD2] =	sst s25  }
0xa6: {  	s4 =	sshll.u32 s26, $0x1;
	_ =	strace $0x80000046;
	[dreg:$0x1] =	wrdreg $0xFFFFFFFF  }
0xa7: {  	s28 =	simm.s32 $_size_execute0_lowered;
	s2 =	sadd.s32 s2, s4;
	[dreg:$0x0] =	wrdreg $0x0  }
0xa8: {  	s4 =	sshll.u32 s28, $0x1;
	[dreg:$0x2] =	wrdreg s2  }
0xa9: {  	[dreg:$0x3] =	wrdreg s4  }
0xaa: {  	[dreg:$0x4] =	wrdreg $0xC0  }
0xab: {  	_ =	task [dreg:s6], $0x5FFFF  }
0xac: {  	[dreg:$0x1] =	wrdreg $0xFFFFFFFF  }
0xad: {  	[dreg:$0x0] =	wrdreg $0x60  }
0xae: {  	[dreg:$0x2] =	wrdreg s24  }
0xaf: {  	[dreg:$0x3] =	wrdreg $0x9  }
0xb0: {  	_ =	task.clear_ibuf [dreg:s6], $0x4FFFF;
	_ =	strace $0x90000046  }
0xb1: {  	s29 =	simm.s32 $0x9;
	_ =	strace $0x80000048  }
0xb2: {  	_ =	swait.ge [sflag:s29], $0x1  }
0xb3: {  	[sflag:s29] =	ssyncadd.s32 $0xFFFFFFFF  }
0xb4: {  	_ =	strace $0x90000048  }
0xb5: {  	_ =	sfence  }
0xb6: {  	s30 =	sld [smem:$0x0];
	_ =	sdelay $0x2  }
0xb7: {  	s31 =	sshll.u32 s1, $0xD;
	s1 =	sshrl.u32 s1, $0x2  }
0xb8: {  	s3 =	sand.u32 $0x4000, s31;
	s1 =	sadd.s32 s1, s30  }
0xb9: {  	s0 =	sor.u32 s3, s0;
	s1 =	sshll.u32 s1, $0x11  }
0xba: {  	s0 =	sor.u32 s1, s0  }
0xbb: {  	s0 =	sadd.s32 $0x8F2B, s0  }
0xbc: {  	[sflag:s0] =	ssyncadd.remote.s32 $0x1  }
0xbd: {  	_ =	sfence.sel $0xFFFF  }
0xbe: {  	[dreg:$0x0] =	wrdreg $0xFFFFFFFF;
	(pc) =	sbr.abs _section_cstart, $3  }
0xbf: {  	[dreg:$0x1] =	wrdreg $0xFFFFFFFF  }
0xc0: {  	_ =	task.clear_ibuf [dreg:s6], $0x2FFFF;
	_ =	strace $0x9FFFFFFF  }
0xc1: {  	(tm) =	ssettm $0x7FFFFFFF  }
tec
execute0_lowered:
.L_overlay_start_1:
0x0: {  	(tag) =	ssettag $0x1  }
0x1: {  	s1 =	srdreg.scid  }
0x2: {  	s0 =	stileid.u32;
	s3 =	rddreg [dreg:$0x0]  }
0x3: {  	s2 =	simm.s32 $0x0;
	s10 =	simm.s32 $0x16000;
	s11 =	simm.s32 $0x1  }
0x4: {  	s12 =	simm.s32 $0x18800;
	s13 =	simm.s32 $0x2;
	s14 =	simm.s32 $0x3  }
0x5: {  	s4 =	sand.u32 $0x1, s1;
	s5 =	sshll.u32 s0, $0x1;
	s1 =	rddreg [dreg:$0x1]  }
0x6: {  	s15 =	simm.s32 $0x0;
	[smem:$0x7FF] =	sst s2;
	s5 =	sor.u32 s4, s5  }
0x7: {  	s4 =	ssub.s32 $0x2, s4;
	s6 =	smul.u32 $0x6400, s5;
	s5 =	sshll.u32 s5, $0xF  }
0x8: {  	_ =	strace $0x80000047;
	s7 =	sshrl.u32 s4, $0x1;
	s8 =	sadd.s32 s5, s3  }
0x9: {  	s9 =	ssub.s32 s4, s7;
	s6 =	sadd.s32 s6, s3;
	s7 =	sadd.s32 $0xCBA00, s8  }
0xa: {  	s9 =	smax.u32 s9, $0x1;
	s3 =	sadd.s32 $0xE00, s6;
	s4 =	sadd.s32 $0x1300, s6  }
0xb: {  	v0 =	vimm.f32 $0.0e+00;
	s5 =	sadd.s32 $0x1800, s6;
	s6 =	sadd.s32 $0xC8E00, s8;
	s8 =	sadd.s32 $0xCE600, s8  }
.LBB2_1:
0xc: {  	[tilespmem:s10], [sflag:$0x1] =	stream.linear.gather [hbm4b:s3+s2], $0x2800, $0x38;
	[tilespmem:$0x1B000] =	vst v63  }
0xd: {  	s16 =	sand.u32 $0x1F000, s2;
	s17 =	sand.u32 $0x380, s2  }
0xe: {  	s16 =	sor.u32 s17, s16  }
0xf: {  	[tilespmem:s16+$0xC70] =	vst v0  }
0x10: {  	[tilespmem:s16+$0x0] =	vst v0  }
0x11: {  	[tilespmem:s16+$0x10] =	vst v0  }
0x12: {  	[tilespmem:s16+$0x20] =	vst v0  }
0x13: {  	[tilespmem:s16+$0x30] =	vst v0  }
0x14: {  	[tilespmem:s16+$0x40] =	vst v0  }
0x15: {  	[tilespmem:s16+$0x50] =	vst v0  }
0x16: {  	[tilespmem:s16+$0x60] =	vst v0  }
0x17: {  	[tilespmem:s16+$0x70] =	vst v0  }
0x18: {  	[tilespmem:s16+$0x400] =	vst v0  }
0x19: {  	[tilespmem:s16+$0x410] =	vst v0  }
0x1a: {  	[tilespmem:s16+$0x420] =	vst v0  }
0x1b: {  	[tilespmem:s16+$0x430] =	vst v0  }
0x1c: {  	[tilespmem:s16+$0x440] =	vst v0  }
0x1d: {  	[tilespmem:s16+$0x450] =	vst v0  }
0x1e: {  	[tilespmem:s16+$0x460] =	vst v0  }
0x1f: {  	[tilespmem:s16+$0x470] =	vst v0  }
0x20: {  	[tilespmem:s16+$0x800] =	vst v0  }
0x21: {  	[tilespmem:s16+$0x810] =	vst v0  }
0x22: {  	[tilespmem:s16+$0x820] =	vst v0  }
0x23: {  	[tilespmem:s16+$0x830] =	vst v0  }
0x24: {  	[tilespmem:s16+$0x840] =	vst v0  }
0x25: {  	[tilespmem:s16+$0x850] =	vst v0  }
0x26: {  	[tilespmem:s16+$0x860] =	vst v0  }
0x27: {  	[tilespmem:s16+$0x870] =	vst v0  }
0x28: {  	[tilespmem:s16+$0xC00] =	vst v0  }
0x29: {  	[tilespmem:s16+$0xC10] =	vst v0  }
0x2a: {  	[tilespmem:s16+$0xC20] =	vst v0  }
0x2b: {  	[tilespmem:s16+$0xC30] =	vst v0  }
0x2c: {  	s18 =	simm.s32 $0x200;
	s17 =	simm.s32 $0x80;
	[tilespmem:s16+$0xC40] =	vst v0  }
0x2d: {  	s19 =	sand.u32 $0x1F000, s18;
	s18 =	simm.s32 $0x400;
	s20 =	sand.u32 $0x380, s17;
	[tilespmem:s16+$0xC50] =	vst v0  }
.LBB2_2:
0x2e: {  	p0 =	sne.s32 s18, $0x15E00;
	[tilespmem:s16+$0xC60] =	vst v0;
	s16 =	sor.u32 s20, s19  }
0x2f: {  	[tilespmem:s16+$0xC70] =	vst v0  }
0x30: {  	[tilespmem:s16+$0x0] =	vst v0  }
0x31: {  	[tilespmem:s16+$0x10] =	vst v0  }
0x32: {  	[tilespmem:s16+$0x20] =	vst v0  }
0x33: {  	[tilespmem:s16+$0x30] =	vst v0  }
0x34: {  	[tilespmem:s16+$0x40] =	vst v0  }
0x35: {  	[tilespmem:s16+$0x50] =	vst v0  }
0x36: {  	[tilespmem:s16+$0x60] =	vst v0  }
0x37: {  	[tilespmem:s16+$0x70] =	vst v0  }
0x38: {  	[tilespmem:s16+$0x400] =	vst v0  }
0x39: {  	[tilespmem:s16+$0x410] =	vst v0  }
0x3a: {  	[tilespmem:s16+$0x420] =	vst v0  }
0x3b: {  	[tilespmem:s16+$0x430] =	vst v0  }
0x3c: {  	[tilespmem:s16+$0x440] =	vst v0  }
0x3d: {  	[tilespmem:s16+$0x450] =	vst v0  }
0x3e: {  	[tilespmem:s16+$0x460] =	vst v0  }
0x3f: {  	[tilespmem:s16+$0x470] =	vst v0  }
0x40: {  	[tilespmem:s16+$0x800] =	vst v0  }
0x41: {  	[tilespmem:s16+$0x810] =	vst v0  }
0x42: {  	[tilespmem:s16+$0x820] =	vst v0  }
0x43: {  	[tilespmem:s16+$0x830] =	vst v0  }
0x44: {  	[tilespmem:s16+$0x840] =	vst v0  }
0x45: {  	[tilespmem:s16+$0x850] =	vst v0  }
0x46: {  	[tilespmem:s16+$0x860] =	vst v0  }
0x47: {  	[tilespmem:s16+$0x870] =	vst v0  }
0x48: {  	[tilespmem:s16+$0xC00] =	vst v0  }
.Ltmp0:
0x49: {  	[tilespmem:s16+$0xC10] =	vst v0;
	(pc) =	sbr.rel @p0 .LBB2_2-.Ltmp0, $4  }
0x4a: {  	[tilespmem:s16+$0xC20] =	vst v0  }
0x4b: {  	[tilespmem:s16+$0xC30] =	vst v0  }
0x4c: {  	s17 =	sadd.s32 $0x80, s17;
	[tilespmem:s16+$0xC40] =	vst v0  }
0x4d: {  	s19 =	sand.u32 $0x1F000, s18;
	s18 =	sadd.s32 $0x200, s18;
	s20 =	sand.u32 $0x380, s17;
	[tilespmem:s16+$0xC50] =	vst v0  }
0x4e: {  	s17 =	sor.u32 s20, s19;
	[tilespmem:s16+$0xC60] =	vst v0  }
0x4f: {  	[tilespmem:s17+$0xC70] =	vst v0  }
0x50: {  	[tilespmem:s17+$0x0] =	vst v0  }
0x51: {  	[tilespmem:s17+$0x10] =	vst v0  }
0x52: {  	[tilespmem:s17+$0x20] =	vst v0  }
0x53: {  	[tilespmem:s17+$0x30] =	vst v0  }
0x54: {  	[tilespmem:s17+$0x40] =	vst v0  }
0x55: {  	[tilespmem:s17+$0x50] =	vst v0  }
0x56: {  	[tilespmem:s17+$0x60] =	vst v0  }
0x57: {  	[tilespmem:s17+$0x70] =	vst v0  }
0x58: {  	[tilespmem:s17+$0x400] =	vst v0  }
0x59: {  	[tilespmem:s17+$0x410] =	vst v0  }
0x5a: {  	[tilespmem:s17+$0x420] =	vst v0  }
0x5b: {  	[tilespmem:s17+$0x430] =	vst v0  }
0x5c: {  	[tilespmem:s17+$0x440] =	vst v0  }
0x5d: {  	[tilespmem:s17+$0x450] =	vst v0  }
0x5e: {  	[tilespmem:s17+$0x460] =	vst v0  }
0x5f: {  	[tilespmem:s17+$0x470] =	vst v0  }
0x60: {  	[tilespmem:s17+$0x800] =	vst v0  }
0x61: {  	[tilespmem:s17+$0x810] =	vst v0  }
0x62: {  	[tilespmem:s17+$0x820] =	vst v0  }
0x63: {  	[tilespmem:s17+$0x830] =	vst v0  }
0x64: {  	[tilespmem:s17+$0x840] =	vst v0  }
0x65: {  	[tilespmem:s17+$0x850] =	vst v0  }
0x66: {  	[tilespmem:s17+$0x860] =	vst v0  }
0x67: {  	[tilespmem:s17+$0x870] =	vst v0  }
0x68: {  	[tilespmem:s17+$0xC00] =	vst v0  }
0x69: {  	[tilespmem:s17+$0xC10] =	vst v0  }
0x6a: {  	[tilespmem:s17+$0xC20] =	vst v0  }
0x6b: {  	[tilespmem:s17+$0xC30] =	vst v0  }
0x6c: {  	[tilespmem:s17+$0xC40] =	vst v0  }
0x6d: {  	[tilespmem:s17+$0xC50] =	vst v0  }
0x6e: {  	s16 =	simm.s32 $0x0;
	[tilespmem:s17+$0xC60] =	vst v0;
	s17 =	simm.s32 $0x0  }
.LBB2_4:
0x6f: {  	_ =	swait.ge [sflag:s11], $0x2800;
	s18 =	smul.u32 $0xA00, s17  }
0x70: {  	[sflag:s11] =	ssyncset.done $0x0  }
0x71: {  	[sflag:s11] =	ssyncadd.s32 $0xFFFFD800;
	s19 =	sadd.s32 s18, s4  }
0x72: {  	[tilespmem:s12], [sflag:$0x2] =	stream.linear.gather [hbm4b:s19+s16], $0x2800, $0x38;
	[tilespmem:$0x1B000] =	vst v63  }
0x73: {  	p0 =	por $0x0, $0x0;
	s20 =	simm.s32 $0x0;
	s19 =	simm.s32 $0x0  }
.LBB2_5:
0x74: {  	s21 =	simm.s32 $0x1  }
0x75: {  	s21 =	simm.s32 @!p0 $0x0  }
0x76: {  	s21 =	sshll.u32 s21, $0x6  }
0x77: {  	s22 =	sadd.s32 s21, s19  }
0x78: {  	s28 =	sand.u32 $0x40, s20;
	s23 =	sand.u32 $0x3C00, s19;
	s21 =	sor.u32 $0x300, s22  }
0x79: {  	s23 =	sor.u32 s28, s23;
	v1 =	vld [tilespmem:s21+$0x16000]  }
0x7a: {  	v2 =	vld [tilespmem:s23+$0x16000];
	s29 =	sor.u32 $0x200, s22  }
0x7b: {  	s30 =	sor.u32 $0x280, s22;
	v8 =	vld [tilespmem:s29+$0x16000]  }
0x7c: {  	s21 =	sadd.s32 $0x16000, s23;
	v13 =	vld [tilespmem:s30+$0x16000]  }
0x7d: {  	v3 =	vld [tilespmem:s21+$0x180]  }
0x7e: {  	v19 =	vld [tilespmem:s21+$0x80];
	v4 =	vshra.s32 v1, $0xA  }
0x7f: {  	v5 =	vand.u32 $0x3FF, v1;
	v12 =	vshll.u32 v1, $0x3;
	v1 =	vand.u32 $0x7F, v1  }
0x80: {  	v16 =	vmul.f32 v8, v2;
	v6 =	vmin.u32 v5, $0x1FD;
	vm0 =	vlt.s32 v4, $0x1FD  }
0x81: {  	v5 =	vadd.s32 $0x1, v5;
	v9 =	vadd.s32 $0x1, v4;
	vm14 =	vlt.u32 v4, $0xB0  }
0x82: {  	v10 =	vmul.f32 v3, v2;
	v11 =	vshll.u32 v4, $0x9;
	v12 =	vand.u32 $0x1C00, v12  }
0x83: {  	v2 =	vmul.f32 v13, v2;
	v22 =	vmul.f32 v3, v19;
	v6 =	vadd.s32 $0x2, v6  }
0x84: {  	v7 =	vnsel vm0, $0x1FD, v4;
	v11 =	vand.u32 $0xFFFFF000, v11;
	v4 =	vshll.u32 v4, $0x7  }
0x85: {  	v15 =	vshll.u32 v5, $0x3;
	v5 =	vand.u32 $0x7F, v5;
	v20 =	vshll.u32 v9, $0x9  }
0x86: {  	v35 =	vshll.u32 v9, $0x7;
	vm1 =	vlt.u32 v9, $0xB0;
	v7 =	vadd.s32 $0x2, v7  }
0x87: {  	v14 =	vadd.s32 v12, v11;
	v4 =	vand.u32 $0x380, v4;
	v15 =	vand.u32 $0x3C00, v15  }
0x88: {  	v18 =	vshll.u32 v6, $0x3;
	v6 =	vand.u32 $0x7F, v6;
	v34 =	vand.u32 $0xFFFFF000, v20  }
0x89: {  	v14 =	vor.u32 v4, v14;
	v17 =	vadd.s32 v11, v15;
	v18 =	vand.u32 $0x1C00, v18  }
0x8a: {  	v14 =	vor.u32 v1, v14;
	v17 =	vor.u32 v4, v17;
	v11 =	vadd.s32 v11, v18  }
0x8b: {  	v20 =	vand.u32 $0x380, v35;
	v17 =	vor.u32 v5, v17;
	v4 =	vor.u32 v4, v11  }
0x8c: {  	v21 =	vadd.s32 v12, v34;
	v37 =	vadd.s32 v15, v34;
	v4 =	vor.u32 v6, v4  }
0x8d: {  	v24 =	vshll.u32 v7, $0x9;
	v36 =	vor.u32 v20, v21;
	v21 =	vor.u32 v20, v37  }
0x8e: {  	v23 =	vld [tilespmem:s21+$0x100];
	v39 =	vand.u32 $0xFFFFF000, v24;
	v9 =	vor.u32 v1, v36;
	v21 =	vor.u32 v5, v21  }
0x8f: {  	v40 =	vshll.u32 v7, $0x7;
	v11 =	vadd.s32 v34, v18;
	v12 =	vadd.s32 v12, v39;
	[tilespmem:v14+s2+$0x0] =	vst.idx.add.f32.msk vm14, v10  }
0x90: {  	v41 =	vadd.s32 v15, v39;
	v38 =	vor.u32 v20, v11;
	v14 =	vand.u32 $0x380, v40;
	[tilespmem:v17+s2+$0x0] =	vst.idx.add.f32.msk vm14, v16  }
0x91: {  	vm15 =	vlt.u32 v7, $0xB0;
	v10 =	vor.u32 v6, v38;
	[tilespmem:v4+s2+$0x0] =	vst.idx.add.f32.msk vm14, v2;
	v2 =	vor.u32 v14, v12  }
0x92: {  	v42 =	vadd.s32 v18, v39;
	v1 =	vor.u32 v1, v2;
	v2 =	vor.u32 v14, v41  }
0x93: {  	v43 =	vmul.f32 v8, v19;
	v4 =	vor.u32 v14, v42;
	v2 =	vor.u32 v5, v2  }
0x94: {  	v44 =	vmul.f32 v13, v19;
	[tilespmem:v9+s2+$0x0] =	vst.idx.add.f32.msk vm1, v22;
	v4 =	vor.u32 v6, v4  }
0x95: {  	v3 =	vmul.f32 v3, v23;
	[tilespmem:v21+s2+$0x0] =	vst.idx.add.f32.msk vm1, v43  }
0x96: {  	v45 =	vmul.f32 v8, v23;
	[tilespmem:v10+s2+$0x0] =	vst.idx.add.f32.msk vm1, v44  }
0x97: {  	[tilespmem:v1+s2+$0x0] =	vst.idx.add.f32.msk vm15, v3;
	v1 =	vmul.f32 v13, v23  }
0x98: {  	s31 =	sadd.s32 $0x10, s22;
	[tilespmem:v2+s2+$0x0] =	vst.idx.add.f32.msk vm15, v45  }
0x99: {  	s24 =	sor.u32 $0x300, s31;
	[tilespmem:v4+s2+$0x0] =	vst.idx.add.f32.msk vm15, v1  }
0x9a: {  	v1 =	vld [tilespmem:s24+$0x16000]  }
0x9b: {  	v2 =	vld [tilespmem:s21+$0x10]  }
0x9c: {  	s25 =	sor.u32 $0x200, s31;
	v3 =	vld [tilespmem:s21+$0x190]  }
0x9d: {  	s23 =	sor.u32 $0x280, s31;
	v50 =	vld [tilespmem:s25+$0x16000]  }
0x9e: {  	v55 =	vld [tilespmem:s23+$0x16000]  }
0x9f: {  	v61 =	vld [tilespmem:s21+$0x90];
	_ =	sdelay $0x1  }
0xa0: {  	v46 =	vshra.s32 v1, $0xA  }
0xa1: {  	v47 =	vand.u32 $0x3FF, v1;
	v52 =	vmul.f32 v3, v2;
	v54 =	vshll.u32 v1, $0x3  }
0xa2: {  	v1 =	vand.u32 $0x7F, v1;
	v58 =	vmul.f32 v50, v2;
	v2 =	vmul.f32 v55, v2  }
0xa3: {  	v28 =	vmul.f32 v3, v61;
	v48 =	vmin.u32 v47, $0x1FD;
	vm4 =	vlt.s32 v46, $0x1FD  }
0xa4: {  	v5 =	vadd.s32 $0x1, v47;
	v51 =	vadd.s32 $0x1, v46;
	vm5 =	vlt.u32 v46, $0xB0  }
0xa5: {  	v53 =	vshll.u32 v46, $0x9;
	v12 =	vand.u32 $0x1C00, v54;
	v4 =	vshll.u32 v46, $0x7  }
0xa6: {  	v6 =	vadd.s32 $0x2, v48;
	v49 =	vnsel vm4, $0x1FD, v46;
	v11 =	vand.u32 $0xFFFFF000, v53  }
0xa7: {  	v4 =	vand.u32 $0x380, v4;
	v57 =	vshll.u32 v5, $0x3;
	v5 =	vand.u32 $0x7F, v5  }
0xa8: {  	v62 =	vshll.u32 v51, $0x9;
	v24 =	vshll.u32 v51, $0x7;
	vm6 =	vlt.u32 v51, $0xB0  }
0xa9: {  	v7 =	vadd.s32 $0x2, v49;
	v56 =	vadd.s32 v12, v11;
	v15 =	vand.u32 $0x3C00, v57  }
0xaa: {  	v60 =	vshll.u32 v6, $0x3;
	v6 =	vand.u32 $0x7F, v6;
	v63 =	vand.u32 $0xFFFFF000, v62  }
0xab: {  	v14 =	vor.u32 v4, v56;
	v59 =	vadd.s32 v11, v15;
	v18 =	vand.u32 $0x1C00, v60  }
0xac: {  	v14 =	vor.u32 v1, v14;
	v17 =	vor.u32 v4, v59;
	v11 =	vadd.s32 v11, v18  }
0xad: {  	v20 =	vand.u32 $0x380, v24;
	v17 =	vor.u32 v5, v17;
	v4 =	vor.u32 v4, v11  }
0xae: {  	v25 =	vadd.s32 v12, v63;
	v27 =	vadd.s32 v15, v63;
	v4 =	vor.u32 v6, v4  }
0xaf: {  	v30 =	vshll.u32 v7, $0x9;
	v26 =	vor.u32 v20, v25;
	v21 =	vor.u32 v20, v27  }
0xb0: {  	v29 =	vld [tilespmem:s21+$0x110];
	v32 =	vand.u32 $0xFFFFF000, v30;
	v9 =	vor.u32 v1, v26;
	v21 =	vor.u32 v5, v21  }
0xb1: {  	v33 =	vshll.u32 v7, $0x7;
	v11 =	vadd.s32 v63, v18;
	v12 =	vadd.s32 v12, v32;
	[tilespmem:v14+s2+$0x0] =	vst.idx.add.f32.msk vm5, v52  }
0xb2: {  	v34 =	vadd.s32 v15, v32;
	v31 =	vor.u32 v20, v11;
	v14 =	vand.u32 $0x380, v33;
	[tilespmem:v17+s2+$0x0] =	vst.idx.add.f32.msk vm5, v58  }
0xb3: {  	vm7 =	vlt.u32 v7, $0xB0;
	v10 =	vor.u32 v6, v31;
	[tilespmem:v4+s2+$0x0] =	vst.idx.add.f32.msk vm5, v2;
	v2 =	vor.u32 v14, v12  }
0xb4: {  	v35 =	vadd.s32 v18, v32;
	v1 =	vor.u32 v1, v2;
	v2 =	vor.u32 v14, v34  }
0xb5: {  	v36 =	vmul.f32 v50, v61;
	v4 =	vor.u32 v14, v35;
	v2 =	vor.u32 v5, v2  }
0xb6: {  	v37 =	vmul.f32 v55, v61;
	[tilespmem:v9+s2+$0x0] =	vst.idx.add.f32.msk vm6, v28;
	v4 =	vor.u32 v6, v4  }
0xb7: {  	v3 =	vmul.f32 v3, v29;
	[tilespmem:v21+s2+$0x0] =	vst.idx.add.f32.msk vm6, v36  }
0xb8: {  	v38 =	vmul.f32 v50, v29;
	[tilespmem:v10+s2+$0x0] =	vst.idx.add.f32.msk vm6, v37  }
0xb9: {  	[tilespmem:v1+s2+$0x0] =	vst.idx.add.f32.msk vm7, v3;
	v1 =	vmul.f32 v55, v29  }
0xba: {  	s26 =	sadd.s32 $0x20, s22;
	[tilespmem:v2+s2+$0x0] =	vst.idx.add.f32.msk vm7, v38  }
0xbb: {  	s28 =	sor.u32 $0x300, s26;
	[tilespmem:v4+s2+$0x0] =	vst.idx.add.f32.msk vm7, v1  }
0xbc: {  	v1 =	vld [tilespmem:s28+$0x16000]  }
0xbd: {  	v2 =	vld [tilespmem:s21+$0x20]  }
0xbe: {  	s29 =	sor.u32 $0x200, s26;
	v3 =	vld [tilespmem:s21+$0x1A0]  }
0xbf: {  	s23 =	sor.u32 $0x280, s26;
	v43 =	vld [tilespmem:s29+$0x16000]  }
0xc0: {  	v48 =	vld [tilespmem:s23+$0x16000]  }
0xc1: {  	v54 =	vld [tilespmem:s21+$0xA0];
	_ =	sdelay $0x1  }
0xc2: {  	v39 =	vshra.s32 v1, $0xA  }
0xc3: {  	v40 =	vand.u32 $0x3FF, v1;
	v45 =	vmul.f32 v3, v2;
	v47 =	vshll.u32 v1, $0x3  }
0xc4: {  	v1 =	vand.u32 $0x7F, v1;
	v51 =	vmul.f32 v43, v2;
	v2 =	vmul.f32 v48, v2  }
0xc5: {  	v61 =	vmul.f32 v3, v54;
	v41 =	vmin.u32 v40, $0x1FD;
	vm8 =	vlt.s32 v39, $0x1FD  }
0xc6: {  	v5 =	vadd.s32 $0x1, v40;
	v44 =	vadd.s32 $0x1, v39;
	vm9 =	vlt.u32 v39, $0xB0  }
0xc7: {  	v46 =	vshll.u32 v39, $0x9;
	v12 =	vand.u32 $0x1C00, v47;
	v4 =	vshll.u32 v39, $0x7  }
0xc8: {  	v6 =	vadd.s32 $0x2, v41;
	v42 =	vnsel vm8, $0x1FD, v39;
	v11 =	vand.u32 $0xFFFFF000, v46  }
0xc9: {  	v4 =	vand.u32 $0x380, v4;
	v50 =	vshll.u32 v5, $0x3;
	v5 =	vand.u32 $0x7F, v5  }
0xca: {  	v55 =	vshll.u32 v44, $0x9;
	v57 =	vshll.u32 v44, $0x7;
	vm10 =	vlt.u32 v44, $0xB0  }
0xcb: {  	v7 =	vadd.s32 $0x2, v42;
	v49 =	vadd.s32 v12, v11;
	v15 =	vand.u32 $0x3C00, v50  }
0xcc: {  	v53 =	vshll.u32 v6, $0x3;
	v6 =	vand.u32 $0x7F, v6;
	v56 =	vand.u32 $0xFFFFF000, v55  }
0xcd: {  	v14 =	vor.u32 v4, v49;
	v52 =	vadd.s32 v11, v15;
	v18 =	vand.u32 $0x1C00, v53  }
0xce: {  	v14 =	vor.u32 v1, v14;
	v17 =	vor.u32 v4, v52;
	v11 =	vadd.s32 v11, v18  }
0xcf: {  	v20 =	vand.u32 $0x380, v57;
	v17 =	vor.u32 v5, v17;
	v4 =	vor.u32 v4, v11  }
0xd0: {  	v58 =	vadd.s32 v12, v56;
	v60 =	vadd.s32 v15, v56;
	v4 =	vor.u32 v6, v4  }
0xd1: {  	v63 =	vshll.u32 v7, $0x9;
	v59 =	vor.u32 v20, v58;
	v21 =	vor.u32 v20, v60  }
0xd2: {  	v62 =	vld [tilespmem:s21+$0x120];
	v25 =	vand.u32 $0xFFFFF000, v63;
	v9 =	vor.u32 v1, v59;
	v21 =	vor.u32 v5, v21  }
0xd3: {  	v26 =	vshll.u32 v7, $0x7;
	v11 =	vadd.s32 v56, v18;
	v12 =	vadd.s32 v12, v25;
	[tilespmem:v14+s2+$0x0] =	vst.idx.add.f32.msk vm9, v45  }
0xd4: {  	v27 =	vadd.s32 v15, v25;
	v20 =	vor.u32 v20, v11;
	v14 =	vand.u32 $0x380, v26;
	[tilespmem:v17+s2+$0x0] =	vst.idx.add.f32.msk vm9, v51  }
0xd5: {  	vm11 =	vlt.u32 v7, $0xB0;
	v10 =	vor.u32 v6, v20;
	[tilespmem:v4+s2+$0x0] =	vst.idx.add.f32.msk vm9, v2;
	v2 =	vor.u32 v14, v12  }
0xd6: {  	v28 =	vadd.s32 v18, v25;
	v1 =	vor.u32 v1, v2;
	v2 =	vor.u32 v14, v27  }
0xd7: {  	v29 =	vmul.f32 v43, v54;
	v4 =	vor.u32 v14, v28;
	v2 =	vor.u32 v5, v2  }
0xd8: {  	v30 =	vmul.f32 v48, v54;
	[tilespmem:v9+s2+$0x0] =	vst.idx.add.f32.msk vm10, v61;
	v4 =	vor.u32 v6, v4  }
0xd9: {  	v3 =	vmul.f32 v3, v62;
	[tilespmem:v21+s2+$0x0] =	vst.idx.add.f32.msk vm10, v29  }
0xda: {  	v31 =	vmul.f32 v43, v62;
	[tilespmem:v10+s2+$0x0] =	vst.idx.add.f32.msk vm10, v30  }
0xdb: {  	[tilespmem:v1+s2+$0x0] =	vst.idx.add.f32.msk vm11, v3;
	v1 =	vmul.f32 v48, v62  }
0xdc: {  	s22 =	sadd.s32 $0x30, s22;
	[tilespmem:v2+s2+$0x0] =	vst.idx.add.f32.msk vm11, v31  }
0xdd: {  	s30 =	sor.u32 $0x300, s22;
	[tilespmem:v4+s2+$0x0] =	vst.idx.add.f32.msk vm11, v1  }
0xde: {  	v1 =	vld [tilespmem:s30+$0x16000]  }
0xdf: {  	v2 =	vld [tilespmem:s21+$0x30]  }
0xe0: {  	s31 =	sor.u32 $0x200, s22;
	v3 =	vld [tilespmem:s21+$0x1B0]  }
0xe1: {  	s22 =	sor.u32 $0x280, s22;
	v36 =	vld [tilespmem:s31+$0x16000]  }
0xe2: {  	v41 =	vld [tilespmem:s22+$0x16000]  }
0xe3: {  	v21 =	vld [tilespmem:s21+$0xB0];
	_ =	sdelay $0x1  }
0xe4: {  	v32 =	vshra.s32 v1, $0xA  }
0xe5: {  	v33 =	vand.u32 $0x3FF, v1;
	v38 =	vmul.f32 v3, v2;
	v40 =	vshll.u32 v1, $0x3  }
0xe6: {  	v1 =	vand.u32 $0x7F, v1;
	v44 =	vmul.f32 v36, v2;
	v2 =	vmul.f32 v41, v2  }
0xe7: {  	v58 =	vmul.f32 v3, v21;
	v34 =	vmin.u32 v33, $0x1FD;
	vm12 =	vlt.s32 v32, $0x1FD  }
0xe8: {  	v5 =	vadd.s32 $0x1, v33;
	v37 =	vadd.s32 $0x1, v32;
	vm13 =	vlt.u32 v32, $0xB0  }
0xe9: {  	v39 =	vshll.u32 v32, $0x9;
	v12 =	vand.u32 $0x1C00, v40;
	v4 =	vshll.u32 v32, $0x7  }
0xea: {  	v6 =	vadd.s32 $0x2, v34;
	v35 =	vnsel vm12, $0x1FD, v32;
	v11 =	vand.u32 $0xFFFFF000, v39  }
0xeb: {  	v4 =	vand.u32 $0x380, v4;
	v43 =	vshll.u32 v5, $0x3;
	v5 =	vand.u32 $0x7F, v5  }
0xec: {  	v47 =	vshll.u32 v37, $0x9;
	v49 =	vshll.u32 v37, $0x7;
	vm14 =	vlt.u32 v37, $0xB0  }
0xed: {  	v7 =	vadd.s32 $0x2, v35;
	v42 =	vadd.s32 v12, v11;
	v15 =	vand.u32 $0x3C00, v43  }
0xee: {  	v46 =	vshll.u32 v6, $0x3;
	v6 =	vand.u32 $0x7F, v6;
	v48 =	vand.u32 $0xFFFFF000, v47  }
0xef: {  	v14 =	vor.u32 v4, v42;
	v45 =	vadd.s32 v11, v15;
	v18 =	vand.u32 $0x1C00, v46  }
0xf0: {  	v14 =	vor.u32 v1, v14;
	v17 =	vor.u32 v4, v45;
	v11 =	vadd.s32 v11, v18  }
0xf1: {  	v19 =	vand.u32 $0x380, v49;
	v17 =	vor.u32 v5, v17;
	v4 =	vor.u32 v4, v11  }
0xf2: {  	v50 =	vadd.s32 v12, v48;
	v52 =	vadd.s32 v15, v48;
	v4 =	vor.u32 v6, v4  }
0xf3: {  	v53 =	vshll.u32 v7, $0x9;
	v51 =	vor.u32 v19, v50;
	v20 =	vor.u32 v19, v52  }
0xf4: {  	v22 =	vld [tilespmem:s21+$0x130];
	v55 =	vand.u32 $0xFFFFF000, v53;
	v11 =	vadd.s32 v48, v18;
	v9 =	vor.u32 v1, v51  }
0xf5: {  	v56 =	vshll.u32 v7, $0x7;
	v12 =	vadd.s32 v12, v55;
	v54 =	vor.u32 v19, v11;
	[tilespmem:v14+s2+$0x0] =	vst.idx.add.f32.msk vm13, v38  }
0xf6: {  	v57 =	vor.u32 v5, v20;
	v10 =	vor.u32 v6, v54;
	v14 =	vand.u32 $0x380, v56;
	[tilespmem:v17+s2+$0x0] =	vst.idx.add.f32.msk vm13, v44  }
0xf7: {  	vm15 =	vlt.u32 v7, $0xB0;
	v12 =	vor.u32 v14, v12;
	[tilespmem:v4+s2+$0x0] =	vst.idx.add.f32.msk vm13, v2;
	v2 =	vadd.s32 v15, v55  }
0xf8: {  	v59 =	vadd.s32 v18, v55;
	v1 =	vor.u32 v1, v12;
	v2 =	vor.u32 v14, v2  }
0xf9: {  	v60 =	vmul.f32 v36, v21;
	v61 =	vor.u32 v14, v59;
	v2 =	vor.u32 v5, v2  }
0xfa: {  	p1 =	sne.s32 s20, $0x4C0;
	v62 =	vmul.f32 v41, v21;
	[tilespmem:v9+s2+$0x0] =	vst.idx.add.f32.msk vm14, v58;
	v5 =	vor.u32 v6, v61  }
.Ltmp1:
0xfb: {  	v3 =	vmul.f32 v3, v22;
	[tilespmem:v57+s2+$0x0] =	vst.idx.add.f32.msk vm14, v60;
	(pc) =	sbr.rel @p1 .LBB2_5-.Ltmp1, $4  }
0xfc: {  	v63 =	vmul.f32 v36, v22;
	[tilespmem:v10+s2+$0x0] =	vst.idx.add.f32.msk vm14, v62  }
0xfd: {  	[tilespmem:v1+s2+$0x0] =	vst.idx.add.f32.msk vm15, v3;
	v1 =	vmul.f32 v41, v22  }
0xfe: {  	[tilespmem:v2+s2+$0x0] =	vst.idx.add.f32.msk vm15, v63  }
0xff: {  	s20 =	sadd.s32 $0x40, s20;
	p0 =	por !p0, !p0;
	s19 =	sadd.s32 $0x200, s19;
	[tilespmem:v5+s2+$0x0] =	vst.idx.add.f32.msk vm15, v1  }
0x100: {  	_ =	swait.ge [sflag:s13], $0x2800;
	p0 =	seq.s32 s17, $0x9  }
0x101: {  	[sflag:s13] =	ssyncset.done $0x0;
	s18 =	sadd.s32 @!p0 s18, s5  }
0x102: {  	s19 =	simm.s32 @!p0 $0x0;
	s20 =	simm.s32 @!p0 $0x16000;
	[sflag:s13] =	ssyncadd.s32 $0xFFFFD800  }
0x103: {  	[tilespmem:s20], [sflag:$0x1] =	stream.linear.gather @!p0 [hbm4b:s18+s19], $0x2800, $0x38;
	[tilespmem:$0x1B000] =	vst v63  }
0x104: {  	s18 =	simm.s32 $0x0;
	p0 =	por $0x0, $0x0;
	s19 =	simm.s32 $0x0  }
.LBB2_7:
0x105: {  	s20 =	simm.s32 $0x1  }
0x106: {  	s20 =	simm.s32 @!p0 $0x0  }
0x107: {  	s20 =	sshll.u32 s20, $0x6  }
0x108: {  	s21 =	sadd.s32 s20, s18  }
0x109: {  	s30 =	sand.u32 $0x40, s19;
	s22 =	sand.u32 $0x3C00, s18;
	s20 =	sor.u32 $0x300, s21  }
0x10a: {  	s22 =	sor.u32 s30, s22;
	v1 =	vld [tilespmem:s20+$0x18800]  }
0x10b: {  	v2 =	vld [tilespmem:s22+$0x18800];
	s31 =	sor.u32 $0x200, s21  }
0x10c: {  	s23 =	sor.u32 $0x280, s21;
	v8 =	vld [tilespmem:s31+$0x18800]  }
0x10d: {  	s20 =	sadd.s32 $0x18800, s22;
	v13 =	vld [tilespmem:s23+$0x18800]  }
0x10e: {  	v3 =	vld [tilespmem:s20+$0x180]  }
0x10f: {  	v19 =	vld [tilespmem:s20+$0x80];
	v4 =	vshra.s32 v1, $0xA  }
0x110: {  	v5 =	vand.u32 $0x3FF, v1;
	v12 =	vshll.u32 v1, $0x3;
	v1 =	vand.u32 $0x7F, v1  }
0x111: {  	v16 =	vmul.f32 v8, v2;
	v6 =	vmin.u32 v5, $0x1FD;
	vm0 =	vlt.s32 v4, $0x1FD  }
0x112: {  	v5 =	vadd.s32 $0x1, v5;
	v9 =	vadd.s32 $0x1, v4;
	vm14 =	vlt.u32 v4, $0xB0  }
0x113: {  	v10 =	vmul.f32 v3, v2;
	v11 =	vshll.u32 v4, $0x9;
	v12 =	vand.u32 $0x1C00, v12  }
0x114: {  	v2 =	vmul.f32 v13, v2;
	v22 =	vmul.f32 v3, v19;
	v6 =	vadd.s32 $0x2, v6  }
0x115: {  	v7 =	vnsel vm0, $0x1FD, v4;
	v11 =	vand.u32 $0xFFFFF000, v11;
	v4 =	vshll.u32 v4, $0x7  }
0x116: {  	v15 =	vshll.u32 v5, $0x3;
	v5 =	vand.u32 $0x7F, v5;
	v20 =	vshll.u32 v9, $0x9  }
0x117: {  	v35 =	vshll.u32 v9, $0x7;
	vm1 =	vlt.u32 v9, $0xB0;
	v7 =	vadd.s32 $0x2, v7  }
0x118: {  	v14 =	vadd.s32 v12, v11;
	v4 =	vand.u32 $0x380, v4;
	v15 =	vand.u32 $0x3C00, v15  }
0x119: {  	v18 =	vshll.u32 v6, $0x3;
	v6 =	vand.u32 $0x7F, v6;
	v34 =	vand.u32 $0xFFFFF000, v20  }
0x11a: {  	v14 =	vor.u32 v4, v14;
	v17 =	vadd.s32 v11, v15;
	v18 =	vand.u32 $0x1C00, v18  }
0x11b: {  	v14 =	vor.u32 v1, v14;
	v17 =	vor.u32 v4, v17;
	v11 =	vadd.s32 v11, v18  }
0x11c: {  	v20 =	vand.u32 $0x380, v35;
	v17 =	vor.u32 v5, v17;
	v4 =	vor.u32 v4, v11  }
0x11d: {  	v21 =	vadd.s32 v12, v34;
	v37 =	vadd.s32 v15, v34;
	v4 =	vor.u32 v6, v4  }
0x11e: {  	v24 =	vshll.u32 v7, $0x9;
	v36 =	vor.u32 v20, v21;
	v21 =	vor.u32 v20, v37  }
0x11f: {  	v23 =	vld [tilespmem:s20+$0x100];
	v39 =	vand.u32 $0xFFFFF000, v24;
	v9 =	vor.u32 v1, v36;
	v21 =	vor.u32 v5, v21  }
0x120: {  	v40 =	vshll.u32 v7, $0x7;
	v11 =	vadd.s32 v34, v18;
	v12 =	vadd.s32 v12, v39;
	[tilespmem:v14+s2+$0x0] =	vst.idx.add.f32.msk vm14, v10  }
0x121: {  	v41 =	vadd.s32 v15, v39;
	v38 =	vor.u32 v20, v11;
	v14 =	vand.u32 $0x380, v40;
	[tilespmem:v17+s2+$0x0] =	vst.idx.add.f32.msk vm14, v16  }
0x122: {  	vm15 =	vlt.u32 v7, $0xB0;
	v10 =	vor.u32 v6, v38;
	[tilespmem:v4+s2+$0x0] =	vst.idx.add.f32.msk vm14, v2;
	v2 =	vor.u32 v14, v12  }
0x123: {  	v42 =	vadd.s32 v18, v39;
	v1 =	vor.u32 v1, v2;
	v2 =	vor.u32 v14, v41  }
0x124: {  	v43 =	vmul.f32 v8, v19;
	v4 =	vor.u32 v14, v42;
	v2 =	vor.u32 v5, v2  }
0x125: {  	v44 =	vmul.f32 v13, v19;
	[tilespmem:v9+s2+$0x0] =	vst.idx.add.f32.msk vm1, v22;
	v4 =	vor.u32 v6, v4  }
0x126: {  	v3 =	vmul.f32 v3, v23;
	[tilespmem:v21+s2+$0x0] =	vst.idx.add.f32.msk vm1, v43  }
0x127: {  	v45 =	vmul.f32 v8, v23;
	[tilespmem:v10+s2+$0x0] =	vst.idx.add.f32.msk vm1, v44  }
0x128: {  	[tilespmem:v1+s2+$0x0] =	vst.idx.add.f32.msk vm15, v3;
	v1 =	vmul.f32 v13, v23  }
0x129: {  	s24 =	sadd.s32 $0x10, s21;
	[tilespmem:v2+s2+$0x0] =	vst.idx.add.f32.msk vm15, v45  }
0x12a: {  	s23 =	sor.u32 $0x300, s24;
	[tilespmem:v4+s2+$0x0] =	vst.idx.add.f32.msk vm15, v1  }
0x12b: {  	v1 =	vld [tilespmem:s23+$0x18800]  }
0x12c: {  	v2 =	vld [tilespmem:s20+$0x10]  }
0x12d: {  	s25 =	sor.u32 $0x200, s24;
	v3 =	vld [tilespmem:s20+$0x190]  }
0x12e: {  	s22 =	sor.u32 $0x280, s24;
	v50 =	vld [tilespmem:s25+$0x18800]  }
0x12f: {  	v55 =	vld [tilespmem:s22+$0x18800]  }
0x130: {  	v61 =	vld [tilespmem:s20+$0x90];
	_ =	sdelay $0x1  }
0x131: {  	v46 =	vshra.s32 v1, $0xA  }
0x132: {  	v47 =	vand.u32 $0x3FF, v1;
	v52 =	vmul.f32 v3, v2;
	v54 =	vshll.u32 v1, $0x3  }
0x133: {  	v1 =	vand.u32 $0x7F, v1;
	v58 =	vmul.f32 v50, v2;
	v2 =	vmul.f32 v55, v2  }
0x134: {  	v28 =	vmul.f32 v3, v61;
	v48 =	vmin.u32 v47, $0x1FD;
	vm4 =	vlt.s32 v46, $0x1FD  }
0x135: {  	v5 =	vadd.s32 $0x1, v47;
	v51 =	vadd.s32 $0x1, v46;
	vm5 =	vlt.u32 v46, $0xB0  }
0x136: {  	v53 =	vshll.u32 v46, $0x9;
	v12 =	vand.u32 $0x1C00, v54;
	v4 =	vshll.u32 v46, $0x7  }
0x137: {  	v6 =	vadd.s32 $0x2, v48;
	v49 =	vnsel vm4, $0x1FD, v46;
	v11 =	vand.u32 $0xFFFFF000, v53  }
0x138: {  	v4 =	vand.u32 $0x380, v4;
	v57 =	vshll.u32 v5, $0x3;
	v5 =	vand.u32 $0x7F, v5  }
0x139: {  	v62 =	vshll.u32 v51, $0x9;
	v24 =	vshll.u32 v51, $0x7;
	vm6 =	vlt.u32 v51, $0xB0  }
0x13a: {  	v7 =	vadd.s32 $0x2, v49;
	v56 =	vadd.s32 v12, v11;
	v15 =	vand.u32 $0x3C00, v57  }
0x13b: {  	v60 =	vshll.u32 v6, $0x3;
	v6 =	vand.u32 $0x7F, v6;
	v63 =	vand.u32 $0xFFFFF000, v62  }
0x13c: {  	v14 =	vor.u32 v4, v56;
	v59 =	vadd.s32 v11, v15;
	v18 =	vand.u32 $0x1C00, v60  }
0x13d: {  	v14 =	vor.u32 v1, v14;
	v17 =	vor.u32 v4, v59;
	v11 =	vadd.s32 v11, v18  }
0x13e: {  	v20 =	vand.u32 $0x380, v24;
	v17 =	vor.u32 v5, v17;
	v4 =	vor.u32 v4, v11  }
0x13f: {  	v25 =	vadd.s32 v12, v63;
	v27 =	vadd.s32 v15, v63;
	v4 =	vor.u32 v6, v4  }
0x140: {  	v30 =	vshll.u32 v7, $0x9;
	v26 =	vor.u32 v20, v25;
	v21 =	vor.u32 v20, v27  }
0x141: {  	v29 =	vld [tilespmem:s20+$0x110];
	v32 =	vand.u32 $0xFFFFF000, v30;
	v9 =	vor.u32 v1, v26;
	v21 =	vor.u32 v5, v21  }
0x142: {  	v33 =	vshll.u32 v7, $0x7;
	v11 =	vadd.s32 v63, v18;
	v12 =	vadd.s32 v12, v32;
	[tilespmem:v14+s2+$0x0] =	vst.idx.add.f32.msk vm5, v52  }
0x143: {  	v34 =	vadd.s32 v15, v32;
	v31 =	vor.u32 v20, v11;
	v14 =	vand.u32 $0x380, v33;
	[tilespmem:v17+s2+$0x0] =	vst.idx.add.f32.msk vm5, v58  }
0x144: {  	vm7 =	vlt.u32 v7, $0xB0;
	v10 =	vor.u32 v6, v31;
	[tilespmem:v4+s2+$0x0] =	vst.idx.add.f32.msk vm5, v2;
	v2 =	vor.u32 v14, v12  }
0x145: {  	v35 =	vadd.s32 v18, v32;
	v1 =	vor.u32 v1, v2;
	v2 =	vor.u32 v14, v34  }
0x146: {  	v36 =	vmul.f32 v50, v61;
	v4 =	vor.u32 v14, v35;
	v2 =	vor.u32 v5, v2  }
0x147: {  	v37 =	vmul.f32 v55, v61;
	[tilespmem:v9+s2+$0x0] =	vst.idx.add.f32.msk vm6, v28;
	v4 =	vor.u32 v6, v4  }
0x148: {  	v3 =	vmul.f32 v3, v29;
	[tilespmem:v21+s2+$0x0] =	vst.idx.add.f32.msk vm6, v36  }
0x149: {  	v38 =	vmul.f32 v50, v29;
	[tilespmem:v10+s2+$0x0] =	vst.idx.add.f32.msk vm6, v37  }
0x14a: {  	[tilespmem:v1+s2+$0x0] =	vst.idx.add.f32.msk vm7, v3;
	v1 =	vmul.f32 v55, v29  }
0x14b: {  	s26 =	sadd.s32 $0x20, s21;
	[tilespmem:v2+s2+$0x0] =	vst.idx.add.f32.msk vm7, v38  }
0x14c: {  	s28 =	sor.u32 $0x300, s26;
	[tilespmem:v4+s2+$0x0] =	vst.idx.add.f32.msk vm7, v1  }
0x14d: {  	v1 =	vld [tilespmem:s28+$0x18800]  }
0x14e: {  	v2 =	vld [tilespmem:s20+$0x20]  }
0x14f: {  	s29 =	sor.u32 $0x200, s26;
	v3 =	vld [tilespmem:s20+$0x1A0]  }
0x150: {  	s22 =	sor.u32 $0x280, s26;
	v43 =	vld [tilespmem:s29+$0x18800]  }
0x151: {  	v48 =	vld [tilespmem:s22+$0x18800]  }
0x152: {  	v54 =	vld [tilespmem:s20+$0xA0];
	_ =	sdelay $0x1  }
0x153: {  	v39 =	vshra.s32 v1, $0xA  }
0x154: {  	v40 =	vand.u32 $0x3FF, v1;
	v45 =	vmul.f32 v3, v2;
	v47 =	vshll.u32 v1, $0x3  }
0x155: {  	v1 =	vand.u32 $0x7F, v1;
	v51 =	vmul.f32 v43, v2;
	v2 =	vmul.f32 v48, v2  }
0x156: {  	v61 =	vmul.f32 v3, v54;
	v41 =	vmin.u32 v40, $0x1FD;
	vm8 =	vlt.s32 v39, $0x1FD  }
0x157: {  	v5 =	vadd.s32 $0x1, v40;
	v44 =	vadd.s32 $0x1, v39;
	vm9 =	vlt.u32 v39, $0xB0  }
0x158: {  	v46 =	vshll.u32 v39, $0x9;
	v12 =	vand.u32 $0x1C00, v47;
	v4 =	vshll.u32 v39, $0x7  }
0x159: {  	v6 =	vadd.s32 $0x2, v41;
	v42 =	vnsel vm8, $0x1FD, v39;
	v11 =	vand.u32 $0xFFFFF000, v46  }
0x15a: {  	v4 =	vand.u32 $0x380, v4;
	v50 =	vshll.u32 v5, $0x3;
	v5 =	vand.u32 $0x7F, v5  }
0x15b: {  	v55 =	vshll.u32 v44, $0x9;
	v57 =	vshll.u32 v44, $0x7;
	vm10 =	vlt.u32 v44, $0xB0  }
0x15c: {  	v7 =	vadd.s32 $0x2, v42;
	v49 =	vadd.s32 v12, v11;
	v15 =	vand.u32 $0x3C00, v50  }
0x15d: {  	v53 =	vshll.u32 v6, $0x3;
	v6 =	vand.u32 $0x7F, v6;
	v56 =	vand.u32 $0xFFFFF000, v55  }
0x15e: {  	v14 =	vor.u32 v4, v49;
	v52 =	vadd.s32 v11, v15;
	v18 =	vand.u32 $0x1C00, v53  }
0x15f: {  	v14 =	vor.u32 v1, v14;
	v17 =	vor.u32 v4, v52;
	v11 =	vadd.s32 v11, v18  }
0x160: {  	v20 =	vand.u32 $0x380, v57;
	v17 =	vor.u32 v5, v17;
	v4 =	vor.u32 v4, v11  }
0x161: {  	v58 =	vadd.s32 v12, v56;
	v60 =	vadd.s32 v15, v56;
	v4 =	vor.u32 v6, v4  }
0x162: {  	v63 =	vshll.u32 v7, $0x9;
	v59 =	vor.u32 v20, v58;
	v21 =	vor.u32 v20, v60  }
0x163: {  	v62 =	vld [tilespmem:s20+$0x120];
	v25 =	vand.u32 $0xFFFFF000, v63;
	v9 =	vor.u32 v1, v59;
	v21 =	vor.u32 v5, v21  }
0x164: {  	v26 =	vshll.u32 v7, $0x7;
	v11 =	vadd.s32 v56, v18;
	v12 =	vadd.s32 v12, v25;
	[tilespmem:v14+s2+$0x0] =	vst.idx.add.f32.msk vm9, v45  }
0x165: {  	v27 =	vadd.s32 v15, v25;
	v20 =	vor.u32 v20, v11;
	v14 =	vand.u32 $0x380, v26;
	[tilespmem:v17+s2+$0x0] =	vst.idx.add.f32.msk vm9, v51  }
0x166: {  	vm11 =	vlt.u32 v7, $0xB0;
	v10 =	vor.u32 v6, v20;
	[tilespmem:v4+s2+$0x0] =	vst.idx.add.f32.msk vm9, v2;
	v2 =	vor.u32 v14, v12  }
0x167: {  	v28 =	vadd.s32 v18, v25;
	v1 =	vor.u32 v1, v2;
	v2 =	vor.u32 v14, v27  }
0x168: {  	v29 =	vmul.f32 v43, v54;
	v4 =	vor.u32 v14, v28;
	v2 =	vor.u32 v5, v2  }
0x169: {  	v30 =	vmul.f32 v48, v54;
	[tilespmem:v9+s2+$0x0] =	vst.idx.add.f32.msk vm10, v61;
	v4 =	vor.u32 v6, v4  }
0x16a: {  	v3 =	vmul.f32 v3, v62;
	[tilespmem:v21+s2+$0x0] =	vst.idx.add.f32.msk vm10, v29  }
0x16b: {  	v31 =	vmul.f32 v43, v62;
	[tilespmem:v10+s2+$0x0] =	vst.idx.add.f32.msk vm10, v30  }
0x16c: {  	[tilespmem:v1+s2+$0x0] =	vst.idx.add.f32.msk vm11, v3;
	v1 =	vmul.f32 v48, v62  }
0x16d: {  	s21 =	sadd.s32 $0x30, s21;
	[tilespmem:v2+s2+$0x0] =	vst.idx.add.f32.msk vm11, v31  }
0x16e: {  	s30 =	sor.u32 $0x300, s21;
	[tilespmem:v4+s2+$0x0] =	vst.idx.add.f32.msk vm11, v1  }
0x16f: {  	v1 =	vld [tilespmem:s30+$0x18800]  }
0x170: {  	v2 =	vld [tilespmem:s20+$0x30]  }
0x171: {  	s31 =	sor.u32 $0x200, s21;
	v3 =	vld [tilespmem:s20+$0x1B0]  }
0x172: {  	s21 =	sor.u32 $0x280, s21;
	v36 =	vld [tilespmem:s31+$0x18800]  }
0x173: {  	v41 =	vld [tilespmem:s21+$0x18800]  }
0x174: {  	v21 =	vld [tilespmem:s20+$0xB0];
	_ =	sdelay $0x1  }
0x175: {  	v32 =	vshra.s32 v1, $0xA  }
0x176: {  	v33 =	vand.u32 $0x3FF, v1;
	v38 =	vmul.f32 v3, v2;
	v40 =	vshll.u32 v1, $0x3  }
0x177: {  	v1 =	vand.u32 $0x7F, v1;
	v44 =	vmul.f32 v36, v2;
	v2 =	vmul.f32 v41, v2  }
0x178: {  	v58 =	vmul.f32 v3, v21;
	v34 =	vmin.u32 v33, $0x1FD;
	vm12 =	vlt.s32 v32, $0x1FD  }
0x179: {  	v5 =	vadd.s32 $0x1, v33;
	v37 =	vadd.s32 $0x1, v32;
	vm13 =	vlt.u32 v32, $0xB0  }
0x17a: {  	v39 =	vshll.u32 v32, $0x9;
	v12 =	vand.u32 $0x1C00, v40;
	v4 =	vshll.u32 v32, $0x7  }
0x17b: {  	v6 =	vadd.s32 $0x2, v34;
	v35 =	vnsel vm12, $0x1FD, v32;
	v11 =	vand.u32 $0xFFFFF000, v39  }
0x17c: {  	v4 =	vand.u32 $0x380, v4;
	v43 =	vshll.u32 v5, $0x3;
	v5 =	vand.u32 $0x7F, v5  }
0x17d: {  	v47 =	vshll.u32 v37, $0x9;
	v49 =	vshll.u32 v37, $0x7;
	vm14 =	vlt.u32 v37, $0xB0  }
0x17e: {  	v7 =	vadd.s32 $0x2, v35;
	v42 =	vadd.s32 v12, v11;
	v15 =	vand.u32 $0x3C00, v43  }
0x17f: {  	v46 =	vshll.u32 v6, $0x3;
	v6 =	vand.u32 $0x7F, v6;
	v48 =	vand.u32 $0xFFFFF000, v47  }
0x180: {  	v14 =	vor.u32 v4, v42;
	v45 =	vadd.s32 v11, v15;
	v18 =	vand.u32 $0x1C00, v46  }
0x181: {  	v14 =	vor.u32 v1, v14;
	v17 =	vor.u32 v4, v45;
	v11 =	vadd.s32 v11, v18  }
0x182: {  	v19 =	vand.u32 $0x380, v49;
	v17 =	vor.u32 v5, v17;
	v4 =	vor.u32 v4, v11  }
0x183: {  	v50 =	vadd.s32 v12, v48;
	v52 =	vadd.s32 v15, v48;
	v4 =	vor.u32 v6, v4  }
0x184: {  	v53 =	vshll.u32 v7, $0x9;
	v51 =	vor.u32 v19, v50;
	v20 =	vor.u32 v19, v52  }
0x185: {  	v22 =	vld [tilespmem:s20+$0x130];
	v55 =	vand.u32 $0xFFFFF000, v53;
	v11 =	vadd.s32 v48, v18;
	v9 =	vor.u32 v1, v51  }
0x186: {  	v56 =	vshll.u32 v7, $0x7;
	v12 =	vadd.s32 v12, v55;
	v54 =	vor.u32 v19, v11;
	[tilespmem:v14+s2+$0x0] =	vst.idx.add.f32.msk vm13, v38  }
0x187: {  	v57 =	vor.u32 v5, v20;
	v10 =	vor.u32 v6, v54;
	v14 =	vand.u32 $0x380, v56;
	[tilespmem:v17+s2+$0x0] =	vst.idx.add.f32.msk vm13, v44  }
0x188: {  	vm15 =	vlt.u32 v7, $0xB0;
	v12 =	vor.u32 v14, v12;
	[tilespmem:v4+s2+$0x0] =	vst.idx.add.f32.msk vm13, v2;
	v2 =	vadd.s32 v15, v55  }
0x189: {  	v59 =	vadd.s32 v18, v55;
	v1 =	vor.u32 v1, v12;
	v2 =	vor.u32 v14, v2  }
0x18a: {  	v60 =	vmul.f32 v36, v21;
	v61 =	vor.u32 v14, v59;
	v2 =	vor.u32 v5, v2  }
0x18b: {  	p1 =	sne.s32 s19, $0x4C0;
	v62 =	vmul.f32 v41, v21;
	[tilespmem:v9+s2+$0x0] =	vst.idx.add.f32.msk vm14, v58;
	v5 =	vor.u32 v6, v61  }
.Ltmp2:
0x18c: {  	v3 =	vmul.f32 v3, v22;
	[tilespmem:v57+s2+$0x0] =	vst.idx.add.f32.msk vm14, v60;
	(pc) =	sbr.rel @p1 .LBB2_7-.Ltmp2, $4  }
0x18d: {  	v63 =	vmul.f32 v36, v22;
	[tilespmem:v10+s2+$0x0] =	vst.idx.add.f32.msk vm14, v62  }
0x18e: {  	[tilespmem:v1+s2+$0x0] =	vst.idx.add.f32.msk vm15, v3;
	v1 =	vmul.f32 v41, v22  }
0x18f: {  	[tilespmem:v2+s2+$0x0] =	vst.idx.add.f32.msk vm15, v63  }
0x190: {  	s19 =	sadd.s32 $0x40, s19;
	p0 =	por !p0, !p0;
	s18 =	sadd.s32 $0x200, s18;
	[tilespmem:v5+s2+$0x0] =	vst.idx.add.f32.msk vm15, v1  }
0x191: {  	s17 =	sadd.s32 $0x1, s17  }
0x192: {  	p0 =	sne.s32 s17, $0xA  }
.Ltmp3:
0x193: {  	_ = 	snop;
	(pc) =	sbr.rel @p0 .LBB2_4-.Ltmp3, $1  }
0x194: {  	_ =	sdelay $0x3  }
0x195: {  	s16 =	simm.s32 $0x0  }
0x196: {  	[hbm4b:s6+s16] =	stream.linear.scatter [tilespmem:s16], [sflag:$0x3], $0x16000, $0x38;
	[tilespmem:$0x1B000] =	vst v63  }
0x197: {  	_ =	swait.ge [sflag:s14], $0x16000  }
0x198: {  	s17 =	sand.u32 $0x1F000, s16;
	s18 =	sand.u32 $0x380, s16;
	[sflag:s14] =	ssyncset.done $0x0  }
0x199: {  	s17 =	sor.u32 s18, s17;
	[sflag:s14] =	ssyncadd.s32 $0xFFFEA000  }
0x19a: {  	[tilespmem:s10], [sflag:$0x1] =	stream.linear.gather [hbm4b:s3+s16], $0x2800, $0x38;
	[tilespmem:$0x1B000] =	vst v63  }
0x19b: {  	[tilespmem:s17+$0xC70] =	vst v0  }
0x19c: {  	[tilespmem:s17+$0x0] =	vst v0  }
0x19d: {  	[tilespmem:s17+$0x10] =	vst v0  }
0x19e: {  	[tilespmem:s17+$0x20] =	vst v0  }
0x19f: {  	[tilespmem:s17+$0x30] =	vst v0  }
0x1a0: {  	[tilespmem:s17+$0x40] =	vst v0  }
0x1a1: {  	[tilespmem:s17+$0x50] =	vst v0  }
0x1a2: {  	[tilespmem:s17+$0x60] =	vst v0  }
0x1a3: {  	[tilespmem:s17+$0x70] =	vst v0  }
0x1a4: {  	[tilespmem:s17+$0x400] =	vst v0  }
0x1a5: {  	[tilespmem:s17+$0x410] =	vst v0  }
0x1a6: {  	[tilespmem:s17+$0x420] =	vst v0  }
0x1a7: {  	[tilespmem:s17+$0x430] =	vst v0  }
0x1a8: {  	[tilespmem:s17+$0x440] =	vst v0  }
0x1a9: {  	[tilespmem:s17+$0x450] =	vst v0  }
0x1aa: {  	[tilespmem:s17+$0x460] =	vst v0  }
0x1ab: {  	[tilespmem:s17+$0x470] =	vst v0  }
0x1ac: {  	[tilespmem:s17+$0x800] =	vst v0  }
0x1ad: {  	[tilespmem:s17+$0x810] =	vst v0  }
0x1ae: {  	[tilespmem:s17+$0x820] =	vst v0  }
0x1af: {  	[tilespmem:s17+$0x830] =	vst v0  }
0x1b0: {  	[tilespmem:s17+$0x840] =	vst v0  }
0x1b1: {  	[tilespmem:s17+$0x850] =	vst v0  }
0x1b2: {  	[tilespmem:s17+$0x860] =	vst v0  }
0x1b3: {  	[tilespmem:s17+$0x870] =	vst v0  }
0x1b4: {  	[tilespmem:s17+$0xC00] =	vst v0  }
0x1b5: {  	[tilespmem:s17+$0xC10] =	vst v0  }
0x1b6: {  	[tilespmem:s17+$0xC20] =	vst v0  }
0x1b7: {  	[tilespmem:s17+$0xC30] =	vst v0  }
0x1b8: {  	s19 =	simm.s32 $0x200;
	s18 =	simm.s32 $0x80;
	[tilespmem:s17+$0xC40] =	vst v0  }
0x1b9: {  	s20 =	sand.u32 $0x1F000, s19;
	s19 =	simm.s32 $0x400;
	s21 =	sand.u32 $0x380, s18;
	[tilespmem:s17+$0xC50] =	vst v0  }
.LBB2_10:
0x1ba: {  	p0 =	sne.s32 s19, $0x15E00;
	[tilespmem:s17+$0xC60] =	vst v0;
	s17 =	sor.u32 s21, s20  }
0x1bb: {  	[tilespmem:s17+$0xC70] =	vst v0  }
0x1bc: {  	[tilespmem:s17+$0x0] =	vst v0  }
0x1bd: {  	[tilespmem:s17+$0x10] =	vst v0  }
0x1be: {  	[tilespmem:s17+$0x20] =	vst v0  }
0x1bf: {  	[tilespmem:s17+$0x30] =	vst v0  }
0x1c0: {  	[tilespmem:s17+$0x40] =	vst v0  }
0x1c1: {  	[tilespmem:s17+$0x50] =	vst v0  }
0x1c2: {  	[tilespmem:s17+$0x60] =	vst v0  }
0x1c3: {  	[tilespmem:s17+$0x70] =	vst v0  }
0x1c4: {  	[tilespmem:s17+$0x400] =	vst v0  }
0x1c5: {  	[tilespmem:s17+$0x410] =	vst v0  }
0x1c6: {  	[tilespmem:s17+$0x420] =	vst v0  }
0x1c7: {  	[tilespmem:s17+$0x430] =	vst v0  }
0x1c8: {  	[tilespmem:s17+$0x440] =	vst v0  }
0x1c9: {  	[tilespmem:s17+$0x450] =	vst v0  }
0x1ca: {  	[tilespmem:s17+$0x460] =	vst v0  }
0x1cb: {  	[tilespmem:s17+$0x470] =	vst v0  }
0x1cc: {  	[tilespmem:s17+$0x800] =	vst v0  }
0x1cd: {  	[tilespmem:s17+$0x810] =	vst v0  }
0x1ce: {  	[tilespmem:s17+$0x820] =	vst v0  }
0x1cf: {  	[tilespmem:s17+$0x830] =	vst v0  }
0x1d0: {  	[tilespmem:s17+$0x840] =	vst v0  }
0x1d1: {  	[tilespmem:s17+$0x850] =	vst v0  }
0x1d2: {  	[tilespmem:s17+$0x860] =	vst v0  }
0x1d3: {  	[tilespmem:s17+$0x870] =	vst v0  }
0x1d4: {  	[tilespmem:s17+$0xC00] =	vst v0  }
.Ltmp4:
0x1d5: {  	[tilespmem:s17+$0xC10] =	vst v0;
	(pc) =	sbr.rel @p0 .LBB2_10-.Ltmp4, $4  }
0x1d6: {  	[tilespmem:s17+$0xC20] =	vst v0  }
0x1d7: {  	[tilespmem:s17+$0xC30] =	vst v0  }
0x1d8: {  	s18 =	sadd.s32 $0x80, s18;
	[tilespmem:s17+$0xC40] =	vst v0  }
0x1d9: {  	s20 =	sand.u32 $0x1F000, s19;
	s19 =	sadd.s32 $0x200, s19;
	s21 =	sand.u32 $0x380, s18;
	[tilespmem:s17+$0xC50] =	vst v0  }
0x1da: {  	s18 =	sor.u32 s21, s20;
	[tilespmem:s17+$0xC60] =	vst v0  }
0x1db: {  	[tilespmem:s18+$0xC70] =	vst v0  }
0x1dc: {  	[tilespmem:s18+$0x0] =	vst v0  }
0x1dd: {  	[tilespmem:s18+$0x10] =	vst v0  }
0x1de: {  	[tilespmem:s18+$0x20] =	vst v0  }
0x1df: {  	[tilespmem:s18+$0x30] =	vst v0  }
0x1e0: {  	[tilespmem:s18+$0x40] =	vst v0  }
0x1e1: {  	[tilespmem:s18+$0x50] =	vst v0  }
0x1e2: {  	[tilespmem:s18+$0x60] =	vst v0  }
0x1e3: {  	[tilespmem:s18+$0x70] =	vst v0  }
0x1e4: {  	[tilespmem:s18+$0x400] =	vst v0  }
0x1e5: {  	[tilespmem:s18+$0x410] =	vst v0  }
0x1e6: {  	[tilespmem:s18+$0x420] =	vst v0  }
0x1e7: {  	[tilespmem:s18+$0x430] =	vst v0  }
0x1e8: {  	[tilespmem:s18+$0x440] =	vst v0  }
0x1e9: {  	[tilespmem:s18+$0x450] =	vst v0  }
0x1ea: {  	[tilespmem:s18+$0x460] =	vst v0  }
0x1eb: {  	[tilespmem:s18+$0x470] =	vst v0  }
0x1ec: {  	[tilespmem:s18+$0x800] =	vst v0  }
0x1ed: {  	[tilespmem:s18+$0x810] =	vst v0  }
0x1ee: {  	[tilespmem:s18+$0x820] =	vst v0  }
0x1ef: {  	[tilespmem:s18+$0x830] =	vst v0  }
0x1f0: {  	[tilespmem:s18+$0x840] =	vst v0  }
0x1f1: {  	[tilespmem:s18+$0x850] =	vst v0  }
0x1f2: {  	[tilespmem:s18+$0x860] =	vst v0  }
0x1f3: {  	[tilespmem:s18+$0x870] =	vst v0  }
0x1f4: {  	[tilespmem:s18+$0xC00] =	vst v0  }
0x1f5: {  	[tilespmem:s18+$0xC10] =	vst v0  }
0x1f6: {  	[tilespmem:s18+$0xC20] =	vst v0  }
0x1f7: {  	[tilespmem:s18+$0xC30] =	vst v0  }
0x1f8: {  	[tilespmem:s18+$0xC40] =	vst v0  }
0x1f9: {  	[tilespmem:s18+$0xC50] =	vst v0  }
0x1fa: {  	[tilespmem:s18+$0xC60] =	vst v0  }
.LBB2_12:
0x1fb: {  	_ =	swait.ge [sflag:s11], $0x2800;
	s17 =	smul.u32 $0xA00, s16  }
0x1fc: {  	[sflag:s11] =	ssyncset.done $0x0  }
0x1fd: {  	s18 =	simm.s32 $0x0;
	[sflag:s11] =	ssyncadd.s32 $0xFFFFD800;
	s19 =	sadd.s32 s17, s4  }
0x1fe: {  	[tilespmem:s12], [sflag:$0x2] =	stream.linear.gather [hbm4b:s19+s18], $0x2800, $0x38;
	[tilespmem:$0x1B000] =	vst v63  }
0x1ff: {  	p0 =	por $0x0, $0x0;
	s19 =	simm.s32 $0x0  }
.LBB2_13:
0x200: {  	s20 =	simm.s32 $0x1  }
0x201: {  	s20 =	simm.s32 @!p0 $0x0  }
0x202: {  	s20 =	sshll.u32 s20, $0x6  }
0x203: {  	s21 =	sadd.s32 s20, s18  }
0x204: {  	s30 =	sand.u32 $0x40, s19;
	s22 =	sand.u32 $0x3C00, s18;
	s20 =	sor.u32 $0x300, s21  }
0x205: {  	s22 =	sor.u32 s30, s22;
	v1 =	vld [tilespmem:s20+$0x16000]  }
0x206: {  	v4 =	vld [tilespmem:s22+$0x16000];
	s31 =	sor.u32 $0x200, s21  }
0x207: {  	s23 =	sor.u32 $0x280, s21;
	v10 =	vld [tilespmem:s31+$0x16000]  }
0x208: {  	s20 =	sadd.s32 $0x16000, s22;
	v12 =	vld [tilespmem:s23+$0x16000]  }
0x209: {  	v6 =	vld [tilespmem:s20+$0x180]  }
0x20a: {  	v18 =	vld [tilespmem:s20+$0x80];
	v2 =	vshra.s32 v1, $0xA  }
0x20b: {  	v3 =	vand.u32 $0x3FF, v1;
	v9 =	vshll.u32 v1, $0x3;
	v1 =	vand.u32 $0x7F, v1  }
0x20c: {  	v19 =	vmul.f32 v10, v4;
	v5 =	vadd.s32 $0x1, v3;
	v3 =	vmin.u32 v3, $0x1FD  }
0x20d: {  	vm0 =	vlt.s32 v2, $0x1FD;
	v8 =	vadd.s32 $0xFFFFFF50, v2;
	v9 =	vand.u32 $0x1C00, v9  }
0x20e: {  	v11 =	vshll.u32 v2, $0x7;
	v15 =	vmul.f32 v6, v4;
	v4 =	vmul.f32 v12, v4  }
0x20f: {  	v21 =	vmul.f32 v6, v18;
	v46 =	vmul.f32 v10, v18;
	v3 =	vadd.s32 $0x2, v3  }
0x210: {  	v7 =	vnsel vm0, $0x1FD, v2;
	vm14 =	vlt.u32 v8, $0xB0;
	v8 =	vshll.u32 v8, $0x9  }
0x211: {  	v11 =	vand.u32 $0x380, v11;
	v14 =	vshll.u32 v5, $0x3;
	v5 =	vand.u32 $0x7F, v5  }
0x212: {  	v2 =	vadd.s32 $0xFFFFFF51, v2;
	v8 =	vand.u32 $0xFFFFF000, v8;
	v14 =	vand.u32 $0x3C00, v14  }
0x213: {  	v17 =	vshll.u32 v3, $0x3;
	v3 =	vand.u32 $0x7F, v3;
	v39 =	vshll.u32 v2, $0x9  }
0x214: {  	v20 =	vshll.u32 v2, $0x7;
	vm1 =	vlt.u32 v2, $0xB0;
	v7 =	vadd.s32 $0xFFFFFF52, v7  }
0x215: {  	v13 =	vadd.s32 v9, v8;
	v16 =	vadd.s32 v14, v8;
	v17 =	vand.u32 $0x1C00, v17  }
0x216: {  	v20 =	vand.u32 $0x380, v20;
	v24 =	vshll.u32 v7, $0x9;
	v41 =	vshll.u32 v7, $0x7  }
0x217: {  	vm15 =	vlt.u32 v7, $0xB0;
	v13 =	vor.u32 v11, v13;
	v16 =	vor.u32 v11, v16  }
0x218: {  	v8 =	vadd.s32 v8, v17;
	v40 =	vand.u32 $0xFFFFF000, v24;
	v13 =	vor.u32 v1, v13  }
0x219: {  	v16 =	vor.u32 v5, v16;
	v8 =	vor.u32 v11, v8;
	v11 =	vand.u32 $0xFFFFF000, v39  }
0x21a: {  	v43 =	vadd.s32 v14, v40;
	v8 =	vor.u32 v3, v8;
	v2 =	vadd.s32 v9, v11  }
0x21b: {  	v22 =	vadd.s32 v14, v11;
	v11 =	vadd.s32 v11, v17;
	v2 =	vor.u32 v20, v2  }
0x21c: {  	v23 =	vld [tilespmem:s20+$0x100];
	v9 =	vadd.s32 v9, v40;
	v22 =	vor.u32 v20, v22;
	v2 =	vor.u32 v1, v2  }
0x21d: {  	v11 =	vor.u32 v20, v11;
	v22 =	vor.u32 v5, v22;
	[tilespmem:v13+s2+$0x0] =	vst.idx.add.f32.msk vm14, v15;
	v15 =	vand.u32 $0x380, v41  }
0x21e: {  	v45 =	vadd.s32 v17, v40;
	v11 =	vor.u32 v3, v11;
	v42 =	vor.u32 v15, v9  }
0x21f: {  	[tilespmem:v16+s2+$0x0] =	vst.idx.add.f32.msk vm14, v19;
	v44 =	vor.u32 v15, v43;
	v1 =	vor.u32 v1, v42  }
0x220: {  	v47 =	vor.u32 v15, v45;
	[tilespmem:v8+s2+$0x0] =	vst.idx.add.f32.msk vm14, v4;
	v4 =	vor.u32 v5, v44  }
0x221: {  	v3 =	vor.u32 v3, v47;
	[tilespmem:v2+s2+$0x0] =	vst.idx.add.f32.msk vm1, v21;
	v2 =	vmul.f32 v12, v18  }
0x222: {  	v48 =	vmul.f32 v6, v23;
	[tilespmem:v22+s2+$0x0] =	vst.idx.add.f32.msk vm1, v46  }
0x223: {  	[tilespmem:v11+s2+$0x0] =	vst.idx.add.f32.msk vm1, v2;
	v2 =	vmul.f32 v10, v23  }
0x224: {  	[tilespmem:v1+s2+$0x0] =	vst.idx.add.f32.msk vm15, v48;
	v1 =	vmul.f32 v12, v23  }
0x225: {  	s24 =	sadd.s32 $0x10, s21;
	[tilespmem:v4+s2+$0x0] =	vst.idx.add.f32.msk vm15, v2  }
0x226: {  	s23 =	sor.u32 $0x300, s24;
	[tilespmem:v3+s2+$0x0] =	vst.idx.add.f32.msk vm15, v1  }
0x227: {  	v1 =	vld [tilespmem:s23+$0x16000]  }
0x228: {  	v4 =	vld [tilespmem:s20+$0x10]  }
0x229: {  	s25 =	sor.u32 $0x200, s24;
	v50 =	vld [tilespmem:s20+$0x190]  }
0x22a: {  	s22 =	sor.u32 $0x280, s24;
	v54 =	vld [tilespmem:s25+$0x16000]  }
0x22b: {  	v56 =	vld [tilespmem:s22+$0x16000]  }
0x22c: {  	v62 =	vld [tilespmem:s20+$0x90];
	_ =	sdelay $0x1  }
0x22d: {  	v2 =	vshra.s32 v1, $0xA  }
0x22e: {  	v3 =	vand.u32 $0x3FF, v1;
	v53 =	vshll.u32 v1, $0x3;
	v59 =	vmul.f32 v50, v4  }
0x22f: {  	v1 =	vand.u32 $0x7F, v1;
	v63 =	vmul.f32 v54, v4;
	v4 =	vmul.f32 v56, v4  }
0x230: {  	v30 =	vmul.f32 v50, v62;
	v40 =	vmul.f32 v54, v62;
	v49 =	vadd.s32 $0x1, v3  }
0x231: {  	v3 =	vmin.u32 v3, $0x1FD;
	vm4 =	vlt.s32 v2, $0x1FD;
	v52 =	vadd.s32 $0xFFFFFF50, v2  }
0x232: {  	v9 =	vand.u32 $0x1C00, v53;
	v55 =	vshll.u32 v2, $0x7;
	v3 =	vadd.s32 $0x2, v3  }
0x233: {  	v51 =	vnsel vm4, $0x1FD, v2;
	vm5 =	vlt.u32 v52, $0xB0;
	v8 =	vshll.u32 v52, $0x9  }
0x234: {  	v11 =	vand.u32 $0x380, v55;
	v58 =	vshll.u32 v49, $0x3;
	v5 =	vand.u32 $0x7F, v49  }
0x235: {  	v2 =	vadd.s32 $0xFFFFFF51, v2;
	v8 =	vand.u32 $0xFFFFF000, v8;
	v14 =	vand.u32 $0x3C00, v58  }
0x236: {  	v61 =	vshll.u32 v3, $0x3;
	v3 =	vand.u32 $0x7F, v3;
	v28 =	vshll.u32 v2, $0x9  }
0x237: {  	v29 =	vshll.u32 v2, $0x7;
	vm6 =	vlt.u32 v2, $0xB0;
	v7 =	vadd.s32 $0xFFFFFF52, v51  }
0x238: {  	v57 =	vadd.s32 v9, v8;
	v60 =	vadd.s32 v14, v8;
	v17 =	vand.u32 $0x1C00, v61  }
0x239: {  	v20 =	vand.u32 $0x380, v29;
	v33 =	vshll.u32 v7, $0x9;
	v35 =	vshll.u32 v7, $0x7  }
0x23a: {  	v13 =	vor.u32 v11, v57;
	v16 =	vor.u32 v11, v60;
	v8 =	vadd.s32 v8, v17  }
0x23b: {  	v34 =	vand.u32 $0xFFFFF000, v33;
	v15 =	vand.u32 $0x380, v35;
	v13 =	vor.u32 v1, v13  }
0x23c: {  	v16 =	vor.u32 v5, v16;
	v8 =	vor.u32 v11, v8;
	v11 =	vand.u32 $0xFFFFF000, v28  }
0x23d: {  	v37 =	vadd.s32 v14, v34;
	v39 =	vadd.s32 v17, v34;
	v2 =	vadd.s32 v9, v11  }
0x23e: {  	v8 =	vor.u32 v3, v8;
	v31 =	vadd.s32 v14, v11;
	v2 =	vor.u32 v20, v2  }
0x23f: {  	v11 =	vadd.s32 v11, v17;
	v22 =	vor.u32 v20, v31;
	v2 =	vor.u32 v1, v2  }
0x240: {  	v32 =	vld [tilespmem:s20+$0x110];
	v9 =	vadd.s32 v9, v34;
	v11 =	vor.u32 v20, v11;
	v22 =	vor.u32 v5, v22  }
0x241: {  	vm7 =	vlt.u32 v7, $0xB0;
	v36 =	vor.u32 v15, v9;
	v11 =	vor.u32 v3, v11;
	[tilespmem:v13+s2+$0x0] =	vst.idx.add.f32.msk vm5, v59  }
0x242: {  	v38 =	vor.u32 v15, v37;
	v1 =	vor.u32 v1, v36;
	[tilespmem:v16+s2+$0x0] =	vst.idx.add.f32.msk vm5, v63  }
0x243: {  	v41 =	vor.u32 v15, v39;
	[tilespmem:v8+s2+$0x0] =	vst.idx.add.f32.msk vm5, v4;
	v4 =	vor.u32 v5, v38  }
0x244: {  	v3 =	vor.u32 v3, v41;
	[tilespmem:v2+s2+$0x0] =	vst.idx.add.f32.msk vm6, v30;
	v2 =	vmul.f32 v56, v62  }
0x245: {  	v42 =	vmul.f32 v50, v32;
	[tilespmem:v22+s2+$0x0] =	vst.idx.add.f32.msk vm6, v40  }
0x246: {  	[tilespmem:v11+s2+$0x0] =	vst.idx.add.f32.msk vm6, v2;
	v2 =	vmul.f32 v54, v32  }
0x247: {  	[tilespmem:v1+s2+$0x0] =	vst.idx.add.f32.msk vm7, v42;
	v1 =	vmul.f32 v56, v32  }
0x248: {  	s26 =	sadd.s32 $0x20, s21;
	[tilespmem:v4+s2+$0x0] =	vst.idx.add.f32.msk vm7, v2  }
0x249: {  	s28 =	sor.u32 $0x300, s26;
	[tilespmem:v3+s2+$0x0] =	vst.idx.add.f32.msk vm7, v1  }
0x24a: {  	v1 =	vld [tilespmem:s28+$0x16000]  }
0x24b: {  	v4 =	vld [tilespmem:s20+$0x20]  }
0x24c: {  	s29 =	sor.u32 $0x200, s26;
	v44 =	vld [tilespmem:s20+$0x1A0]  }
0x24d: {  	s22 =	sor.u32 $0x280, s26;
	v48 =	vld [tilespmem:s29+$0x16000]  }
0x24e: {  	v50 =	vld [tilespmem:s22+$0x16000]  }
0x24f: {  	v56 =	vld [tilespmem:s20+$0xA0];
	_ =	sdelay $0x1  }
0x250: {  	v2 =	vshra.s32 v1, $0xA  }
0x251: {  	v3 =	vand.u32 $0x3FF, v1;
	v47 =	vshll.u32 v1, $0x3;
	v53 =	vmul.f32 v44, v4  }
0x252: {  	v1 =	vand.u32 $0x7F, v1;
	v57 =	vmul.f32 v48, v4;
	v4 =	vmul.f32 v50, v4  }
0x253: {  	v60 =	vmul.f32 v44, v56;
	v33 =	vmul.f32 v48, v56;
	v43 =	vadd.s32 $0x1, v3  }
0x254: {  	v3 =	vmin.u32 v3, $0x1FD;
	vm8 =	vlt.s32 v2, $0x1FD;
	v46 =	vadd.s32 $0xFFFFFF50, v2  }
0x255: {  	v9 =	vand.u32 $0x1C00, v47;
	v49 =	vshll.u32 v2, $0x7;
	v3 =	vadd.s32 $0x2, v3  }
0x256: {  	v45 =	vnsel vm8, $0x1FD, v2;
	vm9 =	vlt.u32 v46, $0xB0;
	v8 =	vshll.u32 v46, $0x9  }
0x257: {  	v11 =	vand.u32 $0x380, v49;
	v52 =	vshll.u32 v43, $0x3;
	v5 =	vand.u32 $0x7F, v43  }
0x258: {  	v2 =	vadd.s32 $0xFFFFFF51, v2;
	v8 =	vand.u32 $0xFFFFF000, v8;
	v14 =	vand.u32 $0x3C00, v52  }
0x259: {  	v55 =	vshll.u32 v3, $0x3;
	v3 =	vand.u32 $0x7F, v3;
	v58 =	vshll.u32 v2, $0x9  }
0x25a: {  	v59 =	vshll.u32 v2, $0x7;
	vm10 =	vlt.u32 v2, $0xB0;
	v7 =	vadd.s32 $0xFFFFFF52, v45  }
0x25b: {  	v51 =	vadd.s32 v9, v8;
	v54 =	vadd.s32 v14, v8;
	v17 =	vand.u32 $0x1C00, v55  }
0x25c: {  	v20 =	vand.u32 $0x380, v59;
	v63 =	vshll.u32 v7, $0x9;
	v28 =	vshll.u32 v7, $0x7  }
0x25d: {  	v13 =	vor.u32 v11, v51;
	v16 =	vor.u32 v11, v54;
	v8 =	vadd.s32 v8, v17  }
0x25e: {  	v27 =	vand.u32 $0xFFFFF000, v63;
	v15 =	vand.u32 $0x380, v28;
	v13 =	vor.u32 v1, v13  }
0x25f: {  	v16 =	vor.u32 v5, v16;
	v8 =	vor.u32 v11, v8;
	v11 =	vand.u32 $0xFFFFF000, v58  }
0x260: {  	v30 =	vadd.s32 v14, v27;
	v32 =	vadd.s32 v17, v27;
	v2 =	vadd.s32 v9, v11  }
0x261: {  	v8 =	vor.u32 v3, v8;
	v61 =	vadd.s32 v14, v11;
	v2 =	vor.u32 v20, v2  }
0x262: {  	v11 =	vadd.s32 v11, v17;
	v22 =	vor.u32 v20, v61;
	v2 =	vor.u32 v1, v2  }
0x263: {  	v62 =	vld [tilespmem:s20+$0x120];
	v9 =	vadd.s32 v9, v27;
	v11 =	vor.u32 v20, v11;
	v22 =	vor.u32 v5, v22  }
0x264: {  	vm11 =	vlt.u32 v7, $0xB0;
	v29 =	vor.u32 v15, v9;
	v11 =	vor.u32 v3, v11;
	[tilespmem:v13+s2+$0x0] =	vst.idx.add.f32.msk vm9, v53  }
0x265: {  	v31 =	vor.u32 v15, v30;
	v1 =	vor.u32 v1, v29;
	[tilespmem:v16+s2+$0x0] =	vst.idx.add.f32.msk vm9, v57  }
0x266: {  	v34 =	vor.u32 v15, v32;
	[tilespmem:v8+s2+$0x0] =	vst.idx.add.f32.msk vm9, v4;
	v4 =	vor.u32 v5, v31  }
0x267: {  	v3 =	vor.u32 v3, v34;
	[tilespmem:v2+s2+$0x0] =	vst.idx.add.f32.msk vm10, v60;
	v2 =	vmul.f32 v50, v56  }
0x268: {  	v35 =	vmul.f32 v44, v62;
	[tilespmem:v22+s2+$0x0] =	vst.idx.add.f32.msk vm10, v33  }
0x269: {  	[tilespmem:v11+s2+$0x0] =	vst.idx.add.f32.msk vm10, v2;
	v2 =	vmul.f32 v48, v62  }
0x26a: {  	[tilespmem:v1+s2+$0x0] =	vst.idx.add.f32.msk vm11, v35;
	v1 =	vmul.f32 v50, v62  }
0x26b: {  	s21 =	sadd.s32 $0x30, s21;
	[tilespmem:v4+s2+$0x0] =	vst.idx.add.f32.msk vm11, v2  }
0x26c: {  	s30 =	sor.u32 $0x300, s21;
	[tilespmem:v3+s2+$0x0] =	vst.idx.add.f32.msk vm11, v1  }
0x26d: {  	v1 =	vld [tilespmem:s30+$0x16000]  }
0x26e: {  	v4 =	vld [tilespmem:s20+$0x30]  }
0x26f: {  	s31 =	sor.u32 $0x200, s21;
	v37 =	vld [tilespmem:s20+$0x1B0]  }
0x270: {  	s21 =	sor.u32 $0x280, s21;
	v41 =	vld [tilespmem:s31+$0x16000]  }
0x271: {  	v43 =	vld [tilespmem:s21+$0x16000]  }
0x272: {  	v52 =	vld [tilespmem:s20+$0xB0];
	_ =	sdelay $0x2  }
0x273: {  	v2 =	vshra.s32 v1, $0xA;
	v3 =	vand.u32 $0x3FF, v1;
	v40 =	vshll.u32 v1, $0x3  }
0x274: {  	v1 =	vand.u32 $0x7F, v1;
	v46 =	vmul.f32 v37, v4;
	v49 =	vmul.f32 v41, v4  }
0x275: {  	v4 =	vmul.f32 v43, v4;
	v59 =	vmul.f32 v37, v52;
	v36 =	vadd.s32 $0x1, v3  }
0x276: {  	v3 =	vmin.u32 v3, $0x1FD;
	vm12 =	vlt.s32 v2, $0x1FD;
	v39 =	vadd.s32 $0xFFFFFF50, v2  }
0x277: {  	v9 =	vand.u32 $0x1C00, v40;
	v42 =	vshll.u32 v2, $0x7;
	v3 =	vadd.s32 $0x2, v3  }
0x278: {  	v38 =	vnsel vm12, $0x1FD, v2;
	vm13 =	vlt.u32 v39, $0xB0;
	v8 =	vshll.u32 v39, $0x9  }
0x279: {  	v11 =	vand.u32 $0x380, v42;
	v45 =	vshll.u32 v36, $0x3;
	v5 =	vand.u32 $0x7F, v36  }
0x27a: {  	v2 =	vadd.s32 $0xFFFFFF51, v2;
	v8 =	vand.u32 $0xFFFFF000, v8;
	v14 =	vand.u32 $0x3C00, v45  }
0x27b: {  	v48 =	vshll.u32 v3, $0x3;
	v3 =	vand.u32 $0x7F, v3;
	v50 =	vshll.u32 v2, $0x9  }
0x27c: {  	v51 =	vshll.u32 v2, $0x7;
	vm14 =	vlt.u32 v2, $0xB0;
	v7 =	vadd.s32 $0xFFFFFF52, v38  }
0x27d: {  	v44 =	vadd.s32 v9, v8;
	v47 =	vadd.s32 v14, v8;
	v17 =	vand.u32 $0x1C00, v48  }
0x27e: {  	v19 =	vand.u32 $0x380, v51;
	v54 =	vshll.u32 v7, $0x9;
	v56 =	vshll.u32 v7, $0x7  }
0x27f: {  	v13 =	vor.u32 v11, v44;
	v16 =	vor.u32 v11, v47;
	v8 =	vadd.s32 v8, v17  }
0x280: {  	v55 =	vand.u32 $0xFFFFF000, v54;
	v13 =	vor.u32 v1, v13;
	v16 =	vor.u32 v5, v16  }
0x281: {  	v8 =	vor.u32 v11, v8;
	v11 =	vand.u32 $0xFFFFF000, v50;
	v58 =	vadd.s32 v14, v55  }
0x282: {  	v60 =	vadd.s32 v17, v55;
	v8 =	vor.u32 v3, v8;
	v2 =	vadd.s32 v9, v11  }
0x283: {  	v53 =	vadd.s32 v14, v11;
	v11 =	vadd.s32 v11, v17;
	v2 =	vor.u32 v19, v2  }
0x284: {  	v22 =	vld [tilespmem:s20+$0x130];
	v9 =	vadd.s32 v9, v55;
	v21 =	vor.u32 v19, v53;
	v2 =	vor.u32 v1, v2  }
0x285: {  	v15 =	vand.u32 $0x380, v56;
	v11 =	vor.u32 v19, v11;
	v57 =	vor.u32 v5, v21;
	[tilespmem:v13+s2+$0x0] =	vst.idx.add.f32.msk vm13, v46  }
0x286: {  	vm15 =	vlt.u32 v7, $0xB0;
	v9 =	vor.u32 v15, v9;
	v11 =	vor.u32 v3, v11;
	[tilespmem:v16+s2+$0x0] =	vst.idx.add.f32.msk vm13, v49  }
0x287: {  	v1 =	vor.u32 v1, v9;
	[tilespmem:v8+s2+$0x0] =	vst.idx.add.f32.msk vm13, v4;
	v4 =	vor.u32 v15, v58  }
0x288: {  	v61 =	vmul.f32 v41, v52;
	v62 =	vor.u32 v15, v60;
	v4 =	vor.u32 v5, v4  }
0x289: {  	p1 =	sne.s32 s19, $0x4C0;
	v3 =	vor.u32 v3, v62;
	[tilespmem:v2+s2+$0x0] =	vst.idx.add.f32.msk vm14, v59;
	v2 =	vmul.f32 v43, v52  }
.Ltmp5:
0x28a: {  	v63 =	vmul.f32 v37, v22;
	[tilespmem:v57+s2+$0x0] =	vst.idx.add.f32.msk vm14, v61;
	(pc) =	sbr.rel @p1 .LBB2_13-.Ltmp5, $4  }
0x28b: {  	[tilespmem:v11+s2+$0x0] =	vst.idx.add.f32.msk vm14, v2;
	v2 =	vmul.f32 v41, v22  }
0x28c: {  	[tilespmem:v1+s2+$0x0] =	vst.idx.add.f32.msk vm15, v63;
	v1 =	vmul.f32 v43, v22  }
0x28d: {  	[tilespmem:v4+s2+$0x0] =	vst.idx.add.f32.msk vm15, v2  }
0x28e: {  	s19 =	sadd.s32 $0x40, s19;
	p0 =	por !p0, !p0;
	s18 =	sadd.s32 $0x200, s18;
	[tilespmem:v3+s2+$0x0] =	vst.idx.add.f32.msk vm15, v1  }
0x28f: {  	_ =	swait.ge [sflag:s13], $0x2800;
	p0 =	seq.s32 s16, $0x9  }
0x290: {  	[sflag:s13] =	ssyncset.done $0x0;
	s17 =	sadd.s32 @!p0 s17, s5  }
0x291: {  	s18 =	simm.s32 @!p0 $0x0;
	s19 =	simm.s32 @!p0 $0x16000;
	[sflag:s13] =	ssyncadd.s32 $0xFFFFD800  }
0x292: {  	[tilespmem:s19], [sflag:$0x1] =	stream.linear.gather @!p0 [hbm4b:s17+s18], $0x2800, $0x38;
	[tilespmem:$0x1B000] =	vst v63  }
0x293: {  	s17 =	simm.s32 $0x0;
	p0 =	por $0x0, $0x0;
	s18 =	simm.s32 $0x0  }
.LBB2_15:
0x294: {  	s19 =	simm.s32 $0x1  }
0x295: {  	s19 =	simm.s32 @!p0 $0x0  }
0x296: {  	s19 =	sshll.u32 s19, $0x6  }
0x297: {  	s20 =	sadd.s32 s19, s17  }
0x298: {  	s31 =	sand.u32 $0x40, s18;
	s21 =	sand.u32 $0x3C00, s17;
	s19 =	sor.u32 $0x300, s20  }
0x299: {  	s21 =	sor.u32 s31, s21;
	v1 =	vld [tilespmem:s19+$0x18800]  }
0x29a: {  	v4 =	vld [tilespmem:s21+$0x18800];
	s22 =	sor.u32 $0x200, s20  }
0x29b: {  	s23 =	sor.u32 $0x280, s20;
	v10 =	vld [tilespmem:s22+$0x18800]  }
0x29c: {  	s19 =	sadd.s32 $0x18800, s21;
	v12 =	vld [tilespmem:s23+$0x18800]  }
0x29d: {  	v6 =	vld [tilespmem:s19+$0x180]  }
0x29e: {  	v18 =	vld [tilespmem:s19+$0x80];
	v2 =	vshra.s32 v1, $0xA  }
0x29f: {  	v3 =	vand.u32 $0x3FF, v1;
	v9 =	vshll.u32 v1, $0x3;
	v1 =	vand.u32 $0x7F, v1  }
0x2a0: {  	v19 =	vmul.f32 v10, v4;
	v5 =	vadd.s32 $0x1, v3;
	v3 =	vmin.u32 v3, $0x1FD  }
0x2a1: {  	vm0 =	vlt.s32 v2, $0x1FD;
	v8 =	vadd.s32 $0xFFFFFF50, v2;
	v9 =	vand.u32 $0x1C00, v9  }
0x2a2: {  	v11 =	vshll.u32 v2, $0x7;
	v15 =	vmul.f32 v6, v4;
	v4 =	vmul.f32 v12, v4  }
0x2a3: {  	v21 =	vmul.f32 v6, v18;
	v46 =	vmul.f32 v10, v18;
	v3 =	vadd.s32 $0x2, v3  }
0x2a4: {  	v7 =	vnsel vm0, $0x1FD, v2;
	vm14 =	vlt.u32 v8, $0xB0;
	v8 =	vshll.u32 v8, $0x9  }
0x2a5: {  	v11 =	vand.u32 $0x380, v11;
	v14 =	vshll.u32 v5, $0x3;
	v5 =	vand.u32 $0x7F, v5  }
0x2a6: {  	v2 =	vadd.s32 $0xFFFFFF51, v2;
	v8 =	vand.u32 $0xFFFFF000, v8;
	v14 =	vand.u32 $0x3C00, v14  }
0x2a7: {  	v17 =	vshll.u32 v3, $0x3;
	v3 =	vand.u32 $0x7F, v3;
	v39 =	vshll.u32 v2, $0x9  }
0x2a8: {  	v20 =	vshll.u32 v2, $0x7;
	vm1 =	vlt.u32 v2, $0xB0;
	v7 =	vadd.s32 $0xFFFFFF52, v7  }
0x2a9: {  	v13 =	vadd.s32 v9, v8;
	v16 =	vadd.s32 v14, v8;
	v17 =	vand.u32 $0x1C00, v17  }
0x2aa: {  	v20 =	vand.u32 $0x380, v20;
	v24 =	vshll.u32 v7, $0x9;
	v41 =	vshll.u32 v7, $0x7  }
0x2ab: {  	vm15 =	vlt.u32 v7, $0xB0;
	v13 =	vor.u32 v11, v13;
	v16 =	vor.u32 v11, v16  }
0x2ac: {  	v8 =	vadd.s32 v8, v17;
	v40 =	vand.u32 $0xFFFFF000, v24;
	v13 =	vor.u32 v1, v13  }
0x2ad: {  	v16 =	vor.u32 v5, v16;
	v8 =	vor.u32 v11, v8;
	v11 =	vand.u32 $0xFFFFF000, v39  }
0x2ae: {  	v43 =	vadd.s32 v14, v40;
	v8 =	vor.u32 v3, v8;
	v2 =	vadd.s32 v9, v11  }
0x2af: {  	v22 =	vadd.s32 v14, v11;
	v11 =	vadd.s32 v11, v17;
	v2 =	vor.u32 v20, v2  }
0x2b0: {  	v23 =	vld [tilespmem:s19+$0x100];
	v9 =	vadd.s32 v9, v40;
	v22 =	vor.u32 v20, v22;
	v2 =	vor.u32 v1, v2  }
0x2b1: {  	v11 =	vor.u32 v20, v11;
	v22 =	vor.u32 v5, v22;
	[tilespmem:v13+s2+$0x0] =	vst.idx.add.f32.msk vm14, v15;
	v15 =	vand.u32 $0x380, v41  }
0x2b2: {  	v45 =	vadd.s32 v17, v40;
	v11 =	vor.u32 v3, v11;
	v42 =	vor.u32 v15, v9  }
0x2b3: {  	[tilespmem:v16+s2+$0x0] =	vst.idx.add.f32.msk vm14, v19;
	v44 =	vor.u32 v15, v43;
	v1 =	vor.u32 v1, v42  }
0x2b4: {  	v47 =	vor.u32 v15, v45;
	[tilespmem:v8+s2+$0x0] =	vst.idx.add.f32.msk vm14, v4;
	v4 =	vor.u32 v5, v44  }
0x2b5: {  	v3 =	vor.u32 v3, v47;
	[tilespmem:v2+s2+$0x0] =	vst.idx.add.f32.msk vm1, v21;
	v2 =	vmul.f32 v12, v18  }
0x2b6: {  	v48 =	vmul.f32 v6, v23;
	[tilespmem:v22+s2+$0x0] =	vst.idx.add.f32.msk vm1, v46  }
0x2b7: {  	[tilespmem:v11+s2+$0x0] =	vst.idx.add.f32.msk vm1, v2;
	v2 =	vmul.f32 v10, v23  }
0x2b8: {  	[tilespmem:v1+s2+$0x0] =	vst.idx.add.f32.msk vm15, v48;
	v1 =	vmul.f32 v12, v23  }
0x2b9: {  	s24 =	sadd.s32 $0x10, s20;
	[tilespmem:v4+s2+$0x0] =	vst.idx.add.f32.msk vm15, v2  }
0x2ba: {  	s22 =	sor.u32 $0x300, s24;
	[tilespmem:v3+s2+$0x0] =	vst.idx.add.f32.msk vm15, v1  }
0x2bb: {  	v1 =	vld [tilespmem:s22+$0x18800]  }
0x2bc: {  	v4 =	vld [tilespmem:s19+$0x10]  }
0x2bd: {  	s25 =	sor.u32 $0x200, s24;
	v50 =	vld [tilespmem:s19+$0x190]  }
0x2be: {  	s21 =	sor.u32 $0x280, s24;
	v54 =	vld [tilespmem:s25+$0x18800]  }
0x2bf: {  	v56 =	vld [tilespmem:s21+$0x18800]  }
0x2c0: {  	v62 =	vld [tilespmem:s19+$0x90];
	_ =	sdelay $0x1  }
0x2c1: {  	v2 =	vshra.s32 v1, $0xA  }
0x2c2: {  	v3 =	vand.u32 $0x3FF, v1;
	v53 =	vshll.u32 v1, $0x3;
	v59 =	vmul.f32 v50, v4  }
0x2c3: {  	v1 =	vand.u32 $0x7F, v1;
	v63 =	vmul.f32 v54, v4;
	v4 =	vmul.f32 v56, v4  }
0x2c4: {  	v30 =	vmul.f32 v50, v62;
	v40 =	vmul.f32 v54, v62;
	v49 =	vadd.s32 $0x1, v3  }
0x2c5: {  	v3 =	vmin.u32 v3, $0x1FD;
	vm4 =	vlt.s32 v2, $0x1FD;
	v52 =	vadd.s32 $0xFFFFFF50, v2  }
0x2c6: {  	v9 =	vand.u32 $0x1C00, v53;
	v55 =	vshll.u32 v2, $0x7;
	v3 =	vadd.s32 $0x2, v3  }
0x2c7: {  	v51 =	vnsel vm4, $0x1FD, v2;
	vm5 =	vlt.u32 v52, $0xB0;
	v8 =	vshll.u32 v52, $0x9  }
0x2c8: {  	v11 =	vand.u32 $0x380, v55;
	v58 =	vshll.u32 v49, $0x3;
	v5 =	vand.u32 $0x7F, v49  }
0x2c9: {  	v2 =	vadd.s32 $0xFFFFFF51, v2;
	v8 =	vand.u32 $0xFFFFF000, v8;
	v14 =	vand.u32 $0x3C00, v58  }
0x2ca: {  	v61 =	vshll.u32 v3, $0x3;
	v3 =	vand.u32 $0x7F, v3;
	v28 =	vshll.u32 v2, $0x9  }
0x2cb: {  	v29 =	vshll.u32 v2, $0x7;
	vm6 =	vlt.u32 v2, $0xB0;
	v7 =	vadd.s32 $0xFFFFFF52, v51  }
0x2cc: {  	v57 =	vadd.s32 v9, v8;
	v60 =	vadd.s32 v14, v8;
	v17 =	vand.u32 $0x1C00, v61  }
0x2cd: {  	v20 =	vand.u32 $0x380, v29;
	v33 =	vshll.u32 v7, $0x9;
	v35 =	vshll.u32 v7, $0x7  }
0x2ce: {  	v13 =	vor.u32 v11, v57;
	v16 =	vor.u32 v11, v60;
	v8 =	vadd.s32 v8, v17  }
0x2cf: {  	v34 =	vand.u32 $0xFFFFF000, v33;
	v15 =	vand.u32 $0x380, v35;
	v13 =	vor.u32 v1, v13  }
0x2d0: {  	v16 =	vor.u32 v5, v16;
	v8 =	vor.u32 v11, v8;
	v11 =	vand.u32 $0xFFFFF000, v28  }
0x2d1: {  	v37 =	vadd.s32 v14, v34;
	v39 =	vadd.s32 v17, v34;
	v2 =	vadd.s32 v9, v11  }
0x2d2: {  	v8 =	vor.u32 v3, v8;
	v31 =	vadd.s32 v14, v11;
	v2 =	vor.u32 v20, v2  }
0x2d3: {  	v11 =	vadd.s32 v11, v17;
	v22 =	vor.u32 v20, v31;
	v2 =	vor.u32 v1, v2  }
0x2d4: {  	v32 =	vld [tilespmem:s19+$0x110];
	v9 =	vadd.s32 v9, v34;
	v11 =	vor.u32 v20, v11;
	v22 =	vor.u32 v5, v22  }
0x2d5: {  	vm7 =	vlt.u32 v7, $0xB0;
	v36 =	vor.u32 v15, v9;
	v11 =	vor.u32 v3, v11;
	[tilespmem:v13+s2+$0x0] =	vst.idx.add.f32.msk vm5, v59  }
0x2d6: {  	v38 =	vor.u32 v15, v37;
	v1 =	vor.u32 v1, v36;
	[tilespmem:v16+s2+$0x0] =	vst.idx.add.f32.msk vm5, v63  }
0x2d7: {  	v41 =	vor.u32 v15, v39;
	[tilespmem:v8+s2+$0x0] =	vst.idx.add.f32.msk vm5, v4;
	v4 =	vor.u32 v5, v38  }
0x2d8: {  	v3 =	vor.u32 v3, v41;
	[tilespmem:v2+s2+$0x0] =	vst.idx.add.f32.msk vm6, v30;
	v2 =	vmul.f32 v56, v62  }
0x2d9: {  	v42 =	vmul.f32 v50, v32;
	[tilespmem:v22+s2+$0x0] =	vst.idx.add.f32.msk vm6, v40  }
0x2da: {  	[tilespmem:v11+s2+$0x0] =	vst.idx.add.f32.msk vm6, v2;
	v2 =	vmul.f32 v54, v32  }
0x2db: {  	[tilespmem:v1+s2+$0x0] =	vst.idx.add.f32.msk vm7, v42;
	v1 =	vmul.f32 v56, v32  }
0x2dc: {  	s26 =	sadd.s32 $0x20, s20;
	[tilespmem:v4+s2+$0x0] =	vst.idx.add.f32.msk vm7, v2  }
0x2dd: {  	s28 =	sor.u32 $0x300, s26;
	[tilespmem:v3+s2+$0x0] =	vst.idx.add.f32.msk vm7, v1  }
0x2de: {  	v1 =	vld [tilespmem:s28+$0x18800]  }
0x2df: {  	v4 =	vld [tilespmem:s19+$0x20]  }
0x2e0: {  	s29 =	sor.u32 $0x200, s26;
	v44 =	vld [tilespmem:s19+$0x1A0]  }
0x2e1: {  	s21 =	sor.u32 $0x280, s26;
	v48 =	vld [tilespmem:s29+$0x18800]  }
0x2e2: {  	v50 =	vld [tilespmem:s21+$0x18800]  }
0x2e3: {  	v56 =	vld [tilespmem:s19+$0xA0];
	_ =	sdelay $0x1  }
0x2e4: {  	v2 =	vshra.s32 v1, $0xA  }
0x2e5: {  	v3 =	vand.u32 $0x3FF, v1;
	v47 =	vshll.u32 v1, $0x3;
	v53 =	vmul.f32 v44, v4  }
0x2e6: {  	v1 =	vand.u32 $0x7F, v1;
	v57 =	vmul.f32 v48, v4;
	v4 =	vmul.f32 v50, v4  }
0x2e7: {  	v60 =	vmul.f32 v44, v56;
	v33 =	vmul.f32 v48, v56;
	v43 =	vadd.s32 $0x1, v3  }
0x2e8: {  	v3 =	vmin.u32 v3, $0x1FD;
	vm8 =	vlt.s32 v2, $0x1FD;
	v46 =	vadd.s32 $0xFFFFFF50, v2  }
0x2e9: {  	v9 =	vand.u32 $0x1C00, v47;
	v49 =	vshll.u32 v2, $0x7;
	v3 =	vadd.s32 $0x2, v3  }
0x2ea: {  	v45 =	vnsel vm8, $0x1FD, v2;
	vm9 =	vlt.u32 v46, $0xB0;
	v8 =	vshll.u32 v46, $0x9  }
0x2eb: {  	v11 =	vand.u32 $0x380, v49;
	v52 =	vshll.u32 v43, $0x3;
	v5 =	vand.u32 $0x7F, v43  }
0x2ec: {  	v2 =	vadd.s32 $0xFFFFFF51, v2;
	v8 =	vand.u32 $0xFFFFF000, v8;
	v14 =	vand.u32 $0x3C00, v52  }
0x2ed: {  	v55 =	vshll.u32 v3, $0x3;
	v3 =	vand.u32 $0x7F, v3;
	v58 =	vshll.u32 v2, $0x9  }
0x2ee: {  	v59 =	vshll.u32 v2, $0x7;
	vm10 =	vlt.u32 v2, $0xB0;
	v7 =	vadd.s32 $0xFFFFFF52, v45  }
0x2ef: {  	v51 =	vadd.s32 v9, v8;
	v54 =	vadd.s32 v14, v8;
	v17 =	vand.u32 $0x1C00, v55  }
0x2f0: {  	v20 =	vand.u32 $0x380, v59;
	v63 =	vshll.u32 v7, $0x9;
	v28 =	vshll.u32 v7, $0x7  }
0x2f1: {  	v13 =	vor.u32 v11, v51;
	v16 =	vor.u32 v11, v54;
	v8 =	vadd.s32 v8, v17  }
0x2f2: {  	v27 =	vand.u32 $0xFFFFF000, v63;
	v15 =	vand.u32 $0x380, v28;
	v13 =	vor.u32 v1, v13  }
0x2f3: {  	v16 =	vor.u32 v5, v16;
	v8 =	vor.u32 v11, v8;
	v11 =	vand.u32 $0xFFFFF000, v58  }
0x2f4: {  	v30 =	vadd.s32 v14, v27;
	v32 =	vadd.s32 v17, v27;
	v2 =	vadd.s32 v9, v11  }
0x2f5: {  	v8 =	vor.u32 v3, v8;
	v61 =	vadd.s32 v14, v11;
	v2 =	vor.u32 v20, v2  }
0x2f6: {  	v11 =	vadd.s32 v11, v17;
	v22 =	vor.u32 v20, v61;
	v2 =	vor.u32 v1, v2  }
0x2f7: {  	v62 =	vld [tilespmem:s19+$0x120];
	v9 =	vadd.s32 v9, v27;
	v11 =	vor.u32 v20, v11;
	v22 =	vor.u32 v5, v22  }
0x2f8: {  	vm11 =	vlt.u32 v7, $0xB0;
	v29 =	vor.u32 v15, v9;
	v11 =	vor.u32 v3, v11;
	[tilespmem:v13+s2+$0x0] =	vst.idx.add.f32.msk vm9, v53  }
0x2f9: {  	v31 =	vor.u32 v15, v30;
	v1 =	vor.u32 v1, v29;
	[tilespmem:v16+s2+$0x0] =	vst.idx.add.f32.msk vm9, v57  }
0x2fa: {  	v34 =	vor.u32 v15, v32;
	[tilespmem:v8+s2+$0x0] =	vst.idx.add.f32.msk vm9, v4;
	v4 =	vor.u32 v5, v31  }
0x2fb: {  	v3 =	vor.u32 v3, v34;
	[tilespmem:v2+s2+$0x0] =	vst.idx.add.f32.msk vm10, v60;
	v2 =	vmul.f32 v50, v56  }
0x2fc: {  	v35 =	vmul.f32 v44, v62;
	[tilespmem:v22+s2+$0x0] =	vst.idx.add.f32.msk vm10, v33  }
0x2fd: {  	[tilespmem:v11+s2+$0x0] =	vst.idx.add.f32.msk vm10, v2;
	v2 =	vmul.f32 v48, v62  }
0x2fe: {  	[tilespmem:v1+s2+$0x0] =	vst.idx.add.f32.msk vm11, v35;
	v1 =	vmul.f32 v50, v62  }
0x2ff: {  	s20 =	sadd.s32 $0x30, s20;
	[tilespmem:v4+s2+$0x0] =	vst.idx.add.f32.msk vm11, v2  }
0x300: {  	s30 =	sor.u32 $0x300, s20;
	[tilespmem:v3+s2+$0x0] =	vst.idx.add.f32.msk vm11, v1  }
0x301: {  	v1 =	vld [tilespmem:s30+$0x18800]  }
0x302: {  	v4 =	vld [tilespmem:s19+$0x30]  }
0x303: {  	s31 =	sor.u32 $0x200, s20;
	v37 =	vld [tilespmem:s19+$0x1B0]  }
0x304: {  	s20 =	sor.u32 $0x280, s20;
	v41 =	vld [tilespmem:s31+$0x18800]  }
0x305: {  	v43 =	vld [tilespmem:s20+$0x18800]  }
0x306: {  	v52 =	vld [tilespmem:s19+$0xB0];
	_ =	sdelay $0x2  }
0x307: {  	v2 =	vshra.s32 v1, $0xA;
	v3 =	vand.u32 $0x3FF, v1;
	v40 =	vshll.u32 v1, $0x3  }
0x308: {  	v1 =	vand.u32 $0x7F, v1;
	v46 =	vmul.f32 v37, v4;
	v49 =	vmul.f32 v41, v4  }
0x309: {  	v4 =	vmul.f32 v43, v4;
	v59 =	vmul.f32 v37, v52;
	v36 =	vadd.s32 $0x1, v3  }
0x30a: {  	v3 =	vmin.u32 v3, $0x1FD;
	vm12 =	vlt.s32 v2, $0x1FD;
	v39 =	vadd.s32 $0xFFFFFF50, v2  }
0x30b: {  	v9 =	vand.u32 $0x1C00, v40;
	v42 =	vshll.u32 v2, $0x7;
	v3 =	vadd.s32 $0x2, v3  }
0x30c: {  	v38 =	vnsel vm12, $0x1FD, v2;
	vm13 =	vlt.u32 v39, $0xB0;
	v8 =	vshll.u32 v39, $0x9  }
0x30d: {  	v11 =	vand.u32 $0x380, v42;
	v45 =	vshll.u32 v36, $0x3;
	v5 =	vand.u32 $0x7F, v36  }
0x30e: {  	v2 =	vadd.s32 $0xFFFFFF51, v2;
	v8 =	vand.u32 $0xFFFFF000, v8;
	v14 =	vand.u32 $0x3C00, v45  }
0x30f: {  	v48 =	vshll.u32 v3, $0x3;
	v3 =	vand.u32 $0x7F, v3;
	v50 =	vshll.u32 v2, $0x9  }
0x310: {  	v51 =	vshll.u32 v2, $0x7;
	vm14 =	vlt.u32 v2, $0xB0;
	v7 =	vadd.s32 $0xFFFFFF52, v38  }
0x311: {  	v44 =	vadd.s32 v9, v8;
	v47 =	vadd.s32 v14, v8;
	v17 =	vand.u32 $0x1C00, v48  }
0x312: {  	v19 =	vand.u32 $0x380, v51;
	v54 =	vshll.u32 v7, $0x9;
	v56 =	vshll.u32 v7, $0x7  }
0x313: {  	v13 =	vor.u32 v11, v44;
	v16 =	vor.u32 v11, v47;
	v8 =	vadd.s32 v8, v17  }
0x314: {  	v55 =	vand.u32 $0xFFFFF000, v54;
	v13 =	vor.u32 v1, v13;
	v16 =	vor.u32 v5, v16  }
0x315: {  	v8 =	vor.u32 v11, v8;
	v11 =	vand.u32 $0xFFFFF000, v50;
	v58 =	vadd.s32 v14, v55  }
0x316: {  	v60 =	vadd.s32 v17, v55;
	v8 =	vor.u32 v3, v8;
	v2 =	vadd.s32 v9, v11  }
0x317: {  	v53 =	vadd.s32 v14, v11;
	v11 =	vadd.s32 v11, v17;
	v2 =	vor.u32 v19, v2  }
0x318: {  	v22 =	vld [tilespmem:s19+$0x130];
	v9 =	vadd.s32 v9, v55;
	v21 =	vor.u32 v19, v53;
	v2 =	vor.u32 v1, v2  }
0x319: {  	v15 =	vand.u32 $0x380, v56;
	v11 =	vor.u32 v19, v11;
	v57 =	vor.u32 v5, v21;
	[tilespmem:v13+s2+$0x0] =	vst.idx.add.f32.msk vm13, v46  }
0x31a: {  	vm15 =	vlt.u32 v7, $0xB0;
	v9 =	vor.u32 v15, v9;
	v11 =	vor.u32 v3, v11;
	[tilespmem:v16+s2+$0x0] =	vst.idx.add.f32.msk vm13, v49  }
0x31b: {  	v1 =	vor.u32 v1, v9;
	[tilespmem:v8+s2+$0x0] =	vst.idx.add.f32.msk vm13, v4;
	v4 =	vor.u32 v15, v58  }
0x31c: {  	v61 =	vmul.f32 v41, v52;
	v62 =	vor.u32 v15, v60;
	v4 =	vor.u32 v5, v4  }
0x31d: {  	p1 =	sne.s32 s18, $0x4C0;
	v3 =	vor.u32 v3, v62;
	[tilespmem:v2+s2+$0x0] =	vst.idx.add.f32.msk vm14, v59;
	v2 =	vmul.f32 v43, v52  }
.Ltmp6:
0x31e: {  	v63 =	vmul.f32 v37, v22;
	[tilespmem:v57+s2+$0x0] =	vst.idx.add.f32.msk vm14, v61;
	(pc) =	sbr.rel @p1 .LBB2_15-.Ltmp6, $4  }
0x31f: {  	[tilespmem:v11+s2+$0x0] =	vst.idx.add.f32.msk vm14, v2;
	v2 =	vmul.f32 v41, v22  }
0x320: {  	[tilespmem:v1+s2+$0x0] =	vst.idx.add.f32.msk vm15, v63;
	v1 =	vmul.f32 v43, v22  }
0x321: {  	[tilespmem:v4+s2+$0x0] =	vst.idx.add.f32.msk vm15, v2  }
0x322: {  	s18 =	sadd.s32 $0x40, s18;
	p0 =	por !p0, !p0;
	s17 =	sadd.s32 $0x200, s17;
	[tilespmem:v3+s2+$0x0] =	vst.idx.add.f32.msk vm15, v1  }
0x323: {  	s16 =	sadd.s32 $0x1, s16  }
0x324: {  	p0 =	sne.s32 s16, $0xA  }
.Ltmp7:
0x325: {  	_ = 	snop;
	(pc) =	sbr.rel @p0 .LBB2_12-.Ltmp7, $1  }
0x326: {  	_ =	sdelay $0x3  }
0x327: {  	s16 =	simm.s32 $0x0  }
0x328: {  	[hbm4b:s7+s16] =	stream.linear.scatter [tilespmem:s16], [sflag:$0x3], $0x16000, $0x38;
	[tilespmem:$0x1B000] =	vst v63  }
0x329: {  	_ =	swait.ge [sflag:s14], $0x16000  }
0x32a: {  	s17 =	sand.u32 $0x1F000, s16;
	s18 =	sand.u32 $0x380, s16;
	[sflag:s14] =	ssyncset.done $0x0  }
0x32b: {  	s17 =	sor.u32 s18, s17;
	[sflag:s14] =	ssyncadd.s32 $0xFFFEA000  }
0x32c: {  	[tilespmem:s10], [sflag:$0x1] =	stream.linear.gather [hbm4b:s3+s16], $0x2800, $0x38;
	[tilespmem:$0x1B000] =	vst v63  }
0x32d: {  	[tilespmem:s17+$0xC70] =	vst v0  }
0x32e: {  	[tilespmem:s17+$0x0] =	vst v0  }
0x32f: {  	[tilespmem:s17+$0x10] =	vst v0  }
0x330: {  	[tilespmem:s17+$0x20] =	vst v0  }
0x331: {  	[tilespmem:s17+$0x30] =	vst v0  }
0x332: {  	[tilespmem:s17+$0x40] =	vst v0  }
0x333: {  	[tilespmem:s17+$0x50] =	vst v0  }
0x334: {  	[tilespmem:s17+$0x60] =	vst v0  }
0x335: {  	[tilespmem:s17+$0x70] =	vst v0  }
0x336: {  	[tilespmem:s17+$0x400] =	vst v0  }
0x337: {  	[tilespmem:s17+$0x410] =	vst v0  }
0x338: {  	[tilespmem:s17+$0x420] =	vst v0  }
0x339: {  	[tilespmem:s17+$0x430] =	vst v0  }
0x33a: {  	[tilespmem:s17+$0x440] =	vst v0  }
0x33b: {  	[tilespmem:s17+$0x450] =	vst v0  }
0x33c: {  	[tilespmem:s17+$0x460] =	vst v0  }
0x33d: {  	[tilespmem:s17+$0x470] =	vst v0  }
0x33e: {  	[tilespmem:s17+$0x800] =	vst v0  }
0x33f: {  	[tilespmem:s17+$0x810] =	vst v0  }
0x340: {  	[tilespmem:s17+$0x820] =	vst v0  }
0x341: {  	[tilespmem:s17+$0x830] =	vst v0  }
0x342: {  	[tilespmem:s17+$0x840] =	vst v0  }
0x343: {  	[tilespmem:s17+$0x850] =	vst v0  }
0x344: {  	[tilespmem:s17+$0x860] =	vst v0  }
0x345: {  	[tilespmem:s17+$0x870] =	vst v0  }
0x346: {  	[tilespmem:s17+$0xC00] =	vst v0  }
0x347: {  	[tilespmem:s17+$0xC10] =	vst v0  }
0x348: {  	[tilespmem:s17+$0xC20] =	vst v0  }
0x349: {  	[tilespmem:s17+$0xC30] =	vst v0  }
0x34a: {  	s19 =	simm.s32 $0x200;
	s18 =	simm.s32 $0x80;
	[tilespmem:s17+$0xC40] =	vst v0  }
0x34b: {  	s20 =	sand.u32 $0x1F000, s19;
	s19 =	simm.s32 $0x400;
	s21 =	sand.u32 $0x380, s18;
	[tilespmem:s17+$0xC50] =	vst v0  }
.LBB2_18:
0x34c: {  	p0 =	sne.s32 s19, $0x13E00;
	[tilespmem:s17+$0xC60] =	vst v0;
	s17 =	sor.u32 s21, s20  }
0x34d: {  	[tilespmem:s17+$0xC70] =	vst v0  }
0x34e: {  	[tilespmem:s17+$0x0] =	vst v0  }
0x34f: {  	[tilespmem:s17+$0x10] =	vst v0  }
0x350: {  	[tilespmem:s17+$0x20] =	vst v0  }
0x351: {  	[tilespmem:s17+$0x30] =	vst v0  }
0x352: {  	[tilespmem:s17+$0x40] =	vst v0  }
0x353: {  	[tilespmem:s17+$0x50] =	vst v0  }
0x354: {  	[tilespmem:s17+$0x60] =	vst v0  }
0x355: {  	[tilespmem:s17+$0x70] =	vst v0  }
0x356: {  	[tilespmem:s17+$0x400] =	vst v0  }
0x357: {  	[tilespmem:s17+$0x410] =	vst v0  }
0x358: {  	[tilespmem:s17+$0x420] =	vst v0  }
0x359: {  	[tilespmem:s17+$0x430] =	vst v0  }
0x35a: {  	[tilespmem:s17+$0x440] =	vst v0  }
0x35b: {  	[tilespmem:s17+$0x450] =	vst v0  }
0x35c: {  	[tilespmem:s17+$0x460] =	vst v0  }
0x35d: {  	[tilespmem:s17+$0x470] =	vst v0  }
0x35e: {  	[tilespmem:s17+$0x800] =	vst v0  }
0x35f: {  	[tilespmem:s17+$0x810] =	vst v0  }
0x360: {  	[tilespmem:s17+$0x820] =	vst v0  }
0x361: {  	[tilespmem:s17+$0x830] =	vst v0  }
0x362: {  	[tilespmem:s17+$0x840] =	vst v0  }
0x363: {  	[tilespmem:s17+$0x850] =	vst v0  }
0x364: {  	[tilespmem:s17+$0x860] =	vst v0  }
0x365: {  	[tilespmem:s17+$0x870] =	vst v0  }
0x366: {  	[tilespmem:s17+$0xC00] =	vst v0  }
.Ltmp8:
0x367: {  	[tilespmem:s17+$0xC10] =	vst v0;
	(pc) =	sbr.rel @p0 .LBB2_18-.Ltmp8, $4  }
0x368: {  	[tilespmem:s17+$0xC20] =	vst v0  }
0x369: {  	[tilespmem:s17+$0xC30] =	vst v0  }
0x36a: {  	s18 =	sadd.s32 $0x80, s18;
	[tilespmem:s17+$0xC40] =	vst v0  }
0x36b: {  	s20 =	sand.u32 $0x1F000, s19;
	s19 =	sadd.s32 $0x200, s19;
	s21 =	sand.u32 $0x380, s18;
	[tilespmem:s17+$0xC50] =	vst v0  }
0x36c: {  	s18 =	sor.u32 s21, s20;
	[tilespmem:s17+$0xC60] =	vst v0  }
0x36d: {  	[tilespmem:s18+$0xC70] =	vst v0  }
0x36e: {  	[tilespmem:s18+$0x0] =	vst v0  }
0x36f: {  	[tilespmem:s18+$0x10] =	vst v0  }
0x370: {  	[tilespmem:s18+$0x20] =	vst v0  }
0x371: {  	[tilespmem:s18+$0x30] =	vst v0  }
0x372: {  	[tilespmem:s18+$0x40] =	vst v0  }
0x373: {  	[tilespmem:s18+$0x50] =	vst v0  }
0x374: {  	[tilespmem:s18+$0x60] =	vst v0  }
0x375: {  	[tilespmem:s18+$0x70] =	vst v0  }
0x376: {  	[tilespmem:s18+$0x400] =	vst v0  }
0x377: {  	[tilespmem:s18+$0x410] =	vst v0  }
0x378: {  	[tilespmem:s18+$0x420] =	vst v0  }
0x379: {  	[tilespmem:s18+$0x430] =	vst v0  }
0x37a: {  	[tilespmem:s18+$0x440] =	vst v0  }
0x37b: {  	[tilespmem:s18+$0x450] =	vst v0  }
0x37c: {  	[tilespmem:s18+$0x460] =	vst v0  }
0x37d: {  	[tilespmem:s18+$0x470] =	vst v0  }
0x37e: {  	[tilespmem:s18+$0x800] =	vst v0  }
0x37f: {  	[tilespmem:s18+$0x810] =	vst v0  }
0x380: {  	[tilespmem:s18+$0x820] =	vst v0  }
0x381: {  	[tilespmem:s18+$0x830] =	vst v0  }
0x382: {  	[tilespmem:s18+$0x840] =	vst v0  }
0x383: {  	[tilespmem:s18+$0x850] =	vst v0  }
0x384: {  	[tilespmem:s18+$0x860] =	vst v0  }
0x385: {  	[tilespmem:s18+$0x870] =	vst v0  }
0x386: {  	[tilespmem:s18+$0xC00] =	vst v0  }
0x387: {  	[tilespmem:s18+$0xC10] =	vst v0  }
0x388: {  	[tilespmem:s18+$0xC20] =	vst v0  }
0x389: {  	[tilespmem:s18+$0xC30] =	vst v0  }
0x38a: {  	[tilespmem:s18+$0xC40] =	vst v0  }
0x38b: {  	[tilespmem:s18+$0xC50] =	vst v0  }
0x38c: {  	[tilespmem:s18+$0xC60] =	vst v0  }
.LBB2_20:
0x38d: {  	_ =	swait.ge [sflag:s11], $0x2800;
	s17 =	smul.u32 $0xA00, s16  }
0x38e: {  	[sflag:s11] =	ssyncset.done $0x0  }
0x38f: {  	s18 =	simm.s32 $0x0;
	[sflag:s11] =	ssyncadd.s32 $0xFFFFD800;
	s19 =	sadd.s32 s17, s4  }
0x390: {  	[tilespmem:s12], [sflag:$0x2] =	stream.linear.gather [hbm4b:s19+s18], $0x2800, $0x38;
	[tilespmem:$0x1B000] =	vst v63  }
0x391: {  	p0 =	por $0x0, $0x0;
	s19 =	simm.s32 $0x0  }
.LBB2_21:
0x392: {  	s20 =	simm.s32 $0x1  }
0x393: {  	s20 =	simm.s32 @!p0 $0x0  }
0x394: {  	s20 =	sshll.u32 s20, $0x6  }
0x395: {  	s21 =	sadd.s32 s20, s18  }
0x396: {  	s30 =	sand.u32 $0x40, s19;
	s22 =	sand.u32 $0x3C00, s18;
	s20 =	sor.u32 $0x300, s21  }
0x397: {  	s22 =	sor.u32 s30, s22;
	v1 =	vld [tilespmem:s20+$0x16000]  }
0x398: {  	v4 =	vld [tilespmem:s22+$0x16000];
	s31 =	sor.u32 $0x200, s21  }
0x399: {  	s23 =	sor.u32 $0x280, s21;
	v10 =	vld [tilespmem:s31+$0x16000]  }
0x39a: {  	s20 =	sadd.s32 $0x16000, s22;
	v12 =	vld [tilespmem:s23+$0x16000]  }
0x39b: {  	v6 =	vld [tilespmem:s20+$0x180]  }
0x39c: {  	v18 =	vld [tilespmem:s20+$0x80];
	v2 =	vshra.s32 v1, $0xA  }
0x39d: {  	v3 =	vand.u32 $0x3FF, v1;
	v9 =	vshll.u32 v1, $0x3;
	v1 =	vand.u32 $0x7F, v1  }
0x39e: {  	v19 =	vmul.f32 v10, v4;
	v5 =	vadd.s32 $0x1, v3;
	v3 =	vmin.u32 v3, $0x1FD  }
0x39f: {  	vm0 =	vlt.s32 v2, $0x1FD;
	v8 =	vadd.s32 $0xFFFFFEA0, v2;
	v9 =	vand.u32 $0x1C00, v9  }
0x3a0: {  	v11 =	vshll.u32 v2, $0x7;
	v15 =	vmul.f32 v6, v4;
	v4 =	vmul.f32 v12, v4  }
0x3a1: {  	v21 =	vmul.f32 v6, v18;
	v46 =	vmul.f32 v10, v18;
	v3 =	vadd.s32 $0x2, v3  }
0x3a2: {  	v7 =	vnsel vm0, $0x1FD, v2;
	vm14 =	vlt.u32 v8, $0xA0;
	v8 =	vshll.u32 v8, $0x9  }
0x3a3: {  	v11 =	vand.u32 $0x380, v11;
	v14 =	vshll.u32 v5, $0x3;
	v5 =	vand.u32 $0x7F, v5  }
0x3a4: {  	v2 =	vadd.s32 $0xFFFFFEA1, v2;
	v8 =	vand.u32 $0xFFFFF000, v8;
	v14 =	vand.u32 $0x3C00, v14  }
0x3a5: {  	v17 =	vshll.u32 v3, $0x3;
	v3 =	vand.u32 $0x7F, v3;
	v39 =	vshll.u32 v2, $0x9  }
0x3a6: {  	v20 =	vshll.u32 v2, $0x7;
	vm1 =	vlt.u32 v2, $0xA0;
	v7 =	vadd.s32 $0xFFFFFEA2, v7  }
0x3a7: {  	v13 =	vadd.s32 v9, v8;
	v16 =	vadd.s32 v14, v8;
	v17 =	vand.u32 $0x1C00, v17  }
0x3a8: {  	v20 =	vand.u32 $0x380, v20;
	v24 =	vshll.u32 v7, $0x9;
	v41 =	vshll.u32 v7, $0x7  }
0x3a9: {  	vm15 =	vlt.u32 v7, $0xA0;
	v13 =	vor.u32 v11, v13;
	v16 =	vor.u32 v11, v16  }
0x3aa: {  	v8 =	vadd.s32 v8, v17;
	v40 =	vand.u32 $0xFFFFF000, v24;
	v13 =	vor.u32 v1, v13  }
0x3ab: {  	v16 =	vor.u32 v5, v16;
	v8 =	vor.u32 v11, v8;
	v11 =	vand.u32 $0xFFFFF000, v39  }
0x3ac: {  	v43 =	vadd.s32 v14, v40;
	v8 =	vor.u32 v3, v8;
	v2 =	vadd.s32 v9, v11  }
0x3ad: {  	v22 =	vadd.s32 v14, v11;
	v11 =	vadd.s32 v11, v17;
	v2 =	vor.u32 v20, v2  }
0x3ae: {  	v23 =	vld [tilespmem:s20+$0x100];
	v9 =	vadd.s32 v9, v40;
	v22 =	vor.u32 v20, v22;
	v2 =	vor.u32 v1, v2  }
0x3af: {  	v11 =	vor.u32 v20, v11;
	v22 =	vor.u32 v5, v22;
	[tilespmem:v13+s2+$0x0] =	vst.idx.add.f32.msk vm14, v15;
	v15 =	vand.u32 $0x380, v41  }
0x3b0: {  	v45 =	vadd.s32 v17, v40;
	v11 =	vor.u32 v3, v11;
	v42 =	vor.u32 v15, v9  }
0x3b1: {  	[tilespmem:v16+s2+$0x0] =	vst.idx.add.f32.msk vm14, v19;
	v44 =	vor.u32 v15, v43;
	v1 =	vor.u32 v1, v42  }
0x3b2: {  	v47 =	vor.u32 v15, v45;
	[tilespmem:v8+s2+$0x0] =	vst.idx.add.f32.msk vm14, v4;
	v4 =	vor.u32 v5, v44  }
0x3b3: {  	v3 =	vor.u32 v3, v47;
	[tilespmem:v2+s2+$0x0] =	vst.idx.add.f32.msk vm1, v21;
	v2 =	vmul.f32 v12, v18  }
0x3b4: {  	v48 =	vmul.f32 v6, v23;
	[tilespmem:v22+s2+$0x0] =	vst.idx.add.f32.msk vm1, v46  }
0x3b5: {  	[tilespmem:v11+s2+$0x0] =	vst.idx.add.f32.msk vm1, v2;
	v2 =	vmul.f32 v10, v23  }
0x3b6: {  	[tilespmem:v1+s2+$0x0] =	vst.idx.add.f32.msk vm15, v48;
	v1 =	vmul.f32 v12, v23  }
0x3b7: {  	s24 =	sadd.s32 $0x10, s21;
	[tilespmem:v4+s2+$0x0] =	vst.idx.add.f32.msk vm15, v2  }
0x3b8: {  	s23 =	sor.u32 $0x300, s24;
	[tilespmem:v3+s2+$0x0] =	vst.idx.add.f32.msk vm15, v1  }
0x3b9: {  	v1 =	vld [tilespmem:s23+$0x16000]  }
0x3ba: {  	v4 =	vld [tilespmem:s20+$0x10]  }
0x3bb: {  	s25 =	sor.u32 $0x200, s24;
	v50 =	vld [tilespmem:s20+$0x190]  }
0x3bc: {  	s22 =	sor.u32 $0x280, s24;
	v54 =	vld [tilespmem:s25+$0x16000]  }
0x3bd: {  	v56 =	vld [tilespmem:s22+$0x16000]  }
0x3be: {  	v62 =	vld [tilespmem:s20+$0x90];
	_ =	sdelay $0x1  }
0x3bf: {  	v2 =	vshra.s32 v1, $0xA  }
0x3c0: {  	v3 =	vand.u32 $0x3FF, v1;
	v53 =	vshll.u32 v1, $0x3;
	v59 =	vmul.f32 v50, v4  }
0x3c1: {  	v1 =	vand.u32 $0x7F, v1;
	v63 =	vmul.f32 v54, v4;
	v4 =	vmul.f32 v56, v4  }
0x3c2: {  	v30 =	vmul.f32 v50, v62;
	v40 =	vmul.f32 v54, v62;
	v49 =	vadd.s32 $0x1, v3  }
0x3c3: {  	v3 =	vmin.u32 v3, $0x1FD;
	vm4 =	vlt.s32 v2, $0x1FD;
	v52 =	vadd.s32 $0xFFFFFEA0, v2  }
0x3c4: {  	v9 =	vand.u32 $0x1C00, v53;
	v55 =	vshll.u32 v2, $0x7;
	v3 =	vadd.s32 $0x2, v3  }
0x3c5: {  	v51 =	vnsel vm4, $0x1FD, v2;
	vm5 =	vlt.u32 v52, $0xA0;
	v8 =	vshll.u32 v52, $0x9  }
0x3c6: {  	v11 =	vand.u32 $0x380, v55;
	v58 =	vshll.u32 v49, $0x3;
	v5 =	vand.u32 $0x7F, v49  }
0x3c7: {  	v2 =	vadd.s32 $0xFFFFFEA1, v2;
	v8 =	vand.u32 $0xFFFFF000, v8;
	v14 =	vand.u32 $0x3C00, v58  }
0x3c8: {  	v61 =	vshll.u32 v3, $0x3;
	v3 =	vand.u32 $0x7F, v3;
	v28 =	vshll.u32 v2, $0x9  }
0x3c9: {  	v29 =	vshll.u32 v2, $0x7;
	vm6 =	vlt.u32 v2, $0xA0;
	v7 =	vadd.s32 $0xFFFFFEA2, v51  }
0x3ca: {  	v57 =	vadd.s32 v9, v8;
	v60 =	vadd.s32 v14, v8;
	v17 =	vand.u32 $0x1C00, v61  }
0x3cb: {  	v20 =	vand.u32 $0x380, v29;
	v33 =	vshll.u32 v7, $0x9;
	v35 =	vshll.u32 v7, $0x7  }
0x3cc: {  	v13 =	vor.u32 v11, v57;
	v16 =	vor.u32 v11, v60;
	v8 =	vadd.s32 v8, v17  }
0x3cd: {  	v34 =	vand.u32 $0xFFFFF000, v33;
	v15 =	vand.u32 $0x380, v35;
	v13 =	vor.u32 v1, v13  }
0x3ce: {  	v16 =	vor.u32 v5, v16;
	v8 =	vor.u32 v11, v8;
	v11 =	vand.u32 $0xFFFFF000, v28  }
0x3cf: {  	v37 =	vadd.s32 v14, v34;
	v39 =	vadd.s32 v17, v34;
	v2 =	vadd.s32 v9, v11  }
0x3d0: {  	v8 =	vor.u32 v3, v8;
	v31 =	vadd.s32 v14, v11;
	v2 =	vor.u32 v20, v2  }
0x3d1: {  	v11 =	vadd.s32 v11, v17;
	v22 =	vor.u32 v20, v31;
	v2 =	vor.u32 v1, v2  }
0x3d2: {  	v32 =	vld [tilespmem:s20+$0x110];
	v9 =	vadd.s32 v9, v34;
	v11 =	vor.u32 v20, v11;
	v22 =	vor.u32 v5, v22  }
0x3d3: {  	vm7 =	vlt.u32 v7, $0xA0;
	v36 =	vor.u32 v15, v9;
	v11 =	vor.u32 v3, v11;
	[tilespmem:v13+s2+$0x0] =	vst.idx.add.f32.msk vm5, v59  }
0x3d4: {  	v38 =	vor.u32 v15, v37;
	v1 =	vor.u32 v1, v36;
	[tilespmem:v16+s2+$0x0] =	vst.idx.add.f32.msk vm5, v63  }
0x3d5: {  	v41 =	vor.u32 v15, v39;
	[tilespmem:v8+s2+$0x0] =	vst.idx.add.f32.msk vm5, v4;
	v4 =	vor.u32 v5, v38  }
0x3d6: {  	v3 =	vor.u32 v3, v41;
	[tilespmem:v2+s2+$0x0] =	vst.idx.add.f32.msk vm6, v30;
	v2 =	vmul.f32 v56, v62  }
0x3d7: {  	v42 =	vmul.f32 v50, v32;
	[tilespmem:v22+s2+$0x0] =	vst.idx.add.f32.msk vm6, v40  }
0x3d8: {  	[tilespmem:v11+s2+$0x0] =	vst.idx.add.f32.msk vm6, v2;
	v2 =	vmul.f32 v54, v32  }
0x3d9: {  	[tilespmem:v1+s2+$0x0] =	vst.idx.add.f32.msk vm7, v42;
	v1 =	vmul.f32 v56, v32  }
0x3da: {  	s26 =	sadd.s32 $0x20, s21;
	[tilespmem:v4+s2+$0x0] =	vst.idx.add.f32.msk vm7, v2  }
0x3db: {  	s28 =	sor.u32 $0x300, s26;
	[tilespmem:v3+s2+$0x0] =	vst.idx.add.f32.msk vm7, v1  }
0x3dc: {  	v1 =	vld [tilespmem:s28+$0x16000]  }
0x3dd: {  	v4 =	vld [tilespmem:s20+$0x20]  }
0x3de: {  	s29 =	sor.u32 $0x200, s26;
	v44 =	vld [tilespmem:s20+$0x1A0]  }
0x3df: {  	s22 =	sor.u32 $0x280, s26;
	v48 =	vld [tilespmem:s29+$0x16000]  }
0x3e0: {  	v50 =	vld [tilespmem:s22+$0x16000]  }
0x3e1: {  	v56 =	vld [tilespmem:s20+$0xA0];
	_ =	sdelay $0x1  }
0x3e2: {  	v2 =	vshra.s32 v1, $0xA  }
0x3e3: {  	v3 =	vand.u32 $0x3FF, v1;
	v47 =	vshll.u32 v1, $0x3;
	v53 =	vmul.f32 v44, v4  }
0x3e4: {  	v1 =	vand.u32 $0x7F, v1;
	v57 =	vmul.f32 v48, v4;
	v4 =	vmul.f32 v50, v4  }
0x3e5: {  	v60 =	vmul.f32 v44, v56;
	v33 =	vmul.f32 v48, v56;
	v43 =	vadd.s32 $0x1, v3  }
0x3e6: {  	v3 =	vmin.u32 v3, $0x1FD;
	vm8 =	vlt.s32 v2, $0x1FD;
	v46 =	vadd.s32 $0xFFFFFEA0, v2  }
0x3e7: {  	v9 =	vand.u32 $0x1C00, v47;
	v49 =	vshll.u32 v2, $0x7;
	v3 =	vadd.s32 $0x2, v3  }
0x3e8: {  	v45 =	vnsel vm8, $0x1FD, v2;
	vm9 =	vlt.u32 v46, $0xA0;
	v8 =	vshll.u32 v46, $0x9  }
0x3e9: {  	v11 =	vand.u32 $0x380, v49;
	v52 =	vshll.u32 v43, $0x3;
	v5 =	vand.u32 $0x7F, v43  }
0x3ea: {  	v2 =	vadd.s32 $0xFFFFFEA1, v2;
	v8 =	vand.u32 $0xFFFFF000, v8;
	v14 =	vand.u32 $0x3C00, v52  }
0x3eb: {  	v55 =	vshll.u32 v3, $0x3;
	v3 =	vand.u32 $0x7F, v3;
	v58 =	vshll.u32 v2, $0x9  }
0x3ec: {  	v59 =	vshll.u32 v2, $0x7;
	vm10 =	vlt.u32 v2, $0xA0;
	v7 =	vadd.s32 $0xFFFFFEA2, v45  }
0x3ed: {  	v51 =	vadd.s32 v9, v8;
	v54 =	vadd.s32 v14, v8;
	v17 =	vand.u32 $0x1C00, v55  }
0x3ee: {  	v20 =	vand.u32 $0x380, v59;
	v63 =	vshll.u32 v7, $0x9;
	v28 =	vshll.u32 v7, $0x7  }
0x3ef: {  	v13 =	vor.u32 v11, v51;
	v16 =	vor.u32 v11, v54;
	v8 =	vadd.s32 v8, v17  }
0x3f0: {  	v27 =	vand.u32 $0xFFFFF000, v63;
	v15 =	vand.u32 $0x380, v28;
	v13 =	vor.u32 v1, v13  }
0x3f1: {  	v16 =	vor.u32 v5, v16;
	v8 =	vor.u32 v11, v8;
	v11 =	vand.u32 $0xFFFFF000, v58  }
0x3f2: {  	v30 =	vadd.s32 v14, v27;
	v32 =	vadd.s32 v17, v27;
	v2 =	vadd.s32 v9, v11  }
0x3f3: {  	v8 =	vor.u32 v3, v8;
	v61 =	vadd.s32 v14, v11;
	v2 =	vor.u32 v20, v2  }
0x3f4: {  	v11 =	vadd.s32 v11, v17;
	v22 =	vor.u32 v20, v61;
	v2 =	vor.u32 v1, v2  }
0x3f5: {  	v62 =	vld [tilespmem:s20+$0x120];
	v9 =	vadd.s32 v9, v27;
	v11 =	vor.u32 v20, v11;
	v22 =	vor.u32 v5, v22  }
0x3f6: {  	vm11 =	vlt.u32 v7, $0xA0;
	v29 =	vor.u32 v15, v9;
	v11 =	vor.u32 v3, v11;
	[tilespmem:v13+s2+$0x0] =	vst.idx.add.f32.msk vm9, v53  }
0x3f7: {  	v31 =	vor.u32 v15, v30;
	v1 =	vor.u32 v1, v29;
	[tilespmem:v16+s2+$0x0] =	vst.idx.add.f32.msk vm9, v57  }
0x3f8: {  	v34 =	vor.u32 v15, v32;
	[tilespmem:v8+s2+$0x0] =	vst.idx.add.f32.msk vm9, v4;
	v4 =	vor.u32 v5, v31  }
0x3f9: {  	v3 =	vor.u32 v3, v34;
	[tilespmem:v2+s2+$0x0] =	vst.idx.add.f32.msk vm10, v60;
	v2 =	vmul.f32 v50, v56  }
0x3fa: {  	v35 =	vmul.f32 v44, v62;
	[tilespmem:v22+s2+$0x0] =	vst.idx.add.f32.msk vm10, v33  }
0x3fb: {  	[tilespmem:v11+s2+$0x0] =	vst.idx.add.f32.msk vm10, v2;
	v2 =	vmul.f32 v48, v62  }
0x3fc: {  	[tilespmem:v1+s2+$0x0] =	vst.idx.add.f32.msk vm11, v35;
	v1 =	vmul.f32 v50, v62  }
0x3fd: {  	s21 =	sadd.s32 $0x30, s21;
	[tilespmem:v4+s2+$0x0] =	vst.idx.add.f32.msk vm11, v2  }
0x3fe: {  	s30 =	sor.u32 $0x300, s21;
	[tilespmem:v3+s2+$0x0] =	vst.idx.add.f32.msk vm11, v1  }
0x3ff: {  	v1 =	vld [tilespmem:s30+$0x16000]  }
0x400: {  	v4 =	vld [tilespmem:s20+$0x30]  }
0x401: {  	s31 =	sor.u32 $0x200, s21;
	v37 =	vld [tilespmem:s20+$0x1B0]  }
0x402: {  	s21 =	sor.u32 $0x280, s21;
	v41 =	vld [tilespmem:s31+$0x16000]  }
0x403: {  	v43 =	vld [tilespmem:s21+$0x16000]  }
0x404: {  	v52 =	vld [tilespmem:s20+$0xB0];
	_ =	sdelay $0x2  }
0x405: {  	v2 =	vshra.s32 v1, $0xA;
	v3 =	vand.u32 $0x3FF, v1;
	v40 =	vshll.u32 v1, $0x3  }
0x406: {  	v1 =	vand.u32 $0x7F, v1;
	v46 =	vmul.f32 v37, v4;
	v49 =	vmul.f32 v41, v4  }
0x407: {  	v4 =	vmul.f32 v43, v4;
	v59 =	vmul.f32 v37, v52;
	v36 =	vadd.s32 $0x1, v3  }
0x408: {  	v3 =	vmin.u32 v3, $0x1FD;
	vm12 =	vlt.s32 v2, $0x1FD;
	v39 =	vadd.s32 $0xFFFFFEA0, v2  }
0x409: {  	v9 =	vand.u32 $0x1C00, v40;
	v42 =	vshll.u32 v2, $0x7;
	v3 =	vadd.s32 $0x2, v3  }
0x40a: {  	v38 =	vnsel vm12, $0x1FD, v2;
	vm13 =	vlt.u32 v39, $0xA0;
	v8 =	vshll.u32 v39, $0x9  }
0x40b: {  	v11 =	vand.u32 $0x380, v42;
	v45 =	vshll.u32 v36, $0x3;
	v5 =	vand.u32 $0x7F, v36  }
0x40c: {  	v2 =	vadd.s32 $0xFFFFFEA1, v2;
	v8 =	vand.u32 $0xFFFFF000, v8;
	v14 =	vand.u32 $0x3C00, v45  }
0x40d: {  	v48 =	vshll.u32 v3, $0x3;
	v3 =	vand.u32 $0x7F, v3;
	v50 =	vshll.u32 v2, $0x9  }
0x40e: {  	v51 =	vshll.u32 v2, $0x7;
	vm14 =	vlt.u32 v2, $0xA0;
	v7 =	vadd.s32 $0xFFFFFEA2, v38  }
0x40f: {  	v44 =	vadd.s32 v9, v8;
	v47 =	vadd.s32 v14, v8;
	v17 =	vand.u32 $0x1C00, v48  }
0x410: {  	v19 =	vand.u32 $0x380, v51;
	v54 =	vshll.u32 v7, $0x9;
	v56 =	vshll.u32 v7, $0x7  }
0x411: {  	v13 =	vor.u32 v11, v44;
	v16 =	vor.u32 v11, v47;
	v8 =	vadd.s32 v8, v17  }
0x412: {  	v55 =	vand.u32 $0xFFFFF000, v54;
	v13 =	vor.u32 v1, v13;
	v16 =	vor.u32 v5, v16  }
0x413: {  	v8 =	vor.u32 v11, v8;
	v11 =	vand.u32 $0xFFFFF000, v50;
	v58 =	vadd.s32 v14, v55  }
0x414: {  	v60 =	vadd.s32 v17, v55;
	v8 =	vor.u32 v3, v8;
	v2 =	vadd.s32 v9, v11  }
0x415: {  	v53 =	vadd.s32 v14, v11;
	v11 =	vadd.s32 v11, v17;
	v2 =	vor.u32 v19, v2  }
0x416: {  	v22 =	vld [tilespmem:s20+$0x130];
	v9 =	vadd.s32 v9, v55;
	v21 =	vor.u32 v19, v53;
	v2 =	vor.u32 v1, v2  }
0x417: {  	v15 =	vand.u32 $0x380, v56;
	v11 =	vor.u32 v19, v11;
	v57 =	vor.u32 v5, v21;
	[tilespmem:v13+s2+$0x0] =	vst.idx.add.f32.msk vm13, v46  }
0x418: {  	vm15 =	vlt.u32 v7, $0xA0;
	v9 =	vor.u32 v15, v9;
	v11 =	vor.u32 v3, v11;
	[tilespmem:v16+s2+$0x0] =	vst.idx.add.f32.msk vm13, v49  }
0x419: {  	v1 =	vor.u32 v1, v9;
	[tilespmem:v8+s2+$0x0] =	vst.idx.add.f32.msk vm13, v4;
	v4 =	vor.u32 v15, v58  }
0x41a: {  	v61 =	vmul.f32 v41, v52;
	v62 =	vor.u32 v15, v60;
	v4 =	vor.u32 v5, v4  }
0x41b: {  	p1 =	sne.s32 s19, $0x4C0;
	v3 =	vor.u32 v3, v62;
	[tilespmem:v2+s2+$0x0] =	vst.idx.add.f32.msk vm14, v59;
	v2 =	vmul.f32 v43, v52  }
.Ltmp9:
0x41c: {  	v63 =	vmul.f32 v37, v22;
	[tilespmem:v57+s2+$0x0] =	vst.idx.add.f32.msk vm14, v61;
	(pc) =	sbr.rel @p1 .LBB2_21-.Ltmp9, $4  }
0x41d: {  	[tilespmem:v11+s2+$0x0] =	vst.idx.add.f32.msk vm14, v2;
	v2 =	vmul.f32 v41, v22  }
0x41e: {  	[tilespmem:v1+s2+$0x0] =	vst.idx.add.f32.msk vm15, v63;
	v1 =	vmul.f32 v43, v22  }
0x41f: {  	[tilespmem:v4+s2+$0x0] =	vst.idx.add.f32.msk vm15, v2  }
0x420: {  	s19 =	sadd.s32 $0x40, s19;
	p0 =	por !p0, !p0;
	s18 =	sadd.s32 $0x200, s18;
	[tilespmem:v3+s2+$0x0] =	vst.idx.add.f32.msk vm15, v1  }
0x421: {  	_ =	swait.ge [sflag:s13], $0x2800;
	p0 =	seq.s32 s16, $0x9  }
0x422: {  	[sflag:s13] =	ssyncset.done $0x0;
	s17 =	sadd.s32 @!p0 s17, s5  }
0x423: {  	s18 =	simm.s32 @!p0 $0x0;
	s19 =	simm.s32 @!p0 $0x16000;
	[sflag:s13] =	ssyncadd.s32 $0xFFFFD800  }
0x424: {  	[tilespmem:s19], [sflag:$0x1] =	stream.linear.gather @!p0 [hbm4b:s17+s18], $0x2800, $0x38;
	[tilespmem:$0x1B000] =	vst v63  }
0x425: {  	s17 =	simm.s32 $0x0;
	p0 =	por $0x0, $0x0;
	s18 =	simm.s32 $0x0  }
.LBB2_23:
0x426: {  	s19 =	simm.s32 $0x1  }
0x427: {  	s19 =	simm.s32 @!p0 $0x0  }
0x428: {  	s19 =	sshll.u32 s19, $0x6  }
0x429: {  	s20 =	sadd.s32 s19, s17  }
0x42a: {  	s31 =	sand.u32 $0x40, s18;
	s21 =	sand.u32 $0x3C00, s17;
	s19 =	sor.u32 $0x300, s20  }
0x42b: {  	s21 =	sor.u32 s31, s21;
	v1 =	vld [tilespmem:s19+$0x18800]  }
0x42c: {  	v4 =	vld [tilespmem:s21+$0x18800];
	s22 =	sor.u32 $0x200, s20  }
0x42d: {  	s23 =	sor.u32 $0x280, s20;
	v10 =	vld [tilespmem:s22+$0x18800]  }
0x42e: {  	s19 =	sadd.s32 $0x18800, s21;
	v12 =	vld [tilespmem:s23+$0x18800]  }
0x42f: {  	v6 =	vld [tilespmem:s19+$0x180]  }
0x430: {  	v18 =	vld [tilespmem:s19+$0x80];
	v2 =	vshra.s32 v1, $0xA  }
0x431: {  	v3 =	vand.u32 $0x3FF, v1;
	v9 =	vshll.u32 v1, $0x3;
	v1 =	vand.u32 $0x7F, v1  }
0x432: {  	v19 =	vmul.f32 v10, v4;
	v5 =	vadd.s32 $0x1, v3;
	v3 =	vmin.u32 v3, $0x1FD  }
0x433: {  	vm0 =	vlt.s32 v2, $0x1FD;
	v8 =	vadd.s32 $0xFFFFFEA0, v2;
	v9 =	vand.u32 $0x1C00, v9  }
0x434: {  	v11 =	vshll.u32 v2, $0x7;
	v15 =	vmul.f32 v6, v4;
	v4 =	vmul.f32 v12, v4  }
0x435: {  	v21 =	vmul.f32 v6, v18;
	v46 =	vmul.f32 v10, v18;
	v3 =	vadd.s32 $0x2, v3  }
0x436: {  	v7 =	vnsel vm0, $0x1FD, v2;
	vm14 =	vlt.u32 v8, $0xA0;
	v8 =	vshll.u32 v8, $0x9  }
0x437: {  	v11 =	vand.u32 $0x380, v11;
	v14 =	vshll.u32 v5, $0x3;
	v5 =	vand.u32 $0x7F, v5  }
0x438: {  	v2 =	vadd.s32 $0xFFFFFEA1, v2;
	v8 =	vand.u32 $0xFFFFF000, v8;
	v14 =	vand.u32 $0x3C00, v14  }
0x439: {  	v17 =	vshll.u32 v3, $0x3;
	v3 =	vand.u32 $0x7F, v3;
	v39 =	vshll.u32 v2, $0x9  }
0x43a: {  	v20 =	vshll.u32 v2, $0x7;
	vm1 =	vlt.u32 v2, $0xA0;
	v7 =	vadd.s32 $0xFFFFFEA2, v7  }
0x43b: {  	v13 =	vadd.s32 v9, v8;
	v16 =	vadd.s32 v14, v8;
	v17 =	vand.u32 $0x1C00, v17  }
0x43c: {  	v20 =	vand.u32 $0x380, v20;
	v24 =	vshll.u32 v7, $0x9;
	v41 =	vshll.u32 v7, $0x7  }
0x43d: {  	vm15 =	vlt.u32 v7, $0xA0;
	v13 =	vor.u32 v11, v13;
	v16 =	vor.u32 v11, v16  }
0x43e: {  	v8 =	vadd.s32 v8, v17;
	v40 =	vand.u32 $0xFFFFF000, v24;
	v13 =	vor.u32 v1, v13  }
0x43f: {  	v16 =	vor.u32 v5, v16;
	v8 =	vor.u32 v11, v8;
	v11 =	vand.u32 $0xFFFFF000, v39  }
0x440: {  	v43 =	vadd.s32 v14, v40;
	v8 =	vor.u32 v3, v8;
	v2 =	vadd.s32 v9, v11  }
0x441: {  	v22 =	vadd.s32 v14, v11;
	v11 =	vadd.s32 v11, v17;
	v2 =	vor.u32 v20, v2  }
0x442: {  	v23 =	vld [tilespmem:s19+$0x100];
	v9 =	vadd.s32 v9, v40;
	v22 =	vor.u32 v20, v22;
	v2 =	vor.u32 v1, v2  }
0x443: {  	v11 =	vor.u32 v20, v11;
	v22 =	vor.u32 v5, v22;
	[tilespmem:v13+s2+$0x0] =	vst.idx.add.f32.msk vm14, v15;
	v15 =	vand.u32 $0x380, v41  }
0x444: {  	v45 =	vadd.s32 v17, v40;
	v11 =	vor.u32 v3, v11;
	v42 =	vor.u32 v15, v9  }
0x445: {  	[tilespmem:v16+s2+$0x0] =	vst.idx.add.f32.msk vm14, v19;
	v44 =	vor.u32 v15, v43;
	v1 =	vor.u32 v1, v42  }
0x446: {  	v47 =	vor.u32 v15, v45;
	[tilespmem:v8+s2+$0x0] =	vst.idx.add.f32.msk vm14, v4;
	v4 =	vor.u32 v5, v44  }
0x447: {  	v3 =	vor.u32 v3, v47;
	[tilespmem:v2+s2+$0x0] =	vst.idx.add.f32.msk vm1, v21;
	v2 =	vmul.f32 v12, v18  }
0x448: {  	v48 =	vmul.f32 v6, v23;
	[tilespmem:v22+s2+$0x0] =	vst.idx.add.f32.msk vm1, v46  }
0x449: {  	[tilespmem:v11+s2+$0x0] =	vst.idx.add.f32.msk vm1, v2;
	v2 =	vmul.f32 v10, v23  }
0x44a: {  	[tilespmem:v1+s2+$0x0] =	vst.idx.add.f32.msk vm15, v48;
	v1 =	vmul.f32 v12, v23  }
0x44b: {  	s24 =	sadd.s32 $0x10, s20;
	[tilespmem:v4+s2+$0x0] =	vst.idx.add.f32.msk vm15, v2  }
0x44c: {  	s22 =	sor.u32 $0x300, s24;
	[tilespmem:v3+s2+$0x0] =	vst.idx.add.f32.msk vm15, v1  }
0x44d: {  	v1 =	vld [tilespmem:s22+$0x18800]  }
0x44e: {  	v4 =	vld [tilespmem:s19+$0x10]  }
0x44f: {  	s25 =	sor.u32 $0x200, s24;
	v50 =	vld [tilespmem:s19+$0x190]  }
0x450: {  	s21 =	sor.u32 $0x280, s24;
	v54 =	vld [tilespmem:s25+$0x18800]  }
0x451: {  	v56 =	vld [tilespmem:s21+$0x18800]  }
0x452: {  	v62 =	vld [tilespmem:s19+$0x90];
	_ =	sdelay $0x1  }
0x453: {  	v2 =	vshra.s32 v1, $0xA  }
0x454: {  	v3 =	vand.u32 $0x3FF, v1;
	v53 =	vshll.u32 v1, $0x3;
	v59 =	vmul.f32 v50, v4  }
0x455: {  	v1 =	vand.u32 $0x7F, v1;
	v63 =	vmul.f32 v54, v4;
	v4 =	vmul.f32 v56, v4  }
0x456: {  	v30 =	vmul.f32 v50, v62;
	v40 =	vmul.f32 v54, v62;
	v49 =	vadd.s32 $0x1, v3  }
0x457: {  	v3 =	vmin.u32 v3, $0x1FD;
	vm4 =	vlt.s32 v2, $0x1FD;
	v52 =	vadd.s32 $0xFFFFFEA0, v2  }
0x458: {  	v9 =	vand.u32 $0x1C00, v53;
	v55 =	vshll.u32 v2, $0x7;
	v3 =	vadd.s32 $0x2, v3  }
0x459: {  	v51 =	vnsel vm4, $0x1FD, v2;
	vm5 =	vlt.u32 v52, $0xA0;
	v8 =	vshll.u32 v52, $0x9  }
0x45a: {  	v11 =	vand.u32 $0x380, v55;
	v58 =	vshll.u32 v49, $0x3;
	v5 =	vand.u32 $0x7F, v49  }
0x45b: {  	v2 =	vadd.s32 $0xFFFFFEA1, v2;
	v8 =	vand.u32 $0xFFFFF000, v8;
	v14 =	vand.u32 $0x3C00, v58  }
0x45c: {  	v61 =	vshll.u32 v3, $0x3;
	v3 =	vand.u32 $0x7F, v3;
	v28 =	vshll.u32 v2, $0x9  }
0x45d: {  	v29 =	vshll.u32 v2, $0x7;
	vm6 =	vlt.u32 v2, $0xA0;
	v7 =	vadd.s32 $0xFFFFFEA2, v51  }
0x45e: {  	v57 =	vadd.s32 v9, v8;
	v60 =	vadd.s32 v14, v8;
	v17 =	vand.u32 $0x1C00, v61  }
0x45f: {  	v20 =	vand.u32 $0x380, v29;
	v33 =	vshll.u32 v7, $0x9;
	v35 =	vshll.u32 v7, $0x7  }
0x460: {  	v13 =	vor.u32 v11, v57;
	v16 =	vor.u32 v11, v60;
	v8 =	vadd.s32 v8, v17  }
0x461: {  	v34 =	vand.u32 $0xFFFFF000, v33;
	v15 =	vand.u32 $0x380, v35;
	v13 =	vor.u32 v1, v13  }
0x462: {  	v16 =	vor.u32 v5, v16;
	v8 =	vor.u32 v11, v8;
	v11 =	vand.u32 $0xFFFFF000, v28  }
0x463: {  	v37 =	vadd.s32 v14, v34;
	v39 =	vadd.s32 v17, v34;
	v2 =	vadd.s32 v9, v11  }
0x464: {  	v8 =	vor.u32 v3, v8;
	v31 =	vadd.s32 v14, v11;
	v2 =	vor.u32 v20, v2  }
0x465: {  	v11 =	vadd.s32 v11, v17;
	v22 =	vor.u32 v20, v31;
	v2 =	vor.u32 v1, v2  }
0x466: {  	v32 =	vld [tilespmem:s19+$0x110];
	v9 =	vadd.s32 v9, v34;
	v11 =	vor.u32 v20, v11;
	v22 =	vor.u32 v5, v22  }
0x467: {  	vm7 =	vlt.u32 v7, $0xA0;
	v36 =	vor.u32 v15, v9;
	v11 =	vor.u32 v3, v11;
	[tilespmem:v13+s2+$0x0] =	vst.idx.add.f32.msk vm5, v59  }
0x468: {  	v38 =	vor.u32 v15, v37;
	v1 =	vor.u32 v1, v36;
	[tilespmem:v16+s2+$0x0] =	vst.idx.add.f32.msk vm5, v63  }
0x469: {  	v41 =	vor.u32 v15, v39;
	[tilespmem:v8+s2+$0x0] =	vst.idx.add.f32.msk vm5, v4;
	v4 =	vor.u32 v5, v38  }
0x46a: {  	v3 =	vor.u32 v3, v41;
	[tilespmem:v2+s2+$0x0] =	vst.idx.add.f32.msk vm6, v30;
	v2 =	vmul.f32 v56, v62  }
0x46b: {  	v42 =	vmul.f32 v50, v32;
	[tilespmem:v22+s2+$0x0] =	vst.idx.add.f32.msk vm6, v40  }
0x46c: {  	[tilespmem:v11+s2+$0x0] =	vst.idx.add.f32.msk vm6, v2;
	v2 =	vmul.f32 v54, v32  }
0x46d: {  	[tilespmem:v1+s2+$0x0] =	vst.idx.add.f32.msk vm7, v42;
	v1 =	vmul.f32 v56, v32  }
0x46e: {  	s26 =	sadd.s32 $0x20, s20;
	[tilespmem:v4+s2+$0x0] =	vst.idx.add.f32.msk vm7, v2  }
0x46f: {  	s28 =	sor.u32 $0x300, s26;
	[tilespmem:v3+s2+$0x0] =	vst.idx.add.f32.msk vm7, v1  }
0x470: {  	v1 =	vld [tilespmem:s28+$0x18800]  }
0x471: {  	v4 =	vld [tilespmem:s19+$0x20]  }
0x472: {  	s29 =	sor.u32 $0x200, s26;
	v44 =	vld [tilespmem:s19+$0x1A0]  }
0x473: {  	s21 =	sor.u32 $0x280, s26;
	v48 =	vld [tilespmem:s29+$0x18800]  }
0x474: {  	v50 =	vld [tilespmem:s21+$0x18800]  }
0x475: {  	v56 =	vld [tilespmem:s19+$0xA0];
	_ =	sdelay $0x1  }
0x476: {  	v2 =	vshra.s32 v1, $0xA  }
0x477: {  	v3 =	vand.u32 $0x3FF, v1;
	v47 =	vshll.u32 v1, $0x3;
	v53 =	vmul.f32 v44, v4  }
0x478: {  	v1 =	vand.u32 $0x7F, v1;
	v57 =	vmul.f32 v48, v4;
	v4 =	vmul.f32 v50, v4  }
0x479: {  	v60 =	vmul.f32 v44, v56;
	v33 =	vmul.f32 v48, v56;
	v43 =	vadd.s32 $0x1, v3  }
0x47a: {  	v3 =	vmin.u32 v3, $0x1FD;
	vm8 =	vlt.s32 v2, $0x1FD;
	v46 =	vadd.s32 $0xFFFFFEA0, v2  }
0x47b: {  	v9 =	vand.u32 $0x1C00, v47;
	v49 =	vshll.u32 v2, $0x7;
	v3 =	vadd.s32 $0x2, v3  }
0x47c: {  	v45 =	vnsel vm8, $0x1FD, v2;
	vm9 =	vlt.u32 v46, $0xA0;
	v8 =	vshll.u32 v46, $0x9  }
0x47d: {  	v11 =	vand.u32 $0x380, v49;
	v52 =	vshll.u32 v43, $0x3;
	v5 =	vand.u32 $0x7F, v43  }
0x47e: {  	v2 =	vadd.s32 $0xFFFFFEA1, v2;
	v8 =	vand.u32 $0xFFFFF000, v8;
	v14 =	vand.u32 $0x3C00, v52  }
0x47f: {  	v55 =	vshll.u32 v3, $0x3;
	v3 =	vand.u32 $0x7F, v3;
	v58 =	vshll.u32 v2, $0x9  }
0x480: {  	v59 =	vshll.u32 v2, $0x7;
	vm10 =	vlt.u32 v2, $0xA0;
	v7 =	vadd.s32 $0xFFFFFEA2, v45  }
0x481: {  	v51 =	vadd.s32 v9, v8;
	v54 =	vadd.s32 v14, v8;
	v17 =	vand.u32 $0x1C00, v55  }
0x482: {  	v20 =	vand.u32 $0x380, v59;
	v63 =	vshll.u32 v7, $0x9;
	v28 =	vshll.u32 v7, $0x7  }
0x483: {  	v13 =	vor.u32 v11, v51;
	v16 =	vor.u32 v11, v54;
	v8 =	vadd.s32 v8, v17  }
0x484: {  	v27 =	vand.u32 $0xFFFFF000, v63;
	v15 =	vand.u32 $0x380, v28;
	v13 =	vor.u32 v1, v13  }
0x485: {  	v16 =	vor.u32 v5, v16;
	v8 =	vor.u32 v11, v8;
	v11 =	vand.u32 $0xFFFFF000, v58  }
0x486: {  	v30 =	vadd.s32 v14, v27;
	v32 =	vadd.s32 v17, v27;
	v2 =	vadd.s32 v9, v11  }
0x487: {  	v8 =	vor.u32 v3, v8;
	v61 =	vadd.s32 v14, v11;
	v2 =	vor.u32 v20, v2  }
0x488: {  	v11 =	vadd.s32 v11, v17;
	v22 =	vor.u32 v20, v61;
	v2 =	vor.u32 v1, v2  }
0x489: {  	v62 =	vld [tilespmem:s19+$0x120];
	v9 =	vadd.s32 v9, v27;
	v11 =	vor.u32 v20, v11;
	v22 =	vor.u32 v5, v22  }
0x48a: {  	vm11 =	vlt.u32 v7, $0xA0;
	v29 =	vor.u32 v15, v9;
	v11 =	vor.u32 v3, v11;
	[tilespmem:v13+s2+$0x0] =	vst.idx.add.f32.msk vm9, v53  }
0x48b: {  	v31 =	vor.u32 v15, v30;
	v1 =	vor.u32 v1, v29;
	[tilespmem:v16+s2+$0x0] =	vst.idx.add.f32.msk vm9, v57  }
0x48c: {  	v34 =	vor.u32 v15, v32;
	[tilespmem:v8+s2+$0x0] =	vst.idx.add.f32.msk vm9, v4;
	v4 =	vor.u32 v5, v31  }
0x48d: {  	v3 =	vor.u32 v3, v34;
	[tilespmem:v2+s2+$0x0] =	vst.idx.add.f32.msk vm10, v60;
	v2 =	vmul.f32 v50, v56  }
0x48e: {  	v35 =	vmul.f32 v44, v62;
	[tilespmem:v22+s2+$0x0] =	vst.idx.add.f32.msk vm10, v33  }
0x48f: {  	[tilespmem:v11+s2+$0x0] =	vst.idx.add.f32.msk vm10, v2;
	v2 =	vmul.f32 v48, v62  }
0x490: {  	[tilespmem:v1+s2+$0x0] =	vst.idx.add.f32.msk vm11, v35;
	v1 =	vmul.f32 v50, v62  }
0x491: {  	s20 =	sadd.s32 $0x30, s20;
	[tilespmem:v4+s2+$0x0] =	vst.idx.add.f32.msk vm11, v2  }
0x492: {  	s30 =	sor.u32 $0x300, s20;
	[tilespmem:v3+s2+$0x0] =	vst.idx.add.f32.msk vm11, v1  }
0x493: {  	v1 =	vld [tilespmem:s30+$0x18800]  }
0x494: {  	v4 =	vld [tilespmem:s19+$0x30]  }
0x495: {  	s31 =	sor.u32 $0x200, s20;
	v37 =	vld [tilespmem:s19+$0x1B0]  }
0x496: {  	s20 =	sor.u32 $0x280, s20;
	v41 =	vld [tilespmem:s31+$0x18800]  }
0x497: {  	v43 =	vld [tilespmem:s20+$0x18800]  }
0x498: {  	v52 =	vld [tilespmem:s19+$0xB0];
	_ =	sdelay $0x2  }
0x499: {  	v2 =	vshra.s32 v1, $0xA;
	v3 =	vand.u32 $0x3FF, v1;
	v40 =	vshll.u32 v1, $0x3  }
0x49a: {  	v1 =	vand.u32 $0x7F, v1;
	v46 =	vmul.f32 v37, v4;
	v49 =	vmul.f32 v41, v4  }
0x49b: {  	v4 =	vmul.f32 v43, v4;
	v59 =	vmul.f32 v37, v52;
	v36 =	vadd.s32 $0x1, v3  }
0x49c: {  	v3 =	vmin.u32 v3, $0x1FD;
	vm12 =	vlt.s32 v2, $0x1FD;
	v39 =	vadd.s32 $0xFFFFFEA0, v2  }
0x49d: {  	v9 =	vand.u32 $0x1C00, v40;
	v42 =	vshll.u32 v2, $0x7;
	v3 =	vadd.s32 $0x2, v3  }
0x49e: {  	v38 =	vnsel vm12, $0x1FD, v2;
	vm13 =	vlt.u32 v39, $0xA0;
	v8 =	vshll.u32 v39, $0x9  }
0x49f: {  	v11 =	vand.u32 $0x380, v42;
	v45 =	vshll.u32 v36, $0x3;
	v5 =	vand.u32 $0x7F, v36  }
0x4a0: {  	v2 =	vadd.s32 $0xFFFFFEA1, v2;
	v8 =	vand.u32 $0xFFFFF000, v8;
	v14 =	vand.u32 $0x3C00, v45  }
0x4a1: {  	v48 =	vshll.u32 v3, $0x3;
	v3 =	vand.u32 $0x7F, v3;
	v50 =	vshll.u32 v2, $0x9  }
0x4a2: {  	v51 =	vshll.u32 v2, $0x7;
	vm14 =	vlt.u32 v2, $0xA0;
	v7 =	vadd.s32 $0xFFFFFEA2, v38  }
0x4a3: {  	v44 =	vadd.s32 v9, v8;
	v47 =	vadd.s32 v14, v8;
	v17 =	vand.u32 $0x1C00, v48  }
0x4a4: {  	v19 =	vand.u32 $0x380, v51;
	v54 =	vshll.u32 v7, $0x9;
	v56 =	vshll.u32 v7, $0x7  }
0x4a5: {  	v13 =	vor.u32 v11, v44;
	v16 =	vor.u32 v11, v47;
	v8 =	vadd.s32 v8, v17  }
0x4a6: {  	v55 =	vand.u32 $0xFFFFF000, v54;
	v13 =	vor.u32 v1, v13;
	v16 =	vor.u32 v5, v16  }
0x4a7: {  	v8 =	vor.u32 v11, v8;
	v11 =	vand.u32 $0xFFFFF000, v50;
	v58 =	vadd.s32 v14, v55  }
0x4a8: {  	v60 =	vadd.s32 v17, v55;
	v8 =	vor.u32 v3, v8;
	v2 =	vadd.s32 v9, v11  }
0x4a9: {  	v53 =	vadd.s32 v14, v11;
	v11 =	vadd.s32 v11, v17;
	v2 =	vor.u32 v19, v2  }
0x4aa: {  	v22 =	vld [tilespmem:s19+$0x130];
	v9 =	vadd.s32 v9, v55;
	v21 =	vor.u32 v19, v53;
	v2 =	vor.u32 v1, v2  }
0x4ab: {  	v15 =	vand.u32 $0x380, v56;
	v11 =	vor.u32 v19, v11;
	v57 =	vor.u32 v5, v21;
	[tilespmem:v13+s2+$0x0] =	vst.idx.add.f32.msk vm13, v46  }
0x4ac: {  	vm15 =	vlt.u32 v7, $0xA0;
	v9 =	vor.u32 v15, v9;
	v11 =	vor.u32 v3, v11;
	[tilespmem:v16+s2+$0x0] =	vst.idx.add.f32.msk vm13, v49  }
0x4ad: {  	v1 =	vor.u32 v1, v9;
	[tilespmem:v8+s2+$0x0] =	vst.idx.add.f32.msk vm13, v4;
	v4 =	vor.u32 v15, v58  }
0x4ae: {  	v61 =	vmul.f32 v41, v52;
	v62 =	vor.u32 v15, v60;
	v4 =	vor.u32 v5, v4  }
0x4af: {  	p1 =	sne.s32 s18, $0x4C0;
	v3 =	vor.u32 v3, v62;
	[tilespmem:v2+s2+$0x0] =	vst.idx.add.f32.msk vm14, v59;
	v2 =	vmul.f32 v43, v52  }
.Ltmp10:
0x4b0: {  	v63 =	vmul.f32 v37, v22;
	[tilespmem:v57+s2+$0x0] =	vst.idx.add.f32.msk vm14, v61;
	(pc) =	sbr.rel @p1 .LBB2_23-.Ltmp10, $4  }
0x4b1: {  	[tilespmem:v11+s2+$0x0] =	vst.idx.add.f32.msk vm14, v2;
	v2 =	vmul.f32 v41, v22  }
0x4b2: {  	[tilespmem:v1+s2+$0x0] =	vst.idx.add.f32.msk vm15, v63;
	v1 =	vmul.f32 v43, v22  }
0x4b3: {  	[tilespmem:v4+s2+$0x0] =	vst.idx.add.f32.msk vm15, v2  }
0x4b4: {  	s18 =	sadd.s32 $0x40, s18;
	p0 =	por !p0, !p0;
	s17 =	sadd.s32 $0x200, s17;
	[tilespmem:v3+s2+$0x0] =	vst.idx.add.f32.msk vm15, v1  }
0x4b5: {  	s16 =	sadd.s32 $0x1, s16  }
0x4b6: {  	p0 =	sne.s32 s16, $0xA  }
.Ltmp11:
0x4b7: {  	_ = 	snop;
	(pc) =	sbr.rel @p0 .LBB2_20-.Ltmp11, $1  }
0x4b8: {  	_ =	sdelay $0x3  }
0x4b9: {  	s15 =	sadd.s32 $0x1, s15  }
0x4ba: {  	p0 =	sne.s32 s15, s9  }
.Ltmp12:
0x4bb: {  	_ = 	snop;
	(pc) =	sbr.rel @p0 .LBB2_1-.Ltmp12, $4  }
0x4bc: {  	[hbm4b:s8+s2] =	stream.linear.scatter [tilespmem:s2], [sflag:$0x3], $0x14000, $0x38;
	[tilespmem:$0x1B000] =	vst v63  }
0x4bd: {  	_ =	swait.ge [sflag:s14], $0x14000  }
0x4be: {  	[sflag:s14] =	ssyncset.done $0x0  }
0x4bf: {  	[sflag:s14] =	ssyncadd.s32 $0xFFFEC000  }
0x4c0: {  	_ =	sfence.sel $0x180000  }
0x4c1: {  	[bflag:$0x0] =	sbarrier.arrive $0xFFFF  }
0x4c2: {  	p0 =	sne.s32 s0, $0x0;
	_ =	strace $0x90000047  }
0x4c3: {  	s0 =	sadd.s32 @!p0 $0x100000, s1;
	[bflag:$0x2] =	sbarrier.arrive $0xFFFF  }
0x4c4: {  	[sflag:s0] =	ssyncadd.tile.s32 @!p0 $0x1;
	_ =	shalt  }
.Lfunc_end2:
_tile_overlayer_lowered:
.L_overlay_start_2:
0x4c5: {  	(tag) =	ssettag $0x2  }
0x4c6: {  	s0 =	rddreg [dreg:$0x0];
	s2 =	stileid.u32  }
0x4c7: {  	s1 =	rddreg [dreg:$0x1];
	p0 =	sne.s32 s2, $0x0  }
0x4c8: {  	s3 =	rddreg [dreg:$0x2];
	[bflag:$0x3] =	sbarrier.arrive $0xFFFF;
	s2 =	simm.s32 @!p0 $0x1C03  }
0x4c9: {  	[timem:s3], [sflag:s2] =	dma.local @!p0 [hbm:s0], s1  }
0x4ca: {  	s0 =	simm.s32 @!p0 $0x3  }
0x4cb: {  	_ =	swait.ge @!p0 [sflag:s0], s1  }
0x4cc: {  	s1 =	ssub.s32 @!p0 $0x0, s1;
	[sflag:s0] =	ssyncset.done @!p0 $0x0  }
0x4cd: {  	[sflag:s0] =	ssyncadd.s32 @!p0 s1  }
0x4ce: {  	[bflag:$0x3] =	sbarrier.arrive $0xFFFF  }
0x4cf: {  	_ =	shalt  }

</sc_bundles>
